<compile_context>
chip_gen: v7x
topology: tpu7x:2x2x1
jax: 0.10.2.dev20260603
libtpu: 0.0.44.dev20260713+nightly
codegen_flags: <defaults>
</compile_context>

<pallas_src>
import functools

import jax
import jax.numpy as jnp
from jax import lax
from jax.experimental import pallas as pl
from jax.experimental.pallas import tpu as pltpu
from jax.experimental.pallas import tpu_sc as plsc

G1 = 64
G2 = 32
NW = 32
CH = 128
ALIGN = NW * CH
NBUF = 8
PG = 1
PW = 6


def _round_up(n, m):
    return (n + m - 1) // m * m


def _neighbor_idx(coords, mult, g, table_off, sentinel):
    m = coords.shape[0]
    blk = 2048

    def body(c_ref, o_ref):
        c = c_ref[...]
        z = c[:, 0:1] * mult
        y = c[:, 1:2] * mult
        x = c[:, 2:3] * mult
        k = lax.broadcasted_iota(jnp.int32, (1, 27), 1)
        qz = z + k // 9 - 1
        qy = y + (k // 3) % 3 - 1
        qx = x + k % 3 - 1
        inb = ((qz >= 0) & (qz < g) & (qy >= 0) & (qy < g)
               & (qx >= 0) & (qx < g))
        qf = qz * (g * g) + qy * g + qx + table_off
        o_ref[...] = jnp.where(inb, qf, sentinel)

    return pl.pallas_call(
        body,
        grid=(pl.cdiv(m, blk),),
        in_specs=[pl.BlockSpec((blk, 3), lambda i: (i, 0))],
        out_specs=pl.BlockSpec((blk, 27), lambda i: (i, 0)),
        out_shape=jax.ShapeDtypeStruct((m, 27), jnp.int32),
    )(coords)


def _sc_gather(table, idx, add_one=False):
    v, d = table.shape
    b_tot = idx.shape[0]
    per_w = b_tot // NW
    steps = per_w // CH
    mesh = plsc.VectorSubcoreMesh(core_axis_name="c", subcore_axis_name="s")

    @functools.partial(
        pl.kernel,
        out_type=jax.ShapeDtypeStruct((b_tot, d), table.dtype),
        mesh=mesh,
        compiler_params=pltpu.CompilerParams(use_tc_tiling_on_sc=False),
        scratch_types=[
            pltpu.VMEM((NBUF, CH), jnp.int32),
            pltpu.VMEM((NBUF, CH, d), table.dtype),
            pltpu.SemaphoreType.DMA((NBUF,)),
            pltpu.SemaphoreType.DMA((NBUF,)),
            pltpu.SemaphoreType.DMA((NBUF,)),
        ],
    )
    def gk(tab_hbm, idx_hbm, out_hbm, idx_v, rows_v, sem_l, sem_g, sem_s):
        wid = lax.axis_index("s") * 2 + lax.axis_index("c")
        base = wid * per_w

        def load(s):
            u = lax.rem(s, NBUF)
            return pltpu.make_async_copy(
                idx_hbm.at[pl.ds(base + s * CH, CH)], idx_v.at[u], sem_l.at[u])

        def gath(s):
            u = lax.rem(s, NBUF)
            return pltpu.make_async_copy(
                tab_hbm.at[idx_v.at[u]], rows_v.at[u], sem_g.at[u])

        def store(s):
            u = lax.rem(s, NBUF)
            return pltpu.make_async_copy(
                rows_v.at[u], out_hbm.at[pl.ds(base + s * CH, CH)],
                sem_s.at[u])

        @pl.loop(0, steps + PW)
        def _(s):
            @pl.when(s < steps)
            def _():
                @pl.when(s >= NBUF)
                def _():
                    store(s - NBUF).wait()
                load(s).start()

            @pl.when((s >= PG) & (s < steps + PG))
            def _():
                load(s - PG).wait()
                if add_one:
                    iv = idx_v.at[lax.rem(s - PG, NBUF)]
                    for j in range(CH // 16):
                        iv[pl.ds(j * 16, 16)] = iv[pl.ds(j * 16, 16)] + 1
                gath(s - PG).start()

            @pl.when(s >= PW)
            def _():
                gath(s - PW).wait()
                store(s - PW).start()

        for s in range(max(steps - NBUF, 0), steps):
            store(s).wait()

    return gk(table, idx)


def _sc_lookup(table8, qf):
    b_tot = qf.shape[0]
    per_w = b_tot // NW
    steps = per_w // CH
    mesh = plsc.VectorSubcoreMesh(core_axis_name="c", subcore_axis_name="s")

    @functools.partial(
        pl.kernel,
        out_type=jax.ShapeDtypeStruct((b_tot,), jnp.int32),
        mesh=mesh,
        compiler_params=pltpu.CompilerParams(use_tc_tiling_on_sc=False,
                                             needs_layout_passes=False),
        scratch_types=[
            pltpu.VMEM((NBUF, CH), jnp.int32),
            pltpu.VMEM((NBUF, CH), jnp.int32),
            pltpu.VMEM((NBUF, CH, 8), jnp.int32),
            pltpu.VMEM((NBUF, CH), jnp.int32),
            pltpu.SemaphoreType.DMA((NBUF,)),
            pltpu.SemaphoreType.DMA((NBUF,)),
            pltpu.SemaphoreType.DMA((NBUF,)),
        ],
    )
    def lk(tab_hbm, qf_hbm, out_hbm, qf_v, hi_v, rows_v, out_v,
           sem_l, sem_g, sem_s):
        wid = lax.axis_index("s") * 2 + lax.axis_index("c")
        base = wid * per_w

        def load(s):
            u = lax.rem(s, NBUF)
            return pltpu.make_async_copy(
                qf_hbm.at[pl.ds(base + s * CH, CH)], qf_v.at[u], sem_l.at[u])

        def gath(s):
            u = lax.rem(s, NBUF)
            return pltpu.make_async_copy(
                tab_hbm.at[hi_v.at[u]], rows_v.at[u], sem_g.at[u])

        def store(s):
            u = lax.rem(s, NBUF)
            return pltpu.make_async_copy(
                out_v.at[u], out_hbm.at[pl.ds(base + s * CH, CH)],
                sem_s.at[u])

        lanes = lax.iota(jnp.int32, 16)

        @pl.loop(0, steps + PW)
        def _(s):
            @pl.when(s < steps)
            def _():
                @pl.when(s >= NBUF)
                def _():
                    store(s - NBUF).wait()
                load(s).start()

            @pl.when((s >= PG) & (s < steps + PG))
            def _():
                load(s - PG).wait()
                u = lax.rem(s - PG, NBUF)
                for j in range(CH // 16):
                    sl = pl.ds(j * 16, 16)
                    hi_v.at[u][sl] = lax.shift_right_logical(qf_v.at[u][sl], 3)
                gath(s - PG).start()

            @pl.when(s >= PW)
            def _():
                gath(s - PW).wait()
                u = lax.rem(s - PW, NBUF)
                for j in range(CH // 16):
                    sl = pl.ds(j * 16, 16)
                    lo = qf_v.at[u][sl] & 7
                    out_v.at[u][sl] = plsc.load_gather(
                        rows_v.at[u], [lanes + j * 16, lo])
                store(s - PW).start()

        for s in range(max(steps - NBUF, 0), steps):
            store(s).wait()

    return lk(table8, qf)


def _gemm(a, w):
    m, k = a.shape
    c = w.shape[1]
    blk = 1024

    def body(a_ref, w_ref, o_ref):
        o_ref[...] = lax.dot_general(
            a_ref[...], w_ref[...], (((1,), (0,)), ((), ())),
            preferred_element_type=jnp.float32,
            precision=lax.Precision.HIGHEST)

    return pl.pallas_call(
        body,
        grid=(pl.cdiv(m, blk),),
        in_specs=[pl.BlockSpec((blk, k), lambda i: (i, 0)),
                  pl.BlockSpec((k, c), lambda i: (0, 0))],
        out_specs=pl.BlockSpec((blk, c), lambda i: (i, 0)),
        out_shape=jax.ShapeDtypeStruct((m, c), jnp.float32),
    )(a, w)


def _pad_flat(q, b, sentinel):
    flat = q.reshape(-1)
    return jnp.concatenate(
        [flat, jnp.full((b - flat.shape[0],), sentinel, jnp.int32)])


def kernel(x, coords1, grid1, coords2, grid2, W1, W2, W3):
    n = x.shape[0]
    n2 = coords2.shape[0]

    pad = 16
    s1 = G1 ** 3
    o2 = s1 + pad
    s3 = o2 + G2 ** 3
    neg = jnp.full((pad,), -1, jnp.int32)
    gridcat = jnp.concatenate([grid1, neg, grid2, neg]).reshape(-1, 8)

    q1 = _neighbor_idx(coords1, 1, G1, 0, s1)
    q2 = _neighbor_idx(coords2, 2, G1, 0, s1)
    q3 = _neighbor_idx(coords2, 1, G2, o2, s3)
    b1 = _round_up(27 * n, ALIGN)
    b2 = _round_up(27 * n2, ALIGN)
    qflat = jnp.concatenate([
        _pad_flat(q1, b1, s1),
        _pad_flat(q2, b2, s1),
        _pad_flat(q3, b2, s3),
    ])
    nbr = _sc_lookup(gridcat, qflat)
    f1 = nbr[:b1]
    f2 = nbr[b1:b1 + b2]
    f3 = nbr[b1 + b2:]

    x8 = jnp.pad(x, ((1, 0), (0, 4)))
    g1 = _sc_gather(x8, f1, add_one=True)
    w1p = jnp.pad(W1, ((0, 0), (0, 4), (0, 0))).reshape(216, 32)
    y1 = _gemm(g1[:27 * n].reshape(n, 216), w1p)

    g2 = _sc_gather(jnp.pad(y1, ((1, 0), (0, 0))), f2, add_one=True)
    y2 = _gemm(g2[:27 * n2].reshape(n2, 864), W2.reshape(864, 32))

    g3 = _sc_gather(jnp.pad(y2, ((1, 0), (0, 0))), f3, add_one=True)
    return _gemm(g3[:27 * n2].reshape(n2, 864), W3.reshape(864, 2))

# --- scband reference (transcript-rebuilt; emitter-appended) ---
"""Pipeline reference for scband-simple-pcnet-41386304864898 (READ-ONLY COPY).

The authoritative reference and input builder live on the scoring server;
editing this copy changes nothing except your own understanding.
"""

import jax, jax.numpy as jnp
import numpy as np

G1 = 64
G2 = 32
N = 100000


def setup_inputs() -> dict:
    rng = np.random.RandomState(0)
    # unique occupied voxels in a 64^3 grid
    flat1 = np.sort(rng.choice(G1 ** 3, size=N, replace=False)).astype(np.int64)
    coords1 = np.stack(np.unravel_index(flat1, (G1, G1, G1)), axis=1).astype(np.int32)
    grid1 = -np.ones(G1 ** 3, dtype=np.int32)
    grid1[flat1] = np.arange(N, dtype=np.int32)
    # stride-2 output coordinates: unique floor(coords/2)
    c2 = coords1 // 2
    flat2 = np.unique(c2[:, 0].astype(np.int64) * (G2 * G2) + c2[:, 1] * G2 + c2[:, 2])
    N2 = flat2.shape[0]
    coords2 = np.stack(np.unravel_index(flat2, (G2, G2, G2)), axis=1).astype(np.int32)
    grid2 = -np.ones(G2 ** 3, dtype=np.int32)
    grid2[flat2] = np.arange(N2, dtype=np.int32)
    x = rng.randn(N, 4).astype(np.float32)
    W1 = (rng.randn(27, 4, 32) * (1.0 / np.sqrt(27 * 4))).astype(np.float32)
    W2 = (rng.randn(27, 32, 32) * (1.0 / np.sqrt(27 * 32))).astype(np.float32)
    W3 = (rng.randn(27, 32, 2) * (1.0 / np.sqrt(27 * 32))).astype(np.float32)
    return {
        'x': jnp.asarray(x),
        'coords1': jnp.asarray(coords1),
        'grid1': jnp.asarray(grid1),
        'coords2': jnp.asarray(coords2),
        'grid2': jnp.asarray(grid2),
        'W1': jnp.asarray(W1),
        'W2': jnp.asarray(W2),
        'W3': jnp.asarray(W3),
    }


def _sparse_conv3d(feats, base_coords, grid_flat, G, W):
    # gather-matmul-scatter formulation of a 3x3x3 submanifold/strided sparse conv
    M = base_coords.shape[0]
    out = jnp.zeros((M, W.shape[2]), dtype=feats.dtype)
    k = 0
    for dz in (-1, 0, 1):
        for dy in (-1, 0, 1):
            for dx in (-1, 0, 1):
                off = jnp.array([dz, dy, dx], dtype=base_coords.dtype)
                q = base_coords + off
                inb = jnp.all((q >= 0) & (q < G), axis=1)
                qf = q[:, 0] * (G * G) + q[:, 1] * G + q[:, 2]
                qf = jnp.where(inb, qf, 0)
                nidx = jnp.take(grid_flat, qf)
                valid = inb & (nidx >= 0)
                safe = jnp.where(valid, nidx, 0)
                g = jnp.where(valid[:, None], jnp.take(feats, safe, axis=0), 0.0)
                out = out + g @ W[k]
                k += 1
    return out


def reference(x, coords1, grid1, coords2, grid2, W1, W2, W3):
    # conv1: 3^3, stride 1, 4 -> 32 (outputs at input coords)
    y = _sparse_conv3d(x, coords1, grid1, G1, W1)
    # conv2: 3^3, stride 2, 32 -> 32 (outputs at downsampled coords; gather from input grid)
    y = _sparse_conv3d(y, 2 * coords2, grid1, G1, W2)
    # conv3: 3^3, stride 1, 32 -> 2 (outputs at downsampled coords)
    y = _sparse_conv3d(y, coords2, grid2, G2, W3)
    return y

if __name__ == "__main__":
    import jax
    _d = setup_inputs()
    print(jax.jit(kernel)(*tuple(_d.values())))

</pallas_src>

<mosaic_0001>
#map = affine_map<(d0, d1) -> (0, 0)>
#map1 = affine_map<(d0, d1) -> (0)>
module attributes {stable_mosaic.version = 14 : i64} {
  func.func @gk(%arg0: i32, %arg1: i32, %arg2: memref<100001x8xf32, #tpu.memory_space<hbm>>, %arg3: memref<2703360xi32, #tpu.memory_space<hbm>>, %arg4: memref<2703360x8xf32, #tpu.memory_space<hbm>>, %arg5: memref<8x128xi32, #tpu.memory_space<vmem>>, %arg6: memref<8x128x8xf32, #tpu.memory_space<vmem>>, %arg7: memref<8x!tpu.dma_semaphore, #tpu.memory_space<semaphore_mem>>, %arg8: memref<8x!tpu.dma_semaphore, #tpu.memory_space<semaphore_mem>>, %arg9: memref<8x!tpu.dma_semaphore, #tpu.memory_space<semaphore_mem>>) attributes {dimension_semantics = [#tpu.dimension_semantics<core_parallel>, #tpu.dimension_semantics<subcore_parallel>], iteration_bounds = array<i64: 2, 16>, scalar_prefetch = 0 : i64, scratch_operands = 5 : i64, tpu.core_type = #tpu.core_type<sc_vector_subcore>, window_params = [{transform_indices = #map}, {transform_indices = #map1}, {transform_indices = #map}]} {
    %mul3A = arith.constant 2 : i32
    %mul3A_0 = arith.muli %arg1, %mul3A : i32
    %add3A = arith.addi %mul3A_0, %arg0 : i32
    %mul3A_1 = arith.constant 84480 : i32
    %mul3A_2 = arith.muli %add3A, %mul3A_1 : i32
    %scan3A = arith.constant 0 : i32
    %scan3A_3 = arith.constant 666 : i32
    %scan3A_4 = arith.addi %scan3A, %scan3A_3 : i32
    %scan3A_5 = arith.constant 1 : i32
    scf.for %scan3A_157 = %scan3A to %scan3A_4 step %scan3A_5  : i32 {
      %mul3A_158 = arith.constant 1 : i32
      %mul3A_159 = arith.muli %scan3A_157, %mul3A_158 : i32
      %add3A_160 = arith.constant 0 : i32
      %add3A_161 = arith.addi %add3A_160, %mul3A_159 : i32
      %lt3A = arith.constant 660 : i32
      %lt3A_162 = arith.cmpi slt, %add3A_161, %lt3A : i32
      %convert_element_type3A = arith.extui %lt3A_162 : i1 to i32
      %cond3A = arith.constant 0 : i32
      %cond3A_163 = arith.cmpi ne, %convert_element_type3A, %cond3A : i32
      scf.if %cond3A_163 {
        %ge3A_175 = arith.constant 8 : i32
        %ge3A_176 = arith.cmpi sge, %add3A_161, %ge3A_175 : i32
        %convert_element_type3A_177 = arith.extui %ge3A_176 : i1 to i32
        %cond3A_178 = arith.constant 0 : i32
        %cond3A_179 = arith.cmpi ne, %convert_element_type3A_177, %cond3A_178 : i32
        scf.if %cond3A_179 {
          %sub3A = arith.constant 8 : i32
          %sub3A_194 = arith.subi %add3A_161, %sub3A : i32
          %rem3A_195 = arith.constant 8 : i32
          %rem3A_196 = arith.remsi %sub3A_194, %rem3A_195 : i32
          %mul3A_197 = arith.constant 128 : i32
          %mul3A_198 = arith.muli %sub3A_194, %mul3A_197 : i32
          %add3A_199 = arith.addi %mul3A_2, %mul3A_198 : i32
          %dma_wait3A_200 = arith.constant 0 : i32
          %dma_wait3A_201 = arith.constant 0 : i32
          %dma_wait3A_202 = tpu.memref_slice %arg6[%rem3A_196, %dma_wait3A_200, %dma_wait3A_201] : memref<8x128x8xf32, #tpu.memory_space<vmem>> -> memref<1x128x8xf32, #tpu.memory_space<vmem>>
          %dma_wait3A_203 = tpu.memref_squeeze %dma_wait3A_202 : memref<1x128x8xf32, #tpu.memory_space<vmem>> -> memref<128x8xf32, #tpu.memory_space<vmem>>
          %dma_wait3A_204 = arith.constant 0 : i32
          %dma_wait3A_205 = tpu.memref_slice %arg4[%add3A_199, %dma_wait3A_204] : memref<2703360x8xf32, #tpu.memory_space<hbm>> -> memref<128x8xf32, #tpu.memory_space<hbm>>
          %dma_wait3A_206 = tpu.memref_slice %arg9[%rem3A_196] : memref<8x!tpu.dma_semaphore, #tpu.memory_space<semaphore_mem>> -> memref<1x!tpu.dma_semaphore, #tpu.memory_space<semaphore_mem>>
          %dma_wait3A_207 = tpu.memref_squeeze %dma_wait3A_206 : memref<1x!tpu.dma_semaphore, #tpu.memory_space<semaphore_mem>> -> memref<!tpu.dma_semaphore, #tpu.memory_space<semaphore_mem>>
          %dma_wait3A_208 = arith.constant 0 : i32
          %dma_wait3A_209 = tpu.memref_slice %arg4[%add3A_199, %dma_wait3A_208] : memref<2703360x8xf32, #tpu.memory_space<hbm>> -> memref<128x8xf32, #tpu.memory_space<hbm>>
          %dma_wait3A_210 = arith.constant 0 : i32
          %dma_wait3A_211 = arith.constant 0 : i32
          %dma_wait3A_212 = tpu.memref_slice %arg6[%rem3A_196, %dma_wait3A_210, %dma_wait3A_211] : memref<8x128x8xf32, #tpu.memory_space<vmem>> -> memref<1x128x8xf32, #tpu.memory_space<vmem>>
          %dma_wait3A_213 = tpu.memref_squeeze %dma_wait3A_212 : memref<1x128x8xf32, #tpu.memory_space<vmem>> -> memref<128x8xf32, #tpu.memory_space<vmem>>
          tpu.wait_dma2 semaphore(%dma_wait3A_207 : memref<!tpu.dma_semaphore, #tpu.memory_space<semaphore_mem>>) src(%dma_wait3A_213 : memref<128x8xf32, #tpu.memory_space<vmem>>) dst(%dma_wait3A_209 : memref<128x8xf32, #tpu.memory_space<hbm>>)
        } else {
        }
        %rem3A_180 = arith.constant 8 : i32
        %rem3A_181 = arith.remsi %add3A_161, %rem3A_180 : i32
        %mul3A_182 = arith.constant 128 : i32
        %mul3A_183 = arith.muli %add3A_161, %mul3A_182 : i32
        %add3A_184 = arith.addi %mul3A_2, %mul3A_183 : i32
        %dma_start3A = arith.constant 0 : i32
        %dma_start3A_185 = tpu.memref_slice %arg5[%rem3A_181, %dma_start3A] : memref<8x128xi32, #tpu.memory_space<vmem>> -> memref<1x128xi32, #tpu.memory_space<vmem>>
        %dma_start3A_186 = tpu.memref_squeeze %dma_start3A_185 : memref<1x128xi32, #tpu.memory_space<vmem>> -> memref<128xi32, #tpu.memory_space<vmem>>
        %dma_start3A_187 = tpu.memref_slice %arg3[%add3A_184] : memref<2703360xi32, #tpu.memory_space<hbm>> -> memref<128xi32, #tpu.memory_space<hbm>>
        %dma_start3A_188 = tpu.memref_slice %arg7[%rem3A_181] : memref<8x!tpu.dma_semaphore, #tpu.memory_space<semaphore_mem>> -> memref<1x!tpu.dma_semaphore, #tpu.memory_space<semaphore_mem>>
        %dma_start3A_189 = tpu.memref_squeeze %dma_start3A_188 : memref<1x!tpu.dma_semaphore, #tpu.memory_space<semaphore_mem>> -> memref<!tpu.dma_semaphore, #tpu.memory_space<semaphore_mem>>
        %dma_start3A_190 = arith.constant 0 : i32
        %dma_start3A_191 = tpu.memref_slice %arg5[%rem3A_181, %dma_start3A_190] : memref<8x128xi32, #tpu.memory_space<vmem>> -> memref<1x128xi32, #tpu.memory_space<vmem>>
        %dma_start3A_192 = tpu.memref_squeeze %dma_start3A_191 : memref<1x128xi32, #tpu.memory_space<vmem>> -> memref<128xi32, #tpu.memory_space<vmem>>
        %dma_start3A_193 = tpu.memref_slice %arg3[%add3A_184] : memref<2703360xi32, #tpu.memory_space<hbm>> -> memref<128xi32, #tpu.memory_space<hbm>>
        tpu.enqueue_dma source(%dma_start3A_193 : memref<128xi32, #tpu.memory_space<hbm>>) target(%dma_start3A_192 : memref<128xi32, #tpu.memory_space<vmem>>) target_semaphore(%dma_start3A_189 : memref<!tpu.dma_semaphore, #tpu.memory_space<semaphore_mem>>)
      } else {
      }
      %ge3A = arith.constant 1 : i32
      %ge3A_164 = arith.cmpi sge, %add3A_161, %ge3A : i32
      %lt3A_165 = arith.constant 661 : i32
      %lt3A_166 = arith.cmpi slt, %add3A_161, %lt3A_165 : i32
      %and3A = arith.andi %ge3A_164, %lt3A_166 : i1
      %convert_element_type3A_167 = arith.extui %and3A : i1 to i32
      %cond3A_168 = arith.constant 0 : i32
      %cond3A_169 = arith.cmpi ne, %convert_element_type3A_167, %cond3A_168 : i32
      scf.if %cond3A_169 {
        %sub3A = arith.constant 1 : i32
        %sub3A_175 = arith.subi %add3A_161, %sub3A : i32
        %rem3A_176 = arith.constant 8 : i32
        %rem3A_177 = arith.remsi %sub3A_175, %rem3A_176 : i32
        %mul3A_178 = arith.constant 128 : i32
        %mul3A_179 = arith.muli %sub3A_175, %mul3A_178 : i32
        %add3A_180 = arith.addi %mul3A_2, %mul3A_179 : i32
        %dma_wait3A_181 = arith.constant 0 : i32
        %dma_wait3A_182 = tpu.memref_slice %arg5[%rem3A_177, %dma_wait3A_181] : memref<8x128xi32, #tpu.memory_space<vmem>> -> memref<1x128xi32, #tpu.memory_space<vmem>>
        %dma_wait3A_183 = tpu.memref_squeeze %dma_wait3A_182 : memref<1x128xi32, #tpu.memory_space<vmem>> -> memref<128xi32, #tpu.memory_space<vmem>>
        %dma_wait3A_184 = tpu.memref_slice %arg3[%add3A_180] : memref<2703360xi32, #tpu.memory_space<hbm>> -> memref<128xi32, #tpu.memory_space<hbm>>
        %dma_wait3A_185 = tpu.memref_slice %arg7[%rem3A_177] : memref<8x!tpu.dma_semaphore, #tpu.memory_space<semaphore_mem>> -> memref<1x!tpu.dma_semaphore, #tpu.memory_space<semaphore_mem>>
        %dma_wait3A_186 = tpu.memref_squeeze %dma_wait3A_185 : memref<1x!tpu.dma_semaphore, #tpu.memory_space<semaphore_mem>> -> memref<!tpu.dma_semaphore, #tpu.memory_space<semaphore_mem>>
        %dma_wait3A_187 = arith.constant 0 : i32
        %dma_wait3A_188 = tpu.memref_slice %arg5[%rem3A_177, %dma_wait3A_187] : memref<8x128xi32, #tpu.memory_space<vmem>> -> memref<1x128xi32, #tpu.memory_space<vmem>>
        %dma_wait3A_189 = tpu.memref_squeeze %dma_wait3A_188 : memref<1x128xi32, #tpu.memory_space<vmem>> -> memref<128xi32, #tpu.memory_space<vmem>>
        %dma_wait3A_190 = tpu.memref_slice %arg3[%add3A_180] : memref<2703360xi32, #tpu.memory_space<hbm>> -> memref<128xi32, #tpu.memory_space<hbm>>
        tpu.wait_dma2 semaphore(%dma_wait3A_186 : memref<!tpu.dma_semaphore, #tpu.memory_space<semaphore_mem>>) src(%dma_wait3A_190 : memref<128xi32, #tpu.memory_space<hbm>>) dst(%dma_wait3A_189 : memref<128xi32, #tpu.memory_space<vmem>>)
        %sub3A_191 = arith.constant 1 : i32
        %sub3A_192 = arith.subi %add3A_161, %sub3A_191 : i32
        %rem3A_193 = arith.constant 8 : i32
        %rem3A_194 = arith.remsi %sub3A_192, %rem3A_193 : i32
        %get3A = arith.constant 0 : i32
        %get3A_195 = tpu.memref_slice %arg5[%rem3A_194, %get3A] : memref<8x128xi32, #tpu.memory_space<vmem>> -> memref<1x128xi32, #tpu.memory_space<vmem>>
        %get3A_196 = tpu.memref_squeeze %get3A_195 : memref<1x128xi32, #tpu.memory_space<vmem>> -> memref<128xi32, #tpu.memory_space<vmem>>
        %get3A_197 = arith.constant 0 : index
        %get3A_198 = tpu.vector_load %get3A_196[%get3A_197] {strides = array<i32>} : memref<128xi32, #tpu.memory_space<vmem>>, vector<16xi32>,
        %add3A_199 = arith.constant 1 : i32
        %add3A_200 = vector.broadcast %add3A_199 : i32 to vector<16xi32>
        %add3A_201 = arith.addi %get3A_198, %add3A_200 : vector<16xi32>
        %swap3A = arith.constant 0 : i32
        %swap3A_202 = tpu.memref_slice %arg5[%rem3A_194, %swap3A] : memref<8x128xi32, #tpu.memory_space<vmem>> -> memref<1x128xi32, #tpu.memory_space<vmem>>
        %swap3A_203 = tpu.memref_squeeze %swap3A_202 : memref<1x128xi32, #tpu.memory_space<vmem>> -> memref<128xi32, #tpu.memory_space<vmem>>
        %swap3A_204 = arith.constant 0 : index
        %swap3A_205 = tpu.vector_load %swap3A_203[%swap3A_204] {strides = array<i32>} : memref<128xi32, #tpu.memory_space<vmem>>, vector<16xi32>,
        tpu.vector_store %swap3A_203[%swap3A_204], %add3A_201 {strides = array<i32>} : memref<128xi32, #tpu.memory_space<vmem>>, vector<16xi32>,
        %get3A_206 = arith.constant 0 : i32
        %get3A_207 = tpu.memref_slice %arg5[%rem3A_194, %get3A_206] : memref<8x128xi32, #tpu.memory_space<vmem>> -> memref<1x128xi32, #tpu.memory_space<vmem>>
        %get3A_208 = tpu.memref_squeeze %get3A_207 : memref<1x128xi32, #tpu.memory_space<vmem>> -> memref<128xi32, #tpu.memory_space<vmem>>
        %get3A_209 = arith.constant 16 : index
        %get3A_210 = tpu.vector_load %get3A_208[%get3A_209] {strides = array<i32>} : memref<128xi32, #tpu.memory_space<vmem>>, vector<16xi32>,
        %add3A_211 = arith.constant 1 : i32
        %add3A_212 = vector.broadcast %add3A_211 : i32 to vector<16xi32>
        %add3A_213 = arith.addi %get3A_210, %add3A_212 : vector<16xi32>
        %swap3A_214 = arith.constant 0 : i32
        %swap3A_215 = tpu.memref_slice %arg5[%rem3A_194, %swap3A_214] : memref<8x128xi32, #tpu.memory_space<vmem>> -> memref<1x128xi32, #tpu.memory_space<vmem>>
        %swap3A_216 = tpu.memref_squeeze %swap3A_215 : memref<1x128xi32, #tpu.memory_space<vmem>> -> memref<128xi32, #tpu.memory_space<vmem>>
        %swap3A_217 = arith.constant 16 : index
        %swap3A_218 = tpu.vector_load %swap3A_216[%swap3A_217] {strides = array<i32>} : memref<128xi32, #tpu.memory_space<vmem>>, vector<16xi32>,
        tpu.vector_store %swap3A_216[%swap3A_217], %add3A_213 {strides = array<i32>} : memref<128xi32, #tpu.memory_space<vmem>>, vector<16xi32>,
        %get3A_219 = arith.constant 0 : i32
        %get3A_220 = tpu.memref_slice %arg5[%rem3A_194, %get3A_219] : memref<8x128xi32, #tpu.memory_space<vmem>> -> memref<1x128xi32, #tpu.memory_space<vmem>>
        %get3A_221 = tpu.memref_squeeze %get3A_220 : memref<1x128xi32, #tpu.memory_space<vmem>> -> memref<128xi32, #tpu.memory_space<vmem>>
        %get3A_222 = arith.constant 32 : index
        %get3A_223 = tpu.vector_load %get3A_221[%get3A_222] {strides = array<i32>} : memref<128xi32, #tpu.memory_space<vmem>>, vector<16xi32>,
        %add3A_224 = arith.constant 1 : i32
        %add3A_225 = vector.broadcast %add3A_224 : i32 to vector<16xi32>
        %add3A_226 = arith.addi %get3A_223, %add3A_225 : vector<16xi32>
        %swap3A_227 = arith.constant 0 : i32
        %swap3A_228 = tpu.memref_slice %arg5[%rem3A_194, %swap3A_227] : memref<8x128xi32, #tpu.memory_space<vmem>> -> memref<1x128xi32, #tpu.memory_space<vmem>>
        %swap3A_229 = tpu.memref_squeeze %swap3A_228 : memref<1x128xi32, #tpu.memory_space<vmem>> -> memref<128xi32, #tpu.memory_space<vmem>>
        %swap3A_230 = arith.constant 32 : index
        %swap3A_231 = tpu.vector_load %swap3A_229[%swap3A_230] {strides = array<i32>} : memref<128xi32, #tpu.memory_space<vmem>>, vector<16xi32>,
        tpu.vector_store %swap3A_229[%swap3A_230], %add3A_226 {strides = array<i32>} : memref<128xi32, #tpu.memory_space<vmem>>, vector<16xi32>,
        %get3A_232 = arith.constant 0 : i32
        %get3A_233 = tpu.memref_slice %arg5[%rem3A_194, %get3A_232] : memref<8x128xi32, #tpu.memory_space<vmem>> -> memref<1x128xi32, #tpu.memory_space<vmem>>
        %get3A_234 = tpu.memref_squeeze %get3A_233 : memref<1x128xi32, #tpu.memory_space<vmem>> -> memref<128xi32, #tpu.memory_space<vmem>>
        %get3A_235 = arith.constant 48 : index
        %get3A_236 = tpu.vector_load %get3A_234[%get3A_235] {strides = array<i32>} : memref<128xi32, #tpu.memory_space<vmem>>, vector<16xi32>,
        %add3A_237 = arith.constant 1 : i32
        %add3A_238 = vector.broadcast %add3A_237 : i32 to vector<16xi32>
        %add3A_239 = arith.addi %get3A_236, %add3A_238 : vector<16xi32>
        %swap3A_240 = arith.constant 0 : i32
        %swap3A_241 = tpu.memref_slice %arg5[%rem3A_194, %swap3A_240] : memref<8x128xi32, #tpu.memory_space<vmem>> -> memref<1x128xi32, #tpu.memory_space<vmem>>
        %swap3A_242 = tpu.memref_squeeze %swap3A_241 : memref<1x128xi32, #tpu.memory_space<vmem>> -> memref<128xi32, #tpu.memory_space<vmem>>
        %swap3A_243 = arith.constant 48 : index
        %swap3A_244 = tpu.vector_load %swap3A_242[%swap3A_243] {strides = array<i32>} : memref<128xi32, #tpu.memory_space<vmem>>, vector<16xi32>,
        tpu.vector_store %swap3A_242[%swap3A_243], %add3A_239 {strides = array<i32>} : memref<128xi32, #tpu.memory_space<vmem>>, vector<16xi32>,
        %get3A_245 = arith.constant 0 : i32
        %get3A_246 = tpu.memref_slice %arg5[%rem3A_194, %get3A_245] : memref<8x128xi32, #tpu.memory_space<vmem>> -> memref<1x128xi32, #tpu.memory_space<vmem>>
        %get3A_247 = tpu.memref_squeeze %get3A_246 : memref<1x128xi32, #tpu.memory_space<vmem>> -> memref<128xi32, #tpu.memory_space<vmem>>
        %get3A_248 = arith.constant 64 : index
        %get3A_249 = tpu.vector_load %get3A_247[%get3A_248] {strides = array<i32>} : memref<128xi32, #tpu.memory_space<vmem>>, vector<16xi32>,
        %add3A_250 = arith.constant 1 : i32
        %add3A_251 = vector.broadcast %add3A_250 : i32 to vector<16xi32>
        %add3A_252 = arith.addi %get3A_249, %add3A_251 : vector<16xi32>
        %swap3A_253 = arith.constant 0 : i32
        %swap3A_254 = tpu.memref_slice %arg5[%rem3A_194, %swap3A_253] : memref<8x128xi32, #tpu.memory_space<vmem>> -> memref<1x128xi32, #tpu.memory_space<vmem>>
        %swap3A_255 = tpu.memref_squeeze %swap3A_254 : memref<1x128xi32, #tpu.memory_space<vmem>> -> memref<128xi32, #tpu.memory_space<vmem>>
        %swap3A_256 = arith.constant 64 : index
        %swap3A_257 = tpu.vector_load %swap3A_255[%swap3A_256] {strides = array<i32>} : memref<128xi32, #tpu.memory_space<vmem>>, vector<16xi32>,
        tpu.vector_store %swap3A_255[%swap3A_256], %add3A_252 {strides = array<i32>} : memref<128xi32, #tpu.memory_space<vmem>>, vector<16xi32>,
        %get3A_258 = arith.constant 0 : i32
        %get3A_259 = tpu.memref_slice %arg5[%rem3A_194, %get3A_258] : memref<8x128xi32, #tpu.memory_space<vmem>> -> memref<1x128xi32, #tpu.memory_space<vmem>>
        %get3A_260 = tpu.memref_squeeze %get3A_259 : memref<1x128xi32, #tpu.memory_space<vmem>> -> memref<128xi32, #tpu.memory_space<vmem>>
        %get3A_261 = arith.constant 80 : index
        %get3A_262 = tpu.vector_load %get3A_260[%get3A_261] {strides = array<i32>} : memref<128xi32, #tpu.memory_space<vmem>>, vector<16xi32>,
        %add3A_263 = arith.constant 1 : i32
        %add3A_264 = vector.broadcast %add3A_263 : i32 to vector<16xi32>
        %add3A_265 = arith.addi %get3A_262, %add3A_264 : vector<16xi32>
        %swap3A_266 = arith.constant 0 : i32
        %swap3A_267 = tpu.memref_slice %arg5[%rem3A_194, %swap3A_266] : memref<8x128xi32, #tpu.memory_space<vmem>> -> memref<1x128xi32, #tpu.memory_space<vmem>>
        %swap3A_268 = tpu.memref_squeeze %swap3A_267 : memref<1x128xi32, #tpu.memory_space<vmem>> -> memref<128xi32, #tpu.memory_space<vmem>>
        %swap3A_269 = arith.constant 80 : index
        %swap3A_270 = tpu.vector_load %swap3A_268[%swap3A_269] {strides = array<i32>} : memref<128xi32, #tpu.memory_space<vmem>>, vector<16xi32>,
        tpu.vector_store %swap3A_268[%swap3A_269], %add3A_265 {strides = array<i32>} : memref<128xi32, #tpu.memory_space<vmem>>, vector<16xi32>,
        %get3A_271 = arith.constant 0 : i32
        %get3A_272 = tpu.memref_slice %arg5[%rem3A_194, %get3A_271] : memref<8x128xi32, #tpu.memory_space<vmem>> -> memref<1x128xi32, #tpu.memory_space<vmem>>
        %get3A_273 = tpu.memref_squeeze %get3A_272 : memref<1x128xi32, #tpu.memory_space<vmem>> -> memref<128xi32, #tpu.memory_space<vmem>>
        %get3A_274 = arith.constant 96 : index
        %get3A_275 = tpu.vector_load %get3A_273[%get3A_274] {strides = array<i32>} : memref<128xi32, #tpu.memory_space<vmem>>, vector<16xi32>,
        %add3A_276 = arith.constant 1 : i32
        %add3A_277 = vector.broadcast %add3A_276 : i32 to vector<16xi32>
        %add3A_278 = arith.addi %get3A_275, %add3A_277 : vector<16xi32>
        %swap3A_279 = arith.constant 0 : i32
        %swap3A_280 = tpu.memref_slice %arg5[%rem3A_194, %swap3A_279] : memref<8x128xi32, #tpu.memory_space<vmem>> -> memref<1x128xi32, #tpu.memory_space<vmem>>
        %swap3A_281 = tpu.memref_squeeze %swap3A_280 : memref<1x128xi32, #tpu.memory_space<vmem>> -> memref<128xi32, #tpu.memory_space<vmem>>
        %swap3A_282 = arith.constant 96 : index
        %swap3A_283 = tpu.vector_load %swap3A_281[%swap3A_282] {strides = array<i32>} : memref<128xi32, #tpu.memory_space<vmem>>, vector<16xi32>,
        tpu.vector_store %swap3A_281[%swap3A_282], %add3A_278 {strides = array<i32>} : memref<128xi32, #tpu.memory_space<vmem>>, vector<16xi32>,
        %get3A_284 = arith.constant 0 : i32
        %get3A_285 = tpu.memref_slice %arg5[%rem3A_194, %get3A_284] : memref<8x128xi32, #tpu.memory_space<vmem>> -> memref<1x128xi32, #tpu.memory_space<vmem>>
        %get3A_286 = tpu.memref_squeeze %get3A_285 : memref<1x128xi32, #tpu.memory_space<vmem>> -> memref<128xi32, #tpu.memory_space<vmem>>
        %get3A_287 = arith.constant 112 : index
        %get3A_288 = tpu.vector_load %get3A_286[%get3A_287] {strides = array<i32>} : memref<128xi32, #tpu.memory_space<vmem>>, vector<16xi32>,
        %add3A_289 = arith.constant 1 : i32
        %add3A_290 = vector.broadcast %add3A_289 : i32 to vector<16xi32>
        %add3A_291 = arith.addi %get3A_288, %add3A_290 : vector<16xi32>
        %swap3A_292 = arith.constant 0 : i32
        %swap3A_293 = tpu.memref_slice %arg5[%rem3A_194, %swap3A_292] : memref<8x128xi32, #tpu.memory_space<vmem>> -> memref<1x128xi32, #tpu.memory_space<vmem>>
        %swap3A_294 = tpu.memref_squeeze %swap3A_293 : memref<1x128xi32, #tpu.memory_space<vmem>> -> memref<128xi32, #tpu.memory_space<vmem>>
        %swap3A_295 = arith.constant 112 : index
        %swap3A_296 = tpu.vector_load %swap3A_294[%swap3A_295] {strides = array<i32>} : memref<128xi32, #tpu.memory_space<vmem>>, vector<16xi32>,
        tpu.vector_store %swap3A_294[%swap3A_295], %add3A_291 {strides = array<i32>} : memref<128xi32, #tpu.memory_space<vmem>>, vector<16xi32>,
        %sub3A_297 = arith.constant 1 : i32
        %sub3A_298 = arith.subi %add3A_161, %sub3A_297 : i32
        %rem3A_299 = arith.constant 8 : i32
        %rem3A_300 = arith.remsi %sub3A_298, %rem3A_299 : i32
        %dma_start3A = arith.constant 0 : i32
        %dma_start3A_301 = arith.constant 0 : i32
        %dma_start3A_302 = tpu.memref_slice %arg6[%rem3A_300, %dma_start3A, %dma_start3A_301] : memref<8x128x8xf32, #tpu.memory_space<vmem>> -> memref<1x128x8xf32, #tpu.memory_space<vmem>>
        %dma_start3A_303 = tpu.memref_squeeze %dma_start3A_302 : memref<1x128x8xf32, #tpu.memory_space<vmem>> -> memref<128x8xf32, #tpu.memory_space<vmem>>
        %dma_start3A_304 = arith.constant 0 : i32
        %dma_start3A_305 = tpu.memref_slice %arg5[%rem3A_300, %dma_start3A_304] : memref<8x128xi32, #tpu.memory_space<vmem>> -> memref<1x128xi32, #tpu.memory_space<vmem>>
        %dma_start3A_306 = tpu.memref_squeeze %dma_start3A_305 : memref<1x128xi32, #tpu.memory_space<vmem>> -> memref<128xi32, #tpu.memory_space<vmem>>
        %dma_start3A_307 = arith.constant 0 : i32
        %dma_start3A_308 = arith.constant 0 : i32
        %dma_start3A_309 = tpu.memref_slice %arg2[%dma_start3A_307, %dma_start3A_308] : memref<100001x8xf32, #tpu.memory_space<hbm>> -> memref<100001x8xf32, #tpu.memory_space<hbm>>
        %dma_start3A_310 = tpu.memref_slice %arg8[%rem3A_300] : memref<8x!tpu.dma_semaphore, #tpu.memory_space<semaphore_mem>> -> memref<1x!tpu.dma_semaphore, #tpu.memory_space<semaphore_mem>>
        %dma_start3A_311 = tpu.memref_squeeze %dma_start3A_310 : memref<1x!tpu.dma_semaphore, #tpu.memory_space<semaphore_mem>> -> memref<!tpu.dma_semaphore, #tpu.memory_space<semaphore_mem>>
        tpu.enqueue_indirect_dma source(%dma_start3A_309 : memref<100001x8xf32, #tpu.memory_space<hbm>>) target(%dma_start3A_303 : memref<128x8xf32, #tpu.memory_space<vmem>>) offsets(%dma_start3A_306 : memref<128xi32, #tpu.memory_space<vmem>>) semaphore(%dma_start3A_311 : memref<!tpu.dma_semaphore, #tpu.memory_space<semaphore_mem>>)
      } else {
      }
      %ge3A_170 = arith.constant 6 : i32
      %ge3A_171 = arith.cmpi sge, %add3A_161, %ge3A_170 : i32
      %convert_element_type3A_172 = arith.extui %ge3A_171 : i1 to i32
      %cond3A_173 = arith.constant 0 : i32
      %cond3A_174 = arith.cmpi ne, %convert_element_type3A_172, %cond3A_173 : i32
      scf.if %cond3A_174 {
        %sub3A = arith.constant 6 : i32
        %sub3A_175 = arith.subi %add3A_161, %sub3A : i32
        %rem3A_176 = arith.constant 8 : i32
        %rem3A_177 = arith.remsi %sub3A_175, %rem3A_176 : i32
        %dma_wait3A_178 = arith.constant 0 : i32
        %dma_wait3A_179 = arith.constant 0 : i32
        %dma_wait3A_180 = tpu.memref_slice %arg6[%rem3A_177, %dma_wait3A_178, %dma_wait3A_179] : memref<8x128x8xf32, #tpu.memory_space<vmem>> -> memref<1x128x8xf32, #tpu.memory_space<vmem>>
        %dma_wait3A_181 = tpu.memref_squeeze %dma_wait3A_180 : memref<1x128x8xf32, #tpu.memory_space<vmem>> -> memref<128x8xf32, #tpu.memory_space<vmem>>
        %dma_wait3A_182 = arith.constant 0 : i32
        %dma_wait3A_183 = tpu.memref_slice %arg5[%rem3A_177, %dma_wait3A_182] : memref<8x128xi32, #tpu.memory_space<vmem>> -> memref<1x128xi32, #tpu.memory_space<vmem>>
        %dma_wait3A_184 = tpu.memref_squeeze %dma_wait3A_183 : memref<1x128xi32, #tpu.memory_space<vmem>> -> memref<128xi32, #tpu.memory_space<vmem>>
        %dma_wait3A_185 = arith.constant 0 : i32
        %dma_wait3A_186 = arith.constant 0 : i32
        %dma_wait3A_187 = tpu.memref_slice %arg2[%dma_wait3A_185, %dma_wait3A_186] : memref<100001x8xf32, #tpu.memory_space<hbm>> -> memref<100001x8xf32, #tpu.memory_space<hbm>>
        %dma_wait3A_188 = tpu.memref_slice %arg8[%rem3A_177] : memref<8x!tpu.dma_semaphore, #tpu.memory_space<semaphore_mem>> -> memref<1x!tpu.dma_semaphore, #tpu.memory_space<semaphore_mem>>
        %dma_wait3A_189 = tpu.memref_squeeze %dma_wait3A_188 : memref<1x!tpu.dma_semaphore, #tpu.memory_space<semaphore_mem>> -> memref<!tpu.dma_semaphore, #tpu.memory_space<semaphore_mem>>
        tpu.wait_indirect_dma semaphore(%dma_wait3A_189 : memref<!tpu.dma_semaphore, #tpu.memory_space<semaphore_mem>>) src(%dma_wait3A_187 : memref<100001x8xf32, #tpu.memory_space<hbm>>) dst(%dma_wait3A_181 : memref<128x8xf32, #tpu.memory_space<vmem>>)
        %sub3A_190 = arith.constant 6 : i32
        %sub3A_191 = arith.subi %add3A_161, %sub3A_190 : i32
        %rem3A_192 = arith.constant 8 : i32
        %rem3A_193 = arith.remsi %sub3A_191, %rem3A_192 : i32
        %mul3A_194 = arith.constant 128 : i32
        %mul3A_195 = arith.muli %sub3A_191, %mul3A_194 : i32
        %add3A_196 = arith.addi %mul3A_2, %mul3A_195 : i32
        %dma_start3A = arith.constant 0 : i32
        %dma_start3A_197 = arith.constant 0 : i32
        %dma_start3A_198 = tpu.memref_slice %arg6[%rem3A_193, %dma_start3A, %dma_start3A_197] : memref<8x128x8xf32, #tpu.memory_space<vmem>> -> memref<1x128x8xf32, #tpu.memory_space<vmem>>
        %dma_start3A_199 = tpu.memref_squeeze %dma_start3A_198 : memref<1x128x8xf32, #tpu.memory_space<vmem>> -> memref<128x8xf32, #tpu.memory_space<vmem>>
        %dma_start3A_200 = arith.constant 0 : i32
        %dma_start3A_201 = tpu.memref_slice %arg4[%add3A_196, %dma_start3A_200] : memref<2703360x8xf32, #tpu.memory_space<hbm>> -> memref<128x8xf32, #tpu.memory_space<hbm>>
        %dma_start3A_202 = tpu.memref_slice %arg9[%rem3A_193] : memref<8x!tpu.dma_semaphore, #tpu.memory_space<semaphore_mem>> -> memref<1x!tpu.dma_semaphore, #tpu.memory_space<semaphore_mem>>
        %dma_start3A_203 = tpu.memref_squeeze %dma_start3A_202 : memref<1x!tpu.dma_semaphore, #tpu.memory_space<semaphore_mem>> -> memref<!tpu.dma_semaphore, #tpu.memory_space<semaphore_mem>>
        %dma_start3A_204 = arith.constant 0 : i32
        %dma_start3A_205 = tpu.memref_slice %arg4[%add3A_196, %dma_start3A_204] : memref<2703360x8xf32, #tpu.memory_space<hbm>> -> memref<128x8xf32, #tpu.memory_space<hbm>>
        %dma_start3A_206 = arith.constant 0 : i32
        %dma_start3A_207 = arith.constant 0 : i32
        %dma_start3A_208 = tpu.memref_slice %arg6[%rem3A_193, %dma_start3A_206, %dma_start3A_207] : memref<8x128x8xf32, #tpu.memory_space<vmem>> -> memref<1x128x8xf32, #tpu.memory_space<vmem>>
        %dma_start3A_209 = tpu.memref_squeeze %dma_start3A_208 : memref<1x128x8xf32, #tpu.memory_space<vmem>> -> memref<128x8xf32, #tpu.memory_space<vmem>>
        tpu.enqueue_dma source(%dma_start3A_209 : memref<128x8xf32, #tpu.memory_space<vmem>>) target(%dma_start3A_205 : memref<128x8xf32, #tpu.memory_space<hbm>>) target_semaphore(%dma_start3A_203 : memref<!tpu.dma_semaphore, #tpu.memory_space<semaphore_mem>>)
      } else {
      }
    }
    %scan3A_6 = arith.constant 666 : i32
    %rem3A = arith.constant 652 : i32
    %rem3A_7 = arith.constant 8 : i32
    %rem3A_8 = arith.remsi %rem3A, %rem3A_7 : i32
    %add3A_9 = arith.constant 83456 : i32
    %add3A_10 = arith.addi %mul3A_2, %add3A_9 : i32
    %dma_wait3A = arith.constant 0 : i32
    %dma_wait3A_11 = arith.constant 0 : i32
    %dma_wait3A_12 = tpu.memref_slice %arg6[%rem3A_8, %dma_wait3A, %dma_wait3A_11] : memref<8x128x8xf32, #tpu.memory_space<vmem>> -> memref<1x128x8xf32, #tpu.memory_space<vmem>>
    %dma_wait3A_13 = tpu.memref_squeeze %dma_wait3A_12 : memref<1x128x8xf32, #tpu.memory_space<vmem>> -> memref<128x8xf32, #tpu.memory_space<vmem>>
    %dma_wait3A_14 = arith.constant 0 : i32
    %dma_wait3A_15 = tpu.memref_slice %arg4[%add3A_10, %dma_wait3A_14] : memref<2703360x8xf32, #tpu.memory_space<hbm>> -> memref<128x8xf32, #tpu.memory_space<hbm>>
    %dma_wait3A_16 = tpu.memref_slice %arg9[%rem3A_8] : memref<8x!tpu.dma_semaphore, #tpu.memory_space<semaphore_mem>> -> memref<1x!tpu.dma_semaphore, #tpu.memory_space<semaphore_mem>>
    %dma_wait3A_17 = tpu.memref_squeeze %dma_wait3A_16 : memref<1x!tpu.dma_semaphore, #tpu.memory_space<semaphore_mem>> -> memref<!tpu.dma_semaphore, #tpu.memory_space<semaphore_mem>>
    %dma_wait3A_18 = arith.constant 0 : i32
    %dma_wait3A_19 = tpu.memref_slice %arg4[%add3A_10, %dma_wait3A_18] : memref<2703360x8xf32, #tpu.memory_space<hbm>> -> memref<128x8xf32, #tpu.memory_space<hbm>>
    %dma_wait3A_20 = arith.constant 0 : i32
    %dma_wait3A_21 = arith.constant 0 : i32
    %dma_wait3A_22 = tpu.memref_slice %arg6[%rem3A_8, %dma_wait3A_20, %dma_wait3A_21] : memref<8x128x8xf32, #tpu.memory_space<vmem>> -> memref<1x128x8xf32, #tpu.memory_space<vmem>>
    %dma_wait3A_23 = tpu.memref_squeeze %dma_wait3A_22 : memref<1x128x8xf32, #tpu.memory_space<vmem>> -> memref<128x8xf32, #tpu.memory_space<vmem>>
    tpu.wait_dma2 semaphore(%dma_wait3A_17 : memref<!tpu.dma_semaphore, #tpu.memory_space<semaphore_mem>>) src(%dma_wait3A_23 : memref<128x8xf32, #tpu.memory_space<vmem>>) dst(%dma_wait3A_19 : memref<128x8xf32, #tpu.memory_space<hbm>>)
    %rem3A_24 = arith.constant 653 : i32
    %rem3A_25 = arith.constant 8 : i32
    %rem3A_26 = arith.remsi %rem3A_24, %rem3A_25 : i32
    %add3A_27 = arith.constant 83584 : i32
    %add3A_28 = arith.addi %mul3A_2, %add3A_27 : i32
    %dma_wait3A_29 = arith.constant 0 : i32
    %dma_wait3A_30 = arith.constant 0 : i32
    %dma_wait3A_31 = tpu.memref_slice %arg6[%rem3A_26, %dma_wait3A_29, %dma_wait3A_30] : memref<8x128x8xf32, #tpu.memory_space<vmem>> -> memref<1x128x8xf32, #tpu.memory_space<vmem>>
    %dma_wait3A_32 = tpu.memref_squeeze %dma_wait3A_31 : memref<1x128x8xf32, #tpu.memory_space<vmem>> -> memref<128x8xf32, #tpu.memory_space<vmem>>
    %dma_wait3A_33 = arith.constant 0 : i32
    %dma_wait3A_34 = tpu.memref_slice %arg4[%add3A_28, %dma_wait3A_33] : memref<2703360x8xf32, #tpu.memory_space<hbm>> -> memref<128x8xf32, #tpu.memory_space<hbm>>
    %dma_wait3A_35 = tpu.memref_slice %arg9[%rem3A_26] : memref<8x!tpu.dma_semaphore, #tpu.memory_space<semaphore_mem>> -> memref<1x!tpu.dma_semaphore, #tpu.memory_space<semaphore_mem>>
    %dma_wait3A_36 = tpu.memref_squeeze %dma_wait3A_35 : memref<1x!tpu.dma_semaphore, #tpu.memory_space<semaphore_mem>> -> memref<!tpu.dma_semaphore, #tpu.memory_space<semaphore_mem>>
    %dma_wait3A_37 = arith.constant 0 : i32
    %dma_wait3A_38 = tpu.memref_slice %arg4[%add3A_28, %dma_wait3A_37] : memref<2703360x8xf32, #tpu.memory_space<hbm>> -> memref<128x8xf32, #tpu.memory_space<hbm>>
    %dma_wait3A_39 = arith.constant 0 : i32
    %dma_wait3A_40 = arith.constant 0 : i32
    %dma_wait3A_41 = tpu.memref_slice %arg6[%rem3A_26, %dma_wait3A_39, %dma_wait3A_40] : memref<8x128x8xf32, #tpu.memory_space<vmem>> -> memref<1x128x8xf32, #tpu.memory_space<vmem>>
    %dma_wait3A_42 = tpu.memref_squeeze %dma_wait3A_41 : memref<1x128x8xf32, #tpu.memory_space<vmem>> -> memref<128x8xf32, #tpu.memory_space<vmem>>
    tpu.wait_dma2 semaphore(%dma_wait3A_36 : memref<!tpu.dma_semaphore, #tpu.memory_space<semaphore_mem>>) src(%dma_wait3A_42 : memref<128x8xf32, #tpu.memory_space<vmem>>) dst(%dma_wait3A_38 : memref<128x8xf32, #tpu.memory_space<hbm>>)
    %rem3A_43 = arith.constant 654 : i32
    %rem3A_44 = arith.constant 8 : i32
    %rem3A_45 = arith.remsi %rem3A_43, %rem3A_44 : i32
    %add3A_46 = arith.constant 83712 : i32
    %add3A_47 = arith.addi %mul3A_2, %add3A_46 : i32
    %dma_wait3A_48 = arith.constant 0 : i32
    %dma_wait3A_49 = arith.constant 0 : i32
    %dma_wait3A_50 = tpu.memref_slice %arg6[%rem3A_45, %dma_wait3A_48, %dma_wait3A_49] : memref<8x128x8xf32, #tpu.memory_space<vmem>> -> memref<1x128x8xf32, #tpu.memory_space<vmem>>
    %dma_wait3A_51 = tpu.memref_squeeze %dma_wait3A_50 : memref<1x128x8xf32, #tpu.memory_space<vmem>> -> memref<128x8xf32, #tpu.memory_space<vmem>>
    %dma_wait3A_52 = arith.constant 0 : i32
    %dma_wait3A_53 = tpu.memref_slice %arg4[%add3A_47, %dma_wait3A_52] : memref<2703360x8xf32, #tpu.memory_space<hbm>> -> memref<128x8xf32, #tpu.memory_space<hbm>>
    %dma_wait3A_54 = tpu.memref_slice %arg9[%rem3A_45] : memref<8x!tpu.dma_semaphore, #tpu.memory_space<semaphore_mem>> -> memref<1x!tpu.dma_semaphore, #tpu.memory_space<semaphore_mem>>
    %dma_wait3A_55 = tpu.memref_squeeze %dma_wait3A_54 : memref<1x!tpu.dma_semaphore, #tpu.memory_space<semaphore_mem>> -> memref<!tpu.dma_semaphore, #tpu.memory_space<semaphore_mem>>
    %dma_wait3A_56 = arith.constant 0 : i32
    %dma_wait3A_57 = tpu.memref_slice %arg4[%add3A_47, %dma_wait3A_56] : memref<2703360x8xf32, #tpu.memory_space<hbm>> -> memref<128x8xf32, #tpu.memory_space<hbm>>
    %dma_wait3A_58 = arith.constant 0 : i32
    %dma_wait3A_59 = arith.constant 0 : i32
    %dma_wait3A_60 = tpu.memref_slice %arg6[%rem3A_45, %dma_wait3A_58, %dma_wait3A_59] : memref<8x128x8xf32, #tpu.memory_space<vmem>> -> memref<1x128x8xf32, #tpu.memory_space<vmem>>
    %dma_wait3A_61 = tpu.memref_squeeze %dma_wait3A_60 : memref<1x128x8xf32, #tpu.memory_space<vmem>> -> memref<128x8xf32, #tpu.memory_space<vmem>>
    tpu.wait_dma2 semaphore(%dma_wait3A_55 : memref<!tpu.dma_semaphore, #tpu.memory_space<semaphore_mem>>) src(%dma_wait3A_61 : memref<128x8xf32, #tpu.memory_space<vmem>>) dst(%dma_wait3A_57 : memref<128x8xf32, #tpu.memory_space<hbm>>)
    %rem3A_62 = arith.constant 655 : i32
    %rem3A_63 = arith.constant 8 : i32
    %rem3A_64 = arith.remsi %rem3A_62, %rem3A_63 : i32
    %add3A_65 = arith.constant 83840 : i32
    %add3A_66 = arith.addi %mul3A_2, %add3A_65 : i32
    %dma_wait3A_67 = arith.constant 0 : i32
    %dma_wait3A_68 = arith.constant 0 : i32
    %dma_wait3A_69 = tpu.memref_slice %arg6[%rem3A_64, %dma_wait3A_67, %dma_wait3A_68] : memref<8x128x8xf32, #tpu.memory_space<vmem>> -> memref<1x128x8xf32, #tpu.memory_space<vmem>>
    %dma_wait3A_70 = tpu.memref_squeeze %dma_wait3A_69 : memref<1x128x8xf32, #tpu.memory_space<vmem>> -> memref<128x8xf32, #tpu.memory_space<vmem>>
    %dma_wait3A_71 = arith.constant 0 : i32
    %dma_wait3A_72 = tpu.memref_slice %arg4[%add3A_66, %dma_wait3A_71] : memref<2703360x8xf32, #tpu.memory_space<hbm>> -> memref<128x8xf32, #tpu.memory_space<hbm>>
    %dma_wait3A_73 = tpu.memref_slice %arg9[%rem3A_64] : memref<8x!tpu.dma_semaphore, #tpu.memory_space<semaphore_mem>> -> memref<1x!tpu.dma_semaphore, #tpu.memory_space<semaphore_mem>>
    %dma_wait3A_74 = tpu.memref_squeeze %dma_wait3A_73 : memref<1x!tpu.dma_semaphore, #tpu.memory_space<semaphore_mem>> -> memref<!tpu.dma_semaphore, #tpu.memory_space<semaphore_mem>>
    %dma_wait3A_75 = arith.constant 0 : i32
    %dma_wait3A_76 = tpu.memref_slice %arg4[%add3A_66, %dma_wait3A_75] : memref<2703360x8xf32, #tpu.memory_space<hbm>> -> memref<128x8xf32, #tpu.memory_space<hbm>>
    %dma_wait3A_77 = arith.constant 0 : i32
    %dma_wait3A_78 = arith.constant 0 : i32
    %dma_wait3A_79 = tpu.memref_slice %arg6[%rem3A_64, %dma_wait3A_77, %dma_wait3A_78] : memref<8x128x8xf32, #tpu.memory_space<vmem>> -> memref<1x128x8xf32, #tpu.memory_space<vmem>>
    %dma_wait3A_80 = tpu.memref_squeeze %dma_wait3A_79 : memref<1x128x8xf32, #tpu.memory_space<vmem>> -> memref<128x8xf32, #tpu.memory_space<vmem>>
    tpu.wait_dma2 semaphore(%dma_wait3A_74 : memref<!tpu.dma_semaphore, #tpu.memory_space<semaphore_mem>>) src(%dma_wait3A_80 : memref<128x8xf32, #tpu.memory_space<vmem>>) dst(%dma_wait3A_76 : memref<128x8xf32, #tpu.memory_space<hbm>>)
    %rem3A_81 = arith.constant 656 : i32
    %rem3A_82 = arith.constant 8 : i32
    %rem3A_83 = arith.remsi %rem3A_81, %rem3A_82 : i32
    %add3A_84 = arith.constant 83968 : i32
    %add3A_85 = arith.addi %mul3A_2, %add3A_84 : i32
    %dma_wait3A_86 = arith.constant 0 : i32
    %dma_wait3A_87 = arith.constant 0 : i32
    %dma_wait3A_88 = tpu.memref_slice %arg6[%rem3A_83, %dma_wait3A_86, %dma_wait3A_87] : memref<8x128x8xf32, #tpu.memory_space<vmem>> -> memref<1x128x8xf32, #tpu.memory_space<vmem>>
    %dma_wait3A_89 = tpu.memref_squeeze %dma_wait3A_88 : memref<1x128x8xf32, #tpu.memory_space<vmem>> -> memref<128x8xf32, #tpu.memory_space<vmem>>
    %dma_wait3A_90 = arith.constant 0 : i32
    %dma_wait3A_91 = tpu.memref_slice %arg4[%add3A_85, %dma_wait3A_90] : memref<2703360x8xf32, #tpu.memory_space<hbm>> -> memref<128x8xf32, #tpu.memory_space<hbm>>
    %dma_wait3A_92 = tpu.memref_slice %arg9[%rem3A_83] : memref<8x!tpu.dma_semaphore, #tpu.memory_space<semaphore_mem>> -> memref<1x!tpu.dma_semaphore, #tpu.memory_space<semaphore_mem>>
    %dma_wait3A_93 = tpu.memref_squeeze %dma_wait3A_92 : memref<1x!tpu.dma_semaphore, #tpu.memory_space<semaphore_mem>> -> memref<!tpu.dma_semaphore, #tpu.memory_space<semaphore_mem>>
    %dma_wait3A_94 = arith.constant 0 : i32
    %dma_wait3A_95 = tpu.memref_slice %arg4[%add3A_85, %dma_wait3A_94] : memref<2703360x8xf32, #tpu.memory_space<hbm>> -> memref<128x8xf32, #tpu.memory_space<hbm>>
    %dma_wait3A_96 = arith.constant 0 : i32
    %dma_wait3A_97 = arith.constant 0 : i32
    %dma_wait3A_98 = tpu.memref_slice %arg6[%rem3A_83, %dma_wait3A_96, %dma_wait3A_97] : memref<8x128x8xf32, #tpu.memory_space<vmem>> -> memref<1x128x8xf32, #tpu.memory_space<vmem>>
    %dma_wait3A_99 = tpu.memref_squeeze %dma_wait3A_98 : memref<1x128x8xf32, #tpu.memory_space<vmem>> -> memref<128x8xf32, #tpu.memory_space<vmem>>
    tpu.wait_dma2 semaphore(%dma_wait3A_93 : memref<!tpu.dma_semaphore, #tpu.memory_space<semaphore_mem>>) src(%dma_wait3A_99 : memref<128x8xf32, #tpu.memory_space<vmem>>) dst(%dma_wait3A_95 : memref<128x8xf32, #tpu.memory_space<hbm>>)
    %rem3A_100 = arith.constant 657 : i32
    %rem3A_101 = arith.constant 8 : i32
    %rem3A_102 = arith.remsi %rem3A_100, %rem3A_101 : i32
    %add3A_103 = arith.constant 84096 : i32
    %add3A_104 = arith.addi %mul3A_2, %add3A_103 : i32
    %dma_wait3A_105 = arith.constant 0 : i32
    %dma_wait3A_106 = arith.constant 0 : i32
    %dma_wait3A_107 = tpu.memref_slice %arg6[%rem3A_102, %dma_wait3A_105, %dma_wait3A_106] : memref<8x128x8xf32, #tpu.memory_space<vmem>> -> memref<1x128x8xf32, #tpu.memory_space<vmem>>
    %dma_wait3A_108 = tpu.memref_squeeze %dma_wait3A_107 : memref<1x128x8xf32, #tpu.memory_space<vmem>> -> memref<128x8xf32, #tpu.memory_space<vmem>>
    %dma_wait3A_109 = arith.constant 0 : i32
    %dma_wait3A_110 = tpu.memref_slice %arg4[%add3A_104, %dma_wait3A_109] : memref<2703360x8xf32, #tpu.memory_space<hbm>> -> memref<128x8xf32, #tpu.memory_space<hbm>>
    %dma_wait3A_111 = tpu.memref_slice %arg9[%rem3A_102] : memref<8x!tpu.dma_semaphore, #tpu.memory_space<semaphore_mem>> -> memref<1x!tpu.dma_semaphore, #tpu.memory_space<semaphore_mem>>
    %dma_wait3A_112 = tpu.memref_squeeze %dma_wait3A_111 : memref<1x!tpu.dma_semaphore, #tpu.memory_space<semaphore_mem>> -> memref<!tpu.dma_semaphore, #tpu.memory_space<semaphore_mem>>
    %dma_wait3A_113 = arith.constant 0 : i32
    %dma_wait3A_114 = tpu.memref_slice %arg4[%add3A_104, %dma_wait3A_113] : memref<2703360x8xf32, #tpu.memory_space<hbm>> -> memref<128x8xf32, #tpu.memory_space<hbm>>
    %dma_wait3A_115 = arith.constant 0 : i32
    %dma_wait3A_116 = arith.constant 0 : i32
    %dma_wait3A_117 = tpu.memref_slice %arg6[%rem3A_102, %dma_wait3A_115, %dma_wait3A_116] : memref<8x128x8xf32, #tpu.memory_space<vmem>> -> memref<1x128x8xf32, #tpu.memory_space<vmem>>
    %dma_wait3A_118 = tpu.memref_squeeze %dma_wait3A_117 : memref<1x128x8xf32, #tpu.memory_space<vmem>> -> memref<128x8xf32, #tpu.memory_space<vmem>>
    tpu.wait_dma2 semaphore(%dma_wait3A_112 : memref<!tpu.dma_semaphore, #tpu.memory_space<semaphore_mem>>) src(%dma_wait3A_118 : memref<128x8xf32, #tpu.memory_space<vmem>>) dst(%dma_wait3A_114 : memref<128x8xf32, #tpu.memory_space<hbm>>)
    %rem3A_119 = arith.constant 658 : i32
    %rem3A_120 = arith.constant 8 : i32
    %rem3A_121 = arith.remsi %rem3A_119, %rem3A_120 : i32
    %add3A_122 = arith.constant 84224 : i32
    %add3A_123 = arith.addi %mul3A_2, %add3A_122 : i32
    %dma_wait3A_124 = arith.constant 0 : i32
    %dma_wait3A_125 = arith.constant 0 : i32
    %dma_wait3A_126 = tpu.memref_slice %arg6[%rem3A_121, %dma_wait3A_124, %dma_wait3A_125] : memref<8x128x8xf32, #tpu.memory_space<vmem>> -> memref<1x128x8xf32, #tpu.memory_space<vmem>>
    %dma_wait3A_127 = tpu.memref_squeeze %dma_wait3A_126 : memref<1x128x8xf32, #tpu.memory_space<vmem>> -> memref<128x8xf32, #tpu.memory_space<vmem>>
    %dma_wait3A_128 = arith.constant 0 : i32
    %dma_wait3A_129 = tpu.memref_slice %arg4[%add3A_123, %dma_wait3A_128] : memref<2703360x8xf32, #tpu.memory_space<hbm>> -> memref<128x8xf32, #tpu.memory_space<hbm>>
    %dma_wait3A_130 = tpu.memref_slice %arg9[%rem3A_121] : memref<8x!tpu.dma_semaphore, #tpu.memory_space<semaphore_mem>> -> memref<1x!tpu.dma_semaphore, #tpu.memory_space<semaphore_mem>>
    %dma_wait3A_131 = tpu.memref_squeeze %dma_wait3A_130 : memref<1x!tpu.dma_semaphore, #tpu.memory_space<semaphore_mem>> -> memref<!tpu.dma_semaphore, #tpu.memory_space<semaphore_mem>>
    %dma_wait3A_132 = arith.constant 0 : i32
    %dma_wait3A_133 = tpu.memref_slice %arg4[%add3A_123, %dma_wait3A_132] : memref<2703360x8xf32, #tpu.memory_space<hbm>> -> memref<128x8xf32, #tpu.memory_space<hbm>>
    %dma_wait3A_134 = arith.constant 0 : i32
    %dma_wait3A_135 = arith.constant 0 : i32
    %dma_wait3A_136 = tpu.memref_slice %arg6[%rem3A_121, %dma_wait3A_134, %dma_wait3A_135] : memref<8x128x8xf32, #tpu.memory_space<vmem>> -> memref<1x128x8xf32, #tpu.memory_space<vmem>>
    %dma_wait3A_137 = tpu.memref_squeeze %dma_wait3A_136 : memref<1x128x8xf32, #tpu.memory_space<vmem>> -> memref<128x8xf32, #tpu.memory_space<vmem>>
    tpu.wait_dma2 semaphore(%dma_wait3A_131 : memref<!tpu.dma_semaphore, #tpu.memory_space<semaphore_mem>>) src(%dma_wait3A_137 : memref<128x8xf32, #tpu.memory_space<vmem>>) dst(%dma_wait3A_133 : memref<128x8xf32, #tpu.memory_space<hbm>>)
    %rem3A_138 = arith.constant 659 : i32
    %rem3A_139 = arith.constant 8 : i32
    %rem3A_140 = arith.remsi %rem3A_138, %rem3A_139 : i32
    %add3A_141 = arith.constant 84352 : i32
    %add3A_142 = arith.addi %mul3A_2, %add3A_141 : i32
    %dma_wait3A_143 = arith.constant 0 : i32
    %dma_wait3A_144 = arith.constant 0 : i32
    %dma_wait3A_145 = tpu.memref_slice %arg6[%rem3A_140, %dma_wait3A_143, %dma_wait3A_144] : memref<8x128x8xf32, #tpu.memory_space<vmem>> -> memref<1x128x8xf32, #tpu.memory_space<vmem>>
    %dma_wait3A_146 = tpu.memref_squeeze %dma_wait3A_145 : memref<1x128x8xf32, #tpu.memory_space<vmem>> -> memref<128x8xf32, #tpu.memory_space<vmem>>
    %dma_wait3A_147 = arith.constant 0 : i32
    %dma_wait3A_148 = tpu.memref_slice %arg4[%add3A_142, %dma_wait3A_147] : memref<2703360x8xf32, #tpu.memory_space<hbm>> -> memref<128x8xf32, #tpu.memory_space<hbm>>
    %dma_wait3A_149 = tpu.memref_slice %arg9[%rem3A_140] : memref<8x!tpu.dma_semaphore, #tpu.memory_space<semaphore_mem>> -> memref<1x!tpu.dma_semaphore, #tpu.memory_space<semaphore_mem>>
    %dma_wait3A_150 = tpu.memref_squeeze %dma_wait3A_149 : memref<1x!tpu.dma_semaphore, #tpu.memory_space<semaphore_mem>> -> memref<!tpu.dma_semaphore, #tpu.memory_space<semaphore_mem>>
    %dma_wait3A_151 = arith.constant 0 : i32
    %dma_wait3A_152 = tpu.memref_slice %arg4[%add3A_142, %dma_wait3A_151] : memref<2703360x8xf32, #tpu.memory_space<hbm>> -> memref<128x8xf32, #tpu.memory_space<hbm>>
    %dma_wait3A_153 = arith.constant 0 : i32
    %dma_wait3A_154 = arith.constant 0 : i32
    %dma_wait3A_155 = tpu.memref_slice %arg6[%rem3A_140, %dma_wait3A_153, %dma_wait3A_154] : memref<8x128x8xf32, #tpu.memory_space<vmem>> -> memref<1x128x8xf32, #tpu.memory_space<vmem>>
    %dma_wait3A_156 = tpu.memref_squeeze %dma_wait3A_155 : memref<1x128x8xf32, #tpu.memory_space<vmem>> -> memref<128x8xf32, #tpu.memory_space<vmem>>
    tpu.wait_dma2 semaphore(%dma_wait3A_150 : memref<!tpu.dma_semaphore, #tpu.memory_space<semaphore_mem>>) src(%dma_wait3A_156 : memref<128x8xf32, #tpu.memory_space<vmem>>) dst(%dma_wait3A_152 : memref<128x8xf32, #tpu.memory_space<hbm>>)
    return
  }
}

#map = affine_map<(d0, d1) -> (0, 0)>
#map1 = affine_map<(d0, d1) -> (0)>
module attributes {stable_mosaic.version = 14 : i64} {
  func.func @lk(%arg0: i32, %arg1: i32, %arg2: memref<36868x8xi32, #tpu.memory_space<hbm>>, %arg3: memref<4440064xi32, #tpu.memory_space<hbm>>, %arg4: memref<4440064xi32, #tpu.memory_space<hbm>>, %arg5: memref<8x128xi32, #tpu.memory_space<vmem>>, %arg6: memref<8x128xi32, #tpu.memory_space<vmem>>, %arg7: memref<8x128x8xi32, #tpu.memory_space<vmem>>, %arg8: memref<8x128xi32, #tpu.memory_space<vmem>>, %arg9: memref<8x!tpu.dma_semaphore, #tpu.memory_space<semaphore_mem>>, %arg10: memref<8x!tpu.dma_semaphore, #tpu.memory_space<semaphore_mem>>, %arg11: memref<8x!tpu.dma_semaphore, #tpu.memory_space<semaphore_mem>>) attributes {dimension_semantics = [#tpu.dimension_semantics<core_parallel>, #tpu.dimension_semantics<subcore_parallel>], iteration_bounds = array<i64: 2, 16>, scalar_prefetch = 0 : i64, scratch_operands = 7 : i64, tpu.core_type = #tpu.core_type<sc_vector_subcore>, window_params = [{transform_indices = #map}, {transform_indices = #map1}, {transform_indices = #map1}]} {
    %mul3A = arith.constant 2 : i32
    %mul3A_0 = arith.muli %arg1, %mul3A : i32
    %add3A = arith.addi %mul3A_0, %arg0 : i32
    %mul3A_1 = arith.constant 138752 : i32
    %mul3A_2 = arith.muli %add3A, %mul3A_1 : i32
    %iota3A = tpu.iota {dimensions = array<i32: 0>} : vector<16xi32>
    %scan3A = arith.constant 0 : i32
    %scan3A_3 = arith.constant 1090 : i32
    %scan3A_4 = arith.addi %scan3A, %scan3A_3 : i32
    %scan3A_5 = arith.constant 1 : i32
    scf.for %scan3A_125 = %scan3A to %scan3A_4 step %scan3A_5  : i32 {
      %mul3A_126 = arith.constant 1 : i32
      %mul3A_127 = arith.muli %scan3A_125, %mul3A_126 : i32
      %add3A_128 = arith.constant 0 : i32
      %add3A_129 = arith.addi %add3A_128, %mul3A_127 : i32
      %lt3A = arith.constant 1084 : i32
      %lt3A_130 = arith.cmpi slt, %add3A_129, %lt3A : i32
      %convert_element_type3A = arith.extui %lt3A_130 : i1 to i32
      %cond3A = arith.constant 0 : i32
      %cond3A_131 = arith.cmpi ne, %convert_element_type3A, %cond3A : i32
      scf.if %cond3A_131 {
        %ge3A_143 = arith.constant 8 : i32
        %ge3A_144 = arith.cmpi sge, %add3A_129, %ge3A_143 : i32
        %convert_element_type3A_145 = arith.extui %ge3A_144 : i1 to i32
        %cond3A_146 = arith.constant 0 : i32
        %cond3A_147 = arith.cmpi ne, %convert_element_type3A_145, %cond3A_146 : i32
        scf.if %cond3A_147 {
          %sub3A = arith.constant 8 : i32
          %sub3A_162 = arith.subi %add3A_129, %sub3A : i32
          %rem3A_163 = arith.constant 8 : i32
          %rem3A_164 = arith.remsi %sub3A_162, %rem3A_163 : i32
          %mul3A_165 = arith.constant 128 : i32
          %mul3A_166 = arith.muli %sub3A_162, %mul3A_165 : i32
          %add3A_167 = arith.addi %mul3A_2, %mul3A_166 : i32
          %dma_wait3A_168 = arith.constant 0 : i32
          %dma_wait3A_169 = tpu.memref_slice %arg8[%rem3A_164, %dma_wait3A_168] : memref<8x128xi32, #tpu.memory_space<vmem>> -> memref<1x128xi32, #tpu.memory_space<vmem>>
          %dma_wait3A_170 = tpu.memref_squeeze %dma_wait3A_169 : memref<1x128xi32, #tpu.memory_space<vmem>> -> memref<128xi32, #tpu.memory_space<vmem>>
          %dma_wait3A_171 = tpu.memref_slice %arg4[%add3A_167] : memref<4440064xi32, #tpu.memory_space<hbm>> -> memref<128xi32, #tpu.memory_space<hbm>>
          %dma_wait3A_172 = tpu.memref_slice %arg11[%rem3A_164] : memref<8x!tpu.dma_semaphore, #tpu.memory_space<semaphore_mem>> -> memref<1x!tpu.dma_semaphore, #tpu.memory_space<semaphore_mem>>
          %dma_wait3A_173 = tpu.memref_squeeze %dma_wait3A_172 : memref<1x!tpu.dma_semaphore, #tpu.memory_space<semaphore_mem>> -> memref<!tpu.dma_semaphore, #tpu.memory_space<semaphore_mem>>
          %dma_wait3A_174 = tpu.memref_slice %arg4[%add3A_167] : memref<4440064xi32, #tpu.memory_space<hbm>> -> memref<128xi32, #tpu.memory_space<hbm>>
          %dma_wait3A_175 = arith.constant 0 : i32
          %dma_wait3A_176 = tpu.memref_slice %arg8[%rem3A_164, %dma_wait3A_175] : memref<8x128xi32, #tpu.memory_space<vmem>> -> memref<1x128xi32, #tpu.memory_space<vmem>>
          %dma_wait3A_177 = tpu.memref_squeeze %dma_wait3A_176 : memref<1x128xi32, #tpu.memory_space<vmem>> -> memref<128xi32, #tpu.memory_space<vmem>>
          tpu.wait_dma2 semaphore(%dma_wait3A_173 : memref<!tpu.dma_semaphore, #tpu.memory_space<semaphore_mem>>) src(%dma_wait3A_177 : memref<128xi32, #tpu.memory_space<vmem>>) dst(%dma_wait3A_174 : memref<128xi32, #tpu.memory_space<hbm>>)
        } else {
        }
        %rem3A_148 = arith.constant 8 : i32
        %rem3A_149 = arith.remsi %add3A_129, %rem3A_148 : i32
        %mul3A_150 = arith.constant 128 : i32
        %mul3A_151 = arith.muli %add3A_129, %mul3A_150 : i32
        %add3A_152 = arith.addi %mul3A_2, %mul3A_151 : i32
        %dma_start3A = arith.constant 0 : i32
        %dma_start3A_153 = tpu.memref_slice %arg5[%rem3A_149, %dma_start3A] : memref<8x128xi32, #tpu.memory_space<vmem>> -> memref<1x128xi32, #tpu.memory_space<vmem>>
        %dma_start3A_154 = tpu.memref_squeeze %dma_start3A_153 : memref<1x128xi32, #tpu.memory_space<vmem>> -> memref<128xi32, #tpu.memory_space<vmem>>
        %dma_start3A_155 = tpu.memref_slice %arg3[%add3A_152] : memref<4440064xi32, #tpu.memory_space<hbm>> -> memref<128xi32, #tpu.memory_space<hbm>>
        %dma_start3A_156 = tpu.memref_slice %arg9[%rem3A_149] : memref<8x!tpu.dma_semaphore, #tpu.memory_space<semaphore_mem>> -> memref<1x!tpu.dma_semaphore, #tpu.memory_space<semaphore_mem>>
        %dma_start3A_157 = tpu.memref_squeeze %dma_start3A_156 : memref<1x!tpu.dma_semaphore, #tpu.memory_space<semaphore_mem>> -> memref<!tpu.dma_semaphore, #tpu.memory_space<semaphore_mem>>
        %dma_start3A_158 = arith.constant 0 : i32
        %dma_start3A_159 = tpu.memref_slice %arg5[%rem3A_149, %dma_start3A_158] : memref<8x128xi32, #tpu.memory_space<vmem>> -> memref<1x128xi32, #tpu.memory_space<vmem>>
        %dma_start3A_160 = tpu.memref_squeeze %dma_start3A_159 : memref<1x128xi32, #tpu.memory_space<vmem>> -> memref<128xi32, #tpu.memory_space<vmem>>
        %dma_start3A_161 = tpu.memref_slice %arg3[%add3A_152] : memref<4440064xi32, #tpu.memory_space<hbm>> -> memref<128xi32, #tpu.memory_space<hbm>>
        tpu.enqueue_dma source(%dma_start3A_161 : memref<128xi32, #tpu.memory_space<hbm>>) target(%dma_start3A_160 : memref<128xi32, #tpu.memory_space<vmem>>) target_semaphore(%dma_start3A_157 : memref<!tpu.dma_semaphore, #tpu.memory_space<semaphore_mem>>)
      } else {
      }
      %ge3A = arith.constant 1 : i32
      %ge3A_132 = arith.cmpi sge, %add3A_129, %ge3A : i32
      %lt3A_133 = arith.constant 1085 : i32
      %lt3A_134 = arith.cmpi slt, %add3A_129, %lt3A_133 : i32
      %and3A = arith.andi %ge3A_132, %lt3A_134 : i1
      %convert_element_type3A_135 = arith.extui %and3A : i1 to i32
      %cond3A_136 = arith.constant 0 : i32
      %cond3A_137 = arith.cmpi ne, %convert_element_type3A_135, %cond3A_136 : i32
      scf.if %cond3A_137 {
        %sub3A = arith.constant 1 : i32
        %sub3A_143 = arith.subi %add3A_129, %sub3A : i32
        %rem3A_144 = arith.constant 8 : i32
        %rem3A_145 = arith.remsi %sub3A_143, %rem3A_144 : i32
        %mul3A_146 = arith.constant 128 : i32
        %mul3A_147 = arith.muli %sub3A_143, %mul3A_146 : i32
        %add3A_148 = arith.addi %mul3A_2, %mul3A_147 : i32
        %dma_wait3A_149 = arith.constant 0 : i32
        %dma_wait3A_150 = tpu.memref_slice %arg5[%rem3A_145, %dma_wait3A_149] : memref<8x128xi32, #tpu.memory_space<vmem>> -> memref<1x128xi32, #tpu.memory_space<vmem>>
        %dma_wait3A_151 = tpu.memref_squeeze %dma_wait3A_150 : memref<1x128xi32, #tpu.memory_space<vmem>> -> memref<128xi32, #tpu.memory_space<vmem>>
        %dma_wait3A_152 = tpu.memref_slice %arg3[%add3A_148] : memref<4440064xi32, #tpu.memory_space<hbm>> -> memref<128xi32, #tpu.memory_space<hbm>>
        %dma_wait3A_153 = tpu.memref_slice %arg9[%rem3A_145] : memref<8x!tpu.dma_semaphore, #tpu.memory_space<semaphore_mem>> -> memref<1x!tpu.dma_semaphore, #tpu.memory_space<semaphore_mem>>
        %dma_wait3A_154 = tpu.memref_squeeze %dma_wait3A_153 : memref<1x!tpu.dma_semaphore, #tpu.memory_space<semaphore_mem>> -> memref<!tpu.dma_semaphore, #tpu.memory_space<semaphore_mem>>
        %dma_wait3A_155 = arith.constant 0 : i32
        %dma_wait3A_156 = tpu.memref_slice %arg5[%rem3A_145, %dma_wait3A_155] : memref<8x128xi32, #tpu.memory_space<vmem>> -> memref<1x128xi32, #tpu.memory_space<vmem>>
        %dma_wait3A_157 = tpu.memref_squeeze %dma_wait3A_156 : memref<1x128xi32, #tpu.memory_space<vmem>> -> memref<128xi32, #tpu.memory_space<vmem>>
        %dma_wait3A_158 = tpu.memref_slice %arg3[%add3A_148] : memref<4440064xi32, #tpu.memory_space<hbm>> -> memref<128xi32, #tpu.memory_space<hbm>>
        tpu.wait_dma2 semaphore(%dma_wait3A_154 : memref<!tpu.dma_semaphore, #tpu.memory_space<semaphore_mem>>) src(%dma_wait3A_158 : memref<128xi32, #tpu.memory_space<hbm>>) dst(%dma_wait3A_157 : memref<128xi32, #tpu.memory_space<vmem>>)
        %sub3A_159 = arith.constant 1 : i32
        %sub3A_160 = arith.subi %add3A_129, %sub3A_159 : i32
        %rem3A_161 = arith.constant 8 : i32
        %rem3A_162 = arith.remsi %sub3A_160, %rem3A_161 : i32
        %get3A = arith.constant 0 : i32
        %get3A_163 = tpu.memref_slice %arg5[%rem3A_162, %get3A] : memref<8x128xi32, #tpu.memory_space<vmem>> -> memref<1x128xi32, #tpu.memory_space<vmem>>
        %get3A_164 = tpu.memref_squeeze %get3A_163 : memref<1x128xi32, #tpu.memory_space<vmem>> -> memref<128xi32, #tpu.memory_space<vmem>>
        %get3A_165 = arith.constant 0 : index
        %get3A_166 = tpu.vector_load %get3A_164[%get3A_165] {strides = array<i32>} : memref<128xi32, #tpu.memory_space<vmem>>, vector<16xi32>,
        %shift_right_logical3A = arith.constant 3 : i32
        %shift_right_logical3A_167 = vector.broadcast %shift_right_logical3A : i32 to vector<16xi32>
        %shift_right_logical3A_168 = arith.shrui %get3A_166, %shift_right_logical3A_167 : vector<16xi32>
        %swap3A = arith.constant 0 : i32
        %swap3A_169 = tpu.memref_slice %arg6[%rem3A_162, %swap3A] : memref<8x128xi32, #tpu.memory_space<vmem>> -> memref<1x128xi32, #tpu.memory_space<vmem>>
        %swap3A_170 = tpu.memref_squeeze %swap3A_169 : memref<1x128xi32, #tpu.memory_space<vmem>> -> memref<128xi32, #tpu.memory_space<vmem>>
        %swap3A_171 = arith.constant 0 : index
        %swap3A_172 = tpu.vector_load %swap3A_170[%swap3A_171] {strides = array<i32>} : memref<128xi32, #tpu.memory_space<vmem>>, vector<16xi32>,
        tpu.vector_store %swap3A_170[%swap3A_171], %shift_right_logical3A_168 {strides = array<i32>} : memref<128xi32, #tpu.memory_space<vmem>>, vector<16xi32>,
        %get3A_173 = arith.constant 0 : i32
        %get3A_174 = tpu.memref_slice %arg5[%rem3A_162, %get3A_173] : memref<8x128xi32, #tpu.memory_space<vmem>> -> memref<1x128xi32, #tpu.memory_space<vmem>>
        %get3A_175 = tpu.memref_squeeze %get3A_174 : memref<1x128xi32, #tpu.memory_space<vmem>> -> memref<128xi32, #tpu.memory_space<vmem>>
        %get3A_176 = arith.constant 16 : index
        %get3A_177 = tpu.vector_load %get3A_175[%get3A_176] {strides = array<i32>} : memref<128xi32, #tpu.memory_space<vmem>>, vector<16xi32>,
        %shift_right_logical3A_178 = arith.constant 3 : i32
        %shift_right_logical3A_179 = vector.broadcast %shift_right_logical3A_178 : i32 to vector<16xi32>
        %shift_right_logical3A_180 = arith.shrui %get3A_177, %shift_right_logical3A_179 : vector<16xi32>
        %swap3A_181 = arith.constant 0 : i32
        %swap3A_182 = tpu.memref_slice %arg6[%rem3A_162, %swap3A_181] : memref<8x128xi32, #tpu.memory_space<vmem>> -> memref<1x128xi32, #tpu.memory_space<vmem>>
        %swap3A_183 = tpu.memref_squeeze %swap3A_182 : memref<1x128xi32, #tpu.memory_space<vmem>> -> memref<128xi32, #tpu.memory_space<vmem>>
        %swap3A_184 = arith.constant 16 : index
        %swap3A_185 = tpu.vector_load %swap3A_183[%swap3A_184] {strides = array<i32>} : memref<128xi32, #tpu.memory_space<vmem>>, vector<16xi32>,
        tpu.vector_store %swap3A_183[%swap3A_184], %shift_right_logical3A_180 {strides = array<i32>} : memref<128xi32, #tpu.memory_space<vmem>>, vector<16xi32>,
        %get3A_186 = arith.constant 0 : i32
        %get3A_187 = tpu.memref_slice %arg5[%rem3A_162, %get3A_186] : memref<8x128xi32, #tpu.memory_space<vmem>> -> memref<1x128xi32, #tpu.memory_space<vmem>>
        %get3A_188 = tpu.memref_squeeze %get3A_187 : memref<1x128xi32, #tpu.memory_space<vmem>> -> memref<128xi32, #tpu.memory_space<vmem>>
        %get3A_189 = arith.constant 32 : index
        %get3A_190 = tpu.vector_load %get3A_188[%get3A_189] {strides = array<i32>} : memref<128xi32, #tpu.memory_space<vmem>>, vector<16xi32>,
        %shift_right_logical3A_191 = arith.constant 3 : i32
        %shift_right_logical3A_192 = vector.broadcast %shift_right_logical3A_191 : i32 to vector<16xi32>
        %shift_right_logical3A_193 = arith.shrui %get3A_190, %shift_right_logical3A_192 : vector<16xi32>
        %swap3A_194 = arith.constant 0 : i32
        %swap3A_195 = tpu.memref_slice %arg6[%rem3A_162, %swap3A_194] : memref<8x128xi32, #tpu.memory_space<vmem>> -> memref<1x128xi32, #tpu.memory_space<vmem>>
        %swap3A_196 = tpu.memref_squeeze %swap3A_195 : memref<1x128xi32, #tpu.memory_space<vmem>> -> memref<128xi32, #tpu.memory_space<vmem>>
        %swap3A_197 = arith.constant 32 : index
        %swap3A_198 = tpu.vector_load %swap3A_196[%swap3A_197] {strides = array<i32>} : memref<128xi32, #tpu.memory_space<vmem>>, vector<16xi32>,
        tpu.vector_store %swap3A_196[%swap3A_197], %shift_right_logical3A_193 {strides = array<i32>} : memref<128xi32, #tpu.memory_space<vmem>>, vector<16xi32>,
        %get3A_199 = arith.constant 0 : i32
        %get3A_200 = tpu.memref_slice %arg5[%rem3A_162, %get3A_199] : memref<8x128xi32, #tpu.memory_space<vmem>> -> memref<1x128xi32, #tpu.memory_space<vmem>>
        %get3A_201 = tpu.memref_squeeze %get3A_200 : memref<1x128xi32, #tpu.memory_space<vmem>> -> memref<128xi32, #tpu.memory_space<vmem>>
        %get3A_202 = arith.constant 48 : index
        %get3A_203 = tpu.vector_load %get3A_201[%get3A_202] {strides = array<i32>} : memref<128xi32, #tpu.memory_space<vmem>>, vector<16xi32>,
        %shift_right_logical3A_204 = arith.constant 3 : i32
        %shift_right_logical3A_205 = vector.broadcast %shift_right_logical3A_204 : i32 to vector<16xi32>
        %shift_right_logical3A_206 = arith.shrui %get3A_203, %shift_right_logical3A_205 : vector<16xi32>
        %swap3A_207 = arith.constant 0 : i32
        %swap3A_208 = tpu.memref_slice %arg6[%rem3A_162, %swap3A_207] : memref<8x128xi32, #tpu.memory_space<vmem>> -> memref<1x128xi32, #tpu.memory_space<vmem>>
        %swap3A_209 = tpu.memref_squeeze %swap3A_208 : memref<1x128xi32, #tpu.memory_space<vmem>> -> memref<128xi32, #tpu.memory_space<vmem>>
        %swap3A_210 = arith.constant 48 : index
        %swap3A_211 = tpu.vector_load %swap3A_209[%swap3A_210] {strides = array<i32>} : memref<128xi32, #tpu.memory_space<vmem>>, vector<16xi32>,
        tpu.vector_store %swap3A_209[%swap3A_210], %shift_right_logical3A_206 {strides = array<i32>} : memref<128xi32, #tpu.memory_space<vmem>>, vector<16xi32>,
        %get3A_212 = arith.constant 0 : i32
        %get3A_213 = tpu.memref_slice %arg5[%rem3A_162, %get3A_212] : memref<8x128xi32, #tpu.memory_space<vmem>> -> memref<1x128xi32, #tpu.memory_space<vmem>>
        %get3A_214 = tpu.memref_squeeze %get3A_213 : memref<1x128xi32, #tpu.memory_space<vmem>> -> memref<128xi32, #tpu.memory_space<vmem>>
        %get3A_215 = arith.constant 64 : index
        %get3A_216 = tpu.vector_load %get3A_214[%get3A_215] {strides = array<i32>} : memref<128xi32, #tpu.memory_space<vmem>>, vector<16xi32>,
        %shift_right_logical3A_217 = arith.constant 3 : i32
        %shift_right_logical3A_218 = vector.broadcast %shift_right_logical3A_217 : i32 to vector<16xi32>
        %shift_right_logical3A_219 = arith.shrui %get3A_216, %shift_right_logical3A_218 : vector<16xi32>
        %swap3A_220 = arith.constant 0 : i32
        %swap3A_221 = tpu.memref_slice %arg6[%rem3A_162, %swap3A_220] : memref<8x128xi32, #tpu.memory_space<vmem>> -> memref<1x128xi32, #tpu.memory_space<vmem>>
        %swap3A_222 = tpu.memref_squeeze %swap3A_221 : memref<1x128xi32, #tpu.memory_space<vmem>> -> memref<128xi32, #tpu.memory_space<vmem>>
        %swap3A_223 = arith.constant 64 : index
        %swap3A_224 = tpu.vector_load %swap3A_222[%swap3A_223] {strides = array<i32>} : memref<128xi32, #tpu.memory_space<vmem>>, vector<16xi32>,
        tpu.vector_store %swap3A_222[%swap3A_223], %shift_right_logical3A_219 {strides = array<i32>} : memref<128xi32, #tpu.memory_space<vmem>>, vector<16xi32>,
        %get3A_225 = arith.constant 0 : i32
        %get3A_226 = tpu.memref_slice %arg5[%rem3A_162, %get3A_225] : memref<8x128xi32, #tpu.memory_space<vmem>> -> memref<1x128xi32, #tpu.memory_space<vmem>>
        %get3A_227 = tpu.memref_squeeze %get3A_226 : memref<1x128xi32, #tpu.memory_space<vmem>> -> memref<128xi32, #tpu.memory_space<vmem>>
        %get3A_228 = arith.constant 80 : index
        %get3A_229 = tpu.vector_load %get3A_227[%get3A_228] {strides = array<i32>} : memref<128xi32, #tpu.memory_space<vmem>>, vector<16xi32>,
        %shift_right_logical3A_230 = arith.constant 3 : i32
        %shift_right_logical3A_231 = vector.broadcast %shift_right_logical3A_230 : i32 to vector<16xi32>
        %shift_right_logical3A_232 = arith.shrui %get3A_229, %shift_right_logical3A_231 : vector<16xi32>
        %swap3A_233 = arith.constant 0 : i32
        %swap3A_234 = tpu.memref_slice %arg6[%rem3A_162, %swap3A_233] : memref<8x128xi32, #tpu.memory_space<vmem>> -> memref<1x128xi32, #tpu.memory_space<vmem>>
        %swap3A_235 = tpu.memref_squeeze %swap3A_234 : memref<1x128xi32, #tpu.memory_space<vmem>> -> memref<128xi32, #tpu.memory_space<vmem>>
        %swap3A_236 = arith.constant 80 : index
        %swap3A_237 = tpu.vector_load %swap3A_235[%swap3A_236] {strides = array<i32>} : memref<128xi32, #tpu.memory_space<vmem>>, vector<16xi32>,
        tpu.vector_store %swap3A_235[%swap3A_236], %shift_right_logical3A_232 {strides = array<i32>} : memref<128xi32, #tpu.memory_space<vmem>>, vector<16xi32>,
        %get3A_238 = arith.constant 0 : i32
        %get3A_239 = tpu.memref_slice %arg5[%rem3A_162, %get3A_238] : memref<8x128xi32, #tpu.memory_space<vmem>> -> memref<1x128xi32, #tpu.memory_space<vmem>>
        %get3A_240 = tpu.memref_squeeze %get3A_239 : memref<1x128xi32, #tpu.memory_space<vmem>> -> memref<128xi32, #tpu.memory_space<vmem>>
        %get3A_241 = arith.constant 96 : index
        %get3A_242 = tpu.vector_load %get3A_240[%get3A_241] {strides = array<i32>} : memref<128xi32, #tpu.memory_space<vmem>>, vector<16xi32>,
        %shift_right_logical3A_243 = arith.constant 3 : i32
        %shift_right_logical3A_244 = vector.broadcast %shift_right_logical3A_243 : i32 to vector<16xi32>
        %shift_right_logical3A_245 = arith.shrui %get3A_242, %shift_right_logical3A_244 : vector<16xi32>
        %swap3A_246 = arith.constant 0 : i32
        %swap3A_247 = tpu.memref_slice %arg6[%rem3A_162, %swap3A_246] : memref<8x128xi32, #tpu.memory_space<vmem>> -> memref<1x128xi32, #tpu.memory_space<vmem>>
        %swap3A_248 = tpu.memref_squeeze %swap3A_247 : memref<1x128xi32, #tpu.memory_space<vmem>> -> memref<128xi32, #tpu.memory_space<vmem>>
        %swap3A_249 = arith.constant 96 : index
        %swap3A_250 = tpu.vector_load %swap3A_248[%swap3A_249] {strides = array<i32>} : memref<128xi32, #tpu.memory_space<vmem>>, vector<16xi32>,
        tpu.vector_store %swap3A_248[%swap3A_249], %shift_right_logical3A_245 {strides = array<i32>} : memref<128xi32, #tpu.memory_space<vmem>>, vector<16xi32>,
        %get3A_251 = arith.constant 0 : i32
        %get3A_252 = tpu.memref_slice %arg5[%rem3A_162, %get3A_251] : memref<8x128xi32, #tpu.memory_space<vmem>> -> memref<1x128xi32, #tpu.memory_space<vmem>>
        %get3A_253 = tpu.memref_squeeze %get3A_252 : memref<1x128xi32, #tpu.memory_space<vmem>> -> memref<128xi32, #tpu.memory_space<vmem>>
        %get3A_254 = arith.constant 112 : index
        %get3A_255 = tpu.vector_load %get3A_253[%get3A_254] {strides = array<i32>} : memref<128xi32, #tpu.memory_space<vmem>>, vector<16xi32>,
        %shift_right_logical3A_256 = arith.constant 3 : i32
        %shift_right_logical3A_257 = vector.broadcast %shift_right_logical3A_256 : i32 to vector<16xi32>
        %shift_right_logical3A_258 = arith.shrui %get3A_255, %shift_right_logical3A_257 : vector<16xi32>
        %swap3A_259 = arith.constant 0 : i32
        %swap3A_260 = tpu.memref_slice %arg6[%rem3A_162, %swap3A_259] : memref<8x128xi32, #tpu.memory_space<vmem>> -> memref<1x128xi32, #tpu.memory_space<vmem>>
        %swap3A_261 = tpu.memref_squeeze %swap3A_260 : memref<1x128xi32, #tpu.memory_space<vmem>> -> memref<128xi32, #tpu.memory_space<vmem>>
        %swap3A_262 = arith.constant 112 : index
        %swap3A_263 = tpu.vector_load %swap3A_261[%swap3A_262] {strides = array<i32>} : memref<128xi32, #tpu.memory_space<vmem>>, vector<16xi32>,
        tpu.vector_store %swap3A_261[%swap3A_262], %shift_right_logical3A_258 {strides = array<i32>} : memref<128xi32, #tpu.memory_space<vmem>>, vector<16xi32>,
        %sub3A_264 = arith.constant 1 : i32
        %sub3A_265 = arith.subi %add3A_129, %sub3A_264 : i32
        %rem3A_266 = arith.constant 8 : i32
        %rem3A_267 = arith.remsi %sub3A_265, %rem3A_266 : i32
        %dma_start3A = arith.constant 0 : i32
        %dma_start3A_268 = arith.constant 0 : i32
        %dma_start3A_269 = tpu.memref_slice %arg7[%rem3A_267, %dma_start3A, %dma_start3A_268] : memref<8x128x8xi32, #tpu.memory_space<vmem>> -> memref<1x128x8xi32, #tpu.memory_space<vmem>>
        %dma_start3A_270 = tpu.memref_squeeze %dma_start3A_269 : memref<1x128x8xi32, #tpu.memory_space<vmem>> -> memref<128x8xi32, #tpu.memory_space<vmem>>
        %dma_start3A_271 = arith.constant 0 : i32
        %dma_start3A_272 = tpu.memref_slice %arg6[%rem3A_267, %dma_start3A_271] : memref<8x128xi32, #tpu.memory_space<vmem>> -> memref<1x128xi32, #tpu.memory_space<vmem>>
        %dma_start3A_273 = tpu.memref_squeeze %dma_start3A_272 : memref<1x128xi32, #tpu.memory_space<vmem>> -> memref<128xi32, #tpu.memory_space<vmem>>
        %dma_start3A_274 = arith.constant 0 : i32
        %dma_start3A_275 = arith.constant 0 : i32
        %dma_start3A_276 = tpu.memref_slice %arg2[%dma_start3A_274, %dma_start3A_275] : memref<36868x8xi32, #tpu.memory_space<hbm>> -> memref<36868x8xi32, #tpu.memory_space<hbm>>
        %dma_start3A_277 = tpu.memref_slice %arg10[%rem3A_267] : memref<8x!tpu.dma_semaphore, #tpu.memory_space<semaphore_mem>> -> memref<1x!tpu.dma_semaphore, #tpu.memory_space<semaphore_mem>>
        %dma_start3A_278 = tpu.memref_squeeze %dma_start3A_277 : memref<1x!tpu.dma_semaphore, #tpu.memory_space<semaphore_mem>> -> memref<!tpu.dma_semaphore, #tpu.memory_space<semaphore_mem>>
        tpu.enqueue_indirect_dma source(%dma_start3A_276 : memref<36868x8xi32, #tpu.memory_space<hbm>>) target(%dma_start3A_270 : memref<128x8xi32, #tpu.memory_space<vmem>>) offsets(%dma_start3A_273 : memref<128xi32, #tpu.memory_space<vmem>>) semaphore(%dma_start3A_278 : memref<!tpu.dma_semaphore, #tpu.memory_space<semaphore_mem>>)
      } else {
      }
      %ge3A_138 = arith.constant 6 : i32
      %ge3A_139 = arith.cmpi sge, %add3A_129, %ge3A_138 : i32
      %convert_element_type3A_140 = arith.extui %ge3A_139 : i1 to i32
      %cond3A_141 = arith.constant 0 : i32
      %cond3A_142 = arith.cmpi ne, %convert_element_type3A_140, %cond3A_141 : i32
      scf.if %cond3A_142 {
        %sub3A = arith.constant 6 : i32
        %sub3A_143 = arith.subi %add3A_129, %sub3A : i32
        %rem3A_144 = arith.constant 8 : i32
        %rem3A_145 = arith.remsi %sub3A_143, %rem3A_144 : i32
        %dma_wait3A_146 = arith.constant 0 : i32
        %dma_wait3A_147 = arith.constant 0 : i32
        %dma_wait3A_148 = tpu.memref_slice %arg7[%rem3A_145, %dma_wait3A_146, %dma_wait3A_147] : memref<8x128x8xi32, #tpu.memory_space<vmem>> -> memref<1x128x8xi32, #tpu.memory_space<vmem>>
        %dma_wait3A_149 = tpu.memref_squeeze %dma_wait3A_148 : memref<1x128x8xi32, #tpu.memory_space<vmem>> -> memref<128x8xi32, #tpu.memory_space<vmem>>
        %dma_wait3A_150 = arith.constant 0 : i32
        %dma_wait3A_151 = tpu.memref_slice %arg6[%rem3A_145, %dma_wait3A_150] : memref<8x128xi32, #tpu.memory_space<vmem>> -> memref<1x128xi32, #tpu.memory_space<vmem>>
        %dma_wait3A_152 = tpu.memref_squeeze %dma_wait3A_151 : memref<1x128xi32, #tpu.memory_space<vmem>> -> memref<128xi32, #tpu.memory_space<vmem>>
        %dma_wait3A_153 = arith.constant 0 : i32
        %dma_wait3A_154 = arith.constant 0 : i32
        %dma_wait3A_155 = tpu.memref_slice %arg2[%dma_wait3A_153, %dma_wait3A_154] : memref<36868x8xi32, #tpu.memory_space<hbm>> -> memref<36868x8xi32, #tpu.memory_space<hbm>>
        %dma_wait3A_156 = tpu.memref_slice %arg10[%rem3A_145] : memref<8x!tpu.dma_semaphore, #tpu.memory_space<semaphore_mem>> -> memref<1x!tpu.dma_semaphore, #tpu.memory_space<semaphore_mem>>
        %dma_wait3A_157 = tpu.memref_squeeze %dma_wait3A_156 : memref<1x!tpu.dma_semaphore, #tpu.memory_space<semaphore_mem>> -> memref<!tpu.dma_semaphore, #tpu.memory_space<semaphore_mem>>
        tpu.wait_indirect_dma semaphore(%dma_wait3A_157 : memref<!tpu.dma_semaphore, #tpu.memory_space<semaphore_mem>>) src(%dma_wait3A_155 : memref<36868x8xi32, #tpu.memory_space<hbm>>) dst(%dma_wait3A_149 : memref<128x8xi32, #tpu.memory_space<vmem>>)
        %sub3A_158 = arith.constant 6 : i32
        %sub3A_159 = arith.subi %add3A_129, %sub3A_158 : i32
        %rem3A_160 = arith.constant 8 : i32
        %rem3A_161 = arith.remsi %sub3A_159, %rem3A_160 : i32
        %get3A = arith.constant 0 : i32
        %get3A_162 = tpu.memref_slice %arg5[%rem3A_161, %get3A] : memref<8x128xi32, #tpu.memory_space<vmem>> -> memref<1x128xi32, #tpu.memory_space<vmem>>
        %get3A_163 = tpu.memref_squeeze %get3A_162 : memref<1x128xi32, #tpu.memory_space<vmem>> -> memref<128xi32, #tpu.memory_space<vmem>>
        %get3A_164 = arith.constant 0 : index
        %get3A_165 = tpu.vector_load %get3A_163[%get3A_164] {strides = array<i32>} : memref<128xi32, #tpu.memory_space<vmem>>, vector<16xi32>,
        %and3A_166 = arith.constant 7 : i32
        %and3A_167 = vector.broadcast %and3A_166 : i32 to vector<16xi32>
        %and3A_168 = arith.andi %get3A_165, %and3A_167 : vector<16xi32>
        %add3A_169 = arith.constant 0 : i32
        %add3A_170 = vector.broadcast %add3A_169 : i32 to vector<16xi32>
        %add3A_171 = arith.addi %iota3A, %add3A_170 : vector<16xi32>
        %gather3A = arith.constant 0 : i32
        %gather3A_172 = arith.constant 0 : i32
        %gather3A_173 = tpu.memref_slice %arg7[%rem3A_161, %gather3A, %gather3A_172] : memref<8x128x8xi32, #tpu.memory_space<vmem>> -> memref<1x128x8xi32, #tpu.memory_space<vmem>>
        %gather3A_174 = tpu.memref_squeeze %gather3A_173 : memref<1x128x8xi32, #tpu.memory_space<vmem>> -> memref<128x8xi32, #tpu.memory_space<vmem>>
        %gather3A_175 = tpu.vector_load_idx %gather3A_174[%add3A_171, %and3A_168] : memref<128x8xi32, #tpu.memory_space<vmem>>[vector<16xi32>, vector<16xi32>], vector<16xi32>,
        %swap3A = arith.constant 0 : i32
        %swap3A_176 = tpu.memref_slice %arg8[%rem3A_161, %swap3A] : memref<8x128xi32, #tpu.memory_space<vmem>> -> memref<1x128xi32, #tpu.memory_space<vmem>>
        %swap3A_177 = tpu.memref_squeeze %swap3A_176 : memref<1x128xi32, #tpu.memory_space<vmem>> -> memref<128xi32, #tpu.memory_space<vmem>>
        %swap3A_178 = arith.constant 0 : index
        %swap3A_179 = tpu.vector_load %swap3A_177[%swap3A_178] {strides = array<i32>} : memref<128xi32, #tpu.memory_space<vmem>>, vector<16xi32>,
        tpu.vector_store %swap3A_177[%swap3A_178], %gather3A_175 {strides = array<i32>} : memref<128xi32, #tpu.memory_space<vmem>>, vector<16xi32>,
        %get3A_180 = arith.constant 0 : i32
        %get3A_181 = tpu.memref_slice %arg5[%rem3A_161, %get3A_180] : memref<8x128xi32, #tpu.memory_space<vmem>> -> memref<1x128xi32, #tpu.memory_space<vmem>>
        %get3A_182 = tpu.memref_squeeze %get3A_181 : memref<1x128xi32, #tpu.memory_space<vmem>> -> memref<128xi32, #tpu.memory_space<vmem>>
        %get3A_183 = arith.constant 16 : index
        %get3A_184 = tpu.vector_load %get3A_182[%get3A_183] {strides = array<i32>} : memref<128xi32, #tpu.memory_space<vmem>>, vector<16xi32>,
        %and3A_185 = arith.constant 7 : i32
        %and3A_186 = vector.broadcast %and3A_185 : i32 to vector<16xi32>
        %and3A_187 = arith.andi %get3A_184, %and3A_186 : vector<16xi32>
        %add3A_188 = arith.constant 16 : i32
        %add3A_189 = vector.broadcast %add3A_188 : i32 to vector<16xi32>
        %add3A_190 = arith.addi %iota3A, %add3A_189 : vector<16xi32>
        %gather3A_191 = arith.constant 0 : i32
        %gather3A_192 = arith.constant 0 : i32
        %gather3A_193 = tpu.memref_slice %arg7[%rem3A_161, %gather3A_191, %gather3A_192] : memref<8x128x8xi32, #tpu.memory_space<vmem>> -> memref<1x128x8xi32, #tpu.memory_space<vmem>>
        %gather3A_194 = tpu.memref_squeeze %gather3A_193 : memref<1x128x8xi32, #tpu.memory_space<vmem>> -> memref<128x8xi32, #tpu.memory_space<vmem>>
        %gather3A_195 = tpu.vector_load_idx %gather3A_194[%add3A_190, %and3A_187] : memref<128x8xi32, #tpu.memory_space<vmem>>[vector<16xi32>, vector<16xi32>], vector<16xi32>,
        %swap3A_196 = arith.constant 0 : i32
        %swap3A_197 = tpu.memref_slice %arg8[%rem3A_161, %swap3A_196] : memref<8x128xi32, #tpu.memory_space<vmem>> -> memref<1x128xi32, #tpu.memory_space<vmem>>
        %swap3A_198 = tpu.memref_squeeze %swap3A_197 : memref<1x128xi32, #tpu.memory_space<vmem>> -> memref<128xi32, #tpu.memory_space<vmem>>
        %swap3A_199 = arith.constant 16 : index
        %swap3A_200 = tpu.vector_load %swap3A_198[%swap3A_199] {strides = array<i32>} : memref<128xi32, #tpu.memory_space<vmem>>, vector<16xi32>,
        tpu.vector_store %swap3A_198[%swap3A_199], %gather3A_195 {strides = array<i32>} : memref<128xi32, #tpu.memory_space<vmem>>, vector<16xi32>,
        %get3A_201 = arith.constant 0 : i32
        %get3A_202 = tpu.memref_slice %arg5[%rem3A_161, %get3A_201] : memref<8x128xi32, #tpu.memory_space<vmem>> -> memref<1x128xi32, #tpu.memory_space<vmem>>
        %get3A_203 = tpu.memref_squeeze %get3A_202 : memref<1x128xi32, #tpu.memory_space<vmem>> -> memref<128xi32, #tpu.memory_space<vmem>>
        %get3A_204 = arith.constant 32 : index
        %get3A_205 = tpu.vector_load %get3A_203[%get3A_204] {strides = array<i32>} : memref<128xi32, #tpu.memory_space<vmem>>, vector<16xi32>,
        %and3A_206 = arith.constant 7 : i32
        %and3A_207 = vector.broadcast %and3A_206 : i32 to vector<16xi32>
        %and3A_208 = arith.andi %get3A_205, %and3A_207 : vector<16xi32>
        %add3A_209 = arith.constant 32 : i32
        %add3A_210 = vector.broadcast %add3A_209 : i32 to vector<16xi32>
        %add3A_211 = arith.addi %iota3A, %add3A_210 : vector<16xi32>
        %gather3A_212 = arith.constant 0 : i32
        %gather3A_213 = arith.constant 0 : i32
        %gather3A_214 = tpu.memref_slice %arg7[%rem3A_161, %gather3A_212, %gather3A_213] : memref<8x128x8xi32, #tpu.memory_space<vmem>> -> memref<1x128x8xi32, #tpu.memory_space<vmem>>
        %gather3A_215 = tpu.memref_squeeze %gather3A_214 : memref<1x128x8xi32, #tpu.memory_space<vmem>> -> memref<128x8xi32, #tpu.memory_space<vmem>>
        %gather3A_216 = tpu.vector_load_idx %gather3A_215[%add3A_211, %and3A_208] : memref<128x8xi32, #tpu.memory_space<vmem>>[vector<16xi32>, vector<16xi32>], vector<16xi32>,
        %swap3A_217 = arith.constant 0 : i32
        %swap3A_218 = tpu.memref_slice %arg8[%rem3A_161, %swap3A_217] : memref<8x128xi32, #tpu.memory_space<vmem>> -> memref<1x128xi32, #tpu.memory_space<vmem>>
        %swap3A_219 = tpu.memref_squeeze %swap3A_218 : memref<1x128xi32, #tpu.memory_space<vmem>> -> memref<128xi32, #tpu.memory_space<vmem>>
        %swap3A_220 = arith.constant 32 : index
        %swap3A_221 = tpu.vector_load %swap3A_219[%swap3A_220] {strides = array<i32>} : memref<128xi32, #tpu.memory_space<vmem>>, vector<16xi32>,
        tpu.vector_store %swap3A_219[%swap3A_220], %gather3A_216 {strides = array<i32>} : memref<128xi32, #tpu.memory_space<vmem>>, vector<16xi32>,
        %get3A_222 = arith.constant 0 : i32
        %get3A_223 = tpu.memref_slice %arg5[%rem3A_161, %get3A_222] : memref<8x128xi32, #tpu.memory_space<vmem>> -> memref<1x128xi32, #tpu.memory_space<vmem>>
        %get3A_224 = tpu.memref_squeeze %get3A_223 : memref<1x128xi32, #tpu.memory_space<vmem>> -> memref<128xi32, #tpu.memory_space<vmem>>
        %get3A_225 = arith.constant 48 : index
        %get3A_226 = tpu.vector_load %get3A_224[%get3A_225] {strides = array<i32>} : memref<128xi32, #tpu.memory_space<vmem>>, vector<16xi32>,
        %and3A_227 = arith.constant 7 : i32
        %and3A_228 = vector.broadcast %and3A_227 : i32 to vector<16xi32>
        %and3A_229 = arith.andi %get3A_226, %and3A_228 : vector<16xi32>
        %add3A_230 = arith.constant 48 : i32
        %add3A_231 = vector.broadcast %add3A_230 : i32 to vector<16xi32>
        %add3A_232 = arith.addi %iota3A, %add3A_231 : vector<16xi32>
        %gather3A_233 = arith.constant 0 : i32
        %gather3A_234 = arith.constant 0 : i32
        %gather3A_235 = tpu.memref_slice %arg7[%rem3A_161, %gather3A_233, %gather3A_234] : memref<8x128x8xi32, #tpu.memory_space<vmem>> -> memref<1x128x8xi32, #tpu.memory_space<vmem>>
        %gather3A_236 = tpu.memref_squeeze %gather3A_235 : memref<1x128x8xi32, #tpu.memory_space<vmem>> -> memref<128x8xi32, #tpu.memory_space<vmem>>
        %gather3A_237 = tpu.vector_load_idx %gather3A_236[%add3A_232, %and3A_229] : memref<128x8xi32, #tpu.memory_space<vmem>>[vector<16xi32>, vector<16xi32>], vector<16xi32>,
        %swap3A_238 = arith.constant 0 : i32
        %swap3A_239 = tpu.memref_slice %arg8[%rem3A_161, %swap3A_238] : memref<8x128xi32, #tpu.memory_space<vmem>> -> memref<1x128xi32, #tpu.memory_space<vmem>>
        %swap3A_240 = tpu.memref_squeeze %swap3A_239 : memref<1x128xi32, #tpu.memory_space<vmem>> -> memref<128xi32, #tpu.memory_space<vmem>>
        %swap3A_241 = arith.constant 48 : index
        %swap3A_242 = tpu.vector_load %swap3A_240[%swap3A_241] {strides = array<i32>} : memref<128xi32, #tpu.memory_space<vmem>>, vector<16xi32>,
        tpu.vector_store %swap3A_240[%swap3A_241], %gather3A_237 {strides = array<i32>} : memref<128xi32, #tpu.memory_space<vmem>>, vector<16xi32>,
        %get3A_243 = arith.constant 0 : i32
        %get3A_244 = tpu.memref_slice %arg5[%rem3A_161, %get3A_243] : memref<8x128xi32, #tpu.memory_space<vmem>> -> memref<1x128xi32, #tpu.memory_space<vmem>>
        %get3A_245 = tpu.memref_squeeze %get3A_244 : memref<1x128xi32, #tpu.memory_space<vmem>> -> memref<128xi32, #tpu.memory_space<vmem>>
        %get3A_246 = arith.constant 64 : index
        %get3A_247 = tpu.vector_load %get3A_245[%get3A_246] {strides = array<i32>} : memref<128xi32, #tpu.memory_space<vmem>>, vector<16xi32>,
        %and3A_248 = arith.constant 7 : i32
        %and3A_249 = vector.broadcast %and3A_248 : i32 to vector<16xi32>
        %and3A_250 = arith.andi %get3A_247, %and3A_249 : vector<16xi32>
        %add3A_251 = arith.constant 64 : i32
        %add3A_252 = vector.broadcast %add3A_251 : i32 to vector<16xi32>
        %add3A_253 = arith.addi %iota3A, %add3A_252 : vector<16xi32>
        %gather3A_254 = arith.constant 0 : i32
        %gather3A_255 = arith.constant 0 : i32
        %gather3A_256 = tpu.memref_slice %arg7[%rem3A_161, %gather3A_254, %gather3A_255] : memref<8x128x8xi32, #tpu.memory_space<vmem>> -> memref<1x128x8xi32, #tpu.memory_space<vmem>>
        %gather3A_257 = tpu.memref_squeeze %gather3A_256 : memref<1x128x8xi32, #tpu.memory_space<vmem>> -> memref<128x8xi32, #tpu.memory_space<vmem>>
        %gather3A_258 = tpu.vector_load_idx %gather3A_257[%add3A_253, %and3A_250] : memref<128x8xi32, #tpu.memory_space<vmem>>[vector<16xi32>, vector<16xi32>], vector<16xi32>,
        %swap3A_259 = arith.constant 0 : i32
        %swap3A_260 = tpu.memref_slice %arg8[%rem3A_161, %swap3A_259] : memref<8x128xi32, #tpu.memory_space<vmem>> -> memref<1x128xi32, #tpu.memory_space<vmem>>
        %swap3A_261 = tpu.memref_squeeze %swap3A_260 : memref<1x128xi32, #tpu.memory_space<vmem>> -> memref<128xi32, #tpu.memory_space<vmem>>
        %swap3A_262 = arith.constant 64 : index
        %swap3A_263 = tpu.vector_load %swap3A_261[%swap3A_262] {strides = array<i32>} : memref<128xi32, #tpu.memory_space<vmem>>, vector<16xi32>,
        tpu.vector_store %swap3A_261[%swap3A_262], %gather3A_258 {strides = array<i32>} : memref<128xi32, #tpu.memory_space<vmem>>, vector<16xi32>,
        %get3A_264 = arith.constant 0 : i32
        %get3A_265 = tpu.memref_slice %arg5[%rem3A_161, %get3A_264] : memref<8x128xi32, #tpu.memory_space<vmem>> -> memref<1x128xi32, #tpu.memory_space<vmem>>
        %get3A_266 = tpu.memref_squeeze %get3A_265 : memref<1x128xi32, #tpu.memory_space<vmem>> -> memref<128xi32, #tpu.memory_space<vmem>>
        %get3A_267 = arith.constant 80 : index
        %get3A_268 = tpu.vector_load %get3A_266[%get3A_267] {strides = array<i32>} : memref<128xi32, #tpu.memory_space<vmem>>, vector<16xi32>,
        %and3A_269 = arith.constant 7 : i32
        %and3A_270 = vector.broadcast %and3A_269 : i32 to vector<16xi32>
        %and3A_271 = arith.andi %get3A_268, %and3A_270 : vector<16xi32>
        %add3A_272 = arith.constant 80 : i32
        %add3A_273 = vector.broadcast %add3A_272 : i32 to vector<16xi32>
        %add3A_274 = arith.addi %iota3A, %add3A_273 : vector<16xi32>
        %gather3A_275 = arith.constant 0 : i32
        %gather3A_276 = arith.constant 0 : i32
        %gather3A_277 = tpu.memref_slice %arg7[%rem3A_161, %gather3A_275, %gather3A_276] : memref<8x128x8xi32, #tpu.memory_space<vmem>> -> memref<1x128x8xi32, #tpu.memory_space<vmem>>
        %gather3A_278 = tpu.memref_squeeze %gather3A_277 : memref<1x128x8xi32, #tpu.memory_space<vmem>> -> memref<128x8xi32, #tpu.memory_space<vmem>>
        %gather3A_279 = tpu.vector_load_idx %gather3A_278[%add3A_274, %and3A_271] : memref<128x8xi32, #tpu.memory_space<vmem>>[vector<16xi32>, vector<16xi32>], vector<16xi32>,
        %swap3A_280 = arith.constant 0 : i32
        %swap3A_281 = tpu.memref_slice %arg8[%rem3A_161, %swap3A_280] : memref<8x128xi32, #tpu.memory_space<vmem>> -> memref<1x128xi32, #tpu.memory_space<vmem>>
        %swap3A_282 = tpu.memref_squeeze %swap3A_281 : memref<1x128xi32, #tpu.memory_space<vmem>> -> memref<128xi32, #tpu.memory_space<vmem>>
        %swap3A_283 = arith.constant 80 : index
        %swap3A_284 = tpu.vector_load %swap3A_282[%swap3A_283] {strides = array<i32>} : memref<128xi32, #tpu.memory_space<vmem>>, vector<16xi32>,
        tpu.vector_store %swap3A_282[%swap3A_283], %gather3A_279 {strides = array<i32>} : memref<128xi32, #tpu.memory_space<vmem>>, vector<16xi32>,
        %get3A_285 = arith.constant 0 : i32
        %get3A_286 = tpu.memref_slice %arg5[%rem3A_161, %get3A_285] : memref<8x128xi32, #tpu.memory_space<vmem>> -> memref<1x128xi32, #tpu.memory_space<vmem>>
        %get3A_287 = tpu.memref_squeeze %get3A_286 : memref<1x128xi32, #tpu.memory_space<vmem>> -> memref<128xi32, #tpu.memory_space<vmem>>
        %get3A_288 = arith.constant 96 : index
        %get3A_289 = tpu.vector_load %get3A_287[%get3A_288] {strides = array<i32>} : memref<128xi32, #tpu.memory_space<vmem>>, vector<16xi32>,
        %and3A_290 = arith.constant 7 : i32
        %and3A_291 = vector.broadcast %and3A_290 : i32 to vector<16xi32>
        %and3A_292 = arith.andi %get3A_289, %and3A_291 : vector<16xi32>
        %add3A_293 = arith.constant 96 : i32
        %add3A_294 = vector.broadcast %add3A_293 : i32 to vector<16xi32>
        %add3A_295 = arith.addi %iota3A, %add3A_294 : vector<16xi32>
        %gather3A_296 = arith.constant 0 : i32
        %gather3A_297 = arith.constant 0 : i32
        %gather3A_298 = tpu.memref_slice %arg7[%rem3A_161, %gather3A_296, %gather3A_297] : memref<8x128x8xi32, #tpu.memory_space<vmem>> -> memref<1x128x8xi32, #tpu.memory_space<vmem>>
        %gather3A_299 = tpu.memref_squeeze %gather3A_298 : memref<1x128x8xi32, #tpu.memory_space<vmem>> -> memref<128x8xi32, #tpu.memory_space<vmem>>
        %gather3A_300 = tpu.vector_load_idx %gather3A_299[%add3A_295, %and3A_292] : memref<128x8xi32, #tpu.memory_space<vmem>>[vector<16xi32>, vector<16xi32>], vector<16xi32>,
        %swap3A_301 = arith.constant 0 : i32
        %swap3A_302 = tpu.memref_slice %arg8[%rem3A_161, %swap3A_301] : memref<8x128xi32, #tpu.memory_space<vmem>> -> memref<1x128xi32, #tpu.memory_space<vmem>>
        %swap3A_303 = tpu.memref_squeeze %swap3A_302 : memref<1x128xi32, #tpu.memory_space<vmem>> -> memref<128xi32, #tpu.memory_space<vmem>>
        %swap3A_304 = arith.constant 96 : index
        %swap3A_305 = tpu.vector_load %swap3A_303[%swap3A_304] {strides = array<i32>} : memref<128xi32, #tpu.memory_space<vmem>>, vector<16xi32>,
        tpu.vector_store %swap3A_303[%swap3A_304], %gather3A_300 {strides = array<i32>} : memref<128xi32, #tpu.memory_space<vmem>>, vector<16xi32>,
        %get3A_306 = arith.constant 0 : i32
        %get3A_307 = tpu.memref_slice %arg5[%rem3A_161, %get3A_306] : memref<8x128xi32, #tpu.memory_space<vmem>> -> memref<1x128xi32, #tpu.memory_space<vmem>>
        %get3A_308 = tpu.memref_squeeze %get3A_307 : memref<1x128xi32, #tpu.memory_space<vmem>> -> memref<128xi32, #tpu.memory_space<vmem>>
        %get3A_309 = arith.constant 112 : index
        %get3A_310 = tpu.vector_load %get3A_308[%get3A_309] {strides = array<i32>} : memref<128xi32, #tpu.memory_space<vmem>>, vector<16xi32>,
        %and3A_311 = arith.constant 7 : i32
        %and3A_312 = vector.broadcast %and3A_311 : i32 to vector<16xi32>
        %and3A_313 = arith.andi %get3A_310, %and3A_312 : vector<16xi32>
        %add3A_314 = arith.constant 112 : i32
        %add3A_315 = vector.broadcast %add3A_314 : i32 to vector<16xi32>
        %add3A_316 = arith.addi %iota3A, %add3A_315 : vector<16xi32>
        %gather3A_317 = arith.constant 0 : i32
        %gather3A_318 = arith.constant 0 : i32
        %gather3A_319 = tpu.memref_slice %arg7[%rem3A_161, %gather3A_317, %gather3A_318] : memref<8x128x8xi32, #tpu.memory_space<vmem>> -> memref<1x128x8xi32, #tpu.memory_space<vmem>>
        %gather3A_320 = tpu.memref_squeeze %gather3A_319 : memref<1x128x8xi32, #tpu.memory_space<vmem>> -> memref<128x8xi32, #tpu.memory_space<vmem>>
        %gather3A_321 = tpu.vector_load_idx %gather3A_320[%add3A_316, %and3A_313] : memref<128x8xi32, #tpu.memory_space<vmem>>[vector<16xi32>, vector<16xi32>], vector<16xi32>,
        %swap3A_322 = arith.constant 0 : i32
        %swap3A_323 = tpu.memref_slice %arg8[%rem3A_161, %swap3A_322] : memref<8x128xi32, #tpu.memory_space<vmem>> -> memref<1x128xi32, #tpu.memory_space<vmem>>
        %swap3A_324 = tpu.memref_squeeze %swap3A_323 : memref<1x128xi32, #tpu.memory_space<vmem>> -> memref<128xi32, #tpu.memory_space<vmem>>
        %swap3A_325 = arith.constant 112 : index
        %swap3A_326 = tpu.vector_load %swap3A_324[%swap3A_325] {strides = array<i32>} : memref<128xi32, #tpu.memory_space<vmem>>, vector<16xi32>,
        tpu.vector_store %swap3A_324[%swap3A_325], %gather3A_321 {strides = array<i32>} : memref<128xi32, #tpu.memory_space<vmem>>, vector<16xi32>,
        %sub3A_327 = arith.constant 6 : i32
        %sub3A_328 = arith.subi %add3A_129, %sub3A_327 : i32
        %rem3A_329 = arith.constant 8 : i32
        %rem3A_330 = arith.remsi %sub3A_328, %rem3A_329 : i32
        %mul3A_331 = arith.constant 128 : i32
        %mul3A_332 = arith.muli %sub3A_328, %mul3A_331 : i32
        %add3A_333 = arith.addi %mul3A_2, %mul3A_332 : i32
        %dma_start3A = arith.constant 0 : i32
        %dma_start3A_334 = tpu.memref_slice %arg8[%rem3A_330, %dma_start3A] : memref<8x128xi32, #tpu.memory_space<vmem>> -> memref<1x128xi32, #tpu.memory_space<vmem>>
        %dma_start3A_335 = tpu.memref_squeeze %dma_start3A_334 : memref<1x128xi32, #tpu.memory_space<vmem>> -> memref<128xi32, #tpu.memory_space<vmem>>
        %dma_start3A_336 = tpu.memref_slice %arg4[%add3A_333] : memref<4440064xi32, #tpu.memory_space<hbm>> -> memref<128xi32, #tpu.memory_space<hbm>>
        %dma_start3A_337 = tpu.memref_slice %arg11[%rem3A_330] : memref<8x!tpu.dma_semaphore, #tpu.memory_space<semaphore_mem>> -> memref<1x!tpu.dma_semaphore, #tpu.memory_space<semaphore_mem>>
        %dma_start3A_338 = tpu.memref_squeeze %dma_start3A_337 : memref<1x!tpu.dma_semaphore, #tpu.memory_space<semaphore_mem>> -> memref<!tpu.dma_semaphore, #tpu.memory_space<semaphore_mem>>
        %dma_start3A_339 = tpu.memref_slice %arg4[%add3A_333] : memref<4440064xi32, #tpu.memory_space<hbm>> -> memref<128xi32, #tpu.memory_space<hbm>>
        %dma_start3A_340 = arith.constant 0 : i32
        %dma_start3A_341 = tpu.memref_slice %arg8[%rem3A_330, %dma_start3A_340] : memref<8x128xi32, #tpu.memory_space<vmem>> -> memref<1x128xi32, #tpu.memory_space<vmem>>
        %dma_start3A_342 = tpu.memref_squeeze %dma_start3A_341 : memref<1x128xi32, #tpu.memory_space<vmem>> -> memref<128xi32, #tpu.memory_space<vmem>>
        tpu.enqueue_dma source(%dma_start3A_342 : memref<128xi32, #tpu.memory_space<vmem>>) target(%dma_start3A_339 : memref<128xi32, #tpu.memory_space<hbm>>) target_semaphore(%dma_start3A_338 : memref<!tpu.dma_semaphore, #tpu.memory_space<semaphore_mem>>)
      } else {
      }
    }
    %scan3A_6 = arith.constant 1090 : i32
    %rem3A = arith.constant 1076 : i32
    %rem3A_7 = arith.constant 8 : i32
    %rem3A_8 = arith.remsi %rem3A, %rem3A_7 : i32
    %add3A_9 = arith.constant 137728 : i32
    %add3A_10 = arith.addi %mul3A_2, %add3A_9 : i32
    %dma_wait3A = arith.constant 0 : i32
    %dma_wait3A_11 = tpu.memref_slice %arg8[%rem3A_8, %dma_wait3A] : memref<8x128xi32, #tpu.memory_space<vmem>> -> memref<1x128xi32, #tpu.memory_space<vmem>>
    %dma_wait3A_12 = tpu.memref_squeeze %dma_wait3A_11 : memref<1x128xi32, #tpu.memory_space<vmem>> -> memref<128xi32, #tpu.memory_space<vmem>>
    %dma_wait3A_13 = tpu.memref_slice %arg4[%add3A_10] : memref<4440064xi32, #tpu.memory_space<hbm>> -> memref<128xi32, #tpu.memory_space<hbm>>
    %dma_wait3A_14 = tpu.memref_slice %arg11[%rem3A_8] : memref<8x!tpu.dma_semaphore, #tpu.memory_space<semaphore_mem>> -> memref<1x!tpu.dma_semaphore, #tpu.memory_space<semaphore_mem>>
    %dma_wait3A_15 = tpu.memref_squeeze %dma_wait3A_14 : memref<1x!tpu.dma_semaphore, #tpu.memory_space<semaphore_mem>> -> memref<!tpu.dma_semaphore, #tpu.memory_space<semaphore_mem>>
    %dma_wait3A_16 = tpu.memref_slice %arg4[%add3A_10] : memref<4440064xi32, #tpu.memory_space<hbm>> -> memref<128xi32, #tpu.memory_space<hbm>>
    %dma_wait3A_17 = arith.constant 0 : i32
    %dma_wait3A_18 = tpu.memref_slice %arg8[%rem3A_8, %dma_wait3A_17] : memref<8x128xi32, #tpu.memory_space<vmem>> -> memref<1x128xi32, #tpu.memory_space<vmem>>
    %dma_wait3A_19 = tpu.memref_squeeze %dma_wait3A_18 : memref<1x128xi32, #tpu.memory_space<vmem>> -> memref<128xi32, #tpu.memory_space<vmem>>
    tpu.wait_dma2 semaphore(%dma_wait3A_15 : memref<!tpu.dma_semaphore, #tpu.memory_space<semaphore_mem>>) src(%dma_wait3A_19 : memref<128xi32, #tpu.memory_space<vmem>>) dst(%dma_wait3A_16 : memref<128xi32, #tpu.memory_space<hbm>>)
    %rem3A_20 = arith.constant 1077 : i32
    %rem3A_21 = arith.constant 8 : i32
    %rem3A_22 = arith.remsi %rem3A_20, %rem3A_21 : i32
    %add3A_23 = arith.constant 137856 : i32
    %add3A_24 = arith.addi %mul3A_2, %add3A_23 : i32
    %dma_wait3A_25 = arith.constant 0 : i32
    %dma_wait3A_26 = tpu.memref_slice %arg8[%rem3A_22, %dma_wait3A_25] : memref<8x128xi32, #tpu.memory_space<vmem>> -> memref<1x128xi32, #tpu.memory_space<vmem>>
    %dma_wait3A_27 = tpu.memref_squeeze %dma_wait3A_26 : memref<1x128xi32, #tpu.memory_space<vmem>> -> memref<128xi32, #tpu.memory_space<vmem>>
    %dma_wait3A_28 = tpu.memref_slice %arg4[%add3A_24] : memref<4440064xi32, #tpu.memory_space<hbm>> -> memref<128xi32, #tpu.memory_space<hbm>>
    %dma_wait3A_29 = tpu.memref_slice %arg11[%rem3A_22] : memref<8x!tpu.dma_semaphore, #tpu.memory_space<semaphore_mem>> -> memref<1x!tpu.dma_semaphore, #tpu.memory_space<semaphore_mem>>
    %dma_wait3A_30 = tpu.memref_squeeze %dma_wait3A_29 : memref<1x!tpu.dma_semaphore, #tpu.memory_space<semaphore_mem>> -> memref<!tpu.dma_semaphore, #tpu.memory_space<semaphore_mem>>
    %dma_wait3A_31 = tpu.memref_slice %arg4[%add3A_24] : memref<4440064xi32, #tpu.memory_space<hbm>> -> memref<128xi32, #tpu.memory_space<hbm>>
    %dma_wait3A_32 = arith.constant 0 : i32
    %dma_wait3A_33 = tpu.memref_slice %arg8[%rem3A_22, %dma_wait3A_32] : memref<8x128xi32, #tpu.memory_space<vmem>> -> memref<1x128xi32, #tpu.memory_space<vmem>>
    %dma_wait3A_34 = tpu.memref_squeeze %dma_wait3A_33 : memref<1x128xi32, #tpu.memory_space<vmem>> -> memref<128xi32, #tpu.memory_space<vmem>>
    tpu.wait_dma2 semaphore(%dma_wait3A_30 : memref<!tpu.dma_semaphore, #tpu.memory_space<semaphore_mem>>) src(%dma_wait3A_34 : memref<128xi32, #tpu.memory_space<vmem>>) dst(%dma_wait3A_31 : memref<128xi32, #tpu.memory_space<hbm>>)
    %rem3A_35 = arith.constant 1078 : i32
    %rem3A_36 = arith.constant 8 : i32
    %rem3A_37 = arith.remsi %rem3A_35, %rem3A_36 : i32
    %add3A_38 = arith.constant 137984 : i32
    %add3A_39 = arith.addi %mul3A_2, %add3A_38 : i32
    %dma_wait3A_40 = arith.constant 0 : i32
    %dma_wait3A_41 = tpu.memref_slice %arg8[%rem3A_37, %dma_wait3A_40] : memref<8x128xi32, #tpu.memory_space<vmem>> -> memref<1x128xi32, #tpu.memory_space<vmem>>
    %dma_wait3A_42 = tpu.memref_squeeze %dma_wait3A_41 : memref<1x128xi32, #tpu.memory_space<vmem>> -> memref<128xi32, #tpu.memory_space<vmem>>
    %dma_wait3A_43 = tpu.memref_slice %arg4[%add3A_39] : memref<4440064xi32, #tpu.memory_space<hbm>> -> memref<128xi32, #tpu.memory_space<hbm>>
    %dma_wait3A_44 = tpu.memref_slice %arg11[%rem3A_37] : memref<8x!tpu.dma_semaphore, #tpu.memory_space<semaphore_mem>> -> memref<1x!tpu.dma_semaphore, #tpu.memory_space<semaphore_mem>>
    %dma_wait3A_45 = tpu.memref_squeeze %dma_wait3A_44 : memref<1x!tpu.dma_semaphore, #tpu.memory_space<semaphore_mem>> -> memref<!tpu.dma_semaphore, #tpu.memory_space<semaphore_mem>>
    %dma_wait3A_46 = tpu.memref_slice %arg4[%add3A_39] : memref<4440064xi32, #tpu.memory_space<hbm>> -> memref<128xi32, #tpu.memory_space<hbm>>
    %dma_wait3A_47 = arith.constant 0 : i32
    %dma_wait3A_48 = tpu.memref_slice %arg8[%rem3A_37, %dma_wait3A_47] : memref<8x128xi32, #tpu.memory_space<vmem>> -> memref<1x128xi32, #tpu.memory_space<vmem>>
    %dma_wait3A_49 = tpu.memref_squeeze %dma_wait3A_48 : memref<1x128xi32, #tpu.memory_space<vmem>> -> memref<128xi32, #tpu.memory_space<vmem>>
    tpu.wait_dma2 semaphore(%dma_wait3A_45 : memref<!tpu.dma_semaphore, #tpu.memory_space<semaphore_mem>>) src(%dma_wait3A_49 : memref<128xi32, #tpu.memory_space<vmem>>) dst(%dma_wait3A_46 : memref<128xi32, #tpu.memory_space<hbm>>)
    %rem3A_50 = arith.constant 1079 : i32
    %rem3A_51 = arith.constant 8 : i32
    %rem3A_52 = arith.remsi %rem3A_50, %rem3A_51 : i32
    %add3A_53 = arith.constant 138112 : i32
    %add3A_54 = arith.addi %mul3A_2, %add3A_53 : i32
    %dma_wait3A_55 = arith.constant 0 : i32
    %dma_wait3A_56 = tpu.memref_slice %arg8[%rem3A_52, %dma_wait3A_55] : memref<8x128xi32, #tpu.memory_space<vmem>> -> memref<1x128xi32, #tpu.memory_space<vmem>>
    %dma_wait3A_57 = tpu.memref_squeeze %dma_wait3A_56 : memref<1x128xi32, #tpu.memory_space<vmem>> -> memref<128xi32, #tpu.memory_space<vmem>>
    %dma_wait3A_58 = tpu.memref_slice %arg4[%add3A_54] : memref<4440064xi32, #tpu.memory_space<hbm>> -> memref<128xi32, #tpu.memory_space<hbm>>
    %dma_wait3A_59 = tpu.memref_slice %arg11[%rem3A_52] : memref<8x!tpu.dma_semaphore, #tpu.memory_space<semaphore_mem>> -> memref<1x!tpu.dma_semaphore, #tpu.memory_space<semaphore_mem>>
    %dma_wait3A_60 = tpu.memref_squeeze %dma_wait3A_59 : memref<1x!tpu.dma_semaphore, #tpu.memory_space<semaphore_mem>> -> memref<!tpu.dma_semaphore, #tpu.memory_space<semaphore_mem>>
    %dma_wait3A_61 = tpu.memref_slice %arg4[%add3A_54] : memref<4440064xi32, #tpu.memory_space<hbm>> -> memref<128xi32, #tpu.memory_space<hbm>>
    %dma_wait3A_62 = arith.constant 0 : i32
    %dma_wait3A_63 = tpu.memref_slice %arg8[%rem3A_52, %dma_wait3A_62] : memref<8x128xi32, #tpu.memory_space<vmem>> -> memref<1x128xi32, #tpu.memory_space<vmem>>
    %dma_wait3A_64 = tpu.memref_squeeze %dma_wait3A_63 : memref<1x128xi32, #tpu.memory_space<vmem>> -> memref<128xi32, #tpu.memory_space<vmem>>
    tpu.wait_dma2 semaphore(%dma_wait3A_60 : memref<!tpu.dma_semaphore, #tpu.memory_space<semaphore_mem>>) src(%dma_wait3A_64 : memref<128xi32, #tpu.memory_space<vmem>>) dst(%dma_wait3A_61 : memref<128xi32, #tpu.memory_space<hbm>>)
    %rem3A_65 = arith.constant 1080 : i32
    %rem3A_66 = arith.constant 8 : i32
    %rem3A_67 = arith.remsi %rem3A_65, %rem3A_66 : i32
    %add3A_68 = arith.constant 138240 : i32
    %add3A_69 = arith.addi %mul3A_2, %add3A_68 : i32
    %dma_wait3A_70 = arith.constant 0 : i32
    %dma_wait3A_71 = tpu.memref_slice %arg8[%rem3A_67, %dma_wait3A_70] : memref<8x128xi32, #tpu.memory_space<vmem>> -> memref<1x128xi32, #tpu.memory_space<vmem>>
    %dma_wait3A_72 = tpu.memref_squeeze %dma_wait3A_71 : memref<1x128xi32, #tpu.memory_space<vmem>> -> memref<128xi32, #tpu.memory_space<vmem>>
    %dma_wait3A_73 = tpu.memref_slice %arg4[%add3A_69] : memref<4440064xi32, #tpu.memory_space<hbm>> -> memref<128xi32, #tpu.memory_space<hbm>>
    %dma_wait3A_74 = tpu.memref_slice %arg11[%rem3A_67] : memref<8x!tpu.dma_semaphore, #tpu.memory_space<semaphore_mem>> -> memref<1x!tpu.dma_semaphore, #tpu.memory_space<semaphore_mem>>
    %dma_wait3A_75 = tpu.memref_squeeze %dma_wait3A_74 : memref<1x!tpu.dma_semaphore, #tpu.memory_space<semaphore_mem>> -> memref<!tpu.dma_semaphore, #tpu.memory_space<semaphore_mem>>
    %dma_wait3A_76 = tpu.memref_slice %arg4[%add3A_69] : memref<4440064xi32, #tpu.memory_space<hbm>> -> memref<128xi32, #tpu.memory_space<hbm>>
    %dma_wait3A_77 = arith.constant 0 : i32
    %dma_wait3A_78 = tpu.memref_slice %arg8[%rem3A_67, %dma_wait3A_77] : memref<8x128xi32, #tpu.memory_space<vmem>> -> memref<1x128xi32, #tpu.memory_space<vmem>>
    %dma_wait3A_79 = tpu.memref_squeeze %dma_wait3A_78 : memref<1x128xi32, #tpu.memory_space<vmem>> -> memref<128xi32, #tpu.memory_space<vmem>>
    tpu.wait_dma2 semaphore(%dma_wait3A_75 : memref<!tpu.dma_semaphore, #tpu.memory_space<semaphore_mem>>) src(%dma_wait3A_79 : memref<128xi32, #tpu.memory_space<vmem>>) dst(%dma_wait3A_76 : memref<128xi32, #tpu.memory_space<hbm>>)
    %rem3A_80 = arith.constant 1081 : i32
    %rem3A_81 = arith.constant 8 : i32
    %rem3A_82 = arith.remsi %rem3A_80, %rem3A_81 : i32
    %add3A_83 = arith.constant 138368 : i32
    %add3A_84 = arith.addi %mul3A_2, %add3A_83 : i32
    %dma_wait3A_85 = arith.constant 0 : i32
    %dma_wait3A_86 = tpu.memref_slice %arg8[%rem3A_82, %dma_wait3A_85] : memref<8x128xi32, #tpu.memory_space<vmem>> -> memref<1x128xi32, #tpu.memory_space<vmem>>
    %dma_wait3A_87 = tpu.memref_squeeze %dma_wait3A_86 : memref<1x128xi32, #tpu.memory_space<vmem>> -> memref<128xi32, #tpu.memory_space<vmem>>
    %dma_wait3A_88 = tpu.memref_slice %arg4[%add3A_84] : memref<4440064xi32, #tpu.memory_space<hbm>> -> memref<128xi32, #tpu.memory_space<hbm>>
    %dma_wait3A_89 = tpu.memref_slice %arg11[%rem3A_82] : memref<8x!tpu.dma_semaphore, #tpu.memory_space<semaphore_mem>> -> memref<1x!tpu.dma_semaphore, #tpu.memory_space<semaphore_mem>>
    %dma_wait3A_90 = tpu.memref_squeeze %dma_wait3A_89 : memref<1x!tpu.dma_semaphore, #tpu.memory_space<semaphore_mem>> -> memref<!tpu.dma_semaphore, #tpu.memory_space<semaphore_mem>>
    %dma_wait3A_91 = tpu.memref_slice %arg4[%add3A_84] : memref<4440064xi32, #tpu.memory_space<hbm>> -> memref<128xi32, #tpu.memory_space<hbm>>
    %dma_wait3A_92 = arith.constant 0 : i32
    %dma_wait3A_93 = tpu.memref_slice %arg8[%rem3A_82, %dma_wait3A_92] : memref<8x128xi32, #tpu.memory_space<vmem>> -> memref<1x128xi32, #tpu.memory_space<vmem>>
    %dma_wait3A_94 = tpu.memref_squeeze %dma_wait3A_93 : memref<1x128xi32, #tpu.memory_space<vmem>> -> memref<128xi32, #tpu.memory_space<vmem>>
    tpu.wait_dma2 semaphore(%dma_wait3A_90 : memref<!tpu.dma_semaphore, #tpu.memory_space<semaphore_mem>>) src(%dma_wait3A_94 : memref<128xi32, #tpu.memory_space<vmem>>) dst(%dma_wait3A_91 : memref<128xi32, #tpu.memory_space<hbm>>)
    %rem3A_95 = arith.constant 1082 : i32
    %rem3A_96 = arith.constant 8 : i32
    %rem3A_97 = arith.remsi %rem3A_95, %rem3A_96 : i32
    %add3A_98 = arith.constant 138496 : i32
    %add3A_99 = arith.addi %mul3A_2, %add3A_98 : i32
    %dma_wait3A_100 = arith.constant 0 : i32
    %dma_wait3A_101 = tpu.memref_slice %arg8[%rem3A_97, %dma_wait3A_100] : memref<8x128xi32, #tpu.memory_space<vmem>> -> memref<1x128xi32, #tpu.memory_space<vmem>>
    %dma_wait3A_102 = tpu.memref_squeeze %dma_wait3A_101 : memref<1x128xi32, #tpu.memory_space<vmem>> -> memref<128xi32, #tpu.memory_space<vmem>>
    %dma_wait3A_103 = tpu.memref_slice %arg4[%add3A_99] : memref<4440064xi32, #tpu.memory_space<hbm>> -> memref<128xi32, #tpu.memory_space<hbm>>
    %dma_wait3A_104 = tpu.memref_slice %arg11[%rem3A_97] : memref<8x!tpu.dma_semaphore, #tpu.memory_space<semaphore_mem>> -> memref<1x!tpu.dma_semaphore, #tpu.memory_space<semaphore_mem>>
    %dma_wait3A_105 = tpu.memref_squeeze %dma_wait3A_104 : memref<1x!tpu.dma_semaphore, #tpu.memory_space<semaphore_mem>> -> memref<!tpu.dma_semaphore, #tpu.memory_space<semaphore_mem>>
    %dma_wait3A_106 = tpu.memref_slice %arg4[%add3A_99] : memref<4440064xi32, #tpu.memory_space<hbm>> -> memref<128xi32, #tpu.memory_space<hbm>>
    %dma_wait3A_107 = arith.constant 0 : i32
    %dma_wait3A_108 = tpu.memref_slice %arg8[%rem3A_97, %dma_wait3A_107] : memref<8x128xi32, #tpu.memory_space<vmem>> -> memref<1x128xi32, #tpu.memory_space<vmem>>
    %dma_wait3A_109 = tpu.memref_squeeze %dma_wait3A_108 : memref<1x128xi32, #tpu.memory_space<vmem>> -> memref<128xi32, #tpu.memory_space<vmem>>
    tpu.wait_dma2 semaphore(%dma_wait3A_105 : memref<!tpu.dma_semaphore, #tpu.memory_space<semaphore_mem>>) src(%dma_wait3A_109 : memref<128xi32, #tpu.memory_space<vmem>>) dst(%dma_wait3A_106 : memref<128xi32, #tpu.memory_space<hbm>>)
    %rem3A_110 = arith.constant 1083 : i32
    %rem3A_111 = arith.constant 8 : i32
    %rem3A_112 = arith.remsi %rem3A_110, %rem3A_111 : i32
    %add3A_113 = arith.constant 138624 : i32
    %add3A_114 = arith.addi %mul3A_2, %add3A_113 : i32
    %dma_wait3A_115 = arith.constant 0 : i32
    %dma_wait3A_116 = tpu.memref_slice %arg8[%rem3A_112, %dma_wait3A_115] : memref<8x128xi32, #tpu.memory_space<vmem>> -> memref<1x128xi32, #tpu.memory_space<vmem>>
    %dma_wait3A_117 = tpu.memref_squeeze %dma_wait3A_116 : memref<1x128xi32, #tpu.memory_space<vmem>> -> memref<128xi32, #tpu.memory_space<vmem>>
    %dma_wait3A_118 = tpu.memref_slice %arg4[%add3A_114] : memref<4440064xi32, #tpu.memory_space<hbm>> -> memref<128xi32, #tpu.memory_space<hbm>>
    %dma_wait3A_119 = tpu.memref_slice %arg11[%rem3A_112] : memref<8x!tpu.dma_semaphore, #tpu.memory_space<semaphore_mem>> -> memref<1x!tpu.dma_semaphore, #tpu.memory_space<semaphore_mem>>
    %dma_wait3A_120 = tpu.memref_squeeze %dma_wait3A_119 : memref<1x!tpu.dma_semaphore, #tpu.memory_space<semaphore_mem>> -> memref<!tpu.dma_semaphore, #tpu.memory_space<semaphore_mem>>
    %dma_wait3A_121 = tpu.memref_slice %arg4[%add3A_114] : memref<4440064xi32, #tpu.memory_space<hbm>> -> memref<128xi32, #tpu.memory_space<hbm>>
    %dma_wait3A_122 = arith.constant 0 : i32
    %dma_wait3A_123 = tpu.memref_slice %arg8[%rem3A_112, %dma_wait3A_122] : memref<8x128xi32, #tpu.memory_space<vmem>> -> memref<1x128xi32, #tpu.memory_space<vmem>>
    %dma_wait3A_124 = tpu.memref_squeeze %dma_wait3A_123 : memref<1x128xi32, #tpu.memory_space<vmem>> -> memref<128xi32, #tpu.memory_space<vmem>>
    tpu.wait_dma2 semaphore(%dma_wait3A_120 : memref<!tpu.dma_semaphore, #tpu.memory_space<semaphore_mem>>) src(%dma_wait3A_124 : memref<128xi32, #tpu.memory_space<vmem>>) dst(%dma_wait3A_121 : memref<128xi32, #tpu.memory_space<hbm>>)
    return
  }
}

#map = affine_map<(d0, d1) -> (0, 0)>
#map1 = affine_map<(d0, d1) -> (0)>
module attributes {stable_mosaic.version = 14 : i64} {
  func.func @gk(%arg0: i32, %arg1: i32, %arg2: memref<100001x32xf32, #tpu.memory_space<hbm>>, %arg3: memref<868352xi32, #tpu.memory_space<hbm>>, %arg4: memref<868352x32xf32, #tpu.memory_space<hbm>>, %arg5: memref<8x128xi32, #tpu.memory_space<vmem>>, %arg6: memref<8x128x32xf32, #tpu.memory_space<vmem>>, %arg7: memref<8x!tpu.dma_semaphore, #tpu.memory_space<semaphore_mem>>, %arg8: memref<8x!tpu.dma_semaphore, #tpu.memory_space<semaphore_mem>>, %arg9: memref<8x!tpu.dma_semaphore, #tpu.memory_space<semaphore_mem>>) attributes {dimension_semantics = [#tpu.dimension_semantics<core_parallel>, #tpu.dimension_semantics<subcore_parallel>], iteration_bounds = array<i64: 2, 16>, scalar_prefetch = 0 : i64, scratch_operands = 5 : i64, tpu.core_type = #tpu.core_type<sc_vector_subcore>, window_params = [{transform_indices = #map}, {transform_indices = #map1}, {transform_indices = #map}]} {
    %mul3A = arith.constant 2 : i32
    %mul3A_0 = arith.muli %arg1, %mul3A : i32
    %add3A = arith.addi %mul3A_0, %arg0 : i32
    %mul3A_1 = arith.constant 27136 : i32
    %mul3A_2 = arith.muli %add3A, %mul3A_1 : i32
    %scan3A = arith.constant 0 : i32
    %scan3A_3 = arith.constant 218 : i32
    %scan3A_4 = arith.addi %scan3A, %scan3A_3 : i32
    %scan3A_5 = arith.constant 1 : i32
    scf.for %scan3A_157 = %scan3A to %scan3A_4 step %scan3A_5  : i32 {
      %mul3A_158 = arith.constant 1 : i32
      %mul3A_159 = arith.muli %scan3A_157, %mul3A_158 : i32
      %add3A_160 = arith.constant 0 : i32
      %add3A_161 = arith.addi %add3A_160, %mul3A_159 : i32
      %lt3A = arith.constant 212 : i32
      %lt3A_162 = arith.cmpi slt, %add3A_161, %lt3A : i32
      %convert_element_type3A = arith.extui %lt3A_162 : i1 to i32
      %cond3A = arith.constant 0 : i32
      %cond3A_163 = arith.cmpi ne, %convert_element_type3A, %cond3A : i32
      scf.if %cond3A_163 {
        %ge3A_175 = arith.constant 8 : i32
        %ge3A_176 = arith.cmpi sge, %add3A_161, %ge3A_175 : i32
        %convert_element_type3A_177 = arith.extui %ge3A_176 : i1 to i32
        %cond3A_178 = arith.constant 0 : i32
        %cond3A_179 = arith.cmpi ne, %convert_element_type3A_177, %cond3A_178 : i32
        scf.if %cond3A_179 {
          %sub3A = arith.constant 8 : i32
          %sub3A_194 = arith.subi %add3A_161, %sub3A : i32
          %rem3A_195 = arith.constant 8 : i32
          %rem3A_196 = arith.remsi %sub3A_194, %rem3A_195 : i32
          %mul3A_197 = arith.constant 128 : i32
          %mul3A_198 = arith.muli %sub3A_194, %mul3A_197 : i32
          %add3A_199 = arith.addi %mul3A_2, %mul3A_198 : i32
          %dma_wait3A_200 = arith.constant 0 : i32
          %dma_wait3A_201 = arith.constant 0 : i32
          %dma_wait3A_202 = tpu.memref_slice %arg6[%rem3A_196, %dma_wait3A_200, %dma_wait3A_201] : memref<8x128x32xf32, #tpu.memory_space<vmem>> -> memref<1x128x32xf32, #tpu.memory_space<vmem>>
          %dma_wait3A_203 = tpu.memref_squeeze %dma_wait3A_202 : memref<1x128x32xf32, #tpu.memory_space<vmem>> -> memref<128x32xf32, #tpu.memory_space<vmem>>
          %dma_wait3A_204 = arith.constant 0 : i32
          %dma_wait3A_205 = tpu.memref_slice %arg4[%add3A_199, %dma_wait3A_204] : memref<868352x32xf32, #tpu.memory_space<hbm>> -> memref<128x32xf32, #tpu.memory_space<hbm>>
          %dma_wait3A_206 = tpu.memref_slice %arg9[%rem3A_196] : memref<8x!tpu.dma_semaphore, #tpu.memory_space<semaphore_mem>> -> memref<1x!tpu.dma_semaphore, #tpu.memory_space<semaphore_mem>>
          %dma_wait3A_207 = tpu.memref_squeeze %dma_wait3A_206 : memref<1x!tpu.dma_semaphore, #tpu.memory_space<semaphore_mem>> -> memref<!tpu.dma_semaphore, #tpu.memory_space<semaphore_mem>>
          %dma_wait3A_208 = arith.constant 0 : i32
          %dma_wait3A_209 = tpu.memref_slice %arg4[%add3A_199, %dma_wait3A_208] : memref<868352x32xf32, #tpu.memory_space<hbm>> -> memref<128x32xf32, #tpu.memory_space<hbm>>
          %dma_wait3A_210 = arith.constant 0 : i32
          %dma_wait3A_211 = arith.constant 0 : i32
          %dma_wait3A_212 = tpu.memref_slice %arg6[%rem3A_196, %dma_wait3A_210, %dma_wait3A_211] : memref<8x128x32xf32, #tpu.memory_space<vmem>> -> memref<1x128x32xf32, #tpu.memory_space<vmem>>
          %dma_wait3A_213 = tpu.memref_squeeze %dma_wait3A_212 : memref<1x128x32xf32, #tpu.memory_space<vmem>> -> memref<128x32xf32, #tpu.memory_space<vmem>>
          tpu.wait_dma2 semaphore(%dma_wait3A_207 : memref<!tpu.dma_semaphore, #tpu.memory_space<semaphore_mem>>) src(%dma_wait3A_213 : memref<128x32xf32, #tpu.memory_space<vmem>>) dst(%dma_wait3A_209 : memref<128x32xf32, #tpu.memory_space<hbm>>)
        } else {
        }
        %rem3A_180 = arith.constant 8 : i32
        %rem3A_181 = arith.remsi %add3A_161, %rem3A_180 : i32
        %mul3A_182 = arith.constant 128 : i32
        %mul3A_183 = arith.muli %add3A_161, %mul3A_182 : i32
        %add3A_184 = arith.addi %mul3A_2, %mul3A_183 : i32
        %dma_start3A = arith.constant 0 : i32
        %dma_start3A_185 = tpu.memref_slice %arg5[%rem3A_181, %dma_start3A] : memref<8x128xi32, #tpu.memory_space<vmem>> -> memref<1x128xi32, #tpu.memory_space<vmem>>
        %dma_start3A_186 = tpu.memref_squeeze %dma_start3A_185 : memref<1x128xi32, #tpu.memory_space<vmem>> -> memref<128xi32, #tpu.memory_space<vmem>>
        %dma_start3A_187 = tpu.memref_slice %arg3[%add3A_184] : memref<868352xi32, #tpu.memory_space<hbm>> -> memref<128xi32, #tpu.memory_space<hbm>>
        %dma_start3A_188 = tpu.memref_slice %arg7[%rem3A_181] : memref<8x!tpu.dma_semaphore, #tpu.memory_space<semaphore_mem>> -> memref<1x!tpu.dma_semaphore, #tpu.memory_space<semaphore_mem>>
        %dma_start3A_189 = tpu.memref_squeeze %dma_start3A_188 : memref<1x!tpu.dma_semaphore, #tpu.memory_space<semaphore_mem>> -> memref<!tpu.dma_semaphore, #tpu.memory_space<semaphore_mem>>
        %dma_start3A_190 = arith.constant 0 : i32
        %dma_start3A_191 = tpu.memref_slice %arg5[%rem3A_181, %dma_start3A_190] : memref<8x128xi32, #tpu.memory_space<vmem>> -> memref<1x128xi32, #tpu.memory_space<vmem>>
        %dma_start3A_192 = tpu.memref_squeeze %dma_start3A_191 : memref<1x128xi32, #tpu.memory_space<vmem>> -> memref<128xi32, #tpu.memory_space<vmem>>
        %dma_start3A_193 = tpu.memref_slice %arg3[%add3A_184] : memref<868352xi32, #tpu.memory_space<hbm>> -> memref<128xi32, #tpu.memory_space<hbm>>
        tpu.enqueue_dma source(%dma_start3A_193 : memref<128xi32, #tpu.memory_space<hbm>>) target(%dma_start3A_192 : memref<128xi32, #tpu.memory_space<vmem>>) target_semaphore(%dma_start3A_189 : memref<!tpu.dma_semaphore, #tpu.memory_space<semaphore_mem>>)
      } else {
      }
      %ge3A = arith.constant 1 : i32
      %ge3A_164 = arith.cmpi sge, %add3A_161, %ge3A : i32
      %lt3A_165 = arith.constant 213 : i32
      %lt3A_166 = arith.cmpi slt, %add3A_161, %lt3A_165 : i32
      %and3A = arith.andi %ge3A_164, %lt3A_166 : i1
      %convert_element_type3A_167 = arith.extui %and3A : i1 to i32
      %cond3A_168 = arith.constant 0 : i32
      %cond3A_169 = arith.cmpi ne, %convert_element_type3A_167, %cond3A_168 : i32
      scf.if %cond3A_169 {
        %sub3A = arith.constant 1 : i32
        %sub3A_175 = arith.subi %add3A_161, %sub3A : i32
        %rem3A_176 = arith.constant 8 : i32
        %rem3A_177 = arith.remsi %sub3A_175, %rem3A_176 : i32
        %mul3A_178 = arith.constant 128 : i32
        %mul3A_179 = arith.muli %sub3A_175, %mul3A_178 : i32
        %add3A_180 = arith.addi %mul3A_2, %mul3A_179 : i32
        %dma_wait3A_181 = arith.constant 0 : i32
        %dma_wait3A_182 = tpu.memref_slice %arg5[%rem3A_177, %dma_wait3A_181] : memref<8x128xi32, #tpu.memory_space<vmem>> -> memref<1x128xi32, #tpu.memory_space<vmem>>
        %dma_wait3A_183 = tpu.memref_squeeze %dma_wait3A_182 : memref<1x128xi32, #tpu.memory_space<vmem>> -> memref<128xi32, #tpu.memory_space<vmem>>
        %dma_wait3A_184 = tpu.memref_slice %arg3[%add3A_180] : memref<868352xi32, #tpu.memory_space<hbm>> -> memref<128xi32, #tpu.memory_space<hbm>>
        %dma_wait3A_185 = tpu.memref_slice %arg7[%rem3A_177] : memref<8x!tpu.dma_semaphore, #tpu.memory_space<semaphore_mem>> -> memref<1x!tpu.dma_semaphore, #tpu.memory_space<semaphore_mem>>
        %dma_wait3A_186 = tpu.memref_squeeze %dma_wait3A_185 : memref<1x!tpu.dma_semaphore, #tpu.memory_space<semaphore_mem>> -> memref<!tpu.dma_semaphore, #tpu.memory_space<semaphore_mem>>
        %dma_wait3A_187 = arith.constant 0 : i32
        %dma_wait3A_188 = tpu.memref_slice %arg5[%rem3A_177, %dma_wait3A_187] : memref<8x128xi32, #tpu.memory_space<vmem>> -> memref<1x128xi32, #tpu.memory_space<vmem>>
        %dma_wait3A_189 = tpu.memref_squeeze %dma_wait3A_188 : memref<1x128xi32, #tpu.memory_space<vmem>> -> memref<128xi32, #tpu.memory_space<vmem>>
        %dma_wait3A_190 = tpu.memref_slice %arg3[%add3A_180] : memref<868352xi32, #tpu.memory_space<hbm>> -> memref<128xi32, #tpu.memory_space<hbm>>
        tpu.wait_dma2 semaphore(%dma_wait3A_186 : memref<!tpu.dma_semaphore, #tpu.memory_space<semaphore_mem>>) src(%dma_wait3A_190 : memref<128xi32, #tpu.memory_space<hbm>>) dst(%dma_wait3A_189 : memref<128xi32, #tpu.memory_space<vmem>>)
        %sub3A_191 = arith.constant 1 : i32
        %sub3A_192 = arith.subi %add3A_161, %sub3A_191 : i32
        %rem3A_193 = arith.constant 8 : i32
        %rem3A_194 = arith.remsi %sub3A_192, %rem3A_193 : i32
        %get3A = arith.constant 0 : i32
        %get3A_195 = tpu.memref_slice %arg5[%rem3A_194, %get3A] : memref<8x128xi32, #tpu.memory_space<vmem>> -> memref<1x128xi32, #tpu.memory_space<vmem>>
        %get3A_196 = tpu.memref_squeeze %get3A_195 : memref<1x128xi32, #tpu.memory_space<vmem>> -> memref<128xi32, #tpu.memory_space<vmem>>
        %get3A_197 = arith.constant 0 : index
        %get3A_198 = tpu.vector_load %get3A_196[%get3A_197] {strides = array<i32>} : memref<128xi32, #tpu.memory_space<vmem>>, vector<16xi32>,
        %add3A_199 = arith.constant 1 : i32
        %add3A_200 = vector.broadcast %add3A_199 : i32 to vector<16xi32>
        %add3A_201 = arith.addi %get3A_198, %add3A_200 : vector<16xi32>
        %swap3A = arith.constant 0 : i32
        %swap3A_202 = tpu.memref_slice %arg5[%rem3A_194, %swap3A] : memref<8x128xi32, #tpu.memory_space<vmem>> -> memref<1x128xi32, #tpu.memory_space<vmem>>
        %swap3A_203 = tpu.memref_squeeze %swap3A_202 : memref<1x128xi32, #tpu.memory_space<vmem>> -> memref<128xi32, #tpu.memory_space<vmem>>
        %swap3A_204 = arith.constant 0 : index
        %swap3A_205 = tpu.vector_load %swap3A_203[%swap3A_204] {strides = array<i32>} : memref<128xi32, #tpu.memory_space<vmem>>, vector<16xi32>,
        tpu.vector_store %swap3A_203[%swap3A_204], %add3A_201 {strides = array<i32>} : memref<128xi32, #tpu.memory_space<vmem>>, vector<16xi32>,
        %get3A_206 = arith.constant 0 : i32
        %get3A_207 = tpu.memref_slice %arg5[%rem3A_194, %get3A_206] : memref<8x128xi32, #tpu.memory_space<vmem>> -> memref<1x128xi32, #tpu.memory_space<vmem>>
        %get3A_208 = tpu.memref_squeeze %get3A_207 : memref<1x128xi32, #tpu.memory_space<vmem>> -> memref<128xi32, #tpu.memory_space<vmem>>
        %get3A_209 = arith.constant 16 : index
        %get3A_210 = tpu.vector_load %get3A_208[%get3A_209] {strides = array<i32>} : memref<128xi32, #tpu.memory_space<vmem>>, vector<16xi32>,
        %add3A_211 = arith.constant 1 : i32
        %add3A_212 = vector.broadcast %add3A_211 : i32 to vector<16xi32>
        %add3A_213 = arith.addi %get3A_210, %add3A_212 : vector<16xi32>
        %swap3A_214 = arith.constant 0 : i32
        %swap3A_215 = tpu.memref_slice %arg5[%rem3A_194, %swap3A_214] : memref<8x128xi32, #tpu.memory_space<vmem>> -> memref<1x128xi32, #tpu.memory_space<vmem>>
        %swap3A_216 = tpu.memref_squeeze %swap3A_215 : memref<1x128xi32, #tpu.memory_space<vmem>> -> memref<128xi32, #tpu.memory_space<vmem>>
        %swap3A_217 = arith.constant 16 : index
        %swap3A_218 = tpu.vector_load %swap3A_216[%swap3A_217] {strides = array<i32>} : memref<128xi32, #tpu.memory_space<vmem>>, vector<16xi32>,
        tpu.vector_store %swap3A_216[%swap3A_217], %add3A_213 {strides = array<i32>} : memref<128xi32, #tpu.memory_space<vmem>>, vector<16xi32>,
        %get3A_219 = arith.constant 0 : i32
        %get3A_220 = tpu.memref_slice %arg5[%rem3A_194, %get3A_219] : memref<8x128xi32, #tpu.memory_space<vmem>> -> memref<1x128xi32, #tpu.memory_space<vmem>>
        %get3A_221 = tpu.memref_squeeze %get3A_220 : memref<1x128xi32, #tpu.memory_space<vmem>> -> memref<128xi32, #tpu.memory_space<vmem>>
        %get3A_222 = arith.constant 32 : index
        %get3A_223 = tpu.vector_load %get3A_221[%get3A_222] {strides = array<i32>} : memref<128xi32, #tpu.memory_space<vmem>>, vector<16xi32>,
        %add3A_224 = arith.constant 1 : i32
        %add3A_225 = vector.broadcast %add3A_224 : i32 to vector<16xi32>
        %add3A_226 = arith.addi %get3A_223, %add3A_225 : vector<16xi32>
        %swap3A_227 = arith.constant 0 : i32
        %swap3A_228 = tpu.memref_slice %arg5[%rem3A_194, %swap3A_227] : memref<8x128xi32, #tpu.memory_space<vmem>> -> memref<1x128xi32, #tpu.memory_space<vmem>>
        %swap3A_229 = tpu.memref_squeeze %swap3A_228 : memref<1x128xi32, #tpu.memory_space<vmem>> -> memref<128xi32, #tpu.memory_space<vmem>>
        %swap3A_230 = arith.constant 32 : index
        %swap3A_231 = tpu.vector_load %swap3A_229[%swap3A_230] {strides = array<i32>} : memref<128xi32, #tpu.memory_space<vmem>>, vector<16xi32>,
        tpu.vector_store %swap3A_229[%swap3A_230], %add3A_226 {strides = array<i32>} : memref<128xi32, #tpu.memory_space<vmem>>, vector<16xi32>,
        %get3A_232 = arith.constant 0 : i32
        %get3A_233 = tpu.memref_slice %arg5[%rem3A_194, %get3A_232] : memref<8x128xi32, #tpu.memory_space<vmem>> -> memref<1x128xi32, #tpu.memory_space<vmem>>
        %get3A_234 = tpu.memref_squeeze %get3A_233 : memref<1x128xi32, #tpu.memory_space<vmem>> -> memref<128xi32, #tpu.memory_space<vmem>>
        %get3A_235 = arith.constant 48 : index
        %get3A_236 = tpu.vector_load %get3A_234[%get3A_235] {strides = array<i32>} : memref<128xi32, #tpu.memory_space<vmem>>, vector<16xi32>,
        %add3A_237 = arith.constant 1 : i32
        %add3A_238 = vector.broadcast %add3A_237 : i32 to vector<16xi32>
        %add3A_239 = arith.addi %get3A_236, %add3A_238 : vector<16xi32>
        %swap3A_240 = arith.constant 0 : i32
        %swap3A_241 = tpu.memref_slice %arg5[%rem3A_194, %swap3A_240] : memref<8x128xi32, #tpu.memory_space<vmem>> -> memref<1x128xi32, #tpu.memory_space<vmem>>
        %swap3A_242 = tpu.memref_squeeze %swap3A_241 : memref<1x128xi32, #tpu.memory_space<vmem>> -> memref<128xi32, #tpu.memory_space<vmem>>
        %swap3A_243 = arith.constant 48 : index
        %swap3A_244 = tpu.vector_load %swap3A_242[%swap3A_243] {strides = array<i32>} : memref<128xi32, #tpu.memory_space<vmem>>, vector<16xi32>,
        tpu.vector_store %swap3A_242[%swap3A_243], %add3A_239 {strides = array<i32>} : memref<128xi32, #tpu.memory_space<vmem>>, vector<16xi32>,
        %get3A_245 = arith.constant 0 : i32
        %get3A_246 = tpu.memref_slice %arg5[%rem3A_194, %get3A_245] : memref<8x128xi32, #tpu.memory_space<vmem>> -> memref<1x128xi32, #tpu.memory_space<vmem>>
        %get3A_247 = tpu.memref_squeeze %get3A_246 : memref<1x128xi32, #tpu.memory_space<vmem>> -> memref<128xi32, #tpu.memory_space<vmem>>
        %get3A_248 = arith.constant 64 : index
        %get3A_249 = tpu.vector_load %get3A_247[%get3A_248] {strides = array<i32>} : memref<128xi32, #tpu.memory_space<vmem>>, vector<16xi32>,
        %add3A_250 = arith.constant 1 : i32
        %add3A_251 = vector.broadcast %add3A_250 : i32 to vector<16xi32>
        %add3A_252 = arith.addi %get3A_249, %add3A_251 : vector<16xi32>
        %swap3A_253 = arith.constant 0 : i32
        %swap3A_254 = tpu.memref_slice %arg5[%rem3A_194, %swap3A_253] : memref<8x128xi32, #tpu.memory_space<vmem>> -> memref<1x128xi32, #tpu.memory_space<vmem>>
        %swap3A_255 = tpu.memref_squeeze %swap3A_254 : memref<1x128xi32, #tpu.memory_space<vmem>> -> memref<128xi32, #tpu.memory_space<vmem>>
        %swap3A_256 = arith.constant 64 : index
        %swap3A_257 = tpu.vector_load %swap3A_255[%swap3A_256] {strides = array<i32>} : memref<128xi32, #tpu.memory_space<vmem>>, vector<16xi32>,
        tpu.vector_store %swap3A_255[%swap3A_256], %add3A_252 {strides = array<i32>} : memref<128xi32, #tpu.memory_space<vmem>>, vector<16xi32>,
        %get3A_258 = arith.constant 0 : i32
        %get3A_259 = tpu.memref_slice %arg5[%rem3A_194, %get3A_258] : memref<8x128xi32, #tpu.memory_space<vmem>> -> memref<1x128xi32, #tpu.memory_space<vmem>>
        %get3A_260 = tpu.memref_squeeze %get3A_259 : memref<1x128xi32, #tpu.memory_space<vmem>> -> memref<128xi32, #tpu.memory_space<vmem>>
        %get3A_261 = arith.constant 80 : index
        %get3A_262 = tpu.vector_load %get3A_260[%get3A_261] {strides = array<i32>} : memref<128xi32, #tpu.memory_space<vmem>>, vector<16xi32>,
        %add3A_263 = arith.constant 1 : i32
        %add3A_264 = vector.broadcast %add3A_263 : i32 to vector<16xi32>
        %add3A_265 = arith.addi %get3A_262, %add3A_264 : vector<16xi32>
        %swap3A_266 = arith.constant 0 : i32
        %swap3A_267 = tpu.memref_slice %arg5[%rem3A_194, %swap3A_266] : memref<8x128xi32, #tpu.memory_space<vmem>> -> memref<1x128xi32, #tpu.memory_space<vmem>>
        %swap3A_268 = tpu.memref_squeeze %swap3A_267 : memref<1x128xi32, #tpu.memory_space<vmem>> -> memref<128xi32, #tpu.memory_space<vmem>>
        %swap3A_269 = arith.constant 80 : index
        %swap3A_270 = tpu.vector_load %swap3A_268[%swap3A_269] {strides = array<i32>} : memref<128xi32, #tpu.memory_space<vmem>>, vector<16xi32>,
        tpu.vector_store %swap3A_268[%swap3A_269], %add3A_265 {strides = array<i32>} : memref<128xi32, #tpu.memory_space<vmem>>, vector<16xi32>,
        %get3A_271 = arith.constant 0 : i32
        %get3A_272 = tpu.memref_slice %arg5[%rem3A_194, %get3A_271] : memref<8x128xi32, #tpu.memory_space<vmem>> -> memref<1x128xi32, #tpu.memory_space<vmem>>
        %get3A_273 = tpu.memref_squeeze %get3A_272 : memref<1x128xi32, #tpu.memory_space<vmem>> -> memref<128xi32, #tpu.memory_space<vmem>>
        %get3A_274 = arith.constant 96 : index
        %get3A_275 = tpu.vector_load %get3A_273[%get3A_274] {strides = array<i32>} : memref<128xi32, #tpu.memory_space<vmem>>, vector<16xi32>,
        %add3A_276 = arith.constant 1 : i32
        %add3A_277 = vector.broadcast %add3A_276 : i32 to vector<16xi32>
        %add3A_278 = arith.addi %get3A_275, %add3A_277 : vector<16xi32>
        %swap3A_279 = arith.constant 0 : i32
        %swap3A_280 = tpu.memref_slice %arg5[%rem3A_194, %swap3A_279] : memref<8x128xi32, #tpu.memory_space<vmem>> -> memref<1x128xi32, #tpu.memory_space<vmem>>
        %swap3A_281 = tpu.memref_squeeze %swap3A_280 : memref<1x128xi32, #tpu.memory_space<vmem>> -> memref<128xi32, #tpu.memory_space<vmem>>
        %swap3A_282 = arith.constant 96 : index
        %swap3A_283 = tpu.vector_load %swap3A_281[%swap3A_282] {strides = array<i32>} : memref<128xi32, #tpu.memory_space<vmem>>, vector<16xi32>,
        tpu.vector_store %swap3A_281[%swap3A_282], %add3A_278 {strides = array<i32>} : memref<128xi32, #tpu.memory_space<vmem>>, vector<16xi32>,
        %get3A_284 = arith.constant 0 : i32
        %get3A_285 = tpu.memref_slice %arg5[%rem3A_194, %get3A_284] : memref<8x128xi32, #tpu.memory_space<vmem>> -> memref<1x128xi32, #tpu.memory_space<vmem>>
        %get3A_286 = tpu.memref_squeeze %get3A_285 : memref<1x128xi32, #tpu.memory_space<vmem>> -> memref<128xi32, #tpu.memory_space<vmem>>
        %get3A_287 = arith.constant 112 : index
        %get3A_288 = tpu.vector_load %get3A_286[%get3A_287] {strides = array<i32>} : memref<128xi32, #tpu.memory_space<vmem>>, vector<16xi32>,
        %add3A_289 = arith.constant 1 : i32
        %add3A_290 = vector.broadcast %add3A_289 : i32 to vector<16xi32>
        %add3A_291 = arith.addi %get3A_288, %add3A_290 : vector<16xi32>
        %swap3A_292 = arith.constant 0 : i32
        %swap3A_293 = tpu.memref_slice %arg5[%rem3A_194, %swap3A_292] : memref<8x128xi32, #tpu.memory_space<vmem>> -> memref<1x128xi32, #tpu.memory_space<vmem>>
        %swap3A_294 = tpu.memref_squeeze %swap3A_293 : memref<1x128xi32, #tpu.memory_space<vmem>> -> memref<128xi32, #tpu.memory_space<vmem>>
        %swap3A_295 = arith.constant 112 : index
        %swap3A_296 = tpu.vector_load %swap3A_294[%swap3A_295] {strides = array<i32>} : memref<128xi32, #tpu.memory_space<vmem>>, vector<16xi32>,
        tpu.vector_store %swap3A_294[%swap3A_295], %add3A_291 {strides = array<i32>} : memref<128xi32, #tpu.memory_space<vmem>>, vector<16xi32>,
        %sub3A_297 = arith.constant 1 : i32
        %sub3A_298 = arith.subi %add3A_161, %sub3A_297 : i32
        %rem3A_299 = arith.constant 8 : i32
        %rem3A_300 = arith.remsi %sub3A_298, %rem3A_299 : i32
        %dma_start3A = arith.constant 0 : i32
        %dma_start3A_301 = arith.constant 0 : i32
        %dma_start3A_302 = tpu.memref_slice %arg6[%rem3A_300, %dma_start3A, %dma_start3A_301] : memref<8x128x32xf32, #tpu.memory_space<vmem>> -> memref<1x128x32xf32, #tpu.memory_space<vmem>>
        %dma_start3A_303 = tpu.memref_squeeze %dma_start3A_302 : memref<1x128x32xf32, #tpu.memory_space<vmem>> -> memref<128x32xf32, #tpu.memory_space<vmem>>
        %dma_start3A_304 = arith.constant 0 : i32
        %dma_start3A_305 = tpu.memref_slice %arg5[%rem3A_300, %dma_start3A_304] : memref<8x128xi32, #tpu.memory_space<vmem>> -> memref<1x128xi32, #tpu.memory_space<vmem>>
        %dma_start3A_306 = tpu.memref_squeeze %dma_start3A_305 : memref<1x128xi32, #tpu.memory_space<vmem>> -> memref<128xi32, #tpu.memory_space<vmem>>
        %dma_start3A_307 = arith.constant 0 : i32
        %dma_start3A_308 = arith.constant 0 : i32
        %dma_start3A_309 = tpu.memref_slice %arg2[%dma_start3A_307, %dma_start3A_308] : memref<100001x32xf32, #tpu.memory_space<hbm>> -> memref<100001x32xf32, #tpu.memory_space<hbm>>
        %dma_start3A_310 = tpu.memref_slice %arg8[%rem3A_300] : memref<8x!tpu.dma_semaphore, #tpu.memory_space<semaphore_mem>> -> memref<1x!tpu.dma_semaphore, #tpu.memory_space<semaphore_mem>>
        %dma_start3A_311 = tpu.memref_squeeze %dma_start3A_310 : memref<1x!tpu.dma_semaphore, #tpu.memory_space<semaphore_mem>> -> memref<!tpu.dma_semaphore, #tpu.memory_space<semaphore_mem>>
        tpu.enqueue_indirect_dma source(%dma_start3A_309 : memref<100001x32xf32, #tpu.memory_space<hbm>>) target(%dma_start3A_303 : memref<128x32xf32, #tpu.memory_space<vmem>>) offsets(%dma_start3A_306 : memref<128xi32, #tpu.memory_space<vmem>>) semaphore(%dma_start3A_311 : memref<!tpu.dma_semaphore, #tpu.memory_space<semaphore_mem>>)
      } else {
      }
      %ge3A_170 = arith.constant 6 : i32
      %ge3A_171 = arith.cmpi sge, %add3A_161, %ge3A_170 : i32
      %convert_element_type3A_172 = arith.extui %ge3A_171 : i1 to i32
      %cond3A_173 = arith.constant 0 : i32
      %cond3A_174 = arith.cmpi ne, %convert_element_type3A_172, %cond3A_173 : i32
      scf.if %cond3A_174 {
        %sub3A = arith.constant 6 : i32
        %sub3A_175 = arith.subi %add3A_161, %sub3A : i32
        %rem3A_176 = arith.constant 8 : i32
        %rem3A_177 = arith.remsi %sub3A_175, %rem3A_176 : i32
        %dma_wait3A_178 = arith.constant 0 : i32
        %dma_wait3A_179 = arith.constant 0 : i32
        %dma_wait3A_180 = tpu.memref_slice %arg6[%rem3A_177, %dma_wait3A_178, %dma_wait3A_179] : memref<8x128x32xf32, #tpu.memory_space<vmem>> -> memref<1x128x32xf32, #tpu.memory_space<vmem>>
        %dma_wait3A_181 = tpu.memref_squeeze %dma_wait3A_180 : memref<1x128x32xf32, #tpu.memory_space<vmem>> -> memref<128x32xf32, #tpu.memory_space<vmem>>
        %dma_wait3A_182 = arith.constant 0 : i32
        %dma_wait3A_183 = tpu.memref_slice %arg5[%rem3A_177, %dma_wait3A_182] : memref<8x128xi32, #tpu.memory_space<vmem>> -> memref<1x128xi32, #tpu.memory_space<vmem>>
        %dma_wait3A_184 = tpu.memref_squeeze %dma_wait3A_183 : memref<1x128xi32, #tpu.memory_space<vmem>> -> memref<128xi32, #tpu.memory_space<vmem>>
        %dma_wait3A_185 = arith.constant 0 : i32
        %dma_wait3A_186 = arith.constant 0 : i32
        %dma_wait3A_187 = tpu.memref_slice %arg2[%dma_wait3A_185, %dma_wait3A_186] : memref<100001x32xf32, #tpu.memory_space<hbm>> -> memref<100001x32xf32, #tpu.memory_space<hbm>>
        %dma_wait3A_188 = tpu.memref_slice %arg8[%rem3A_177] : memref<8x!tpu.dma_semaphore, #tpu.memory_space<semaphore_mem>> -> memref<1x!tpu.dma_semaphore, #tpu.memory_space<semaphore_mem>>
        %dma_wait3A_189 = tpu.memref_squeeze %dma_wait3A_188 : memref<1x!tpu.dma_semaphore, #tpu.memory_space<semaphore_mem>> -> memref<!tpu.dma_semaphore, #tpu.memory_space<semaphore_mem>>
        tpu.wait_indirect_dma semaphore(%dma_wait3A_189 : memref<!tpu.dma_semaphore, #tpu.memory_space<semaphore_mem>>) src(%dma_wait3A_187 : memref<100001x32xf32, #tpu.memory_space<hbm>>) dst(%dma_wait3A_181 : memref<128x32xf32, #tpu.memory_space<vmem>>)
        %sub3A_190 = arith.constant 6 : i32
        %sub3A_191 = arith.subi %add3A_161, %sub3A_190 : i32
        %rem3A_192 = arith.constant 8 : i32
        %rem3A_193 = arith.remsi %sub3A_191, %rem3A_192 : i32
        %mul3A_194 = arith.constant 128 : i32
        %mul3A_195 = arith.muli %sub3A_191, %mul3A_194 : i32
        %add3A_196 = arith.addi %mul3A_2, %mul3A_195 : i32
        %dma_start3A = arith.constant 0 : i32
        %dma_start3A_197 = arith.constant 0 : i32
        %dma_start3A_198 = tpu.memref_slice %arg6[%rem3A_193, %dma_start3A, %dma_start3A_197] : memref<8x128x32xf32, #tpu.memory_space<vmem>> -> memref<1x128x32xf32, #tpu.memory_space<vmem>>
        %dma_start3A_199 = tpu.memref_squeeze %dma_start3A_198 : memref<1x128x32xf32, #tpu.memory_space<vmem>> -> memref<128x32xf32, #tpu.memory_space<vmem>>
        %dma_start3A_200 = arith.constant 0 : i32
        %dma_start3A_201 = tpu.memref_slice %arg4[%add3A_196, %dma_start3A_200] : memref<868352x32xf32, #tpu.memory_space<hbm>> -> memref<128x32xf32, #tpu.memory_space<hbm>>
        %dma_start3A_202 = tpu.memref_slice %arg9[%rem3A_193] : memref<8x!tpu.dma_semaphore, #tpu.memory_space<semaphore_mem>> -> memref<1x!tpu.dma_semaphore, #tpu.memory_space<semaphore_mem>>
        %dma_start3A_203 = tpu.memref_squeeze %dma_start3A_202 : memref<1x!tpu.dma_semaphore, #tpu.memory_space<semaphore_mem>> -> memref<!tpu.dma_semaphore, #tpu.memory_space<semaphore_mem>>
        %dma_start3A_204 = arith.constant 0 : i32
        %dma_start3A_205 = tpu.memref_slice %arg4[%add3A_196, %dma_start3A_204] : memref<868352x32xf32, #tpu.memory_space<hbm>> -> memref<128x32xf32, #tpu.memory_space<hbm>>
        %dma_start3A_206 = arith.constant 0 : i32
        %dma_start3A_207 = arith.constant 0 : i32
        %dma_start3A_208 = tpu.memref_slice %arg6[%rem3A_193, %dma_start3A_206, %dma_start3A_207] : memref<8x128x32xf32, #tpu.memory_space<vmem>> -> memref<1x128x32xf32, #tpu.memory_space<vmem>>
        %dma_start3A_209 = tpu.memref_squeeze %dma_start3A_208 : memref<1x128x32xf32, #tpu.memory_space<vmem>> -> memref<128x32xf32, #tpu.memory_space<vmem>>
        tpu.enqueue_dma source(%dma_start3A_209 : memref<128x32xf32, #tpu.memory_space<vmem>>) target(%dma_start3A_205 : memref<128x32xf32, #tpu.memory_space<hbm>>) target_semaphore(%dma_start3A_203 : memref<!tpu.dma_semaphore, #tpu.memory_space<semaphore_mem>>)
      } else {
      }
    }
    %scan3A_6 = arith.constant 218 : i32
    %rem3A = arith.constant 204 : i32
    %rem3A_7 = arith.constant 8 : i32
    %rem3A_8 = arith.remsi %rem3A, %rem3A_7 : i32
    %add3A_9 = arith.constant 26112 : i32
    %add3A_10 = arith.addi %mul3A_2, %add3A_9 : i32
    %dma_wait3A = arith.constant 0 : i32
    %dma_wait3A_11 = arith.constant 0 : i32
    %dma_wait3A_12 = tpu.memref_slice %arg6[%rem3A_8, %dma_wait3A, %dma_wait3A_11] : memref<8x128x32xf32, #tpu.memory_space<vmem>> -> memref<1x128x32xf32, #tpu.memory_space<vmem>>
    %dma_wait3A_13 = tpu.memref_squeeze %dma_wait3A_12 : memref<1x128x32xf32, #tpu.memory_space<vmem>> -> memref<128x32xf32, #tpu.memory_space<vmem>>
    %dma_wait3A_14 = arith.constant 0 : i32
    %dma_wait3A_15 = tpu.memref_slice %arg4[%add3A_10, %dma_wait3A_14] : memref<868352x32xf32, #tpu.memory_space<hbm>> -> memref<128x32xf32, #tpu.memory_space<hbm>>
    %dma_wait3A_16 = tpu.memref_slice %arg9[%rem3A_8] : memref<8x!tpu.dma_semaphore, #tpu.memory_space<semaphore_mem>> -> memref<1x!tpu.dma_semaphore, #tpu.memory_space<semaphore_mem>>
    %dma_wait3A_17 = tpu.memref_squeeze %dma_wait3A_16 : memref<1x!tpu.dma_semaphore, #tpu.memory_space<semaphore_mem>> -> memref<!tpu.dma_semaphore, #tpu.memory_space<semaphore_mem>>
    %dma_wait3A_18 = arith.constant 0 : i32
    %dma_wait3A_19 = tpu.memref_slice %arg4[%add3A_10, %dma_wait3A_18] : memref<868352x32xf32, #tpu.memory_space<hbm>> -> memref<128x32xf32, #tpu.memory_space<hbm>>
    %dma_wait3A_20 = arith.constant 0 : i32
    %dma_wait3A_21 = arith.constant 0 : i32
    %dma_wait3A_22 = tpu.memref_slice %arg6[%rem3A_8, %dma_wait3A_20, %dma_wait3A_21] : memref<8x128x32xf32, #tpu.memory_space<vmem>> -> memref<1x128x32xf32, #tpu.memory_space<vmem>>
    %dma_wait3A_23 = tpu.memref_squeeze %dma_wait3A_22 : memref<1x128x32xf32, #tpu.memory_space<vmem>> -> memref<128x32xf32, #tpu.memory_space<vmem>>
    tpu.wait_dma2 semaphore(%dma_wait3A_17 : memref<!tpu.dma_semaphore, #tpu.memory_space<semaphore_mem>>) src(%dma_wait3A_23 : memref<128x32xf32, #tpu.memory_space<vmem>>) dst(%dma_wait3A_19 : memref<128x32xf32, #tpu.memory_space<hbm>>)
    %rem3A_24 = arith.constant 205 : i32
    %rem3A_25 = arith.constant 8 : i32
    %rem3A_26 = arith.remsi %rem3A_24, %rem3A_25 : i32
    %add3A_27 = arith.constant 26240 : i32
    %add3A_28 = arith.addi %mul3A_2, %add3A_27 : i32
    %dma_wait3A_29 = arith.constant 0 : i32
    %dma_wait3A_30 = arith.constant 0 : i32
    %dma_wait3A_31 = tpu.memref_slice %arg6[%rem3A_26, %dma_wait3A_29, %dma_wait3A_30] : memref<8x128x32xf32, #tpu.memory_space<vmem>> -> memref<1x128x32xf32, #tpu.memory_space<vmem>>
    %dma_wait3A_32 = tpu.memref_squeeze %dma_wait3A_31 : memref<1x128x32xf32, #tpu.memory_space<vmem>> -> memref<128x32xf32, #tpu.memory_space<vmem>>
    %dma_wait3A_33 = arith.constant 0 : i32
    %dma_wait3A_34 = tpu.memref_slice %arg4[%add3A_28, %dma_wait3A_33] : memref<868352x32xf32, #tpu.memory_space<hbm>> -> memref<128x32xf32, #tpu.memory_space<hbm>>
    %dma_wait3A_35 = tpu.memref_slice %arg9[%rem3A_26] : memref<8x!tpu.dma_semaphore, #tpu.memory_space<semaphore_mem>> -> memref<1x!tpu.dma_semaphore, #tpu.memory_space<semaphore_mem>>
    %dma_wait3A_36 = tpu.memref_squeeze %dma_wait3A_35 : memref<1x!tpu.dma_semaphore, #tpu.memory_space<semaphore_mem>> -> memref<!tpu.dma_semaphore, #tpu.memory_space<semaphore_mem>>
    %dma_wait3A_37 = arith.constant 0 : i32
    %dma_wait3A_38 = tpu.memref_slice %arg4[%add3A_28, %dma_wait3A_37] : memref<868352x32xf32, #tpu.memory_space<hbm>> -> memref<128x32xf32, #tpu.memory_space<hbm>>
    %dma_wait3A_39 = arith.constant 0 : i32
    %dma_wait3A_40 = arith.constant 0 : i32
    %dma_wait3A_41 = tpu.memref_slice %arg6[%rem3A_26, %dma_wait3A_39, %dma_wait3A_40] : memref<8x128x32xf32, #tpu.memory_space<vmem>> -> memref<1x128x32xf32, #tpu.memory_space<vmem>>
    %dma_wait3A_42 = tpu.memref_squeeze %dma_wait3A_41 : memref<1x128x32xf32, #tpu.memory_space<vmem>> -> memref<128x32xf32, #tpu.memory_space<vmem>>
    tpu.wait_dma2 semaphore(%dma_wait3A_36 : memref<!tpu.dma_semaphore, #tpu.memory_space<semaphore_mem>>) src(%dma_wait3A_42 : memref<128x32xf32, #tpu.memory_space<vmem>>) dst(%dma_wait3A_38 : memref<128x32xf32, #tpu.memory_space<hbm>>)
    %rem3A_43 = arith.constant 206 : i32
    %rem3A_44 = arith.constant 8 : i32
    %rem3A_45 = arith.remsi %rem3A_43, %rem3A_44 : i32
    %add3A_46 = arith.constant 26368 : i32
    %add3A_47 = arith.addi %mul3A_2, %add3A_46 : i32
    %dma_wait3A_48 = arith.constant 0 : i32
    %dma_wait3A_49 = arith.constant 0 : i32
    %dma_wait3A_50 = tpu.memref_slice %arg6[%rem3A_45, %dma_wait3A_48, %dma_wait3A_49] : memref<8x128x32xf32, #tpu.memory_space<vmem>> -> memref<1x128x32xf32, #tpu.memory_space<vmem>>
    %dma_wait3A_51 = tpu.memref_squeeze %dma_wait3A_50 : memref<1x128x32xf32, #tpu.memory_space<vmem>> -> memref<128x32xf32, #tpu.memory_space<vmem>>
    %dma_wait3A_52 = arith.constant 0 : i32
    %dma_wait3A_53 = tpu.memref_slice %arg4[%add3A_47, %dma_wait3A_52] : memref<868352x32xf32, #tpu.memory_space<hbm>> -> memref<128x32xf32, #tpu.memory_space<hbm>>
    %dma_wait3A_54 = tpu.memref_slice %arg9[%rem3A_45] : memref<8x!tpu.dma_semaphore, #tpu.memory_space<semaphore_mem>> -> memref<1x!tpu.dma_semaphore, #tpu.memory_space<semaphore_mem>>
    %dma_wait3A_55 = tpu.memref_squeeze %dma_wait3A_54 : memref<1x!tpu.dma_semaphore, #tpu.memory_space<semaphore_mem>> -> memref<!tpu.dma_semaphore, #tpu.memory_space<semaphore_mem>>
    %dma_wait3A_56 = arith.constant 0 : i32
    %dma_wait3A_57 = tpu.memref_slice %arg4[%add3A_47, %dma_wait3A_56] : memref<868352x32xf32, #tpu.memory_space<hbm>> -> memref<128x32xf32, #tpu.memory_space<hbm>>
    %dma_wait3A_58 = arith.constant 0 : i32
    %dma_wait3A_59 = arith.constant 0 : i32
    %dma_wait3A_60 = tpu.memref_slice %arg6[%rem3A_45, %dma_wait3A_58, %dma_wait3A_59] : memref<8x128x32xf32, #tpu.memory_space<vmem>> -> memref<1x128x32xf32, #tpu.memory_space<vmem>>
    %dma_wait3A_61 = tpu.memref_squeeze %dma_wait3A_60 : memref<1x128x32xf32, #tpu.memory_space<vmem>> -> memref<128x32xf32, #tpu.memory_space<vmem>>
    tpu.wait_dma2 semaphore(%dma_wait3A_55 : memref<!tpu.dma_semaphore, #tpu.memory_space<semaphore_mem>>) src(%dma_wait3A_61 : memref<128x32xf32, #tpu.memory_space<vmem>>) dst(%dma_wait3A_57 : memref<128x32xf32, #tpu.memory_space<hbm>>)
    %rem3A_62 = arith.constant 207 : i32
    %rem3A_63 = arith.constant 8 : i32
    %rem3A_64 = arith.remsi %rem3A_62, %rem3A_63 : i32
    %add3A_65 = arith.constant 26496 : i32
    %add3A_66 = arith.addi %mul3A_2, %add3A_65 : i32
    %dma_wait3A_67 = arith.constant 0 : i32
    %dma_wait3A_68 = arith.constant 0 : i32
    %dma_wait3A_69 = tpu.memref_slice %arg6[%rem3A_64, %dma_wait3A_67, %dma_wait3A_68] : memref<8x128x32xf32, #tpu.memory_space<vmem>> -> memref<1x128x32xf32, #tpu.memory_space<vmem>>
    %dma_wait3A_70 = tpu.memref_squeeze %dma_wait3A_69 : memref<1x128x32xf32, #tpu.memory_space<vmem>> -> memref<128x32xf32, #tpu.memory_space<vmem>>
    %dma_wait3A_71 = arith.constant 0 : i32
    %dma_wait3A_72 = tpu.memref_slice %arg4[%add3A_66, %dma_wait3A_71] : memref<868352x32xf32, #tpu.memory_space<hbm>> -> memref<128x32xf32, #tpu.memory_space<hbm>>
    %dma_wait3A_73 = tpu.memref_slice %arg9[%rem3A_64] : memref<8x!tpu.dma_semaphore, #tpu.memory_space<semaphore_mem>> -> memref<1x!tpu.dma_semaphore, #tpu.memory_space<semaphore_mem>>
    %dma_wait3A_74 = tpu.memref_squeeze %dma_wait3A_73 : memref<1x!tpu.dma_semaphore, #tpu.memory_space<semaphore_mem>> -> memref<!tpu.dma_semaphore, #tpu.memory_space<semaphore_mem>>
    %dma_wait3A_75 = arith.constant 0 : i32
    %dma_wait3A_76 = tpu.memref_slice %arg4[%add3A_66, %dma_wait3A_75] : memref<868352x32xf32, #tpu.memory_space<hbm>> -> memref<128x32xf32, #tpu.memory_space<hbm>>
    %dma_wait3A_77 = arith.constant 0 : i32
    %dma_wait3A_78 = arith.constant 0 : i32
    %dma_wait3A_79 = tpu.memref_slice %arg6[%rem3A_64, %dma_wait3A_77, %dma_wait3A_78] : memref<8x128x32xf32, #tpu.memory_space<vmem>> -> memref<1x128x32xf32, #tpu.memory_space<vmem>>
    %dma_wait3A_80 = tpu.memref_squeeze %dma_wait3A_79 : memref<1x128x32xf32, #tpu.memory_space<vmem>> -> memref<128x32xf32, #tpu.memory_space<vmem>>
    tpu.wait_dma2 semaphore(%dma_wait3A_74 : memref<!tpu.dma_semaphore, #tpu.memory_space<semaphore_mem>>) src(%dma_wait3A_80 : memref<128x32xf32, #tpu.memory_space<vmem>>) dst(%dma_wait3A_76 : memref<128x32xf32, #tpu.memory_space<hbm>>)
    %rem3A_81 = arith.constant 208 : i32
    %rem3A_82 = arith.constant 8 : i32
    %rem3A_83 = arith.remsi %rem3A_81, %rem3A_82 : i32
    %add3A_84 = arith.constant 26624 : i32
    %add3A_85 = arith.addi %mul3A_2, %add3A_84 : i32
    %dma_wait3A_86 = arith.constant 0 : i32
    %dma_wait3A_87 = arith.constant 0 : i32
    %dma_wait3A_88 = tpu.memref_slice %arg6[%rem3A_83, %dma_wait3A_86, %dma_wait3A_87] : memref<8x128x32xf32, #tpu.memory_space<vmem>> -> memref<1x128x32xf32, #tpu.memory_space<vmem>>
    %dma_wait3A_89 = tpu.memref_squeeze %dma_wait3A_88 : memref<1x128x32xf32, #tpu.memory_space<vmem>> -> memref<128x32xf32, #tpu.memory_space<vmem>>
    %dma_wait3A_90 = arith.constant 0 : i32
    %dma_wait3A_91 = tpu.memref_slice %arg4[%add3A_85, %dma_wait3A_90] : memref<868352x32xf32, #tpu.memory_space<hbm>> -> memref<128x32xf32, #tpu.memory_space<hbm>>
    %dma_wait3A_92 = tpu.memref_slice %arg9[%rem3A_83] : memref<8x!tpu.dma_semaphore, #tpu.memory_space<semaphore_mem>> -> memref<1x!tpu.dma_semaphore, #tpu.memory_space<semaphore_mem>>
    %dma_wait3A_93 = tpu.memref_squeeze %dma_wait3A_92 : memref<1x!tpu.dma_semaphore, #tpu.memory_space<semaphore_mem>> -> memref<!tpu.dma_semaphore, #tpu.memory_space<semaphore_mem>>
    %dma_wait3A_94 = arith.constant 0 : i32
    %dma_wait3A_95 = tpu.memref_slice %arg4[%add3A_85, %dma_wait3A_94] : memref<868352x32xf32, #tpu.memory_space<hbm>> -> memref<128x32xf32, #tpu.memory_space<hbm>>
    %dma_wait3A_96 = arith.constant 0 : i32
    %dma_wait3A_97 = arith.constant 0 : i32
    %dma_wait3A_98 = tpu.memref_slice %arg6[%rem3A_83, %dma_wait3A_96, %dma_wait3A_97] : memref<8x128x32xf32, #tpu.memory_space<vmem>> -> memref<1x128x32xf32, #tpu.memory_space<vmem>>
    %dma_wait3A_99 = tpu.memref_squeeze %dma_wait3A_98 : memref<1x128x32xf32, #tpu.memory_space<vmem>> -> memref<128x32xf32, #tpu.memory_space<vmem>>
    tpu.wait_dma2 semaphore(%dma_wait3A_93 : memref<!tpu.dma_semaphore, #tpu.memory_space<semaphore_mem>>) src(%dma_wait3A_99 : memref<128x32xf32, #tpu.memory_space<vmem>>) dst(%dma_wait3A_95 : memref<128x32xf32, #tpu.memory_space<hbm>>)
    %rem3A_100 = arith.constant 209 : i32
    %rem3A_101 = arith.constant 8 : i32
    %rem3A_102 = arith.remsi %rem3A_100, %rem3A_101 : i32
    %add3A_103 = arith.constant 26752 : i32
    %add3A_104 = arith.addi %mul3A_2, %add3A_103 : i32
    %dma_wait3A_105 = arith.constant 0 : i32
    %dma_wait3A_106 = arith.constant 0 : i32
    %dma_wait3A_107 = tpu.memref_slice %arg6[%rem3A_102, %dma_wait3A_105, %dma_wait3A_106] : memref<8x128x32xf32, #tpu.memory_space<vmem>> -> memref<1x128x32xf32, #tpu.memory_space<vmem>>
    %dma_wait3A_108 = tpu.memref_squeeze %dma_wait3A_107 : memref<1x128x32xf32, #tpu.memory_space<vmem>> -> memref<128x32xf32, #tpu.memory_space<vmem>>
    %dma_wait3A_109 = arith.constant 0 : i32
    %dma_wait3A_110 = tpu.memref_slice %arg4[%add3A_104, %dma_wait3A_109] : memref<868352x32xf32, #tpu.memory_space<hbm>> -> memref<128x32xf32, #tpu.memory_space<hbm>>
    %dma_wait3A_111 = tpu.memref_slice %arg9[%rem3A_102] : memref<8x!tpu.dma_semaphore, #tpu.memory_space<semaphore_mem>> -> memref<1x!tpu.dma_semaphore, #tpu.memory_space<semaphore_mem>>
    %dma_wait3A_112 = tpu.memref_squeeze %dma_wait3A_111 : memref<1x!tpu.dma_semaphore, #tpu.memory_space<semaphore_mem>> -> memref<!tpu.dma_semaphore, #tpu.memory_space<semaphore_mem>>
    %dma_wait3A_113 = arith.constant 0 : i32
    %dma_wait3A_114 = tpu.memref_slice %arg4[%add3A_104, %dma_wait3A_113] : memref<868352x32xf32, #tpu.memory_space<hbm>> -> memref<128x32xf32, #tpu.memory_space<hbm>>
    %dma_wait3A_115 = arith.constant 0 : i32
    %dma_wait3A_116 = arith.constant 0 : i32
    %dma_wait3A_117 = tpu.memref_slice %arg6[%rem3A_102, %dma_wait3A_115, %dma_wait3A_116] : memref<8x128x32xf32, #tpu.memory_space<vmem>> -> memref<1x128x32xf32, #tpu.memory_space<vmem>>
    %dma_wait3A_118 = tpu.memref_squeeze %dma_wait3A_117 : memref<1x128x32xf32, #tpu.memory_space<vmem>> -> memref<128x32xf32, #tpu.memory_space<vmem>>
    tpu.wait_dma2 semaphore(%dma_wait3A_112 : memref<!tpu.dma_semaphore, #tpu.memory_space<semaphore_mem>>) src(%dma_wait3A_118 : memref<128x32xf32, #tpu.memory_space<vmem>>) dst(%dma_wait3A_114 : memref<128x32xf32, #tpu.memory_space<hbm>>)
    %rem3A_119 = arith.constant 210 : i32
    %rem3A_120 = arith.constant 8 : i32
    %rem3A_121 = arith.remsi %rem3A_119, %rem3A_120 : i32
    %add3A_122 = arith.constant 26880 : i32
    %add3A_123 = arith.addi %mul3A_2, %add3A_122 : i32
    %dma_wait3A_124 = arith.constant 0 : i32
    %dma_wait3A_125 = arith.constant 0 : i32
    %dma_wait3A_126 = tpu.memref_slice %arg6[%rem3A_121, %dma_wait3A_124, %dma_wait3A_125] : memref<8x128x32xf32, #tpu.memory_space<vmem>> -> memref<1x128x32xf32, #tpu.memory_space<vmem>>
    %dma_wait3A_127 = tpu.memref_squeeze %dma_wait3A_126 : memref<1x128x32xf32, #tpu.memory_space<vmem>> -> memref<128x32xf32, #tpu.memory_space<vmem>>
    %dma_wait3A_128 = arith.constant 0 : i32
    %dma_wait3A_129 = tpu.memref_slice %arg4[%add3A_123, %dma_wait3A_128] : memref<868352x32xf32, #tpu.memory_space<hbm>> -> memref<128x32xf32, #tpu.memory_space<hbm>>
    %dma_wait3A_130 = tpu.memref_slice %arg9[%rem3A_121] : memref<8x!tpu.dma_semaphore, #tpu.memory_space<semaphore_mem>> -> memref<1x!tpu.dma_semaphore, #tpu.memory_space<semaphore_mem>>
    %dma_wait3A_131 = tpu.memref_squeeze %dma_wait3A_130 : memref<1x!tpu.dma_semaphore, #tpu.memory_space<semaphore_mem>> -> memref<!tpu.dma_semaphore, #tpu.memory_space<semaphore_mem>>
    %dma_wait3A_132 = arith.constant 0 : i32
    %dma_wait3A_133 = tpu.memref_slice %arg4[%add3A_123, %dma_wait3A_132] : memref<868352x32xf32, #tpu.memory_space<hbm>> -> memref<128x32xf32, #tpu.memory_space<hbm>>
    %dma_wait3A_134 = arith.constant 0 : i32
    %dma_wait3A_135 = arith.constant 0 : i32
    %dma_wait3A_136 = tpu.memref_slice %arg6[%rem3A_121, %dma_wait3A_134, %dma_wait3A_135] : memref<8x128x32xf32, #tpu.memory_space<vmem>> -> memref<1x128x32xf32, #tpu.memory_space<vmem>>
    %dma_wait3A_137 = tpu.memref_squeeze %dma_wait3A_136 : memref<1x128x32xf32, #tpu.memory_space<vmem>> -> memref<128x32xf32, #tpu.memory_space<vmem>>
    tpu.wait_dma2 semaphore(%dma_wait3A_131 : memref<!tpu.dma_semaphore, #tpu.memory_space<semaphore_mem>>) src(%dma_wait3A_137 : memref<128x32xf32, #tpu.memory_space<vmem>>) dst(%dma_wait3A_133 : memref<128x32xf32, #tpu.memory_space<hbm>>)
    %rem3A_138 = arith.constant 211 : i32
    %rem3A_139 = arith.constant 8 : i32
    %rem3A_140 = arith.remsi %rem3A_138, %rem3A_139 : i32
    %add3A_141 = arith.constant 27008 : i32
    %add3A_142 = arith.addi %mul3A_2, %add3A_141 : i32
    %dma_wait3A_143 = arith.constant 0 : i32
    %dma_wait3A_144 = arith.constant 0 : i32
    %dma_wait3A_145 = tpu.memref_slice %arg6[%rem3A_140, %dma_wait3A_143, %dma_wait3A_144] : memref<8x128x32xf32, #tpu.memory_space<vmem>> -> memref<1x128x32xf32, #tpu.memory_space<vmem>>
    %dma_wait3A_146 = tpu.memref_squeeze %dma_wait3A_145 : memref<1x128x32xf32, #tpu.memory_space<vmem>> -> memref<128x32xf32, #tpu.memory_space<vmem>>
    %dma_wait3A_147 = arith.constant 0 : i32
    %dma_wait3A_148 = tpu.memref_slice %arg4[%add3A_142, %dma_wait3A_147] : memref<868352x32xf32, #tpu.memory_space<hbm>> -> memref<128x32xf32, #tpu.memory_space<hbm>>
    %dma_wait3A_149 = tpu.memref_slice %arg9[%rem3A_140] : memref<8x!tpu.dma_semaphore, #tpu.memory_space<semaphore_mem>> -> memref<1x!tpu.dma_semaphore, #tpu.memory_space<semaphore_mem>>
    %dma_wait3A_150 = tpu.memref_squeeze %dma_wait3A_149 : memref<1x!tpu.dma_semaphore, #tpu.memory_space<semaphore_mem>> -> memref<!tpu.dma_semaphore, #tpu.memory_space<semaphore_mem>>
    %dma_wait3A_151 = arith.constant 0 : i32
    %dma_wait3A_152 = tpu.memref_slice %arg4[%add3A_142, %dma_wait3A_151] : memref<868352x32xf32, #tpu.memory_space<hbm>> -> memref<128x32xf32, #tpu.memory_space<hbm>>
    %dma_wait3A_153 = arith.constant 0 : i32
    %dma_wait3A_154 = arith.constant 0 : i32
    %dma_wait3A_155 = tpu.memref_slice %arg6[%rem3A_140, %dma_wait3A_153, %dma_wait3A_154] : memref<8x128x32xf32, #tpu.memory_space<vmem>> -> memref<1x128x32xf32, #tpu.memory_space<vmem>>
    %dma_wait3A_156 = tpu.memref_squeeze %dma_wait3A_155 : memref<1x128x32xf32, #tpu.memory_space<vmem>> -> memref<128x32xf32, #tpu.memory_space<vmem>>
    tpu.wait_dma2 semaphore(%dma_wait3A_150 : memref<!tpu.dma_semaphore, #tpu.memory_space<semaphore_mem>>) src(%dma_wait3A_156 : memref<128x32xf32, #tpu.memory_space<vmem>>) dst(%dma_wait3A_152 : memref<128x32xf32, #tpu.memory_space<hbm>>)
    return
  }
}

#map = affine_map<(d0, d1) -> (0, 0)>
#map1 = affine_map<(d0, d1) -> (0)>
module attributes {stable_mosaic.version = 14 : i64} {
  func.func @gk(%arg0: i32, %arg1: i32, %arg2: memref<32068x32xf32, #tpu.memory_space<hbm>>, %arg3: memref<868352xi32, #tpu.memory_space<hbm>>, %arg4: memref<868352x32xf32, #tpu.memory_space<hbm>>, %arg5: memref<8x128xi32, #tpu.memory_space<vmem>>, %arg6: memref<8x128x32xf32, #tpu.memory_space<vmem>>, %arg7: memref<8x!tpu.dma_semaphore, #tpu.memory_space<semaphore_mem>>, %arg8: memref<8x!tpu.dma_semaphore, #tpu.memory_space<semaphore_mem>>, %arg9: memref<8x!tpu.dma_semaphore, #tpu.memory_space<semaphore_mem>>) attributes {dimension_semantics = [#tpu.dimension_semantics<core_parallel>, #tpu.dimension_semantics<subcore_parallel>], iteration_bounds = array<i64: 2, 16>, scalar_prefetch = 0 : i64, scratch_operands = 5 : i64, tpu.core_type = #tpu.core_type<sc_vector_subcore>, window_params = [{transform_indices = #map}, {transform_indices = #map1}, {transform_indices = #map}]} {
    %mul3A = arith.constant 2 : i32
    %mul3A_0 = arith.muli %arg1, %mul3A : i32
    %add3A = arith.addi %mul3A_0, %arg0 : i32
    %mul3A_1 = arith.constant 27136 : i32
    %mul3A_2 = arith.muli %add3A, %mul3A_1 : i32
    %scan3A = arith.constant 0 : i32
    %scan3A_3 = arith.constant 218 : i32
    %scan3A_4 = arith.addi %scan3A, %scan3A_3 : i32
    %scan3A_5 = arith.constant 1 : i32
    scf.for %scan3A_157 = %scan3A to %scan3A_4 step %scan3A_5  : i32 {
      %mul3A_158 = arith.constant 1 : i32
      %mul3A_159 = arith.muli %scan3A_157, %mul3A_158 : i32
      %add3A_160 = arith.constant 0 : i32
      %add3A_161 = arith.addi %add3A_160, %mul3A_159 : i32
      %lt3A = arith.constant 212 : i32
      %lt3A_162 = arith.cmpi slt, %add3A_161, %lt3A : i32
      %convert_element_type3A = arith.extui %lt3A_162 : i1 to i32
      %cond3A = arith.constant 0 : i32
      %cond3A_163 = arith.cmpi ne, %convert_element_type3A, %cond3A : i32
      scf.if %cond3A_163 {
        %ge3A_175 = arith.constant 8 : i32
        %ge3A_176 = arith.cmpi sge, %add3A_161, %ge3A_175 : i32
        %convert_element_type3A_177 = arith.extui %ge3A_176 : i1 to i32
        %cond3A_178 = arith.constant 0 : i32
        %cond3A_179 = arith.cmpi ne, %convert_element_type3A_177, %cond3A_178 : i32
        scf.if %cond3A_179 {
          %sub3A = arith.constant 8 : i32
          %sub3A_194 = arith.subi %add3A_161, %sub3A : i32
          %rem3A_195 = arith.constant 8 : i32
          %rem3A_196 = arith.remsi %sub3A_194, %rem3A_195 : i32
          %mul3A_197 = arith.constant 128 : i32
          %mul3A_198 = arith.muli %sub3A_194, %mul3A_197 : i32
          %add3A_199 = arith.addi %mul3A_2, %mul3A_198 : i32
          %dma_wait3A_200 = arith.constant 0 : i32
          %dma_wait3A_201 = arith.constant 0 : i32
          %dma_wait3A_202 = tpu.memref_slice %arg6[%rem3A_196, %dma_wait3A_200, %dma_wait3A_201] : memref<8x128x32xf32, #tpu.memory_space<vmem>> -> memref<1x128x32xf32, #tpu.memory_space<vmem>>
          %dma_wait3A_203 = tpu.memref_squeeze %dma_wait3A_202 : memref<1x128x32xf32, #tpu.memory_space<vmem>> -> memref<128x32xf32, #tpu.memory_space<vmem>>
          %dma_wait3A_204 = arith.constant 0 : i32
          %dma_wait3A_205 = tpu.memref_slice %arg4[%add3A_199, %dma_wait3A_204] : memref<868352x32xf32, #tpu.memory_space<hbm>> -> memref<128x32xf32, #tpu.memory_space<hbm>>
          %dma_wait3A_206 = tpu.memref_slice %arg9[%rem3A_196] : memref<8x!tpu.dma_semaphore, #tpu.memory_space<semaphore_mem>> -> memref<1x!tpu.dma_semaphore, #tpu.memory_space<semaphore_mem>>
          %dma_wait3A_207 = tpu.memref_squeeze %dma_wait3A_206 : memref<1x!tpu.dma_semaphore, #tpu.memory_space<semaphore_mem>> -> memref<!tpu.dma_semaphore, #tpu.memory_space<semaphore_mem>>
          %dma_wait3A_208 = arith.constant 0 : i32
          %dma_wait3A_209 = tpu.memref_slice %arg4[%add3A_199, %dma_wait3A_208] : memref<868352x32xf32, #tpu.memory_space<hbm>> -> memref<128x32xf32, #tpu.memory_space<hbm>>
          %dma_wait3A_210 = arith.constant 0 : i32
          %dma_wait3A_211 = arith.constant 0 : i32
          %dma_wait3A_212 = tpu.memref_slice %arg6[%rem3A_196, %dma_wait3A_210, %dma_wait3A_211] : memref<8x128x32xf32, #tpu.memory_space<vmem>> -> memref<1x128x32xf32, #tpu.memory_space<vmem>>
          %dma_wait3A_213 = tpu.memref_squeeze %dma_wait3A_212 : memref<1x128x32xf32, #tpu.memory_space<vmem>> -> memref<128x32xf32, #tpu.memory_space<vmem>>
          tpu.wait_dma2 semaphore(%dma_wait3A_207 : memref<!tpu.dma_semaphore, #tpu.memory_space<semaphore_mem>>) src(%dma_wait3A_213 : memref<128x32xf32, #tpu.memory_space<vmem>>) dst(%dma_wait3A_209 : memref<128x32xf32, #tpu.memory_space<hbm>>)
        } else {
        }
        %rem3A_180 = arith.constant 8 : i32
        %rem3A_181 = arith.remsi %add3A_161, %rem3A_180 : i32
        %mul3A_182 = arith.constant 128 : i32
        %mul3A_183 = arith.muli %add3A_161, %mul3A_182 : i32
        %add3A_184 = arith.addi %mul3A_2, %mul3A_183 : i32
        %dma_start3A = arith.constant 0 : i32
        %dma_start3A_185 = tpu.memref_slice %arg5[%rem3A_181, %dma_start3A] : memref<8x128xi32, #tpu.memory_space<vmem>> -> memref<1x128xi32, #tpu.memory_space<vmem>>
        %dma_start3A_186 = tpu.memref_squeeze %dma_start3A_185 : memref<1x128xi32, #tpu.memory_space<vmem>> -> memref<128xi32, #tpu.memory_space<vmem>>
        %dma_start3A_187 = tpu.memref_slice %arg3[%add3A_184] : memref<868352xi32, #tpu.memory_space<hbm>> -> memref<128xi32, #tpu.memory_space<hbm>>
        %dma_start3A_188 = tpu.memref_slice %arg7[%rem3A_181] : memref<8x!tpu.dma_semaphore, #tpu.memory_space<semaphore_mem>> -> memref<1x!tpu.dma_semaphore, #tpu.memory_space<semaphore_mem>>
        %dma_start3A_189 = tpu.memref_squeeze %dma_start3A_188 : memref<1x!tpu.dma_semaphore, #tpu.memory_space<semaphore_mem>> -> memref<!tpu.dma_semaphore, #tpu.memory_space<semaphore_mem>>
        %dma_start3A_190 = arith.constant 0 : i32
        %dma_start3A_191 = tpu.memref_slice %arg5[%rem3A_181, %dma_start3A_190] : memref<8x128xi32, #tpu.memory_space<vmem>> -> memref<1x128xi32, #tpu.memory_space<vmem>>
        %dma_start3A_192 = tpu.memref_squeeze %dma_start3A_191 : memref<1x128xi32, #tpu.memory_space<vmem>> -> memref<128xi32, #tpu.memory_space<vmem>>
        %dma_start3A_193 = tpu.memref_slice %arg3[%add3A_184] : memref<868352xi32, #tpu.memory_space<hbm>> -> memref<128xi32, #tpu.memory_space<hbm>>
        tpu.enqueue_dma source(%dma_start3A_193 : memref<128xi32, #tpu.memory_space<hbm>>) target(%dma_start3A_192 : memref<128xi32, #tpu.memory_space<vmem>>) target_semaphore(%dma_start3A_189 : memref<!tpu.dma_semaphore, #tpu.memory_space<semaphore_mem>>)
      } else {
      }
      %ge3A = arith.constant 1 : i32
      %ge3A_164 = arith.cmpi sge, %add3A_161, %ge3A : i32
      %lt3A_165 = arith.constant 213 : i32
      %lt3A_166 = arith.cmpi slt, %add3A_161, %lt3A_165 : i32
      %and3A = arith.andi %ge3A_164, %lt3A_166 : i1
      %convert_element_type3A_167 = arith.extui %and3A : i1 to i32
      %cond3A_168 = arith.constant 0 : i32
      %cond3A_169 = arith.cmpi ne, %convert_element_type3A_167, %cond3A_168 : i32
      scf.if %cond3A_169 {
        %sub3A = arith.constant 1 : i32
        %sub3A_175 = arith.subi %add3A_161, %sub3A : i32
        %rem3A_176 = arith.constant 8 : i32
        %rem3A_177 = arith.remsi %sub3A_175, %rem3A_176 : i32
        %mul3A_178 = arith.constant 128 : i32
        %mul3A_179 = arith.muli %sub3A_175, %mul3A_178 : i32
        %add3A_180 = arith.addi %mul3A_2, %mul3A_179 : i32
        %dma_wait3A_181 = arith.constant 0 : i32
        %dma_wait3A_182 = tpu.memref_slice %arg5[%rem3A_177, %dma_wait3A_181] : memref<8x128xi32, #tpu.memory_space<vmem>> -> memref<1x128xi32, #tpu.memory_space<vmem>>
        %dma_wait3A_183 = tpu.memref_squeeze %dma_wait3A_182 : memref<1x128xi32, #tpu.memory_space<vmem>> -> memref<128xi32, #tpu.memory_space<vmem>>
        %dma_wait3A_184 = tpu.memref_slice %arg3[%add3A_180] : memref<868352xi32, #tpu.memory_space<hbm>> -> memref<128xi32, #tpu.memory_space<hbm>>
        %dma_wait3A_185 = tpu.memref_slice %arg7[%rem3A_177] : memref<8x!tpu.dma_semaphore, #tpu.memory_space<semaphore_mem>> -> memref<1x!tpu.dma_semaphore, #tpu.memory_space<semaphore_mem>>
        %dma_wait3A_186 = tpu.memref_squeeze %dma_wait3A_185 : memref<1x!tpu.dma_semaphore, #tpu.memory_space<semaphore_mem>> -> memref<!tpu.dma_semaphore, #tpu.memory_space<semaphore_mem>>
        %dma_wait3A_187 = arith.constant 0 : i32
        %dma_wait3A_188 = tpu.memref_slice %arg5[%rem3A_177, %dma_wait3A_187] : memref<8x128xi32, #tpu.memory_space<vmem>> -> memref<1x128xi32, #tpu.memory_space<vmem>>
        %dma_wait3A_189 = tpu.memref_squeeze %dma_wait3A_188 : memref<1x128xi32, #tpu.memory_space<vmem>> -> memref<128xi32, #tpu.memory_space<vmem>>
        %dma_wait3A_190 = tpu.memref_slice %arg3[%add3A_180] : memref<868352xi32, #tpu.memory_space<hbm>> -> memref<128xi32, #tpu.memory_space<hbm>>
        tpu.wait_dma2 semaphore(%dma_wait3A_186 : memref<!tpu.dma_semaphore, #tpu.memory_space<semaphore_mem>>) src(%dma_wait3A_190 : memref<128xi32, #tpu.memory_space<hbm>>) dst(%dma_wait3A_189 : memref<128xi32, #tpu.memory_space<vmem>>)
        %sub3A_191 = arith.constant 1 : i32
        %sub3A_192 = arith.subi %add3A_161, %sub3A_191 : i32
        %rem3A_193 = arith.constant 8 : i32
        %rem3A_194 = arith.remsi %sub3A_192, %rem3A_193 : i32
        %get3A = arith.constant 0 : i32
        %get3A_195 = tpu.memref_slice %arg5[%rem3A_194, %get3A] : memref<8x128xi32, #tpu.memory_space<vmem>> -> memref<1x128xi32, #tpu.memory_space<vmem>>
        %get3A_196 = tpu.memref_squeeze %get3A_195 : memref<1x128xi32, #tpu.memory_space<vmem>> -> memref<128xi32, #tpu.memory_space<vmem>>
        %get3A_197 = arith.constant 0 : index
        %get3A_198 = tpu.vector_load %get3A_196[%get3A_197] {strides = array<i32>} : memref<128xi32, #tpu.memory_space<vmem>>, vector<16xi32>,
        %add3A_199 = arith.constant 1 : i32
        %add3A_200 = vector.broadcast %add3A_199 : i32 to vector<16xi32>
        %add3A_201 = arith.addi %get3A_198, %add3A_200 : vector<16xi32>
        %swap3A = arith.constant 0 : i32
        %swap3A_202 = tpu.memref_slice %arg5[%rem3A_194, %swap3A] : memref<8x128xi32, #tpu.memory_space<vmem>> -> memref<1x128xi32, #tpu.memory_space<vmem>>
        %swap3A_203 = tpu.memref_squeeze %swap3A_202 : memref<1x128xi32, #tpu.memory_space<vmem>> -> memref<128xi32, #tpu.memory_space<vmem>>
        %swap3A_204 = arith.constant 0 : index
        %swap3A_205 = tpu.vector_load %swap3A_203[%swap3A_204] {strides = array<i32>} : memref<128xi32, #tpu.memory_space<vmem>>, vector<16xi32>,
        tpu.vector_store %swap3A_203[%swap3A_204], %add3A_201 {strides = array<i32>} : memref<128xi32, #tpu.memory_space<vmem>>, vector<16xi32>,
        %get3A_206 = arith.constant 0 : i32
        %get3A_207 = tpu.memref_slice %arg5[%rem3A_194, %get3A_206] : memref<8x128xi32, #tpu.memory_space<vmem>> -> memref<1x128xi32, #tpu.memory_space<vmem>>
        %get3A_208 = tpu.memref_squeeze %get3A_207 : memref<1x128xi32, #tpu.memory_space<vmem>> -> memref<128xi32, #tpu.memory_space<vmem>>
        %get3A_209 = arith.constant 16 : index
        %get3A_210 = tpu.vector_load %get3A_208[%get3A_209] {strides = array<i32>} : memref<128xi32, #tpu.memory_space<vmem>>, vector<16xi32>,
        %add3A_211 = arith.constant 1 : i32
        %add3A_212 = vector.broadcast %add3A_211 : i32 to vector<16xi32>
        %add3A_213 = arith.addi %get3A_210, %add3A_212 : vector<16xi32>
        %swap3A_214 = arith.constant 0 : i32
        %swap3A_215 = tpu.memref_slice %arg5[%rem3A_194, %swap3A_214] : memref<8x128xi32, #tpu.memory_space<vmem>> -> memref<1x128xi32, #tpu.memory_space<vmem>>
        %swap3A_216 = tpu.memref_squeeze %swap3A_215 : memref<1x128xi32, #tpu.memory_space<vmem>> -> memref<128xi32, #tpu.memory_space<vmem>>
        %swap3A_217 = arith.constant 16 : index
        %swap3A_218 = tpu.vector_load %swap3A_216[%swap3A_217] {strides = array<i32>} : memref<128xi32, #tpu.memory_space<vmem>>, vector<16xi32>,
        tpu.vector_store %swap3A_216[%swap3A_217], %add3A_213 {strides = array<i32>} : memref<128xi32, #tpu.memory_space<vmem>>, vector<16xi32>,
        %get3A_219 = arith.constant 0 : i32
        %get3A_220 = tpu.memref_slice %arg5[%rem3A_194, %get3A_219] : memref<8x128xi32, #tpu.memory_space<vmem>> -> memref<1x128xi32, #tpu.memory_space<vmem>>
        %get3A_221 = tpu.memref_squeeze %get3A_220 : memref<1x128xi32, #tpu.memory_space<vmem>> -> memref<128xi32, #tpu.memory_space<vmem>>
        %get3A_222 = arith.constant 32 : index
        %get3A_223 = tpu.vector_load %get3A_221[%get3A_222] {strides = array<i32>} : memref<128xi32, #tpu.memory_space<vmem>>, vector<16xi32>,
        %add3A_224 = arith.constant 1 : i32
        %add3A_225 = vector.broadcast %add3A_224 : i32 to vector<16xi32>
        %add3A_226 = arith.addi %get3A_223, %add3A_225 : vector<16xi32>
        %swap3A_227 = arith.constant 0 : i32
        %swap3A_228 = tpu.memref_slice %arg5[%rem3A_194, %swap3A_227] : memref<8x128xi32, #tpu.memory_space<vmem>> -> memref<1x128xi32, #tpu.memory_space<vmem>>
        %swap3A_229 = tpu.memref_squeeze %swap3A_228 : memref<1x128xi32, #tpu.memory_space<vmem>> -> memref<128xi32, #tpu.memory_space<vmem>>
        %swap3A_230 = arith.constant 32 : index
        %swap3A_231 = tpu.vector_load %swap3A_229[%swap3A_230] {strides = array<i32>} : memref<128xi32, #tpu.memory_space<vmem>>, vector<16xi32>,
        tpu.vector_store %swap3A_229[%swap3A_230], %add3A_226 {strides = array<i32>} : memref<128xi32, #tpu.memory_space<vmem>>, vector<16xi32>,
        %get3A_232 = arith.constant 0 : i32
        %get3A_233 = tpu.memref_slice %arg5[%rem3A_194, %get3A_232] : memref<8x128xi32, #tpu.memory_space<vmem>> -> memref<1x128xi32, #tpu.memory_space<vmem>>
        %get3A_234 = tpu.memref_squeeze %get3A_233 : memref<1x128xi32, #tpu.memory_space<vmem>> -> memref<128xi32, #tpu.memory_space<vmem>>
        %get3A_235 = arith.constant 48 : index
        %get3A_236 = tpu.vector_load %get3A_234[%get3A_235] {strides = array<i32>} : memref<128xi32, #tpu.memory_space<vmem>>, vector<16xi32>,
        %add3A_237 = arith.constant 1 : i32
        %add3A_238 = vector.broadcast %add3A_237 : i32 to vector<16xi32>
        %add3A_239 = arith.addi %get3A_236, %add3A_238 : vector<16xi32>
        %swap3A_240 = arith.constant 0 : i32
        %swap3A_241 = tpu.memref_slice %arg5[%rem3A_194, %swap3A_240] : memref<8x128xi32, #tpu.memory_space<vmem>> -> memref<1x128xi32, #tpu.memory_space<vmem>>
        %swap3A_242 = tpu.memref_squeeze %swap3A_241 : memref<1x128xi32, #tpu.memory_space<vmem>> -> memref<128xi32, #tpu.memory_space<vmem>>
        %swap3A_243 = arith.constant 48 : index
        %swap3A_244 = tpu.vector_load %swap3A_242[%swap3A_243] {strides = array<i32>} : memref<128xi32, #tpu.memory_space<vmem>>, vector<16xi32>,
        tpu.vector_store %swap3A_242[%swap3A_243], %add3A_239 {strides = array<i32>} : memref<128xi32, #tpu.memory_space<vmem>>, vector<16xi32>,
        %get3A_245 = arith.constant 0 : i32
        %get3A_246 = tpu.memref_slice %arg5[%rem3A_194, %get3A_245] : memref<8x128xi32, #tpu.memory_space<vmem>> -> memref<1x128xi32, #tpu.memory_space<vmem>>
        %get3A_247 = tpu.memref_squeeze %get3A_246 : memref<1x128xi32, #tpu.memory_space<vmem>> -> memref<128xi32, #tpu.memory_space<vmem>>
        %get3A_248 = arith.constant 64 : index
        %get3A_249 = tpu.vector_load %get3A_247[%get3A_248] {strides = array<i32>} : memref<128xi32, #tpu.memory_space<vmem>>, vector<16xi32>,
        %add3A_250 = arith.constant 1 : i32
        %add3A_251 = vector.broadcast %add3A_250 : i32 to vector<16xi32>
        %add3A_252 = arith.addi %get3A_249, %add3A_251 : vector<16xi32>
        %swap3A_253 = arith.constant 0 : i32
        %swap3A_254 = tpu.memref_slice %arg5[%rem3A_194, %swap3A_253] : memref<8x128xi32, #tpu.memory_space<vmem>> -> memref<1x128xi32, #tpu.memory_space<vmem>>
        %swap3A_255 = tpu.memref_squeeze %swap3A_254 : memref<1x128xi32, #tpu.memory_space<vmem>> -> memref<128xi32, #tpu.memory_space<vmem>>
        %swap3A_256 = arith.constant 64 : index
        %swap3A_257 = tpu.vector_load %swap3A_255[%swap3A_256] {strides = array<i32>} : memref<128xi32, #tpu.memory_space<vmem>>, vector<16xi32>,
        tpu.vector_store %swap3A_255[%swap3A_256], %add3A_252 {strides = array<i32>} : memref<128xi32, #tpu.memory_space<vmem>>, vector<16xi32>,
        %get3A_258 = arith.constant 0 : i32
        %get3A_259 = tpu.memref_slice %arg5[%rem3A_194, %get3A_258] : memref<8x128xi32, #tpu.memory_space<vmem>> -> memref<1x128xi32, #tpu.memory_space<vmem>>
        %get3A_260 = tpu.memref_squeeze %get3A_259 : memref<1x128xi32, #tpu.memory_space<vmem>> -> memref<128xi32, #tpu.memory_space<vmem>>
        %get3A_261 = arith.constant 80 : index
        %get3A_262 = tpu.vector_load %get3A_260[%get3A_261] {strides = array<i32>} : memref<128xi32, #tpu.memory_space<vmem>>, vector<16xi32>,
        %add3A_263 = arith.constant 1 : i32
        %add3A_264 = vector.broadcast %add3A_263 : i32 to vector<16xi32>
        %add3A_265 = arith.addi %get3A_262, %add3A_264 : vector<16xi32>
        %swap3A_266 = arith.constant 0 : i32
        %swap3A_267 = tpu.memref_slice %arg5[%rem3A_194, %swap3A_266] : memref<8x128xi32, #tpu.memory_space<vmem>> -> memref<1x128xi32, #tpu.memory_space<vmem>>
        %swap3A_268 = tpu.memref_squeeze %swap3A_267 : memref<1x128xi32, #tpu.memory_space<vmem>> -> memref<128xi32, #tpu.memory_space<vmem>>
        %swap3A_269 = arith.constant 80 : index
        %swap3A_270 = tpu.vector_load %swap3A_268[%swap3A_269] {strides = array<i32>} : memref<128xi32, #tpu.memory_space<vmem>>, vector<16xi32>,
        tpu.vector_store %swap3A_268[%swap3A_269], %add3A_265 {strides = array<i32>} : memref<128xi32, #tpu.memory_space<vmem>>, vector<16xi32>,
        %get3A_271 = arith.constant 0 : i32
        %get3A_272 = tpu.memref_slice %arg5[%rem3A_194, %get3A_271] : memref<8x128xi32, #tpu.memory_space<vmem>> -> memref<1x128xi32, #tpu.memory_space<vmem>>
        %get3A_273 = tpu.memref_squeeze %get3A_272 : memref<1x128xi32, #tpu.memory_space<vmem>> -> memref<128xi32, #tpu.memory_space<vmem>>
        %get3A_274 = arith.constant 96 : index
        %get3A_275 = tpu.vector_load %get3A_273[%get3A_274] {strides = array<i32>} : memref<128xi32, #tpu.memory_space<vmem>>, vector<16xi32>,
        %add3A_276 = arith.constant 1 : i32
        %add3A_277 = vector.broadcast %add3A_276 : i32 to vector<16xi32>
        %add3A_278 = arith.addi %get3A_275, %add3A_277 : vector<16xi32>
        %swap3A_279 = arith.constant 0 : i32
        %swap3A_280 = tpu.memref_slice %arg5[%rem3A_194, %swap3A_279] : memref<8x128xi32, #tpu.memory_space<vmem>> -> memref<1x128xi32, #tpu.memory_space<vmem>>
        %swap3A_281 = tpu.memref_squeeze %swap3A_280 : memref<1x128xi32, #tpu.memory_space<vmem>> -> memref<128xi32, #tpu.memory_space<vmem>>
        %swap3A_282 = arith.constant 96 : index
        %swap3A_283 = tpu.vector_load %swap3A_281[%swap3A_282] {strides = array<i32>} : memref<128xi32, #tpu.memory_space<vmem>>, vector<16xi32>,
        tpu.vector_store %swap3A_281[%swap3A_282], %add3A_278 {strides = array<i32>} : memref<128xi32, #tpu.memory_space<vmem>>, vector<16xi32>,
        %get3A_284 = arith.constant 0 : i32
        %get3A_285 = tpu.memref_slice %arg5[%rem3A_194, %get3A_284] : memref<8x128xi32, #tpu.memory_space<vmem>> -> memref<1x128xi32, #tpu.memory_space<vmem>>
        %get3A_286 = tpu.memref_squeeze %get3A_285 : memref<1x128xi32, #tpu.memory_space<vmem>> -> memref<128xi32, #tpu.memory_space<vmem>>
        %get3A_287 = arith.constant 112 : index
        %get3A_288 = tpu.vector_load %get3A_286[%get3A_287] {strides = array<i32>} : memref<128xi32, #tpu.memory_space<vmem>>, vector<16xi32>,
        %add3A_289 = arith.constant 1 : i32
        %add3A_290 = vector.broadcast %add3A_289 : i32 to vector<16xi32>
        %add3A_291 = arith.addi %get3A_288, %add3A_290 : vector<16xi32>
        %swap3A_292 = arith.constant 0 : i32
        %swap3A_293 = tpu.memref_slice %arg5[%rem3A_194, %swap3A_292] : memref<8x128xi32, #tpu.memory_space<vmem>> -> memref<1x128xi32, #tpu.memory_space<vmem>>
        %swap3A_294 = tpu.memref_squeeze %swap3A_293 : memref<1x128xi32, #tpu.memory_space<vmem>> -> memref<128xi32, #tpu.memory_space<vmem>>
        %swap3A_295 = arith.constant 112 : index
        %swap3A_296 = tpu.vector_load %swap3A_294[%swap3A_295] {strides = array<i32>} : memref<128xi32, #tpu.memory_space<vmem>>, vector<16xi32>,
        tpu.vector_store %swap3A_294[%swap3A_295], %add3A_291 {strides = array<i32>} : memref<128xi32, #tpu.memory_space<vmem>>, vector<16xi32>,
        %sub3A_297 = arith.constant 1 : i32
        %sub3A_298 = arith.subi %add3A_161, %sub3A_297 : i32
        %rem3A_299 = arith.constant 8 : i32
        %rem3A_300 = arith.remsi %sub3A_298, %rem3A_299 : i32
        %dma_start3A = arith.constant 0 : i32
        %dma_start3A_301 = arith.constant 0 : i32
        %dma_start3A_302 = tpu.memref_slice %arg6[%rem3A_300, %dma_start3A, %dma_start3A_301] : memref<8x128x32xf32, #tpu.memory_space<vmem>> -> memref<1x128x32xf32, #tpu.memory_space<vmem>>
        %dma_start3A_303 = tpu.memref_squeeze %dma_start3A_302 : memref<1x128x32xf32, #tpu.memory_space<vmem>> -> memref<128x32xf32, #tpu.memory_space<vmem>>
        %dma_start3A_304 = arith.constant 0 : i32
        %dma_start3A_305 = tpu.memref_slice %arg5[%rem3A_300, %dma_start3A_304] : memref<8x128xi32, #tpu.memory_space<vmem>> -> memref<1x128xi32, #tpu.memory_space<vmem>>
        %dma_start3A_306 = tpu.memref_squeeze %dma_start3A_305 : memref<1x128xi32, #tpu.memory_space<vmem>> -> memref<128xi32, #tpu.memory_space<vmem>>
        %dma_start3A_307 = arith.constant 0 : i32
        %dma_start3A_308 = arith.constant 0 : i32
        %dma_start3A_309 = tpu.memref_slice %arg2[%dma_start3A_307, %dma_start3A_308] : memref<32068x32xf32, #tpu.memory_space<hbm>> -> memref<32068x32xf32, #tpu.memory_space<hbm>>
        %dma_start3A_310 = tpu.memref_slice %arg8[%rem3A_300] : memref<8x!tpu.dma_semaphore, #tpu.memory_space<semaphore_mem>> -> memref<1x!tpu.dma_semaphore, #tpu.memory_space<semaphore_mem>>
        %dma_start3A_311 = tpu.memref_squeeze %dma_start3A_310 : memref<1x!tpu.dma_semaphore, #tpu.memory_space<semaphore_mem>> -> memref<!tpu.dma_semaphore, #tpu.memory_space<semaphore_mem>>
        tpu.enqueue_indirect_dma source(%dma_start3A_309 : memref<32068x32xf32, #tpu.memory_space<hbm>>) target(%dma_start3A_303 : memref<128x32xf32, #tpu.memory_space<vmem>>) offsets(%dma_start3A_306 : memref<128xi32, #tpu.memory_space<vmem>>) semaphore(%dma_start3A_311 : memref<!tpu.dma_semaphore, #tpu.memory_space<semaphore_mem>>)
      } else {
      }
      %ge3A_170 = arith.constant 6 : i32
      %ge3A_171 = arith.cmpi sge, %add3A_161, %ge3A_170 : i32
      %convert_element_type3A_172 = arith.extui %ge3A_171 : i1 to i32
      %cond3A_173 = arith.constant 0 : i32
      %cond3A_174 = arith.cmpi ne, %convert_element_type3A_172, %cond3A_173 : i32
      scf.if %cond3A_174 {
        %sub3A = arith.constant 6 : i32
        %sub3A_175 = arith.subi %add3A_161, %sub3A : i32
        %rem3A_176 = arith.constant 8 : i32
        %rem3A_177 = arith.remsi %sub3A_175, %rem3A_176 : i32
        %dma_wait3A_178 = arith.constant 0 : i32
        %dma_wait3A_179 = arith.constant 0 : i32
        %dma_wait3A_180 = tpu.memref_slice %arg6[%rem3A_177, %dma_wait3A_178, %dma_wait3A_179] : memref<8x128x32xf32, #tpu.memory_space<vmem>> -> memref<1x128x32xf32, #tpu.memory_space<vmem>>
        %dma_wait3A_181 = tpu.memref_squeeze %dma_wait3A_180 : memref<1x128x32xf32, #tpu.memory_space<vmem>> -> memref<128x32xf32, #tpu.memory_space<vmem>>
        %dma_wait3A_182 = arith.constant 0 : i32
        %dma_wait3A_183 = tpu.memref_slice %arg5[%rem3A_177, %dma_wait3A_182] : memref<8x128xi32, #tpu.memory_space<vmem>> -> memref<1x128xi32, #tpu.memory_space<vmem>>
        %dma_wait3A_184 = tpu.memref_squeeze %dma_wait3A_183 : memref<1x128xi32, #tpu.memory_space<vmem>> -> memref<128xi32, #tpu.memory_space<vmem>>
        %dma_wait3A_185 = arith.constant 0 : i32
        %dma_wait3A_186 = arith.constant 0 : i32
        %dma_wait3A_187 = tpu.memref_slice %arg2[%dma_wait3A_185, %dma_wait3A_186] : memref<32068x32xf32, #tpu.memory_space<hbm>> -> memref<32068x32xf32, #tpu.memory_space<hbm>>
        %dma_wait3A_188 = tpu.memref_slice %arg8[%rem3A_177] : memref<8x!tpu.dma_semaphore, #tpu.memory_space<semaphore_mem>> -> memref<1x!tpu.dma_semaphore, #tpu.memory_space<semaphore_mem>>
        %dma_wait3A_189 = tpu.memref_squeeze %dma_wait3A_188 : memref<1x!tpu.dma_semaphore, #tpu.memory_space<semaphore_mem>> -> memref<!tpu.dma_semaphore, #tpu.memory_space<semaphore_mem>>
        tpu.wait_indirect_dma semaphore(%dma_wait3A_189 : memref<!tpu.dma_semaphore, #tpu.memory_space<semaphore_mem>>) src(%dma_wait3A_187 : memref<32068x32xf32, #tpu.memory_space<hbm>>) dst(%dma_wait3A_181 : memref<128x32xf32, #tpu.memory_space<vmem>>)
        %sub3A_190 = arith.constant 6 : i32
        %sub3A_191 = arith.subi %add3A_161, %sub3A_190 : i32
        %rem3A_192 = arith.constant 8 : i32
        %rem3A_193 = arith.remsi %sub3A_191, %rem3A_192 : i32
        %mul3A_194 = arith.constant 128 : i32
        %mul3A_195 = arith.muli %sub3A_191, %mul3A_194 : i32
        %add3A_196 = arith.addi %mul3A_2, %mul3A_195 : i32
        %dma_start3A = arith.constant 0 : i32
        %dma_start3A_197 = arith.constant 0 : i32
        %dma_start3A_198 = tpu.memref_slice %arg6[%rem3A_193, %dma_start3A, %dma_start3A_197] : memref<8x128x32xf32, #tpu.memory_space<vmem>> -> memref<1x128x32xf32, #tpu.memory_space<vmem>>
        %dma_start3A_199 = tpu.memref_squeeze %dma_start3A_198 : memref<1x128x32xf32, #tpu.memory_space<vmem>> -> memref<128x32xf32, #tpu.memory_space<vmem>>
        %dma_start3A_200 = arith.constant 0 : i32
        %dma_start3A_201 = tpu.memref_slice %arg4[%add3A_196, %dma_start3A_200] : memref<868352x32xf32, #tpu.memory_space<hbm>> -> memref<128x32xf32, #tpu.memory_space<hbm>>
        %dma_start3A_202 = tpu.memref_slice %arg9[%rem3A_193] : memref<8x!tpu.dma_semaphore, #tpu.memory_space<semaphore_mem>> -> memref<1x!tpu.dma_semaphore, #tpu.memory_space<semaphore_mem>>
        %dma_start3A_203 = tpu.memref_squeeze %dma_start3A_202 : memref<1x!tpu.dma_semaphore, #tpu.memory_space<semaphore_mem>> -> memref<!tpu.dma_semaphore, #tpu.memory_space<semaphore_mem>>
        %dma_start3A_204 = arith.constant 0 : i32
        %dma_start3A_205 = tpu.memref_slice %arg4[%add3A_196, %dma_start3A_204] : memref<868352x32xf32, #tpu.memory_space<hbm>> -> memref<128x32xf32, #tpu.memory_space<hbm>>
        %dma_start3A_206 = arith.constant 0 : i32
        %dma_start3A_207 = arith.constant 0 : i32
        %dma_start3A_208 = tpu.memref_slice %arg6[%rem3A_193, %dma_start3A_206, %dma_start3A_207] : memref<8x128x32xf32, #tpu.memory_space<vmem>> -> memref<1x128x32xf32, #tpu.memory_space<vmem>>
        %dma_start3A_209 = tpu.memref_squeeze %dma_start3A_208 : memref<1x128x32xf32, #tpu.memory_space<vmem>> -> memref<128x32xf32, #tpu.memory_space<vmem>>
        tpu.enqueue_dma source(%dma_start3A_209 : memref<128x32xf32, #tpu.memory_space<vmem>>) target(%dma_start3A_205 : memref<128x32xf32, #tpu.memory_space<hbm>>) target_semaphore(%dma_start3A_203 : memref<!tpu.dma_semaphore, #tpu.memory_space<semaphore_mem>>)
      } else {
      }
    }
    %scan3A_6 = arith.constant 218 : i32
    %rem3A = arith.constant 204 : i32
    %rem3A_7 = arith.constant 8 : i32
    %rem3A_8 = arith.remsi %rem3A, %rem3A_7 : i32
    %add3A_9 = arith.constant 26112 : i32
    %add3A_10 = arith.addi %mul3A_2, %add3A_9 : i32
    %dma_wait3A = arith.constant 0 : i32
    %dma_wait3A_11 = arith.constant 0 : i32
    %dma_wait3A_12 = tpu.memref_slice %arg6[%rem3A_8, %dma_wait3A, %dma_wait3A_11] : memref<8x128x32xf32, #tpu.memory_space<vmem>> -> memref<1x128x32xf32, #tpu.memory_space<vmem>>
    %dma_wait3A_13 = tpu.memref_squeeze %dma_wait3A_12 : memref<1x128x32xf32, #tpu.memory_space<vmem>> -> memref<128x32xf32, #tpu.memory_space<vmem>>
    %dma_wait3A_14 = arith.constant 0 : i32
    %dma_wait3A_15 = tpu.memref_slice %arg4[%add3A_10, %dma_wait3A_14] : memref<868352x32xf32, #tpu.memory_space<hbm>> -> memref<128x32xf32, #tpu.memory_space<hbm>>
    %dma_wait3A_16 = tpu.memref_slice %arg9[%rem3A_8] : memref<8x!tpu.dma_semaphore, #tpu.memory_space<semaphore_mem>> -> memref<1x!tpu.dma_semaphore, #tpu.memory_space<semaphore_mem>>
    %dma_wait3A_17 = tpu.memref_squeeze %dma_wait3A_16 : memref<1x!tpu.dma_semaphore, #tpu.memory_space<semaphore_mem>> -> memref<!tpu.dma_semaphore, #tpu.memory_space<semaphore_mem>>
    %dma_wait3A_18 = arith.constant 0 : i32
    %dma_wait3A_19 = tpu.memref_slice %arg4[%add3A_10, %dma_wait3A_18] : memref<868352x32xf32, #tpu.memory_space<hbm>> -> memref<128x32xf32, #tpu.memory_space<hbm>>
    %dma_wait3A_20 = arith.constant 0 : i32
    %dma_wait3A_21 = arith.constant 0 : i32
    %dma_wait3A_22 = tpu.memref_slice %arg6[%rem3A_8, %dma_wait3A_20, %dma_wait3A_21] : memref<8x128x32xf32, #tpu.memory_space<vmem>> -> memref<1x128x32xf32, #tpu.memory_space<vmem>>
    %dma_wait3A_23 = tpu.memref_squeeze %dma_wait3A_22 : memref<1x128x32xf32, #tpu.memory_space<vmem>> -> memref<128x32xf32, #tpu.memory_space<vmem>>
    tpu.wait_dma2 semaphore(%dma_wait3A_17 : memref<!tpu.dma_semaphore, #tpu.memory_space<semaphore_mem>>) src(%dma_wait3A_23 : memref<128x32xf32, #tpu.memory_space<vmem>>) dst(%dma_wait3A_19 : memref<128x32xf32, #tpu.memory_space<hbm>>)
    %rem3A_24 = arith.constant 205 : i32
    %rem3A_25 = arith.constant 8 : i32
    %rem3A_26 = arith.remsi %rem3A_24, %rem3A_25 : i32
    %add3A_27 = arith.constant 26240 : i32
    %add3A_28 = arith.addi %mul3A_2, %add3A_27 : i32
    %dma_wait3A_29 = arith.constant 0 : i32
    %dma_wait3A_30 = arith.constant 0 : i32
    %dma_wait3A_31 = tpu.memref_slice %arg6[%rem3A_26, %dma_wait3A_29, %dma_wait3A_30] : memref<8x128x32xf32, #tpu.memory_space<vmem>> -> memref<1x128x32xf32, #tpu.memory_space<vmem>>
    %dma_wait3A_32 = tpu.memref_squeeze %dma_wait3A_31 : memref<1x128x32xf32, #tpu.memory_space<vmem>> -> memref<128x32xf32, #tpu.memory_space<vmem>>
    %dma_wait3A_33 = arith.constant 0 : i32
    %dma_wait3A_34 = tpu.memref_slice %arg4[%add3A_28, %dma_wait3A_33] : memref<868352x32xf32, #tpu.memory_space<hbm>> -> memref<128x32xf32, #tpu.memory_space<hbm>>
    %dma_wait3A_35 = tpu.memref_slice %arg9[%rem3A_26] : memref<8x!tpu.dma_semaphore, #tpu.memory_space<semaphore_mem>> -> memref<1x!tpu.dma_semaphore, #tpu.memory_space<semaphore_mem>>
    %dma_wait3A_36 = tpu.memref_squeeze %dma_wait3A_35 : memref<1x!tpu.dma_semaphore, #tpu.memory_space<semaphore_mem>> -> memref<!tpu.dma_semaphore, #tpu.memory_space<semaphore_mem>>
    %dma_wait3A_37 = arith.constant 0 : i32
    %dma_wait3A_38 = tpu.memref_slice %arg4[%add3A_28, %dma_wait3A_37] : memref<868352x32xf32, #tpu.memory_space<hbm>> -> memref<128x32xf32, #tpu.memory_space<hbm>>
    %dma_wait3A_39 = arith.constant 0 : i32
    %dma_wait3A_40 = arith.constant 0 : i32
    %dma_wait3A_41 = tpu.memref_slice %arg6[%rem3A_26, %dma_wait3A_39, %dma_wait3A_40] : memref<8x128x32xf32, #tpu.memory_space<vmem>> -> memref<1x128x32xf32, #tpu.memory_space<vmem>>
    %dma_wait3A_42 = tpu.memref_squeeze %dma_wait3A_41 : memref<1x128x32xf32, #tpu.memory_space<vmem>> -> memref<128x32xf32, #tpu.memory_space<vmem>>
    tpu.wait_dma2 semaphore(%dma_wait3A_36 : memref<!tpu.dma_semaphore, #tpu.memory_space<semaphore_mem>>) src(%dma_wait3A_42 : memref<128x32xf32, #tpu.memory_space<vmem>>) dst(%dma_wait3A_38 : memref<128x32xf32, #tpu.memory_space<hbm>>)
    %rem3A_43 = arith.constant 206 : i32
    %rem3A_44 = arith.constant 8 : i32
    %rem3A_45 = arith.remsi %rem3A_43, %rem3A_44 : i32
    %add3A_46 = arith.constant 26368 : i32
    %add3A_47 = arith.addi %mul3A_2, %add3A_46 : i32
    %dma_wait3A_48 = arith.constant 0 : i32
    %dma_wait3A_49 = arith.constant 0 : i32
    %dma_wait3A_50 = tpu.memref_slice %arg6[%rem3A_45, %dma_wait3A_48, %dma_wait3A_49] : memref<8x128x32xf32, #tpu.memory_space<vmem>> -> memref<1x128x32xf32, #tpu.memory_space<vmem>>
    %dma_wait3A_51 = tpu.memref_squeeze %dma_wait3A_50 : memref<1x128x32xf32, #tpu.memory_space<vmem>> -> memref<128x32xf32, #tpu.memory_space<vmem>>
    %dma_wait3A_52 = arith.constant 0 : i32
    %dma_wait3A_53 = tpu.memref_slice %arg4[%add3A_47, %dma_wait3A_52] : memref<868352x32xf32, #tpu.memory_space<hbm>> -> memref<128x32xf32, #tpu.memory_space<hbm>>
    %dma_wait3A_54 = tpu.memref_slice %arg9[%rem3A_45] : memref<8x!tpu.dma_semaphore, #tpu.memory_space<semaphore_mem>> -> memref<1x!tpu.dma_semaphore, #tpu.memory_space<semaphore_mem>>
    %dma_wait3A_55 = tpu.memref_squeeze %dma_wait3A_54 : memref<1x!tpu.dma_semaphore, #tpu.memory_space<semaphore_mem>> -> memref<!tpu.dma_semaphore, #tpu.memory_space<semaphore_mem>>
    %dma_wait3A_56 = arith.constant 0 : i32
    %dma_wait3A_57 = tpu.memref_slice %arg4[%add3A_47, %dma_wait3A_56] : memref<868352x32xf32, #tpu.memory_space<hbm>> -> memref<128x32xf32, #tpu.memory_space<hbm>>
    %dma_wait3A_58 = arith.constant 0 : i32
    %dma_wait3A_59 = arith.constant 0 : i32
    %dma_wait3A_60 = tpu.memref_slice %arg6[%rem3A_45, %dma_wait3A_58, %dma_wait3A_59] : memref<8x128x32xf32, #tpu.memory_space<vmem>> -> memref<1x128x32xf32, #tpu.memory_space<vmem>>
    %dma_wait3A_61 = tpu.memref_squeeze %dma_wait3A_60 : memref<1x128x32xf32, #tpu.memory_space<vmem>> -> memref<128x32xf32, #tpu.memory_space<vmem>>
    tpu.wait_dma2 semaphore(%dma_wait3A_55 : memref<!tpu.dma_semaphore, #tpu.memory_space<semaphore_mem>>) src(%dma_wait3A_61 : memref<128x32xf32, #tpu.memory_space<vmem>>) dst(%dma_wait3A_57 : memref<128x32xf32, #tpu.memory_space<hbm>>)
    %rem3A_62 = arith.constant 207 : i32
    %rem3A_63 = arith.constant 8 : i32
    %rem3A_64 = arith.remsi %rem3A_62, %rem3A_63 : i32
    %add3A_65 = arith.constant 26496 : i32
    %add3A_66 = arith.addi %mul3A_2, %add3A_65 : i32
    %dma_wait3A_67 = arith.constant 0 : i32
    %dma_wait3A_68 = arith.constant 0 : i32
    %dma_wait3A_69 = tpu.memref_slice %arg6[%rem3A_64, %dma_wait3A_67, %dma_wait3A_68] : memref<8x128x32xf32, #tpu.memory_space<vmem>> -> memref<1x128x32xf32, #tpu.memory_space<vmem>>
    %dma_wait3A_70 = tpu.memref_squeeze %dma_wait3A_69 : memref<1x128x32xf32, #tpu.memory_space<vmem>> -> memref<128x32xf32, #tpu.memory_space<vmem>>
    %dma_wait3A_71 = arith.constant 0 : i32
    %dma_wait3A_72 = tpu.memref_slice %arg4[%add3A_66, %dma_wait3A_71] : memref<868352x32xf32, #tpu.memory_space<hbm>> -> memref<128x32xf32, #tpu.memory_space<hbm>>
    %dma_wait3A_73 = tpu.memref_slice %arg9[%rem3A_64] : memref<8x!tpu.dma_semaphore, #tpu.memory_space<semaphore_mem>> -> memref<1x!tpu.dma_semaphore, #tpu.memory_space<semaphore_mem>>
    %dma_wait3A_74 = tpu.memref_squeeze %dma_wait3A_73 : memref<1x!tpu.dma_semaphore, #tpu.memory_space<semaphore_mem>> -> memref<!tpu.dma_semaphore, #tpu.memory_space<semaphore_mem>>
    %dma_wait3A_75 = arith.constant 0 : i32
    %dma_wait3A_76 = tpu.memref_slice %arg4[%add3A_66, %dma_wait3A_75] : memref<868352x32xf32, #tpu.memory_space<hbm>> -> memref<128x32xf32, #tpu.memory_space<hbm>>
    %dma_wait3A_77 = arith.constant 0 : i32
    %dma_wait3A_78 = arith.constant 0 : i32
    %dma_wait3A_79 = tpu.memref_slice %arg6[%rem3A_64, %dma_wait3A_77, %dma_wait3A_78] : memref<8x128x32xf32, #tpu.memory_space<vmem>> -> memref<1x128x32xf32, #tpu.memory_space<vmem>>
    %dma_wait3A_80 = tpu.memref_squeeze %dma_wait3A_79 : memref<1x128x32xf32, #tpu.memory_space<vmem>> -> memref<128x32xf32, #tpu.memory_space<vmem>>
    tpu.wait_dma2 semaphore(%dma_wait3A_74 : memref<!tpu.dma_semaphore, #tpu.memory_space<semaphore_mem>>) src(%dma_wait3A_80 : memref<128x32xf32, #tpu.memory_space<vmem>>) dst(%dma_wait3A_76 : memref<128x32xf32, #tpu.memory_space<hbm>>)
    %rem3A_81 = arith.constant 208 : i32
    %rem3A_82 = arith.constant 8 : i32
    %rem3A_83 = arith.remsi %rem3A_81, %rem3A_82 : i32
    %add3A_84 = arith.constant 26624 : i32
    %add3A_85 = arith.addi %mul3A_2, %add3A_84 : i32
    %dma_wait3A_86 = arith.constant 0 : i32
    %dma_wait3A_87 = arith.constant 0 : i32
    %dma_wait3A_88 = tpu.memref_slice %arg6[%rem3A_83, %dma_wait3A_86, %dma_wait3A_87] : memref<8x128x32xf32, #tpu.memory_space<vmem>> -> memref<1x128x32xf32, #tpu.memory_space<vmem>>
    %dma_wait3A_89 = tpu.memref_squeeze %dma_wait3A_88 : memref<1x128x32xf32, #tpu.memory_space<vmem>> -> memref<128x32xf32, #tpu.memory_space<vmem>>
    %dma_wait3A_90 = arith.constant 0 : i32
    %dma_wait3A_91 = tpu.memref_slice %arg4[%add3A_85, %dma_wait3A_90] : memref<868352x32xf32, #tpu.memory_space<hbm>> -> memref<128x32xf32, #tpu.memory_space<hbm>>
    %dma_wait3A_92 = tpu.memref_slice %arg9[%rem3A_83] : memref<8x!tpu.dma_semaphore, #tpu.memory_space<semaphore_mem>> -> memref<1x!tpu.dma_semaphore, #tpu.memory_space<semaphore_mem>>
    %dma_wait3A_93 = tpu.memref_squeeze %dma_wait3A_92 : memref<1x!tpu.dma_semaphore, #tpu.memory_space<semaphore_mem>> -> memref<!tpu.dma_semaphore, #tpu.memory_space<semaphore_mem>>
    %dma_wait3A_94 = arith.constant 0 : i32
    %dma_wait3A_95 = tpu.memref_slice %arg4[%add3A_85, %dma_wait3A_94] : memref<868352x32xf32, #tpu.memory_space<hbm>> -> memref<128x32xf32, #tpu.memory_space<hbm>>
    %dma_wait3A_96 = arith.constant 0 : i32
    %dma_wait3A_97 = arith.constant 0 : i32
    %dma_wait3A_98 = tpu.memref_slice %arg6[%rem3A_83, %dma_wait3A_96, %dma_wait3A_97] : memref<8x128x32xf32, #tpu.memory_space<vmem>> -> memref<1x128x32xf32, #tpu.memory_space<vmem>>
    %dma_wait3A_99 = tpu.memref_squeeze %dma_wait3A_98 : memref<1x128x32xf32, #tpu.memory_space<vmem>> -> memref<128x32xf32, #tpu.memory_space<vmem>>
    tpu.wait_dma2 semaphore(%dma_wait3A_93 : memref<!tpu.dma_semaphore, #tpu.memory_space<semaphore_mem>>) src(%dma_wait3A_99 : memref<128x32xf32, #tpu.memory_space<vmem>>) dst(%dma_wait3A_95 : memref<128x32xf32, #tpu.memory_space<hbm>>)
    %rem3A_100 = arith.constant 209 : i32
    %rem3A_101 = arith.constant 8 : i32
    %rem3A_102 = arith.remsi %rem3A_100, %rem3A_101 : i32
    %add3A_103 = arith.constant 26752 : i32
    %add3A_104 = arith.addi %mul3A_2, %add3A_103 : i32
    %dma_wait3A_105 = arith.constant 0 : i32
    %dma_wait3A_106 = arith.constant 0 : i32
    %dma_wait3A_107 = tpu.memref_slice %arg6[%rem3A_102, %dma_wait3A_105, %dma_wait3A_106] : memref<8x128x32xf32, #tpu.memory_space<vmem>> -> memref<1x128x32xf32, #tpu.memory_space<vmem>>
    %dma_wait3A_108 = tpu.memref_squeeze %dma_wait3A_107 : memref<1x128x32xf32, #tpu.memory_space<vmem>> -> memref<128x32xf32, #tpu.memory_space<vmem>>
    %dma_wait3A_109 = arith.constant 0 : i32
    %dma_wait3A_110 = tpu.memref_slice %arg4[%add3A_104, %dma_wait3A_109] : memref<868352x32xf32, #tpu.memory_space<hbm>> -> memref<128x32xf32, #tpu.memory_space<hbm>>
    %dma_wait3A_111 = tpu.memref_slice %arg9[%rem3A_102] : memref<8x!tpu.dma_semaphore, #tpu.memory_space<semaphore_mem>> -> memref<1x!tpu.dma_semaphore, #tpu.memory_space<semaphore_mem>>
    %dma_wait3A_112 = tpu.memref_squeeze %dma_wait3A_111 : memref<1x!tpu.dma_semaphore, #tpu.memory_space<semaphore_mem>> -> memref<!tpu.dma_semaphore, #tpu.memory_space<semaphore_mem>>
    %dma_wait3A_113 = arith.constant 0 : i32
    %dma_wait3A_114 = tpu.memref_slice %arg4[%add3A_104, %dma_wait3A_113] : memref<868352x32xf32, #tpu.memory_space<hbm>> -> memref<128x32xf32, #tpu.memory_space<hbm>>
    %dma_wait3A_115 = arith.constant 0 : i32
    %dma_wait3A_116 = arith.constant 0 : i32
    %dma_wait3A_117 = tpu.memref_slice %arg6[%rem3A_102, %dma_wait3A_115, %dma_wait3A_116] : memref<8x128x32xf32, #tpu.memory_space<vmem>> -> memref<1x128x32xf32, #tpu.memory_space<vmem>>
    %dma_wait3A_118 = tpu.memref_squeeze %dma_wait3A_117 : memref<1x128x32xf32, #tpu.memory_space<vmem>> -> memref<128x32xf32, #tpu.memory_space<vmem>>
    tpu.wait_dma2 semaphore(%dma_wait3A_112 : memref<!tpu.dma_semaphore, #tpu.memory_space<semaphore_mem>>) src(%dma_wait3A_118 : memref<128x32xf32, #tpu.memory_space<vmem>>) dst(%dma_wait3A_114 : memref<128x32xf32, #tpu.memory_space<hbm>>)
    %rem3A_119 = arith.constant 210 : i32
    %rem3A_120 = arith.constant 8 : i32
    %rem3A_121 = arith.remsi %rem3A_119, %rem3A_120 : i32
    %add3A_122 = arith.constant 26880 : i32
    %add3A_123 = arith.addi %mul3A_2, %add3A_122 : i32
    %dma_wait3A_124 = arith.constant 0 : i32
    %dma_wait3A_125 = arith.constant 0 : i32
    %dma_wait3A_126 = tpu.memref_slice %arg6[%rem3A_121, %dma_wait3A_124, %dma_wait3A_125] : memref<8x128x32xf32, #tpu.memory_space<vmem>> -> memref<1x128x32xf32, #tpu.memory_space<vmem>>
    %dma_wait3A_127 = tpu.memref_squeeze %dma_wait3A_126 : memref<1x128x32xf32, #tpu.memory_space<vmem>> -> memref<128x32xf32, #tpu.memory_space<vmem>>
    %dma_wait3A_128 = arith.constant 0 : i32
    %dma_wait3A_129 = tpu.memref_slice %arg4[%add3A_123, %dma_wait3A_128] : memref<868352x32xf32, #tpu.memory_space<hbm>> -> memref<128x32xf32, #tpu.memory_space<hbm>>
    %dma_wait3A_130 = tpu.memref_slice %arg9[%rem3A_121] : memref<8x!tpu.dma_semaphore, #tpu.memory_space<semaphore_mem>> -> memref<1x!tpu.dma_semaphore, #tpu.memory_space<semaphore_mem>>
    %dma_wait3A_131 = tpu.memref_squeeze %dma_wait3A_130 : memref<1x!tpu.dma_semaphore, #tpu.memory_space<semaphore_mem>> -> memref<!tpu.dma_semaphore, #tpu.memory_space<semaphore_mem>>
    %dma_wait3A_132 = arith.constant 0 : i32
    %dma_wait3A_133 = tpu.memref_slice %arg4[%add3A_123, %dma_wait3A_132] : memref<868352x32xf32, #tpu.memory_space<hbm>> -> memref<128x32xf32, #tpu.memory_space<hbm>>
    %dma_wait3A_134 = arith.constant 0 : i32
    %dma_wait3A_135 = arith.constant 0 : i32
    %dma_wait3A_136 = tpu.memref_slice %arg6[%rem3A_121, %dma_wait3A_134, %dma_wait3A_135] : memref<8x128x32xf32, #tpu.memory_space<vmem>> -> memref<1x128x32xf32, #tpu.memory_space<vmem>>
    %dma_wait3A_137 = tpu.memref_squeeze %dma_wait3A_136 : memref<1x128x32xf32, #tpu.memory_space<vmem>> -> memref<128x32xf32, #tpu.memory_space<vmem>>
    tpu.wait_dma2 semaphore(%dma_wait3A_131 : memref<!tpu.dma_semaphore, #tpu.memory_space<semaphore_mem>>) src(%dma_wait3A_137 : memref<128x32xf32, #tpu.memory_space<vmem>>) dst(%dma_wait3A_133 : memref<128x32xf32, #tpu.memory_space<hbm>>)
    %rem3A_138 = arith.constant 211 : i32
    %rem3A_139 = arith.constant 8 : i32
    %rem3A_140 = arith.remsi %rem3A_138, %rem3A_139 : i32
    %add3A_141 = arith.constant 27008 : i32
    %add3A_142 = arith.addi %mul3A_2, %add3A_141 : i32
    %dma_wait3A_143 = arith.constant 0 : i32
    %dma_wait3A_144 = arith.constant 0 : i32
    %dma_wait3A_145 = tpu.memref_slice %arg6[%rem3A_140, %dma_wait3A_143, %dma_wait3A_144] : memref<8x128x32xf32, #tpu.memory_space<vmem>> -> memref<1x128x32xf32, #tpu.memory_space<vmem>>
    %dma_wait3A_146 = tpu.memref_squeeze %dma_wait3A_145 : memref<1x128x32xf32, #tpu.memory_space<vmem>> -> memref<128x32xf32, #tpu.memory_space<vmem>>
    %dma_wait3A_147 = arith.constant 0 : i32
    %dma_wait3A_148 = tpu.memref_slice %arg4[%add3A_142, %dma_wait3A_147] : memref<868352x32xf32, #tpu.memory_space<hbm>> -> memref<128x32xf32, #tpu.memory_space<hbm>>
    %dma_wait3A_149 = tpu.memref_slice %arg9[%rem3A_140] : memref<8x!tpu.dma_semaphore, #tpu.memory_space<semaphore_mem>> -> memref<1x!tpu.dma_semaphore, #tpu.memory_space<semaphore_mem>>
    %dma_wait3A_150 = tpu.memref_squeeze %dma_wait3A_149 : memref<1x!tpu.dma_semaphore, #tpu.memory_space<semaphore_mem>> -> memref<!tpu.dma_semaphore, #tpu.memory_space<semaphore_mem>>
    %dma_wait3A_151 = arith.constant 0 : i32
    %dma_wait3A_152 = tpu.memref_slice %arg4[%add3A_142, %dma_wait3A_151] : memref<868352x32xf32, #tpu.memory_space<hbm>> -> memref<128x32xf32, #tpu.memory_space<hbm>>
    %dma_wait3A_153 = arith.constant 0 : i32
    %dma_wait3A_154 = arith.constant 0 : i32
    %dma_wait3A_155 = tpu.memref_slice %arg6[%rem3A_140, %dma_wait3A_153, %dma_wait3A_154] : memref<8x128x32xf32, #tpu.memory_space<vmem>> -> memref<1x128x32xf32, #tpu.memory_space<vmem>>
    %dma_wait3A_156 = tpu.memref_squeeze %dma_wait3A_155 : memref<1x128x32xf32, #tpu.memory_space<vmem>> -> memref<128x32xf32, #tpu.memory_space<vmem>>
    tpu.wait_dma2 semaphore(%dma_wait3A_150 : memref<!tpu.dma_semaphore, #tpu.memory_space<semaphore_mem>>) src(%dma_wait3A_156 : memref<128x32xf32, #tpu.memory_space<vmem>>) dst(%dma_wait3A_152 : memref<128x32xf32, #tpu.memory_space<hbm>>)
    return
  }
}

module attributes {stable_mosaic.version = 14 : i64} {
  func.func @body(%arg0: i32, %arg1: memref<2048x3xi32, #tpu.memory_space<vmem>>, %arg2: memref<2048x27xi32, #tpu.memory_space<vmem>>) attributes {dimension_semantics = [#tpu.dimension_semantics<arbitrary>], iteration_bounds = array<i64: 16>, scalar_prefetch = 0 : i64, scratch_operands = 0 : i64, tpu.core_type = #tpu.core_type<tc>, window_params = [{transform_indices = @transform_0, window_bounds = array<i64: 2048, 3>}, {transform_indices = @transform_1, window_bounds = array<i64: 2048, 27>}]} {
    %get3A = arith.constant 0 : index
    %get3A_0 = arith.constant 0 : index
    %get3A_1 = vector.load %arg1[%get3A, %get3A_0] : memref<2048x3xi32, #tpu.memory_space<vmem>>, vector<2048x3xi32>
    %slice3A = vector.extract_strided_slice %get3A_1 {offsets = [0, 0], sizes = [2048, 1], strides = [1, 1]} : vector<2048x3xi32> to vector<2048x1xi32>
    %mul3A = arith.constant 1 : i32
    %mul3A_2 = vector.broadcast %mul3A : i32 to vector<2048x1xi32>
    %mul3A_3 = arith.muli %slice3A, %mul3A_2 : vector<2048x1xi32>
    %slice3A_4 = vector.extract_strided_slice %get3A_1 {offsets = [0, 1], sizes = [2048, 1], strides = [1, 1]} : vector<2048x3xi32> to vector<2048x1xi32>
    %mul3A_5 = arith.constant 1 : i32
    %mul3A_6 = vector.broadcast %mul3A_5 : i32 to vector<2048x1xi32>
    %mul3A_7 = arith.muli %slice3A_4, %mul3A_6 : vector<2048x1xi32>
    %slice3A_8 = vector.extract_strided_slice %get3A_1 {offsets = [0, 2], sizes = [2048, 1], strides = [1, 1]} : vector<2048x3xi32> to vector<2048x1xi32>
    %mul3A_9 = arith.constant 1 : i32
    %mul3A_10 = vector.broadcast %mul3A_9 : i32 to vector<2048x1xi32>
    %mul3A_11 = arith.muli %slice3A_8, %mul3A_10 : vector<2048x1xi32>
    %iota3A = tpu.iota {dimensions = array<i32: 1>} : vector<1x27xi32>
    %jit3A = arith.constant 9 : i32
    %div3A = vector.broadcast %jit3A : i32 to vector<1x27xi32>
    %div3A_12 = arith.divsi %iota3A, %div3A : vector<1x27xi32>
    %sign3A = arith.constant 0 : i32
    %sign3A_13 = vector.broadcast %sign3A : i32 to vector<1x27xi32>
    %sign3A_14 = arith.cmpi sgt, %iota3A, %sign3A_13 : vector<1x27xi32>
    %sign3A_15 = arith.extui %sign3A_14 : vector<1x27xi1> to vector<1x27xi32>
    %sign3A_16 = arith.constant 0 : i32
    %sign3A_17 = vector.broadcast %sign3A_16 : i32 to vector<1x27xi32>
    %sign3A_18 = arith.cmpi slt, %iota3A, %sign3A_17 : vector<1x27xi32>
    %sign3A_19 = arith.extui %sign3A_18 : vector<1x27xi1> to vector<1x27xi32>
    %sign3A_20 = arith.subi %sign3A_15, %sign3A_19 : vector<1x27xi32>
    %sign3A_21 = arith.constant 0 : i32
    %sign3A_22 = arith.cmpi sgt, %jit3A, %sign3A_21 : i32
    %sign3A_23 = arith.extui %sign3A_22 : i1 to i32
    %sign3A_24 = arith.constant 0 : i32
    %sign3A_25 = arith.cmpi slt, %jit3A, %sign3A_24 : i32
    %sign3A_26 = arith.extui %sign3A_25 : i1 to i32
    %sign3A_27 = arith.subi %sign3A_23, %sign3A_26 : i32
    %ne3A = vector.broadcast %sign3A_27 : i32 to vector<1x27xi32>
    %ne3A_28 = arith.cmpi ne, %sign3A_20, %ne3A : vector<1x27xi32>
    %rem3A = vector.broadcast %jit3A : i32 to vector<1x27xi32>
    %rem3A_29 = arith.remsi %iota3A, %rem3A : vector<1x27xi32>
    %ne3A_30 = arith.constant 0 : i32
    %ne3A_31 = vector.broadcast %ne3A_30 : i32 to vector<1x27xi32>
    %ne3A_32 = arith.cmpi ne, %rem3A_29, %ne3A_31 : vector<1x27xi32>
    %and3A = arith.andi %ne3A_28, %ne3A_32 : vector<1x27xi1>
    %sub3A = arith.constant 1 : i32
    %sub3A_33 = vector.broadcast %sub3A : i32 to vector<1x27xi32>
    %sub3A_34 = arith.subi %div3A_12, %sub3A_33 : vector<1x27xi32>
    %select_n3A = arith.select %and3A, %sub3A_34, %div3A_12 : vector<1x27xi1>, vector<1x27xi32>
    %add3A = vector.broadcast %mul3A_3 : vector<2048x1xi32> to vector<2048x27xi32>
    %add3A_35 = vector.broadcast %select_n3A : vector<1x27xi32> to vector<2048x27xi32>
    %add3A_36 = arith.addi %add3A, %add3A_35 : vector<2048x27xi32>
    %sub3A_37 = arith.constant 1 : i32
    %sub3A_38 = vector.broadcast %sub3A_37 : i32 to vector<2048x27xi32>
    %sub3A_39 = arith.subi %add3A_36, %sub3A_38 : vector<2048x27xi32>
    %jit3A_40 = arith.constant 3 : i32
    %div3A_41 = vector.broadcast %jit3A_40 : i32 to vector<1x27xi32>
    %div3A_42 = arith.divsi %iota3A, %div3A_41 : vector<1x27xi32>
    %sign3A_43 = arith.constant 0 : i32
    %sign3A_44 = vector.broadcast %sign3A_43 : i32 to vector<1x27xi32>
    %sign3A_45 = arith.cmpi sgt, %iota3A, %sign3A_44 : vector<1x27xi32>
    %sign3A_46 = arith.extui %sign3A_45 : vector<1x27xi1> to vector<1x27xi32>
    %sign3A_47 = arith.constant 0 : i32
    %sign3A_48 = vector.broadcast %sign3A_47 : i32 to vector<1x27xi32>
    %sign3A_49 = arith.cmpi slt, %iota3A, %sign3A_48 : vector<1x27xi32>
    %sign3A_50 = arith.extui %sign3A_49 : vector<1x27xi1> to vector<1x27xi32>
    %sign3A_51 = arith.subi %sign3A_46, %sign3A_50 : vector<1x27xi32>
    %sign3A_52 = arith.constant 0 : i32
    %sign3A_53 = arith.cmpi sgt, %jit3A_40, %sign3A_52 : i32
    %sign3A_54 = arith.extui %sign3A_53 : i1 to i32
    %sign3A_55 = arith.constant 0 : i32
    %sign3A_56 = arith.cmpi slt, %jit3A_40, %sign3A_55 : i32
    %sign3A_57 = arith.extui %sign3A_56 : i1 to i32
    %sign3A_58 = arith.subi %sign3A_54, %sign3A_57 : i32
    %ne3A_59 = vector.broadcast %sign3A_58 : i32 to vector<1x27xi32>
    %ne3A_60 = arith.cmpi ne, %sign3A_51, %ne3A_59 : vector<1x27xi32>
    %rem3A_61 = vector.broadcast %jit3A_40 : i32 to vector<1x27xi32>
    %rem3A_62 = arith.remsi %iota3A, %rem3A_61 : vector<1x27xi32>
    %ne3A_63 = arith.constant 0 : i32
    %ne3A_64 = vector.broadcast %ne3A_63 : i32 to vector<1x27xi32>
    %ne3A_65 = arith.cmpi ne, %rem3A_62, %ne3A_64 : vector<1x27xi32>
    %and3A_66 = arith.andi %ne3A_60, %ne3A_65 : vector<1x27xi1>
    %sub3A_67 = arith.constant 1 : i32
    %sub3A_68 = vector.broadcast %sub3A_67 : i32 to vector<1x27xi32>
    %sub3A_69 = arith.subi %div3A_42, %sub3A_68 : vector<1x27xi32>
    %select_n3A_70 = arith.select %and3A_66, %sub3A_69, %div3A_42 : vector<1x27xi1>, vector<1x27xi32>
    %jit3A_71 = arith.constant 3 : i32
    %eq3A = arith.constant 0 : i32
    %eq3A_72 = arith.cmpi eq, %jit3A_71, %eq3A : i32
    %jit3A_73 = arith.constant 1 : i32
    %select_n3A_74 = arith.select %eq3A_72, %jit3A_73, %jit3A_71 : i32
    %rem3A_75 = vector.broadcast %select_n3A_74 : i32 to vector<1x27xi32>
    %rem3A_76 = arith.remsi %select_n3A_70, %rem3A_75 : vector<1x27xi32>
    %ne3A_77 = arith.constant 0 : i32
    %ne3A_78 = vector.broadcast %ne3A_77 : i32 to vector<1x27xi32>
    %ne3A_79 = arith.cmpi ne, %rem3A_76, %ne3A_78 : vector<1x27xi32>
    %lt3A = arith.constant 0 : i32
    %lt3A_80 = vector.broadcast %lt3A : i32 to vector<1x27xi32>
    %lt3A_81 = arith.cmpi slt, %rem3A_76, %lt3A_80 : vector<1x27xi32>
    %lt3A_82 = arith.constant 0 : i32
    %lt3A_83 = arith.cmpi slt, %select_n3A_74, %lt3A_82 : i32
    %ne3A_84 = vector.broadcast %lt3A_83 : i1 to vector<1x27xi1>
    %ne3A_85 = vector.broadcast %ne3A_84 : vector<1x27xi1> to vector<1x27xi1>
    %ne3A_86 = arith.xori %lt3A_81, %ne3A_85 : vector<1x27xi1>
    %and3A_87 = arith.andi %ne3A_86, %ne3A_79 : vector<1x27xi1>
    %add3A_88 = vector.broadcast %select_n3A_74 : i32 to vector<1x27xi32>
    %add3A_89 = arith.addi %rem3A_76, %add3A_88 : vector<1x27xi32>
    %select_n3A_90 = arith.select %and3A_87, %add3A_89, %rem3A_76 : vector<1x27xi1>, vector<1x27xi32>
    %add3A_91 = vector.broadcast %mul3A_7 : vector<2048x1xi32> to vector<2048x27xi32>
    %add3A_92 = vector.broadcast %select_n3A_90 : vector<1x27xi32> to vector<2048x27xi32>
    %add3A_93 = arith.addi %add3A_91, %add3A_92 : vector<2048x27xi32>
    %sub3A_94 = arith.constant 1 : i32
    %sub3A_95 = vector.broadcast %sub3A_94 : i32 to vector<2048x27xi32>
    %sub3A_96 = arith.subi %add3A_93, %sub3A_95 : vector<2048x27xi32>
    %jit3A_97 = arith.constant 3 : i32
    %eq3A_98 = arith.constant 0 : i32
    %eq3A_99 = arith.cmpi eq, %jit3A_97, %eq3A_98 : i32
    %jit3A_100 = arith.constant 1 : i32
    %select_n3A_101 = arith.select %eq3A_99, %jit3A_100, %jit3A_97 : i32
    %rem3A_102 = vector.broadcast %select_n3A_101 : i32 to vector<1x27xi32>
    %rem3A_103 = arith.remsi %iota3A, %rem3A_102 : vector<1x27xi32>
    %ne3A_104 = arith.constant 0 : i32
    %ne3A_105 = vector.broadcast %ne3A_104 : i32 to vector<1x27xi32>
    %ne3A_106 = arith.cmpi ne, %rem3A_103, %ne3A_105 : vector<1x27xi32>
    %lt3A_107 = arith.constant 0 : i32
    %lt3A_108 = vector.broadcast %lt3A_107 : i32 to vector<1x27xi32>
    %lt3A_109 = arith.cmpi slt, %rem3A_103, %lt3A_108 : vector<1x27xi32>
    %lt3A_110 = arith.constant 0 : i32
    %lt3A_111 = arith.cmpi slt, %select_n3A_101, %lt3A_110 : i32
    %ne3A_112 = vector.broadcast %lt3A_111 : i1 to vector<1x27xi1>
    %ne3A_113 = vector.broadcast %ne3A_112 : vector<1x27xi1> to vector<1x27xi1>
    %ne3A_114 = arith.xori %lt3A_109, %ne3A_113 : vector<1x27xi1>
    %and3A_115 = arith.andi %ne3A_114, %ne3A_106 : vector<1x27xi1>
    %add3A_116 = vector.broadcast %select_n3A_101 : i32 to vector<1x27xi32>
    %add3A_117 = arith.addi %rem3A_103, %add3A_116 : vector<1x27xi32>
    %select_n3A_118 = arith.select %and3A_115, %add3A_117, %rem3A_103 : vector<1x27xi1>, vector<1x27xi32>
    %add3A_119 = vector.broadcast %mul3A_11 : vector<2048x1xi32> to vector<2048x27xi32>
    %add3A_120 = vector.broadcast %select_n3A_118 : vector<1x27xi32> to vector<2048x27xi32>
    %add3A_121 = arith.addi %add3A_119, %add3A_120 : vector<2048x27xi32>
    %sub3A_122 = arith.constant 1 : i32
    %sub3A_123 = vector.broadcast %sub3A_122 : i32 to vector<2048x27xi32>
    %sub3A_124 = arith.subi %add3A_121, %sub3A_123 : vector<2048x27xi32>
    %ge3A = arith.constant 0 : i32
    %ge3A_125 = vector.broadcast %ge3A : i32 to vector<2048x27xi32>
    %ge3A_126 = arith.cmpi sge, %sub3A_39, %ge3A_125 : vector<2048x27xi32>
    %lt3A_127 = arith.constant 32 : i32
    %lt3A_128 = vector.broadcast %lt3A_127 : i32 to vector<2048x27xi32>
    %lt3A_129 = arith.cmpi slt, %sub3A_39, %lt3A_128 : vector<2048x27xi32>
    %and3A_130 = arith.andi %ge3A_126, %lt3A_129 : vector<2048x27xi1>
    %ge3A_131 = arith.constant 0 : i32
    %ge3A_132 = vector.broadcast %ge3A_131 : i32 to vector<2048x27xi32>
    %ge3A_133 = arith.cmpi sge, %sub3A_96, %ge3A_132 : vector<2048x27xi32>
    %and3A_134 = arith.andi %and3A_130, %ge3A_133 : vector<2048x27xi1>
    %lt3A_135 = arith.constant 32 : i32
    %lt3A_136 = vector.broadcast %lt3A_135 : i32 to vector<2048x27xi32>
    %lt3A_137 = arith.cmpi slt, %sub3A_96, %lt3A_136 : vector<2048x27xi32>
    %and3A_138 = arith.andi %and3A_134, %lt3A_137 : vector<2048x27xi1>
    %ge3A_139 = arith.constant 0 : i32
    %ge3A_140 = vector.broadcast %ge3A_139 : i32 to vector<2048x27xi32>
    %ge3A_141 = arith.cmpi sge, %sub3A_124, %ge3A_140 : vector<2048x27xi32>
    %and3A_142 = arith.andi %and3A_138, %ge3A_141 : vector<2048x27xi1>
    %lt3A_143 = arith.constant 32 : i32
    %lt3A_144 = vector.broadcast %lt3A_143 : i32 to vector<2048x27xi32>
    %lt3A_145 = arith.cmpi slt, %sub3A_124, %lt3A_144 : vector<2048x27xi32>
    %and3A_146 = arith.andi %and3A_142, %lt3A_145 : vector<2048x27xi1>
    %mul3A_147 = arith.constant 1024 : i32
    %mul3A_148 = vector.broadcast %mul3A_147 : i32 to vector<2048x27xi32>
    %mul3A_149 = arith.muli %sub3A_39, %mul3A_148 : vector<2048x27xi32>
    %mul3A_150 = arith.constant 32 : i32
    %mul3A_151 = vector.broadcast %mul3A_150 : i32 to vector<2048x27xi32>
    %mul3A_152 = arith.muli %sub3A_96, %mul3A_151 : vector<2048x27xi32>
    %add3A_153 = arith.addi %mul3A_149, %mul3A_152 : vector<2048x27xi32>
    %add3A_154 = arith.addi %add3A_153, %sub3A_124 : vector<2048x27xi32>
    %add3A_155 = arith.constant 262160 : i32
    %add3A_156 = vector.broadcast %add3A_155 : i32 to vector<2048x27xi32>
    %add3A_157 = arith.addi %add3A_154, %add3A_156 : vector<2048x27xi32>
    %jit3A_158 = arith.constant 294928 : i32
    %broadcast_in_dim3A = vector.broadcast %jit3A_158 : i32 to vector<2048x27xi32>
    %select_n3A_159 = arith.select %and3A_146, %add3A_157, %broadcast_in_dim3A : vector<2048x27xi1>, vector<2048x27xi32>
    %swap3A = arith.constant 0 : index
    %swap3A_160 = arith.constant 0 : index
    %swap3A_161 = vector.load %arg2[%swap3A, %swap3A_160] : memref<2048x27xi32, #tpu.memory_space<vmem>>, vector<2048x27xi32>
    tpu.vector_store %arg2[%swap3A, %swap3A_160], %select_n3A_159 {strides = array<i32>} : memref<2048x27xi32, #tpu.memory_space<vmem>>, vector<2048x27xi32>,
    return
  }
  func.func @transform_0(%arg0: i32) -> (i32, i32) {
    %c0_i32 = arith.constant 0 : i32
    %c0_i32_0 = arith.constant 0 : i32
    return %arg0, %c0_i32 : i32, i32
  }
  func.func @transform_1(%arg0: i32) -> (i32, i32) {
    %c0_i32 = arith.constant 0 : i32
    %c0_i32_0 = arith.constant 0 : i32
    return %arg0, %c0_i32 : i32, i32
  }
}

module attributes {stable_mosaic.version = 14 : i64} {
  func.func @body(%arg0: i32, %arg1: memref<2048x3xi32, #tpu.memory_space<vmem>>, %arg2: memref<2048x27xi32, #tpu.memory_space<vmem>>) attributes {dimension_semantics = [#tpu.dimension_semantics<arbitrary>], iteration_bounds = array<i64: 16>, scalar_prefetch = 0 : i64, scratch_operands = 0 : i64, tpu.core_type = #tpu.core_type<tc>, window_params = [{transform_indices = @transform_0, window_bounds = array<i64: 2048, 3>}, {transform_indices = @transform_1, window_bounds = array<i64: 2048, 27>}]} {
    %get3A = arith.constant 0 : index
    %get3A_0 = arith.constant 0 : index
    %get3A_1 = vector.load %arg1[%get3A, %get3A_0] : memref<2048x3xi32, #tpu.memory_space<vmem>>, vector<2048x3xi32>
    %slice3A = vector.extract_strided_slice %get3A_1 {offsets = [0, 0], sizes = [2048, 1], strides = [1, 1]} : vector<2048x3xi32> to vector<2048x1xi32>
    %mul3A = arith.constant 2 : i32
    %mul3A_2 = vector.broadcast %mul3A : i32 to vector<2048x1xi32>
    %mul3A_3 = arith.muli %slice3A, %mul3A_2 : vector<2048x1xi32>
    %slice3A_4 = vector.extract_strided_slice %get3A_1 {offsets = [0, 1], sizes = [2048, 1], strides = [1, 1]} : vector<2048x3xi32> to vector<2048x1xi32>
    %mul3A_5 = arith.constant 2 : i32
    %mul3A_6 = vector.broadcast %mul3A_5 : i32 to vector<2048x1xi32>
    %mul3A_7 = arith.muli %slice3A_4, %mul3A_6 : vector<2048x1xi32>
    %slice3A_8 = vector.extract_strided_slice %get3A_1 {offsets = [0, 2], sizes = [2048, 1], strides = [1, 1]} : vector<2048x3xi32> to vector<2048x1xi32>
    %mul3A_9 = arith.constant 2 : i32
    %mul3A_10 = vector.broadcast %mul3A_9 : i32 to vector<2048x1xi32>
    %mul3A_11 = arith.muli %slice3A_8, %mul3A_10 : vector<2048x1xi32>
    %iota3A = tpu.iota {dimensions = array<i32: 1>} : vector<1x27xi32>
    %jit3A = arith.constant 9 : i32
    %div3A = vector.broadcast %jit3A : i32 to vector<1x27xi32>
    %div3A_12 = arith.divsi %iota3A, %div3A : vector<1x27xi32>
    %sign3A = arith.constant 0 : i32
    %sign3A_13 = vector.broadcast %sign3A : i32 to vector<1x27xi32>
    %sign3A_14 = arith.cmpi sgt, %iota3A, %sign3A_13 : vector<1x27xi32>
    %sign3A_15 = arith.extui %sign3A_14 : vector<1x27xi1> to vector<1x27xi32>
    %sign3A_16 = arith.constant 0 : i32
    %sign3A_17 = vector.broadcast %sign3A_16 : i32 to vector<1x27xi32>
    %sign3A_18 = arith.cmpi slt, %iota3A, %sign3A_17 : vector<1x27xi32>
    %sign3A_19 = arith.extui %sign3A_18 : vector<1x27xi1> to vector<1x27xi32>
    %sign3A_20 = arith.subi %sign3A_15, %sign3A_19 : vector<1x27xi32>
    %sign3A_21 = arith.constant 0 : i32
    %sign3A_22 = arith.cmpi sgt, %jit3A, %sign3A_21 : i32
    %sign3A_23 = arith.extui %sign3A_22 : i1 to i32
    %sign3A_24 = arith.constant 0 : i32
    %sign3A_25 = arith.cmpi slt, %jit3A, %sign3A_24 : i32
    %sign3A_26 = arith.extui %sign3A_25 : i1 to i32
    %sign3A_27 = arith.subi %sign3A_23, %sign3A_26 : i32
    %ne3A = vector.broadcast %sign3A_27 : i32 to vector<1x27xi32>
    %ne3A_28 = arith.cmpi ne, %sign3A_20, %ne3A : vector<1x27xi32>
    %rem3A = vector.broadcast %jit3A : i32 to vector<1x27xi32>
    %rem3A_29 = arith.remsi %iota3A, %rem3A : vector<1x27xi32>
    %ne3A_30 = arith.constant 0 : i32
    %ne3A_31 = vector.broadcast %ne3A_30 : i32 to vector<1x27xi32>
    %ne3A_32 = arith.cmpi ne, %rem3A_29, %ne3A_31 : vector<1x27xi32>
    %and3A = arith.andi %ne3A_28, %ne3A_32 : vector<1x27xi1>
    %sub3A = arith.constant 1 : i32
    %sub3A_33 = vector.broadcast %sub3A : i32 to vector<1x27xi32>
    %sub3A_34 = arith.subi %div3A_12, %sub3A_33 : vector<1x27xi32>
    %select_n3A = arith.select %and3A, %sub3A_34, %div3A_12 : vector<1x27xi1>, vector<1x27xi32>
    %add3A = vector.broadcast %mul3A_3 : vector<2048x1xi32> to vector<2048x27xi32>
    %add3A_35 = vector.broadcast %select_n3A : vector<1x27xi32> to vector<2048x27xi32>
    %add3A_36 = arith.addi %add3A, %add3A_35 : vector<2048x27xi32>
    %sub3A_37 = arith.constant 1 : i32
    %sub3A_38 = vector.broadcast %sub3A_37 : i32 to vector<2048x27xi32>
    %sub3A_39 = arith.subi %add3A_36, %sub3A_38 : vector<2048x27xi32>
    %jit3A_40 = arith.constant 3 : i32
    %div3A_41 = vector.broadcast %jit3A_40 : i32 to vector<1x27xi32>
    %div3A_42 = arith.divsi %iota3A, %div3A_41 : vector<1x27xi32>
    %sign3A_43 = arith.constant 0 : i32
    %sign3A_44 = vector.broadcast %sign3A_43 : i32 to vector<1x27xi32>
    %sign3A_45 = arith.cmpi sgt, %iota3A, %sign3A_44 : vector<1x27xi32>
    %sign3A_46 = arith.extui %sign3A_45 : vector<1x27xi1> to vector<1x27xi32>
    %sign3A_47 = arith.constant 0 : i32
    %sign3A_48 = vector.broadcast %sign3A_47 : i32 to vector<1x27xi32>
    %sign3A_49 = arith.cmpi slt, %iota3A, %sign3A_48 : vector<1x27xi32>
    %sign3A_50 = arith.extui %sign3A_49 : vector<1x27xi1> to vector<1x27xi32>
    %sign3A_51 = arith.subi %sign3A_46, %sign3A_50 : vector<1x27xi32>
    %sign3A_52 = arith.constant 0 : i32
    %sign3A_53 = arith.cmpi sgt, %jit3A_40, %sign3A_52 : i32
    %sign3A_54 = arith.extui %sign3A_53 : i1 to i32
    %sign3A_55 = arith.constant 0 : i32
    %sign3A_56 = arith.cmpi slt, %jit3A_40, %sign3A_55 : i32
    %sign3A_57 = arith.extui %sign3A_56 : i1 to i32
    %sign3A_58 = arith.subi %sign3A_54, %sign3A_57 : i32
    %ne3A_59 = vector.broadcast %sign3A_58 : i32 to vector<1x27xi32>
    %ne3A_60 = arith.cmpi ne, %sign3A_51, %ne3A_59 : vector<1x27xi32>
    %rem3A_61 = vector.broadcast %jit3A_40 : i32 to vector<1x27xi32>
    %rem3A_62 = arith.remsi %iota3A, %rem3A_61 : vector<1x27xi32>
    %ne3A_63 = arith.constant 0 : i32
    %ne3A_64 = vector.broadcast %ne3A_63 : i32 to vector<1x27xi32>
    %ne3A_65 = arith.cmpi ne, %rem3A_62, %ne3A_64 : vector<1x27xi32>
    %and3A_66 = arith.andi %ne3A_60, %ne3A_65 : vector<1x27xi1>
    %sub3A_67 = arith.constant 1 : i32
    %sub3A_68 = vector.broadcast %sub3A_67 : i32 to vector<1x27xi32>
    %sub3A_69 = arith.subi %div3A_42, %sub3A_68 : vector<1x27xi32>
    %select_n3A_70 = arith.select %and3A_66, %sub3A_69, %div3A_42 : vector<1x27xi1>, vector<1x27xi32>
    %jit3A_71 = arith.constant 3 : i32
    %eq3A = arith.constant 0 : i32
    %eq3A_72 = arith.cmpi eq, %jit3A_71, %eq3A : i32
    %jit3A_73 = arith.constant 1 : i32
    %select_n3A_74 = arith.select %eq3A_72, %jit3A_73, %jit3A_71 : i32
    %rem3A_75 = vector.broadcast %select_n3A_74 : i32 to vector<1x27xi32>
    %rem3A_76 = arith.remsi %select_n3A_70, %rem3A_75 : vector<1x27xi32>
    %ne3A_77 = arith.constant 0 : i32
    %ne3A_78 = vector.broadcast %ne3A_77 : i32 to vector<1x27xi32>
    %ne3A_79 = arith.cmpi ne, %rem3A_76, %ne3A_78 : vector<1x27xi32>
    %lt3A = arith.constant 0 : i32
    %lt3A_80 = vector.broadcast %lt3A : i32 to vector<1x27xi32>
    %lt3A_81 = arith.cmpi slt, %rem3A_76, %lt3A_80 : vector<1x27xi32>
    %lt3A_82 = arith.constant 0 : i32
    %lt3A_83 = arith.cmpi slt, %select_n3A_74, %lt3A_82 : i32
    %ne3A_84 = vector.broadcast %lt3A_83 : i1 to vector<1x27xi1>
    %ne3A_85 = vector.broadcast %ne3A_84 : vector<1x27xi1> to vector<1x27xi1>
    %ne3A_86 = arith.xori %lt3A_81, %ne3A_85 : vector<1x27xi1>
    %and3A_87 = arith.andi %ne3A_86, %ne3A_79 : vector<1x27xi1>
    %add3A_88 = vector.broadcast %select_n3A_74 : i32 to vector<1x27xi32>
    %add3A_89 = arith.addi %rem3A_76, %add3A_88 : vector<1x27xi32>
    %select_n3A_90 = arith.select %and3A_87, %add3A_89, %rem3A_76 : vector<1x27xi1>, vector<1x27xi32>
    %add3A_91 = vector.broadcast %mul3A_7 : vector<2048x1xi32> to vector<2048x27xi32>
    %add3A_92 = vector.broadcast %select_n3A_90 : vector<1x27xi32> to vector<2048x27xi32>
    %add3A_93 = arith.addi %add3A_91, %add3A_92 : vector<2048x27xi32>
    %sub3A_94 = arith.constant 1 : i32
    %sub3A_95 = vector.broadcast %sub3A_94 : i32 to vector<2048x27xi32>
    %sub3A_96 = arith.subi %add3A_93, %sub3A_95 : vector<2048x27xi32>
    %jit3A_97 = arith.constant 3 : i32
    %eq3A_98 = arith.constant 0 : i32
    %eq3A_99 = arith.cmpi eq, %jit3A_97, %eq3A_98 : i32
    %jit3A_100 = arith.constant 1 : i32
    %select_n3A_101 = arith.select %eq3A_99, %jit3A_100, %jit3A_97 : i32
    %rem3A_102 = vector.broadcast %select_n3A_101 : i32 to vector<1x27xi32>
    %rem3A_103 = arith.remsi %iota3A, %rem3A_102 : vector<1x27xi32>
    %ne3A_104 = arith.constant 0 : i32
    %ne3A_105 = vector.broadcast %ne3A_104 : i32 to vector<1x27xi32>
    %ne3A_106 = arith.cmpi ne, %rem3A_103, %ne3A_105 : vector<1x27xi32>
    %lt3A_107 = arith.constant 0 : i32
    %lt3A_108 = vector.broadcast %lt3A_107 : i32 to vector<1x27xi32>
    %lt3A_109 = arith.cmpi slt, %rem3A_103, %lt3A_108 : vector<1x27xi32>
    %lt3A_110 = arith.constant 0 : i32
    %lt3A_111 = arith.cmpi slt, %select_n3A_101, %lt3A_110 : i32
    %ne3A_112 = vector.broadcast %lt3A_111 : i1 to vector<1x27xi1>
    %ne3A_113 = vector.broadcast %ne3A_112 : vector<1x27xi1> to vector<1x27xi1>
    %ne3A_114 = arith.xori %lt3A_109, %ne3A_113 : vector<1x27xi1>
    %and3A_115 = arith.andi %ne3A_114, %ne3A_106 : vector<1x27xi1>
    %add3A_116 = vector.broadcast %select_n3A_101 : i32 to vector<1x27xi32>
    %add3A_117 = arith.addi %rem3A_103, %add3A_116 : vector<1x27xi32>
    %select_n3A_118 = arith.select %and3A_115, %add3A_117, %rem3A_103 : vector<1x27xi1>, vector<1x27xi32>
    %add3A_119 = vector.broadcast %mul3A_11 : vector<2048x1xi32> to vector<2048x27xi32>
    %add3A_120 = vector.broadcast %select_n3A_118 : vector<1x27xi32> to vector<2048x27xi32>
    %add3A_121 = arith.addi %add3A_119, %add3A_120 : vector<2048x27xi32>
    %sub3A_122 = arith.constant 1 : i32
    %sub3A_123 = vector.broadcast %sub3A_122 : i32 to vector<2048x27xi32>
    %sub3A_124 = arith.subi %add3A_121, %sub3A_123 : vector<2048x27xi32>
    %ge3A = arith.constant 0 : i32
    %ge3A_125 = vector.broadcast %ge3A : i32 to vector<2048x27xi32>
    %ge3A_126 = arith.cmpi sge, %sub3A_39, %ge3A_125 : vector<2048x27xi32>
    %lt3A_127 = arith.constant 64 : i32
    %lt3A_128 = vector.broadcast %lt3A_127 : i32 to vector<2048x27xi32>
    %lt3A_129 = arith.cmpi slt, %sub3A_39, %lt3A_128 : vector<2048x27xi32>
    %and3A_130 = arith.andi %ge3A_126, %lt3A_129 : vector<2048x27xi1>
    %ge3A_131 = arith.constant 0 : i32
    %ge3A_132 = vector.broadcast %ge3A_131 : i32 to vector<2048x27xi32>
    %ge3A_133 = arith.cmpi sge, %sub3A_96, %ge3A_132 : vector<2048x27xi32>
    %and3A_134 = arith.andi %and3A_130, %ge3A_133 : vector<2048x27xi1>
    %lt3A_135 = arith.constant 64 : i32
    %lt3A_136 = vector.broadcast %lt3A_135 : i32 to vector<2048x27xi32>
    %lt3A_137 = arith.cmpi slt, %sub3A_96, %lt3A_136 : vector<2048x27xi32>
    %and3A_138 = arith.andi %and3A_134, %lt3A_137 : vector<2048x27xi1>
    %ge3A_139 = arith.constant 0 : i32
    %ge3A_140 = vector.broadcast %ge3A_139 : i32 to vector<2048x27xi32>
    %ge3A_141 = arith.cmpi sge, %sub3A_124, %ge3A_140 : vector<2048x27xi32>
    %and3A_142 = arith.andi %and3A_138, %ge3A_141 : vector<2048x27xi1>
    %lt3A_143 = arith.constant 64 : i32
    %lt3A_144 = vector.broadcast %lt3A_143 : i32 to vector<2048x27xi32>
    %lt3A_145 = arith.cmpi slt, %sub3A_124, %lt3A_144 : vector<2048x27xi32>
    %and3A_146 = arith.andi %and3A_142, %lt3A_145 : vector<2048x27xi1>
    %mul3A_147 = arith.constant 4096 : i32
    %mul3A_148 = vector.broadcast %mul3A_147 : i32 to vector<2048x27xi32>
    %mul3A_149 = arith.muli %sub3A_39, %mul3A_148 : vector<2048x27xi32>
    %mul3A_150 = arith.constant 64 : i32
    %mul3A_151 = vector.broadcast %mul3A_150 : i32 to vector<2048x27xi32>
    %mul3A_152 = arith.muli %sub3A_96, %mul3A_151 : vector<2048x27xi32>
    %add3A_153 = arith.addi %mul3A_149, %mul3A_152 : vector<2048x27xi32>
    %add3A_154 = arith.addi %add3A_153, %sub3A_124 : vector<2048x27xi32>
    %add3A_155 = arith.constant 0 : i32
    %add3A_156 = vector.broadcast %add3A_155 : i32 to vector<2048x27xi32>
    %add3A_157 = arith.addi %add3A_154, %add3A_156 : vector<2048x27xi32>
    %jit3A_158 = arith.constant 262144 : i32
    %broadcast_in_dim3A = vector.broadcast %jit3A_158 : i32 to vector<2048x27xi32>
    %select_n3A_159 = arith.select %and3A_146, %add3A_157, %broadcast_in_dim3A : vector<2048x27xi1>, vector<2048x27xi32>
    %swap3A = arith.constant 0 : index
    %swap3A_160 = arith.constant 0 : index
    %swap3A_161 = vector.load %arg2[%swap3A, %swap3A_160] : memref<2048x27xi32, #tpu.memory_space<vmem>>, vector<2048x27xi32>
    tpu.vector_store %arg2[%swap3A, %swap3A_160], %select_n3A_159 {strides = array<i32>} : memref<2048x27xi32, #tpu.memory_space<vmem>>, vector<2048x27xi32>,
    return
  }
  func.func @transform_0(%arg0: i32) -> (i32, i32) {
    %c0_i32 = arith.constant 0 : i32
    %c0_i32_0 = arith.constant 0 : i32
    return %arg0, %c0_i32 : i32, i32
  }
  func.func @transform_1(%arg0: i32) -> (i32, i32) {
    %c0_i32 = arith.constant 0 : i32
    %c0_i32_0 = arith.constant 0 : i32
    return %arg0, %c0_i32 : i32, i32
  }
}

module attributes {stable_mosaic.version = 14 : i64} {
  func.func @body(%arg0: i32, %arg1: memref<2048x3xi32, #tpu.memory_space<vmem>>, %arg2: memref<2048x27xi32, #tpu.memory_space<vmem>>) attributes {dimension_semantics = [#tpu.dimension_semantics<arbitrary>], iteration_bounds = array<i64: 49>, scalar_prefetch = 0 : i64, scratch_operands = 0 : i64, tpu.core_type = #tpu.core_type<tc>, window_params = [{transform_indices = @transform_0, window_bounds = array<i64: 2048, 3>}, {transform_indices = @transform_1, window_bounds = array<i64: 2048, 27>}]} {
    %get3A = arith.constant 0 : index
    %get3A_0 = arith.constant 0 : index
    %get3A_1 = vector.load %arg1[%get3A, %get3A_0] : memref<2048x3xi32, #tpu.memory_space<vmem>>, vector<2048x3xi32>
    %slice3A = vector.extract_strided_slice %get3A_1 {offsets = [0, 0], sizes = [2048, 1], strides = [1, 1]} : vector<2048x3xi32> to vector<2048x1xi32>
    %mul3A = arith.constant 1 : i32
    %mul3A_2 = vector.broadcast %mul3A : i32 to vector<2048x1xi32>
    %mul3A_3 = arith.muli %slice3A, %mul3A_2 : vector<2048x1xi32>
    %slice3A_4 = vector.extract_strided_slice %get3A_1 {offsets = [0, 1], sizes = [2048, 1], strides = [1, 1]} : vector<2048x3xi32> to vector<2048x1xi32>
    %mul3A_5 = arith.constant 1 : i32
    %mul3A_6 = vector.broadcast %mul3A_5 : i32 to vector<2048x1xi32>
    %mul3A_7 = arith.muli %slice3A_4, %mul3A_6 : vector<2048x1xi32>
    %slice3A_8 = vector.extract_strided_slice %get3A_1 {offsets = [0, 2], sizes = [2048, 1], strides = [1, 1]} : vector<2048x3xi32> to vector<2048x1xi32>
    %mul3A_9 = arith.constant 1 : i32
    %mul3A_10 = vector.broadcast %mul3A_9 : i32 to vector<2048x1xi32>
    %mul3A_11 = arith.muli %slice3A_8, %mul3A_10 : vector<2048x1xi32>
    %iota3A = tpu.iota {dimensions = array<i32: 1>} : vector<1x27xi32>
    %jit3A = arith.constant 9 : i32
    %div3A = vector.broadcast %jit3A : i32 to vector<1x27xi32>
    %div3A_12 = arith.divsi %iota3A, %div3A : vector<1x27xi32>
    %sign3A = arith.constant 0 : i32
    %sign3A_13 = vector.broadcast %sign3A : i32 to vector<1x27xi32>
    %sign3A_14 = arith.cmpi sgt, %iota3A, %sign3A_13 : vector<1x27xi32>
    %sign3A_15 = arith.extui %sign3A_14 : vector<1x27xi1> to vector<1x27xi32>
    %sign3A_16 = arith.constant 0 : i32
    %sign3A_17 = vector.broadcast %sign3A_16 : i32 to vector<1x27xi32>
    %sign3A_18 = arith.cmpi slt, %iota3A, %sign3A_17 : vector<1x27xi32>
    %sign3A_19 = arith.extui %sign3A_18 : vector<1x27xi1> to vector<1x27xi32>
    %sign3A_20 = arith.subi %sign3A_15, %sign3A_19 : vector<1x27xi32>
    %sign3A_21 = arith.constant 0 : i32
    %sign3A_22 = arith.cmpi sgt, %jit3A, %sign3A_21 : i32
    %sign3A_23 = arith.extui %sign3A_22 : i1 to i32
    %sign3A_24 = arith.constant 0 : i32
    %sign3A_25 = arith.cmpi slt, %jit3A, %sign3A_24 : i32
    %sign3A_26 = arith.extui %sign3A_25 : i1 to i32
    %sign3A_27 = arith.subi %sign3A_23, %sign3A_26 : i32
    %ne3A = vector.broadcast %sign3A_27 : i32 to vector<1x27xi32>
    %ne3A_28 = arith.cmpi ne, %sign3A_20, %ne3A : vector<1x27xi32>
    %rem3A = vector.broadcast %jit3A : i32 to vector<1x27xi32>
    %rem3A_29 = arith.remsi %iota3A, %rem3A : vector<1x27xi32>
    %ne3A_30 = arith.constant 0 : i32
    %ne3A_31 = vector.broadcast %ne3A_30 : i32 to vector<1x27xi32>
    %ne3A_32 = arith.cmpi ne, %rem3A_29, %ne3A_31 : vector<1x27xi32>
    %and3A = arith.andi %ne3A_28, %ne3A_32 : vector<1x27xi1>
    %sub3A = arith.constant 1 : i32
    %sub3A_33 = vector.broadcast %sub3A : i32 to vector<1x27xi32>
    %sub3A_34 = arith.subi %div3A_12, %sub3A_33 : vector<1x27xi32>
    %select_n3A = arith.select %and3A, %sub3A_34, %div3A_12 : vector<1x27xi1>, vector<1x27xi32>
    %add3A = vector.broadcast %mul3A_3 : vector<2048x1xi32> to vector<2048x27xi32>
    %add3A_35 = vector.broadcast %select_n3A : vector<1x27xi32> to vector<2048x27xi32>
    %add3A_36 = arith.addi %add3A, %add3A_35 : vector<2048x27xi32>
    %sub3A_37 = arith.constant 1 : i32
    %sub3A_38 = vector.broadcast %sub3A_37 : i32 to vector<2048x27xi32>
    %sub3A_39 = arith.subi %add3A_36, %sub3A_38 : vector<2048x27xi32>
    %jit3A_40 = arith.constant 3 : i32
    %div3A_41 = vector.broadcast %jit3A_40 : i32 to vector<1x27xi32>
    %div3A_42 = arith.divsi %iota3A, %div3A_41 : vector<1x27xi32>
    %sign3A_43 = arith.constant 0 : i32
    %sign3A_44 = vector.broadcast %sign3A_43 : i32 to vector<1x27xi32>
    %sign3A_45 = arith.cmpi sgt, %iota3A, %sign3A_44 : vector<1x27xi32>
    %sign3A_46 = arith.extui %sign3A_45 : vector<1x27xi1> to vector<1x27xi32>
    %sign3A_47 = arith.constant 0 : i32
    %sign3A_48 = vector.broadcast %sign3A_47 : i32 to vector<1x27xi32>
    %sign3A_49 = arith.cmpi slt, %iota3A, %sign3A_48 : vector<1x27xi32>
    %sign3A_50 = arith.extui %sign3A_49 : vector<1x27xi1> to vector<1x27xi32>
    %sign3A_51 = arith.subi %sign3A_46, %sign3A_50 : vector<1x27xi32>
    %sign3A_52 = arith.constant 0 : i32
    %sign3A_53 = arith.cmpi sgt, %jit3A_40, %sign3A_52 : i32
    %sign3A_54 = arith.extui %sign3A_53 : i1 to i32
    %sign3A_55 = arith.constant 0 : i32
    %sign3A_56 = arith.cmpi slt, %jit3A_40, %sign3A_55 : i32
    %sign3A_57 = arith.extui %sign3A_56 : i1 to i32
    %sign3A_58 = arith.subi %sign3A_54, %sign3A_57 : i32
    %ne3A_59 = vector.broadcast %sign3A_58 : i32 to vector<1x27xi32>
    %ne3A_60 = arith.cmpi ne, %sign3A_51, %ne3A_59 : vector<1x27xi32>
    %rem3A_61 = vector.broadcast %jit3A_40 : i32 to vector<1x27xi32>
    %rem3A_62 = arith.remsi %iota3A, %rem3A_61 : vector<1x27xi32>
    %ne3A_63 = arith.constant 0 : i32
    %ne3A_64 = vector.broadcast %ne3A_63 : i32 to vector<1x27xi32>
    %ne3A_65 = arith.cmpi ne, %rem3A_62, %ne3A_64 : vector<1x27xi32>
    %and3A_66 = arith.andi %ne3A_60, %ne3A_65 : vector<1x27xi1>
    %sub3A_67 = arith.constant 1 : i32
    %sub3A_68 = vector.broadcast %sub3A_67 : i32 to vector<1x27xi32>
    %sub3A_69 = arith.subi %div3A_42, %sub3A_68 : vector<1x27xi32>
    %select_n3A_70 = arith.select %and3A_66, %sub3A_69, %div3A_42 : vector<1x27xi1>, vector<1x27xi32>
    %jit3A_71 = arith.constant 3 : i32
    %eq3A = arith.constant 0 : i32
    %eq3A_72 = arith.cmpi eq, %jit3A_71, %eq3A : i32
    %jit3A_73 = arith.constant 1 : i32
    %select_n3A_74 = arith.select %eq3A_72, %jit3A_73, %jit3A_71 : i32
    %rem3A_75 = vector.broadcast %select_n3A_74 : i32 to vector<1x27xi32>
    %rem3A_76 = arith.remsi %select_n3A_70, %rem3A_75 : vector<1x27xi32>
    %ne3A_77 = arith.constant 0 : i32
    %ne3A_78 = vector.broadcast %ne3A_77 : i32 to vector<1x27xi32>
    %ne3A_79 = arith.cmpi ne, %rem3A_76, %ne3A_78 : vector<1x27xi32>
    %lt3A = arith.constant 0 : i32
    %lt3A_80 = vector.broadcast %lt3A : i32 to vector<1x27xi32>
    %lt3A_81 = arith.cmpi slt, %rem3A_76, %lt3A_80 : vector<1x27xi32>
    %lt3A_82 = arith.constant 0 : i32
    %lt3A_83 = arith.cmpi slt, %select_n3A_74, %lt3A_82 : i32
    %ne3A_84 = vector.broadcast %lt3A_83 : i1 to vector<1x27xi1>
    %ne3A_85 = vector.broadcast %ne3A_84 : vector<1x27xi1> to vector<1x27xi1>
    %ne3A_86 = arith.xori %lt3A_81, %ne3A_85 : vector<1x27xi1>
    %and3A_87 = arith.andi %ne3A_86, %ne3A_79 : vector<1x27xi1>
    %add3A_88 = vector.broadcast %select_n3A_74 : i32 to vector<1x27xi32>
    %add3A_89 = arith.addi %rem3A_76, %add3A_88 : vector<1x27xi32>
    %select_n3A_90 = arith.select %and3A_87, %add3A_89, %rem3A_76 : vector<1x27xi1>, vector<1x27xi32>
    %add3A_91 = vector.broadcast %mul3A_7 : vector<2048x1xi32> to vector<2048x27xi32>
    %add3A_92 = vector.broadcast %select_n3A_90 : vector<1x27xi32> to vector<2048x27xi32>
    %add3A_93 = arith.addi %add3A_91, %add3A_92 : vector<2048x27xi32>
    %sub3A_94 = arith.constant 1 : i32
    %sub3A_95 = vector.broadcast %sub3A_94 : i32 to vector<2048x27xi32>
    %sub3A_96 = arith.subi %add3A_93, %sub3A_95 : vector<2048x27xi32>
    %jit3A_97 = arith.constant 3 : i32
    %eq3A_98 = arith.constant 0 : i32
    %eq3A_99 = arith.cmpi eq, %jit3A_97, %eq3A_98 : i32
    %jit3A_100 = arith.constant 1 : i32
    %select_n3A_101 = arith.select %eq3A_99, %jit3A_100, %jit3A_97 : i32
    %rem3A_102 = vector.broadcast %select_n3A_101 : i32 to vector<1x27xi32>
    %rem3A_103 = arith.remsi %iota3A, %rem3A_102 : vector<1x27xi32>
    %ne3A_104 = arith.constant 0 : i32
    %ne3A_105 = vector.broadcast %ne3A_104 : i32 to vector<1x27xi32>
    %ne3A_106 = arith.cmpi ne, %rem3A_103, %ne3A_105 : vector<1x27xi32>
    %lt3A_107 = arith.constant 0 : i32
    %lt3A_108 = vector.broadcast %lt3A_107 : i32 to vector<1x27xi32>
    %lt3A_109 = arith.cmpi slt, %rem3A_103, %lt3A_108 : vector<1x27xi32>
    %lt3A_110 = arith.constant 0 : i32
    %lt3A_111 = arith.cmpi slt, %select_n3A_101, %lt3A_110 : i32
    %ne3A_112 = vector.broadcast %lt3A_111 : i1 to vector<1x27xi1>
    %ne3A_113 = vector.broadcast %ne3A_112 : vector<1x27xi1> to vector<1x27xi1>
    %ne3A_114 = arith.xori %lt3A_109, %ne3A_113 : vector<1x27xi1>
    %and3A_115 = arith.andi %ne3A_114, %ne3A_106 : vector<1x27xi1>
    %add3A_116 = vector.broadcast %select_n3A_101 : i32 to vector<1x27xi32>
    %add3A_117 = arith.addi %rem3A_103, %add3A_116 : vector<1x27xi32>
    %select_n3A_118 = arith.select %and3A_115, %add3A_117, %rem3A_103 : vector<1x27xi1>, vector<1x27xi32>
    %add3A_119 = vector.broadcast %mul3A_11 : vector<2048x1xi32> to vector<2048x27xi32>
    %add3A_120 = vector.broadcast %select_n3A_118 : vector<1x27xi32> to vector<2048x27xi32>
    %add3A_121 = arith.addi %add3A_119, %add3A_120 : vector<2048x27xi32>
    %sub3A_122 = arith.constant 1 : i32
    %sub3A_123 = vector.broadcast %sub3A_122 : i32 to vector<2048x27xi32>
    %sub3A_124 = arith.subi %add3A_121, %sub3A_123 : vector<2048x27xi32>
    %ge3A = arith.constant 0 : i32
    %ge3A_125 = vector.broadcast %ge3A : i32 to vector<2048x27xi32>
    %ge3A_126 = arith.cmpi sge, %sub3A_39, %ge3A_125 : vector<2048x27xi32>
    %lt3A_127 = arith.constant 64 : i32
    %lt3A_128 = vector.broadcast %lt3A_127 : i32 to vector<2048x27xi32>
    %lt3A_129 = arith.cmpi slt, %sub3A_39, %lt3A_128 : vector<2048x27xi32>
    %and3A_130 = arith.andi %ge3A_126, %lt3A_129 : vector<2048x27xi1>
    %ge3A_131 = arith.constant 0 : i32
    %ge3A_132 = vector.broadcast %ge3A_131 : i32 to vector<2048x27xi32>
    %ge3A_133 = arith.cmpi sge, %sub3A_96, %ge3A_132 : vector<2048x27xi32>
    %and3A_134 = arith.andi %and3A_130, %ge3A_133 : vector<2048x27xi1>
    %lt3A_135 = arith.constant 64 : i32
    %lt3A_136 = vector.broadcast %lt3A_135 : i32 to vector<2048x27xi32>
    %lt3A_137 = arith.cmpi slt, %sub3A_96, %lt3A_136 : vector<2048x27xi32>
    %and3A_138 = arith.andi %and3A_134, %lt3A_137 : vector<2048x27xi1>
    %ge3A_139 = arith.constant 0 : i32
    %ge3A_140 = vector.broadcast %ge3A_139 : i32 to vector<2048x27xi32>
    %ge3A_141 = arith.cmpi sge, %sub3A_124, %ge3A_140 : vector<2048x27xi32>
    %and3A_142 = arith.andi %and3A_138, %ge3A_141 : vector<2048x27xi1>
    %lt3A_143 = arith.constant 64 : i32
    %lt3A_144 = vector.broadcast %lt3A_143 : i32 to vector<2048x27xi32>
    %lt3A_145 = arith.cmpi slt, %sub3A_124, %lt3A_144 : vector<2048x27xi32>
    %and3A_146 = arith.andi %and3A_142, %lt3A_145 : vector<2048x27xi1>
    %mul3A_147 = arith.constant 4096 : i32
    %mul3A_148 = vector.broadcast %mul3A_147 : i32 to vector<2048x27xi32>
    %mul3A_149 = arith.muli %sub3A_39, %mul3A_148 : vector<2048x27xi32>
    %mul3A_150 = arith.constant 64 : i32
    %mul3A_151 = vector.broadcast %mul3A_150 : i32 to vector<2048x27xi32>
    %mul3A_152 = arith.muli %sub3A_96, %mul3A_151 : vector<2048x27xi32>
    %add3A_153 = arith.addi %mul3A_149, %mul3A_152 : vector<2048x27xi32>
    %add3A_154 = arith.addi %add3A_153, %sub3A_124 : vector<2048x27xi32>
    %add3A_155 = arith.constant 0 : i32
    %add3A_156 = vector.broadcast %add3A_155 : i32 to vector<2048x27xi32>
    %add3A_157 = arith.addi %add3A_154, %add3A_156 : vector<2048x27xi32>
    %jit3A_158 = arith.constant 262144 : i32
    %broadcast_in_dim3A = vector.broadcast %jit3A_158 : i32 to vector<2048x27xi32>
    %select_n3A_159 = arith.select %and3A_146, %add3A_157, %broadcast_in_dim3A : vector<2048x27xi1>, vector<2048x27xi32>
    %swap3A = arith.constant 0 : index
    %swap3A_160 = arith.constant 0 : index
    %swap3A_161 = vector.load %arg2[%swap3A, %swap3A_160] : memref<2048x27xi32, #tpu.memory_space<vmem>>, vector<2048x27xi32>
    tpu.vector_store %arg2[%swap3A, %swap3A_160], %select_n3A_159 {strides = array<i32>} : memref<2048x27xi32, #tpu.memory_space<vmem>>, vector<2048x27xi32>,
    return
  }
  func.func @transform_0(%arg0: i32) -> (i32, i32) {
    %c0_i32 = arith.constant 0 : i32
    %c0_i32_0 = arith.constant 0 : i32
    return %arg0, %c0_i32 : i32, i32
  }
  func.func @transform_1(%arg0: i32) -> (i32, i32) {
    %c0_i32 = arith.constant 0 : i32
    %c0_i32_0 = arith.constant 0 : i32
    return %arg0, %c0_i32 : i32, i32
  }
}

module attributes {stable_mosaic.version = 14 : i64} {
  func.func @body(%arg0: i32, %arg1: memref<1024x216xf32, #tpu.memory_space<vmem>>, %arg2: memref<216x32xf32, #tpu.memory_space<vmem>>, %arg3: memref<1024x32xf32, #tpu.memory_space<vmem>>) attributes {dimension_semantics = [#tpu.dimension_semantics<arbitrary>], iteration_bounds = array<i64: 98>, scalar_prefetch = 0 : i64, scratch_operands = 0 : i64, tpu.core_type = #tpu.core_type<tc>, window_params = [{transform_indices = @transform_0, window_bounds = array<i64: 1024, 216>}, {pipeline_mode = #tpu.pipeline_mode<synchronous>, transform_indices = @transform_1, window_bounds = array<i64: 216, 32>}, {transform_indices = @transform_2, window_bounds = array<i64: 1024, 32>}]} {
    %get3A = arith.constant 0 : index
    %get3A_0 = arith.constant 0 : index
    %get3A_1 = vector.load %arg1[%get3A, %get3A_0] : memref<1024x216xf32, #tpu.memory_space<vmem>>, vector<1024x216xf32>
    %get3A_2 = arith.constant 0 : index
    %get3A_3 = arith.constant 0 : index
    %get3A_4 = vector.load %arg2[%get3A_2, %get3A_3] : memref<216x32xf32, #tpu.memory_space<vmem>>, vector<216x32xf32>
    %dot_general3A = arith.constant dense<0.000000e+00> : vector<1024x32xf32>
    %dot_general3A_5 = tpu.matmul %get3A_1, %get3A_4, %dot_general3A {dimension_numbers = #tpu.dot_dimension_numbers<[1], [0], [0], [1], [0, 0, 1, 1], [], []>, precision = #tpu.contract_precision<fp32>, transpose_lhs_hint = false} : vector<1024x216xf32>, vector<216x32xf32>, vector<1024x32xf32> -> vector<1024x32xf32>
    %swap3A = arith.constant 0 : index
    %swap3A_6 = arith.constant 0 : index
    %swap3A_7 = vector.load %arg3[%swap3A, %swap3A_6] : memref<1024x32xf32, #tpu.memory_space<vmem>>, vector<1024x32xf32>
    tpu.vector_store %arg3[%swap3A, %swap3A_6], %dot_general3A_5 {strides = array<i32>} : memref<1024x32xf32, #tpu.memory_space<vmem>>, vector<1024x32xf32>,
    return
  }
  func.func @transform_0(%arg0: i32) -> (i32, i32) {
    %c0_i32 = arith.constant 0 : i32
    %c0_i32_0 = arith.constant 0 : i32
    return %arg0, %c0_i32 : i32, i32
  }
  func.func @transform_1(%arg0: i32) -> (i32, i32) {
    %c0_i32 = arith.constant 0 : i32
    %c0_i32_0 = arith.constant 0 : i32
    %c0_i32_1 = arith.constant 0 : i32
    return %c0_i32, %c0_i32_0 : i32, i32
  }
  func.func @transform_2(%arg0: i32) -> (i32, i32) {
    %c0_i32 = arith.constant 0 : i32
    %c0_i32_0 = arith.constant 0 : i32
    return %arg0, %c0_i32 : i32, i32
  }
}

module attributes {stable_mosaic.version = 14 : i64} {
  func.func @body(%arg0: i32, %arg1: memref<1024x864xf32, #tpu.memory_space<vmem>>, %arg2: memref<864x32xf32, #tpu.memory_space<vmem>>, %arg3: memref<1024x32xf32, #tpu.memory_space<vmem>>) attributes {dimension_semantics = [#tpu.dimension_semantics<arbitrary>], iteration_bounds = array<i64: 32>, scalar_prefetch = 0 : i64, scratch_operands = 0 : i64, tpu.core_type = #tpu.core_type<tc>, window_params = [{transform_indices = @transform_0, window_bounds = array<i64: 1024, 864>}, {pipeline_mode = #tpu.pipeline_mode<synchronous>, transform_indices = @transform_1, window_bounds = array<i64: 864, 32>}, {transform_indices = @transform_2, window_bounds = array<i64: 1024, 32>}]} {
    %get3A = arith.constant 0 : index
    %get3A_0 = arith.constant 0 : index
    %get3A_1 = vector.load %arg1[%get3A, %get3A_0] : memref<1024x864xf32, #tpu.memory_space<vmem>>, vector<1024x864xf32>
    %get3A_2 = arith.constant 0 : index
    %get3A_3 = arith.constant 0 : index
    %get3A_4 = vector.load %arg2[%get3A_2, %get3A_3] : memref<864x32xf32, #tpu.memory_space<vmem>>, vector<864x32xf32>
    %dot_general3A = arith.constant dense<0.000000e+00> : vector<1024x32xf32>
    %dot_general3A_5 = tpu.matmul %get3A_1, %get3A_4, %dot_general3A {dimension_numbers = #tpu.dot_dimension_numbers<[1], [0], [0], [1], [0, 0, 1, 1], [], []>, precision = #tpu.contract_precision<fp32>, transpose_lhs_hint = false} : vector<1024x864xf32>, vector<864x32xf32>, vector<1024x32xf32> -> vector<1024x32xf32>
    %swap3A = arith.constant 0 : index
    %swap3A_6 = arith.constant 0 : index
    %swap3A_7 = vector.load %arg3[%swap3A, %swap3A_6] : memref<1024x32xf32, #tpu.memory_space<vmem>>, vector<1024x32xf32>
    tpu.vector_store %arg3[%swap3A, %swap3A_6], %dot_general3A_5 {strides = array<i32>} : memref<1024x32xf32, #tpu.memory_space<vmem>>, vector<1024x32xf32>,
    return
  }
  func.func @transform_0(%arg0: i32) -> (i32, i32) {
    %c0_i32 = arith.constant 0 : i32
    %c0_i32_0 = arith.constant 0 : i32
    return %arg0, %c0_i32 : i32, i32
  }
  func.func @transform_1(%arg0: i32) -> (i32, i32) {
    %c0_i32 = arith.constant 0 : i32
    %c0_i32_0 = arith.constant 0 : i32
    %c0_i32_1 = arith.constant 0 : i32
    return %c0_i32, %c0_i32_0 : i32, i32
  }
  func.func @transform_2(%arg0: i32) -> (i32, i32) {
    %c0_i32 = arith.constant 0 : i32
    %c0_i32_0 = arith.constant 0 : i32
    return %arg0, %c0_i32 : i32, i32
  }
}

module attributes {stable_mosaic.version = 14 : i64} {
  func.func @body(%arg0: i32, %arg1: memref<1024x864xf32, #tpu.memory_space<vmem>>, %arg2: memref<864x2xf32, #tpu.memory_space<vmem>>, %arg3: memref<1024x2xf32, #tpu.memory_space<vmem>>) attributes {dimension_semantics = [#tpu.dimension_semantics<arbitrary>], iteration_bounds = array<i64: 32>, scalar_prefetch = 0 : i64, scratch_operands = 0 : i64, tpu.core_type = #tpu.core_type<tc>, window_params = [{transform_indices = @transform_0, window_bounds = array<i64: 1024, 864>}, {pipeline_mode = #tpu.pipeline_mode<synchronous>, transform_indices = @transform_1, window_bounds = array<i64: 864, 2>}, {transform_indices = @transform_2, window_bounds = array<i64: 1024, 2>}]} {
    %get3A = arith.constant 0 : index
    %get3A_0 = arith.constant 0 : index
    %get3A_1 = vector.load %arg1[%get3A, %get3A_0] : memref<1024x864xf32, #tpu.memory_space<vmem>>, vector<1024x864xf32>
    %get3A_2 = arith.constant 0 : index
    %get3A_3 = arith.constant 0 : index
    %get3A_4 = vector.load %arg2[%get3A_2, %get3A_3] : memref<864x2xf32, #tpu.memory_space<vmem>>, vector<864x2xf32>
    %dot_general3A = arith.constant dense<0.000000e+00> : vector<1024x2xf32>
    %dot_general3A_5 = tpu.matmul %get3A_1, %get3A_4, %dot_general3A {dimension_numbers = #tpu.dot_dimension_numbers<[1], [0], [0], [1], [0, 0, 1, 1], [], []>, precision = #tpu.contract_precision<fp32>, transpose_lhs_hint = false} : vector<1024x864xf32>, vector<864x2xf32>, vector<1024x2xf32> -> vector<1024x2xf32>
    %swap3A = arith.constant 0 : index
    %swap3A_6 = arith.constant 0 : index
    %swap3A_7 = vector.load %arg3[%swap3A, %swap3A_6] : memref<1024x2xf32, #tpu.memory_space<vmem>>, vector<1024x2xf32>
    tpu.vector_store %arg3[%swap3A, %swap3A_6], %dot_general3A_5 {strides = array<i32>} : memref<1024x2xf32, #tpu.memory_space<vmem>>, vector<1024x2xf32>,
    return
  }
  func.func @transform_0(%arg0: i32) -> (i32, i32) {
    %c0_i32 = arith.constant 0 : i32
    %c0_i32_0 = arith.constant 0 : i32
    return %arg0, %c0_i32 : i32, i32
  }
  func.func @transform_1(%arg0: i32) -> (i32, i32) {
    %c0_i32 = arith.constant 0 : i32
    %c0_i32_0 = arith.constant 0 : i32
    %c0_i32_1 = arith.constant 0 : i32
    return %c0_i32, %c0_i32_0 : i32, i32
  }
  func.func @transform_2(%arg0: i32) -> (i32, i32) {
    %c0_i32 = arith.constant 0 : i32
    %c0_i32_0 = arith.constant 0 : i32
    return %arg0, %c0_i32 : i32, i32
  }
}

</mosaic_0001>

<sc_bundles>
// kernel: kernel.12.cloned.1.call-start
scs
__scs_entry_jumppad:
0x0: {  	(pc) =	sbr.rel $0x88, $3  }
0x1: {  	(tag) =	ssettag $0x0;
	lr =	simm.s32 $0x1  }
0x2: {  	[smem:$0x3F99] =	sst lr;
	_ =	strace $0xD0000000  }
0x3: {  	_ = 	snop  }
0x4: {  	_ = 	snop  }
0x5: {  	_ = 	snop  }
0x6: {  	_ = 	snop  }
0x7: {  	_ = 	snop  }
__scs_overlays_trampoline_lowered:
0x8: {  	[smem:$0x3FA8] =	sst s0  }
0x9: {  	[smem:$0x3FA9] =	sst s1  }
0xa: {  	[smem:$0x3FAA] =	sst s2  }
0xb: {  	[smem:$0x3FAB] =	sst s3  }
0xc: {  	[smem:$0x3FAC] =	sst s4  }
0xd: {  	[smem:$0x3FAD] =	sst s5  }
0xe: {  	[smem:$0x3FAE] =	sst s6  }
0xf: {  	[smem:$0x3FAF] =	sst s7  }
0x10: {  	[smem:$0x3FB0] =	sst s8  }
0x11: {  	[smem:$0x3FB1] =	sst s9;
	s0 =	simm.s32 @!p0 $0x0  }
0x12: {  	s1 =	sld [smem:$0x3F97];
	s0 =	simm.s32 @p0 $0x1  }
0x13: {  	[smem:$0x3FB2] =	sst s0;
	s0 =	simm.s32 @!p1 $0x0  }
0x14: {  	s2 =	sld [smem:$0x3F96];
	s0 =	simm.s32 @p1 $0x1  }
0x15: {  	[smem:$0x3FB3] =	sst s0;
	s0 =	simm.s32 @!p2 $0x0  }
0x16: {  	s3 =	sld [smem:$0x3FDB];
	s0 =	simm.s32 @p2 $0x1  }
0x17: {  	s4 =	simm.s32 $0x1BF5;
	[smem:$0x3FB5] =	sst s0  }
0x18: {  	s0 =	sld [smem:$0x3F98];
	_ =	swait.ge [sflag:s4], $0x0  }
0x19: {  	s7 =	sld [smem:$0x3F99]  }
0x1a: {  	s8 =	sadd.s32 $0xFFFFE003, lr  }
0x1b: {  	s9 =	sadd.s32 $0xFFFFFEF7, lr;
	s5 =	simm.s32 $0xFFFFFFFF;
	p2 =	slt.u32 s8, $0xFFFFF086  }
0x1c: {  	p1 =	slt.u32 s9, $0xF7A;
	s5 =	simm.s32 @!p2 $0x0  }
0x1d: {  	s5 =	simm.s32 @p1 $0x1;
	p0 =	seq.s32 s7, s2  }
0x1e: {  	s7 =	smul.u32 @!p0 $0xF7A, s2;
	p2 =	seq.s32 @!p0 s5, $0x0  }
0x1f: {  	s9 =	smul.u32 $0xF7A, s1;
	s8 =	simm.s32 @!p0 $0x1BF5;
	p2 =	por !p2, p0  }
0x20: {  	[sflag:s8] =	ssyncset.s32 @!p0 $0xFFFFF086;
	s6 =	sadd.s32 @!p0 s3, s7;
	s7 =	simm.s32 @!p0 $0x108  }
0x21: {  	s3 =	sadd.s32 s3, s9;
	s6 =	sadd.s32 @!p0 $0x88, s6;
	s7 =	simm.s32 @p2 $0x1082  }
0x22: {  	[simem:s7], [sflag:s8] =	dma.local @!p0 [hbm:s6], $0xF7A  }
0x23: {  	s9 =	sor.u32 $0xD0000000, s2;
	s6 =	simm.s32 $0x108;
	_ =	swait.ge @!p0 [sflag:s8], $0x0  }
0x24: {  	s3 =	sadd.s32 $0x88, s3;
	s6 =	simm.s32 @!p1 $0x1082;
	[sflag:s4] =	ssyncset.s32 $0xFFFFF086  }
0x25: {  	[simem:s6], [sflag:s4] =	dma.local [hbm:s3], $0xF7A  }
0x26: {  	[smem:$0x3F99] =	sst s1;
	(tag) =	ssettag s2;
	_ =	strace s9  }
0x27: {  	s1 =	sld [smem:$0x3FA9]  }
0x28: {  	s2 =	sld [smem:$0x3FAA]  }
0x29: {  	s4 =	sld [smem:$0x3FAC]  }
0x2a: {  	p0 =	seq.s32 s5, $0x0;
	s5 =	sld [smem:$0x3FAD]  }
0x2b: {  	s6 =	sld [smem:$0x3FAE]  }
0x2c: {  	s7 =	sld [smem:$0x3FAF]  }
0x2d: {  	s3 =	simm.s32 $0x108;
	s8 =	sld [smem:$0x3FB0]  }
0x2e: {  	s3 =	simm.s32 @!p0 $0x1082;
	s9 =	sld [smem:$0x3FB1]  }
0x2f: {  	lr =	sadd.s32 s0, s3;
	s0 =	sld [smem:$0x3FA8]  }
0x30: {  	s3 =	sld [smem:$0x3FAB]  }
0x31: {  	[smem:$0x3FB4] =	sst s10  }
0x32: {  	s10 =	sld [smem:$0x3FB2];
	_ =	sdelay $0x3  }
0x33: {  	p0 =	seq.s32 s10, $0x1;
	s10 =	sld [smem:$0x3FB4];
	_ =	sdelay $0x3  }
0x34: {  	[smem:$0x3FB4] =	sst s10  }
0x35: {  	s10 =	sld [smem:$0x3FB3];
	_ =	sdelay $0x3  }
0x36: {  	p1 =	seq.s32 s10, $0x1;
	s10 =	sld [smem:$0x3FB4];
	_ =	sdelay $0x3  }
0x37: {  	[smem:$0x3FB4] =	sst s10  }
0x38: {  	s10 =	sld [smem:$0x3FB5]  }
0x39: {  	_ = 	snop;
	(pc) =	sbr.ind lr, $3  }
0x3a: {  	_ = 	snop  }
0x3b: {  	_ = 	snop  }
0x3c: {  	p2 =	seq.s32 s10, $0x1;
	s10 =	sld [smem:$0x3FB4]  }
0x3d: {  	_ =	shalt  }
0x3e: {  	_ =	shalt  }
0x3f: {  	_ =	shalt  }
0x40: {  	_ =	shalt  }
0x41: {  	_ =	shalt  }
0x42: {  	_ =	shalt  }
0x43: {  	_ =	shalt  }
0x44: {  	_ =	shalt  }
0x45: {  	_ =	shalt  }
0x46: {  	_ =	shalt  }
0x47: {  	_ =	shalt  }
0x48: {  	_ =	shalt  }
0x49: {  	_ =	shalt  }
0x4a: {  	_ =	shalt  }
0x4b: {  	_ =	shalt  }
0x4c: {  	_ =	shalt  }
0x4d: {  	_ =	shalt  }
0x4e: {  	_ =	shalt  }
0x4f: {  	_ =	shalt  }
0x50: {  	_ =	shalt  }
0x51: {  	_ =	shalt  }
0x52: {  	_ =	shalt  }
0x53: {  	_ =	shalt  }
0x54: {  	_ =	shalt  }
0x55: {  	_ =	shalt  }
0x56: {  	_ =	shalt  }
0x57: {  	_ =	shalt  }
0x58: {  	_ =	shalt  }
0x59: {  	_ =	shalt  }
0x5a: {  	_ =	shalt  }
0x5b: {  	_ =	shalt  }
0x5c: {  	_ =	shalt  }
0x5d: {  	_ =	shalt  }
0x5e: {  	_ =	shalt  }
0x5f: {  	_ =	shalt  }
0x60: {  	_ =	shalt  }
0x61: {  	_ =	shalt  }
0x62: {  	_ =	shalt  }
0x63: {  	_ =	shalt  }
0x64: {  	_ =	shalt  }
0x65: {  	_ =	shalt  }
0x66: {  	_ =	shalt  }
0x67: {  	_ =	shalt  }
0x68: {  	_ =	shalt  }
0x69: {  	_ =	shalt  }
0x6a: {  	_ =	shalt  }
0x6b: {  	_ =	shalt  }
0x6c: {  	_ =	shalt  }
0x6d: {  	_ =	shalt  }
0x6e: {  	_ =	shalt  }
0x6f: {  	_ =	shalt  }
0x70: {  	_ =	shalt  }
0x71: {  	_ =	shalt  }
0x72: {  	_ =	shalt  }
0x73: {  	_ =	shalt  }
0x74: {  	_ =	shalt  }
0x75: {  	_ =	shalt  }
0x76: {  	_ =	shalt  }
0x77: {  	_ =	shalt  }
0x78: {  	_ =	shalt  }
0x79: {  	_ =	shalt  }
0x7a: {  	_ =	shalt  }
0x7b: {  	_ =	shalt  }
0x7c: {  	_ =	shalt  }
0x7d: {  	_ =	shalt  }
0x7e: {  	_ =	shalt  }
0x7f: {  	_ =	shalt  }
0x80: {  	_ =	shalt  }
0x81: {  	_ =	shalt  }
0x82: {  	_ =	shalt  }
0x83: {  	_ =	shalt  }
0x84: {  	_ =	shalt  }
0x85: {  	_ =	shalt  }
0x86: {  	_ =	shalt  }
0x87: {  	_ =	shalt  }
.Lfunc_end0:
.L_simem_size_0:
called_computation_lowered:
.L_overlay_start_0:
0x88: {  	s2 =	sld [smem:$0x3FD9]  }
0x89: {  	s3 =	sld [smem:$0x3FFE];
	_ =	sdelay $0x1  }
0x8a: {  	s1 =	srdreg.scid  }
0x8b: {  	s0 =	sand.u32 $0x1, s1  }
0x8c: {  	s16 =	sshll.u32 s0, $0xA;
	s2 =	sadd.s32 s3, s2  }
0x8d: {  	s2 =	sadd.s32 s2, s16  }
0x8e: {  	[smem:$0x3FC0] =	sst s2  }
0x8f: {  	_ = 	snop  }
0x90: {  	(tm) =	ssettm $0x1  }
0x91: {  	s17 =	sld [smem:$0x3FFB];
	_ =	sdelay $0x3  }
0x92: {  	_ =	strace s17  }
0x93: {  	s2 =	sld [smem:$0x3FFC];
	_ =	sdelay $0x3  }
0x94: {  	_ =	strace s2  }
0x95: {  	s2 =	sld [smem:$0x3FFD];
	_ =	sdelay $0x3  }
0x96: {  	_ =	strace s2  }
0x97: {  	_ =	strace $0x8FFFFFFF  }
0x98: {  	s18 =	sld [smem:$0x3FDB];
	_ =	sdelay $0x1  }
0x99: {  	s19 =	simm.s32 $_scs_section_size  }
0x9a: {  	s4 =	simm.s32 $_size__tile_overlayer_lowered;
	s5 =	simm.s32 $_tile_overlayer_lowered  }
0x9b: {  	s22 =	simm.s32 $0x1BFF;
	s21 =	sshll.u32 s5, $0x1;
	s2 =	sadd.s32 s19, s18  }
0x9c: {  	s6 =	simm.s32 $0x0;
	s20 =	sshll.u32 s4, $0x1;
	s4 =	sadd.s32 s21, s2  }
0x9d: {  	[timem:s6], [sflag:s22] =	dma.local [hbm:s4], s20  }
0x9e: {  	_ =	swait.ge [sflag:s22], s20  }
0x9f: {  	s3 =	ssub.s32 $0x0, s20;
	[sflag:s22] =	ssyncset.done $0x0  }
0xa0: {  	[sflag:s22] =	ssyncadd.s32 s3;
	_ =	sdelay $0x1  }
0xa1: {  	s23 =	simm.s32 $0x1B8B  }
0xa2: {  	_ =	swait.ge [sflag:s23], $0x1  }
0xa3: {  	[sflag:s23] =	ssyncset.done $0x0  }
0xa4: {  	s25 =	simm.s32 $0x1B8E;
	s24 =	sld [smem:$0x3FFE];
	[sflag:s23] =	ssyncadd.s32 $0xFFFFFFFF  }
0xa5: {  	s26 =	simm.s32 $execute0_lowered;
	[smem:$0x3FD2] =	sst s25  }
0xa6: {  	s4 =	sshll.u32 s26, $0x1;
	_ =	strace $0x80000046;
	[dreg:$0x1] =	wrdreg $0xFFFFFFFF  }
0xa7: {  	s28 =	simm.s32 $_size_execute0_lowered;
	s2 =	sadd.s32 s2, s4;
	[dreg:$0x0] =	wrdreg $0x0  }
0xa8: {  	s4 =	sshll.u32 s28, $0x1;
	[dreg:$0x2] =	wrdreg s2  }
0xa9: {  	[dreg:$0x3] =	wrdreg s4  }
0xaa: {  	[dreg:$0x4] =	wrdreg $0xC0  }
0xab: {  	_ =	task [dreg:s6], $0x5FFFF  }
0xac: {  	[dreg:$0x1] =	wrdreg $0xFFFFFFFF  }
0xad: {  	[dreg:$0x0] =	wrdreg $0x60  }
0xae: {  	[dreg:$0x2] =	wrdreg s24  }
0xaf: {  	[dreg:$0x3] =	wrdreg $0x9  }
0xb0: {  	_ =	task.clear_ibuf [dreg:s6], $0x4FFFF;
	_ =	strace $0x90000046  }
0xb1: {  	s29 =	simm.s32 $0x9;
	_ =	strace $0x80000048  }
0xb2: {  	_ =	swait.ge [sflag:s29], $0x1  }
0xb3: {  	[sflag:s29] =	ssyncadd.s32 $0xFFFFFFFF  }
0xb4: {  	_ =	strace $0x90000048  }
0xb5: {  	_ =	sfence  }
0xb6: {  	s30 =	sld [smem:$0x0];
	_ =	sdelay $0x2  }
0xb7: {  	s31 =	sshll.u32 s1, $0xD;
	s1 =	sshrl.u32 s1, $0x2  }
0xb8: {  	s3 =	sand.u32 $0x4000, s31;
	s1 =	sadd.s32 s1, s30  }
0xb9: {  	s0 =	sor.u32 s3, s0;
	s1 =	sshll.u32 s1, $0x11  }
0xba: {  	s0 =	sor.u32 s1, s0  }
0xbb: {  	s0 =	sadd.s32 $0x8F2B, s0  }
0xbc: {  	[sflag:s0] =	ssyncadd.remote.s32 $0x1  }
0xbd: {  	_ =	sfence.sel $0xFFFF  }
0xbe: {  	[dreg:$0x0] =	wrdreg $0xFFFFFFFF;
	(pc) =	sbr.abs _section_cstart, $3  }
0xbf: {  	[dreg:$0x1] =	wrdreg $0xFFFFFFFF  }
0xc0: {  	_ =	task.clear_ibuf [dreg:s6], $0x2FFFF;
	_ =	strace $0x9FFFFFFF  }
0xc1: {  	(tm) =	ssettm $0x7FFFFFFF  }
tec
execute0_lowered:
.L_overlay_start_1:
0x0: {  	(tag) =	ssettag $0x1  }
0x1: {  	s1 =	srdreg.scid  }
0x2: {  	s0 =	stileid.u32;
	s4 =	rddreg [dreg:$0x0]  }
0x3: {  	s2 =	simm.s32 $0x0;
	s9 =	simm.s32 $0x16;
	s10 =	simm.s32 $0x17  }
0x4: {  	s11 =	simm.s32 $0x18;
	s12 =	simm.s32 $0x11;
	s13 =	simm.s32 $0x12  }
0x5: {  	s14 =	simm.s32 $0x13;
	s3 =	sand.u32 $0x1, s1;
	s5 =	smul.u32 $0x43C00, s0  }
0x6: {  	s15 =	simm.s32 $0x14;
	s1 =	rddreg [dreg:$0x1];
	s6 =	smul.u32 $0x21E00, s3  }
0x7: {  	s16 =	simm.s32 $0x0;
	[smem:$0x7FF] =	sst s2;
	s31 =	ssub.s32 $0x2, s3  }
0x8: {  	_ =	strace $0x80000047;
	s8 =	sshrl.u32 s31, $0x1;
	s6 =	sadd.s32 s6, s5  }
0x9: {  	s3 =	sadd.s32 $0x1CE00, s4;
	s5 =	ssub.s32 s31, s8;
	s7 =	sshrl.u32 s6, $0x3  }
0xa: {  	s8 =	simm.s32 $0x15;
	s5 =	smax.u32 s5, $0x1;
	s7 =	sadd.s32 s7, s4  }
0xb: {  	s6 =	sadd.s32 $0xFFFFFD00, s6;
	s4 =	sadd.s32 $0xAD800, s4;
	s7 =	sadd.s32 $0x26000, s7  }
.LBB2_1:
0xc: {  	p0 =	por $0x0, $0x0  }
0xd: {  	p1 =	por @!p0 $0x1, $0x1  }
0xe: {  	s18 =	simm.s32 $0x0;
	p2 =	por p1, p0  }
0xf: {  	s20 =	simm.s32 $0xFFFFFFFF;
	p1 =	por !p1, p0;
	s17 =	sand.u32 @!p2 $0x7, s2  }
0x10: {  	s18 =	smov.u32 @p1 s17;
	s17 =	sadd.s32 @!p2 $0x11, s17;
	p1 =	por $0x1, $0x1  }
0x11: {  	s19 =	sshll.u32 @!p0 s18, $0x7;
	_ =	swait.ge @!p2 [sflag:s17], $0x80;
	s18 =	sadd.s32 @!p0 $0x1, s18  }
0x12: {  	s20 =	sand.u32 @!p1 $0x7, s20;
	s19 =	sand.u32 @!p0 $0x3FFFFF80, s19;
	[sflag:s17] =	ssyncset.done @!p2 $0x0  }
0x13: {  	s21 =	sadd.s32 @!p1 $0x1, s20;
	[sflag:s17] =	ssyncadd.s32 @!p2 $0xFFFFFF80;
	s17 =	simm.s32 @!p0 $0x0  }
0x14: {  	[tilespmem:s19], [sflag:s18] =	stream.linear.gather @!p0 [hbm4b:s7+s17], $0x80, $0x38;
	[tilespmem:$0x2C00] =	vst v63  }
0x15: {  	_ =	swait.ge @!p1 [sflag:s21], $0x80  }
0x16: {  	[sflag:s21] =	ssyncset.done @!p1 $0x0  }
0x17: {  	s17 =	sshll.u32 @!p1 s20, $0x7;
	[sflag:s21] =	ssyncadd.s32 @!p1 $0xFFFFFF80  }
0x18: {  	v0 =	vld @!p1 [tilespmem:s17+$0x70]  }
0x19: {  	v1 =	vld @!p1 [tilespmem:s17+$0x10]  }
0x1a: {  	v2 =	vld @!p1 [tilespmem:s17+$0x50]  }
0x1b: {  	v3 =	vld @!p1 [tilespmem:s17+$0x30]  }
0x1c: {  	v4 =	vld @!p1 [tilespmem:s17+$0x20]  }
0x1d: {  	v6 =	vld @!p1 [tilespmem:s17+$0x40];
	v0 =	vshrl.u32 @!p1 v0, $0x3  }
0x1e: {  	v5 =	vld @!p1 [tilespmem:s17+$0x60];
	v1 =	vshrl.u32 @!p1 v1, $0x3;
	[tilespmem:s17+$0x470] =	vst @!p1 v0  }
0x1f: {  	v0 =	vld @!p1 [tilespmem:s17+$0x0];
	[tilespmem:s17+$0x410] =	vst @!p1 v1;
	v1 =	vshrl.u32 @!p1 v2, $0x3  }
0x20: {  	v2 =	vshrl.u32 @!p1 v3, $0x3;
	[tilespmem:s17+$0x450] =	vst @!p1 v1  }
0x21: {  	v1 =	vshrl.u32 @!p1 v4, $0x3;
	[tilespmem:s17+$0x430] =	vst @!p1 v2  }
0x22: {  	p0 =	por $0x1, $0x1;
	v2 =	vshrl.u32 @!p1 v6, $0x3;
	[tilespmem:s17+$0x420] =	vst @!p1 v1  }
0x23: {  	s22 =	simm.s32 @!p1 $0x80;
	s19 =	simm.s32 @!p0 $0xFFFFFFFA;
	v1 =	vshrl.u32 @!p1 v5, $0x3;
	[tilespmem:s17+$0x440] =	vst @!p1 v2  }
0x24: {  	s18 =	sshll.u32 @!p1 s20, $0xA;
	s20 =	sadd.s32 @!p1 $0x9, s20;
	s19 =	sand.u32 @!p0 $0x7, s19;
	[tilespmem:s17+$0x460] =	vst @!p1 v1;
	v0 =	vshrl.u32 @!p1 v0, $0x3  }
0x25: {  	s18 =	sadd.s32 @!p1 $0x800, s18;
	s21 =	sor.u32 @!p1 $0x400, s17;
	[tilespmem:s17+$0x400] =	vst @!p1 v0;
	s17 =	sadd.s32 @!p0 $0x9, s19  }
0x26: {  	[tilespmem:s18], [sflag:s20] =	stream.indirect.gather @!p1 [hbm4b:s3+s22], $0x8, s21, s22, $0xb8;
	[tilespmem:$0x2C00] =	vst v63  }
0x27: {  	_ =	swait.ge @!p0 [sflag:s17], $0x400  }
0x28: {  	[sflag:s17] =	ssyncset.done @!p0 $0x0  }
0x29: {  	s20 =	sshll.u32 @!p0 s19, $0x7;
	[sflag:s17] =	ssyncadd.s32 @!p0 $0xFFFFFC00  }
0x2a: {  	v0 =	vld @!p0 [tilespmem:s20+$0x0];
	_ =	sdelay $0x2  }
0x2b: {  	v1 =	vlaneseq.u32 @!p0  }
0x2c: {  	v1 =	vmul.u32 @!p0 $0x8, v1  }
0x2d: {  	v0 =	vand.u32 @!p0 $0x7, v0  }
0x2e: {  	v2 =	vld @!p0 [tilespmem:s20+$0x10];
	v0 =	vor.u32 @!p0 v1, v0;
	_ =	sdelay $0x3  }
0x2f: {  	s24 =	sshll.u32 @!p0 s19, $0xA  }
0x30: {  	v5 =	vor.u32 @!p0 $0x80, v1;
	v2 =	vand.u32 @!p0 $0x7, v2;
	v0 =	vld.idx.msk @!p0 [tilespmem:v0+s24+$0x800], $0xffff  }
0x31: {  	v3 =	vld @!p0 [tilespmem:s20+$0x20];
	v2 =	vor.u32 @!p0 v5, v2;
	_ =	sdelay $0x3  }
0x32: {  	[tilespmem:s20+$0x2800] =	vst @!p0 v0  }
0x33: {  	v0 =	vand.u32 @!p0 $0x7, v3;
	v3 =	vor.u32 @!p0 $0x100, v1;
	v2 =	vld.idx.msk @!p0 [tilespmem:v2+s24+$0x800], $0xffff  }
0x34: {  	v4 =	vld @!p0 [tilespmem:s20+$0x30];
	v0 =	vor.u32 @!p0 v3, v0;
	_ =	sdelay $0x3  }
0x35: {  	[tilespmem:s20+$0x2810] =	vst @!p0 v2  }
0x36: {  	v3 =	vand.u32 @!p0 $0x7, v4;
	v2 =	vor.u32 @!p0 $0x180, v1;
	v0 =	vld.idx.msk @!p0 [tilespmem:v0+s24+$0x800], $0xffff  }
0x37: {  	v6 =	vld @!p0 [tilespmem:s20+$0x40];
	v2 =	vor.u32 @!p0 v2, v3;
	_ =	sdelay $0x3  }
0x38: {  	[tilespmem:s20+$0x2820] =	vst @!p0 v0  }
0x39: {  	v3 =	vand.u32 @!p0 $0x7, v6;
	v0 =	vor.u32 @!p0 $0x200, v1;
	v2 =	vld.idx.msk @!p0 [tilespmem:v2+s24+$0x800], $0xffff  }
0x3a: {  	v5 =	vld @!p0 [tilespmem:s20+$0x50];
	v0 =	vor.u32 @!p0 v0, v3;
	_ =	sdelay $0x3  }
0x3b: {  	[tilespmem:s20+$0x2830] =	vst @!p0 v2  }
0x3c: {  	v3 =	vand.u32 @!p0 $0x7, v5;
	v2 =	vor.u32 @!p0 $0x280, v1;
	v0 =	vld.idx.msk @!p0 [tilespmem:v0+s24+$0x800], $0xffff  }
0x3d: {  	v7 =	vld @!p0 [tilespmem:s20+$0x60];
	v2 =	vor.u32 @!p0 v2, v3;
	_ =	sdelay $0x3  }
0x3e: {  	v8 =	vld @!p0 [tilespmem:s20+$0x70];
	[tilespmem:s20+$0x2840] =	vst @!p0 v0  }
0x3f: {  	v3 =	vand.u32 @!p0 $0x7, v7;
	v0 =	vor.u32 @!p0 $0x300, v1;
	v2 =	vld.idx.msk @!p0 [tilespmem:v2+s24+$0x800], $0xffff  }
0x40: {  	v3 =	vor.u32 @!p0 v0, v3;
	_ =	sdelay $0x2  }
0x41: {  	s18 =	sshrl.u32 @!p0 s6, $0x3  }
0x42: {  	s22 =	sadd.s32 @!p0 $0x11, s19;
	s19 =	smov.u32 s7;
	s21 =	sadd.s32 @!p0 s4, s18;
	v0 =	vor.u32 @!p0 $0x380, v1;
	v1 =	vand.u32 @!p0 $0x7, v8;
	[tilespmem:s20+$0x2850] =	vst @!p0 v2  }
0x43: {  	s23 =	sor.u32 @!p0 $0x2800, s20;
	s18 =	smov.u32 s6;
	s17 =	simm.s32 $0x1;
	v0 =	vor.u32 @!p0 v0, v1;
	v1 =	vld.idx.msk @!p0 [tilespmem:v3+s24+$0x800], $0xffff  }
.LBB2_2:
0x44: {  	_ =	sdelay $0x2  }
0x45: {  	s18 =	sadd.s32 $0x80, s18  }
0x46: {  	s19 =	sadd.s32 $0x10, s19;
	s25 =	smov.u32 s17;
	s17 =	sadd.s32 $0x1, s17;
	[tilespmem:s20+$0x2860] =	vst @!p0 v1  }
0x47: {  	p1 =	sne.s32 s17, $0x442;
	v0 =	vld.idx.msk @!p0 [tilespmem:v0+s24+$0x800], $0xffff  }
0x48: {  	p3 =	sgt.u32 s25, $0x43B  }
0x49: {  	p2 =	slt.u32 @!p3 s25, $0x8  }
0x4a: {  	p4 =	por p2, p3;
	p2 =	por !p2, p3  }
0x4b: {  	s28 =	smov.u32 s25;
	s24 =	sand.u32 @!p4 $0x7, s25  }
0x4c: {  	s26 =	sadd.s32 @!p4 $0x11, s24;
	s28 =	smov.u32 @p2 s24;
	s24 =	simm.s32 @!p0 $0x0  }
0x4d: {  	s30 =	sadd.s32 $0xFFFFFFFF, s25;
	s29 =	sshll.u32 @!p3 s28, $0x7;
	[tilespmem:s20+$0x2870] =	vst @!p0 v0  }
0x4e: {  	[hbm4b:s21+s24] =	stream.linear.scatter @!p0 [tilespmem:s23], [sflag:s22], $0x80, $0x38;
	[tilespmem:$0x2C00] =	vst v63  }
0x4f: {  	p2 =	sgt.u32 s30, $0x43B;
	s20 =	sand.u32 @!p3 $0x3FFFFF80, s29;
	_ =	swait.ge @!p4 [sflag:s26], $0x80  }
0x50: {  	s21 =	sadd.s32 @!p3 $0x1, s28;
	s22 =	sand.u32 @!p2 $0x7, s30;
	[sflag:s26] =	ssyncset.done @!p4 $0x0  }
0x51: {  	s23 =	simm.s32 @!p3 $0x0;
	s24 =	sadd.s32 @!p2 $0x1, s22;
	[sflag:s26] =	ssyncadd.s32 @!p4 $0xFFFFFF80  }
0x52: {  	[tilespmem:s20], [sflag:s21] =	stream.linear.gather @!p3 [hbm4b:s19+s23], $0x80, $0x38;
	[tilespmem:$0x2C00] =	vst v63  }
0x53: {  	s20 =	sshll.u32 @!p2 s22, $0xA;
	s23 =	sadd.s32 @!p2 $0x9, s22;
	_ =	swait.ge @!p2 [sflag:s24], $0x80  }
0x54: {  	s20 =	sadd.s32 @!p2 $0x800, s20;
	[sflag:s24] =	ssyncset.done @!p2 $0x0  }
0x55: {  	s22 =	sshll.u32 @!p2 s22, $0x7;
	[sflag:s24] =	ssyncadd.s32 @!p2 $0xFFFFFF80  }
0x56: {  	s24 =	sor.u32 @!p2 $0x400, s22;
	v0 =	vld @!p2 [tilespmem:s22+$0x70]  }
0x57: {  	v1 =	vld @!p2 [tilespmem:s22+$0x10]  }
0x58: {  	v2 =	vld @!p2 [tilespmem:s22+$0x50]  }
0x59: {  	v3 =	vld @!p2 [tilespmem:s22+$0x30]  }
0x5a: {  	v4 =	vld @!p2 [tilespmem:s22+$0x20]  }
0x5b: {  	v5 =	vld @!p2 [tilespmem:s22+$0x60];
	v0 =	vshrl.u32 @!p2 v0, $0x3  }
0x5c: {  	v1 =	vshrl.u32 @!p2 v1, $0x3;
	v6 =	vld @!p2 [tilespmem:s22+$0x40];
	[tilespmem:s22+$0x470] =	vst @!p2 v0  }
0x5d: {  	v0 =	vld @!p2 [tilespmem:s22+$0x0];
	[tilespmem:s22+$0x410] =	vst @!p2 v1;
	v1 =	vshrl.u32 @!p2 v2, $0x3  }
0x5e: {  	v2 =	vshrl.u32 @!p2 v3, $0x3;
	[tilespmem:s22+$0x450] =	vst @!p2 v1  }
0x5f: {  	v1 =	vshrl.u32 @!p2 v4, $0x3;
	[tilespmem:s22+$0x430] =	vst @!p2 v2  }
0x60: {  	p0 =	slt.u32 s25, $0x6;
	[tilespmem:s22+$0x420] =	vst @!p2 v1;
	v1 =	vshrl.u32 @!p2 v5, $0x3  }
0x61: {  	s21 =	sadd.s32 @!p0 $0xFFFFFFFA, s25;
	s25 =	sshrl.u32 @!p0 s18, $0x3;
	v2 =	vshrl.u32 @!p2 v6, $0x3;
	[tilespmem:s22+$0x460] =	vst @!p2 v1;
	v1 =	vlaneseq.u32 @!p0  }
0x62: {  	s26 =	simm.s32 @!p2 $0x80;
	s28 =	sand.u32 @!p0 $0x7, s21;
	s21 =	sadd.s32 @!p0 s4, s25;
	v0 =	vshrl.u32 @!p2 v0, $0x3;
	[tilespmem:s22+$0x440] =	vst @!p2 v2  }
0x63: {  	s25 =	sadd.s32 @!p0 $0x9, s28;
	[tilespmem:s22+$0x400] =	vst @!p2 v0;
	s22 =	sadd.s32 @!p0 $0x11, s28  }
0x64: {  	[tilespmem:s20], [sflag:s23] =	stream.indirect.gather @!p2 [hbm4b:s3+s26], $0x8, s24, s26, $0xb8;
	[tilespmem:$0x2C00] =	vst v63  }
0x65: {  	_ =	swait.ge @!p0 [sflag:s25], $0x400  }
0x66: {  	s20 =	sshll.u32 @!p0 s28, $0x7;
	[sflag:s25] =	ssyncset.done @!p0 $0x0  }
0x67: {  	s23 =	sor.u32 @!p0 $0x2800, s20;
	[sflag:s25] =	ssyncadd.s32 @!p0 $0xFFFFFC00  }
0x68: {  	v0 =	vld @!p0 [tilespmem:s20+$0x0]  }
0x69: {  	v2 =	vld @!p0 [tilespmem:s20+$0x10]  }
0x6a: {  	v3 =	vld @!p0 [tilespmem:s20+$0x20]  }
0x6b: {  	v1 =	vmul.u32 @!p0 $0x8, v1;
	v4 =	vld @!p0 [tilespmem:s20+$0x30]  }
0x6c: {  	v5 =	vld @!p0 [tilespmem:s20+$0x40]  }
0x6d: {  	v6 =	vor.u32 @!p0 $0x180, v1;
	v7 =	vor.u32 @!p0 $0x200, v1;
	v0 =	vand.u32 @!p0 $0x7, v0;
	v8 =	vld @!p0 [tilespmem:s20+$0x50]  }
0x6e: {  	v9 =	vor.u32 @!p0 $0x280, v1;
	v0 =	vor.u32 @!p0 v1, v0;
	v2 =	vand.u32 @!p0 $0x7, v2;
	v10 =	vld @!p0 [tilespmem:s20+$0x60]  }
0x6f: {  	v11 =	vor.u32 @!p0 $0x80, v1;
	v12 =	vor.u32 @!p0 $0x300, v1;
	v3 =	vand.u32 @!p0 $0x7, v3;
	v13 =	vld @!p0 [tilespmem:s20+$0x70]  }
0x70: {  	v14 =	vor.u32 @!p0 $0x380, v1;
	v4 =	vand.u32 @!p0 $0x7, v4  }
0x71: {  	s24 =	sshll.u32 @!p0 s28, $0xA;
	v5 =	vand.u32 @!p0 $0x7, v5  }
0x72: {  	v5 =	vor.u32 @!p0 v7, v5;
	v7 =	vand.u32 @!p0 $0x7, v8  }
0x73: {  	v8 =	vld.idx.msk @!p0 [tilespmem:v0+s24+$0x800], $0xffff;
	v7 =	vor.u32 @!p0 v9, v7;
	v0 =	vand.u32 @!p0 $0x7, v10  }
0x74: {  	v2 =	vor.u32 @!p0 v11, v2;
	v9 =	vor.u32 @!p0 v12, v0;
	v0 =	vand.u32 @!p0 $0x7, v13  }
0x75: {  	v0 =	vor.u32 @!p0 v14, v0;
	_ =	sdelay $0x3  }
0x76: {  	[tilespmem:s20+$0x2800] =	vst @!p0 v8  }
0x77: {  	v1 =	vor.u32 @!p0 $0x100, v1;
	v2 =	vld.idx.msk @!p0 [tilespmem:v2+s24+$0x800], $0xffff  }
0x78: {  	v1 =	vor.u32 @!p0 v1, v3;
	_ =	sdelay $0x4  }
0x79: {  	[tilespmem:s20+$0x2810] =	vst @!p0 v2  }
0x7a: {  	v1 =	vld.idx.msk @!p0 [tilespmem:v1+s24+$0x800], $0xffff  }
0x7b: {  	v2 =	vor.u32 @!p0 v6, v4;
	_ =	sdelay $0x4  }
0x7c: {  	[tilespmem:s20+$0x2820] =	vst @!p0 v1  }
0x7d: {  	v1 =	vld.idx.msk @!p0 [tilespmem:v2+s24+$0x800], $0xffff;
	_ =	sdelay $0x5  }
0x7e: {  	[tilespmem:s20+$0x2830] =	vst @!p0 v1  }
0x7f: {  	v1 =	vld.idx.msk @!p0 [tilespmem:v5+s24+$0x800], $0xffff;
	_ =	sdelay $0x5  }
0x80: {  	[tilespmem:s20+$0x2840] =	vst @!p0 v1  }
0x81: {  	v1 =	vld.idx.msk @!p0 [tilespmem:v7+s24+$0x800], $0xffff;
	_ =	sdelay $0x2  }
.Ltmp0:
0x82: {  	(pc) =	sbr.rel @p1 .LBB2_2-.Ltmp0, $3  }
0x83: {  	_ =	sdelay $0x1  }
0x84: {  	[tilespmem:s20+$0x2850] =	vst @!p0 v1  }
0x85: {  	v1 =	vld.idx.msk @!p0 [tilespmem:v9+s24+$0x800], $0xffff  }
0x86: {  	_ =	sdelay $0x3  }
0x87: {  	[tilespmem:s20+$0x2860] =	vst @!p0 v1  }
0x88: {  	v0 =	vld.idx.msk @!p0 [tilespmem:v0+s24+$0x800], $0xffff;
	_ =	sdelay $0x4  }
0x89: {  	s17 =	simm.s32 @!p0 $0x0;
	[tilespmem:s20+$0x2870] =	vst @!p0 v0  }
0x8a: {  	[hbm4b:s21+s17] =	stream.linear.scatter @!p0 [tilespmem:s23], [sflag:s22], $0x80, $0x38;
	[tilespmem:$0x2C00] =	vst v63  }
0x8b: {  	_ =	swait.ge [sflag:s8], $0x80  }
0x8c: {  	[sflag:s8] =	ssyncset.done $0x0  }
0x8d: {  	[sflag:s8] =	ssyncadd.s32 $0xFFFFFF80  }
0x8e: {  	_ =	swait.ge [sflag:s9], $0x80  }
0x8f: {  	[sflag:s9] =	ssyncset.done $0x0  }
0x90: {  	[sflag:s9] =	ssyncadd.s32 $0xFFFFFF80  }
0x91: {  	_ =	swait.ge [sflag:s10], $0x80  }
0x92: {  	[sflag:s10] =	ssyncset.done $0x0  }
0x93: {  	[sflag:s10] =	ssyncadd.s32 $0xFFFFFF80  }
0x94: {  	_ =	swait.ge [sflag:s11], $0x80  }
0x95: {  	[sflag:s11] =	ssyncset.done $0x0  }
0x96: {  	[sflag:s11] =	ssyncadd.s32 $0xFFFFFF80  }
0x97: {  	_ =	swait.ge [sflag:s12], $0x80  }
0x98: {  	[sflag:s12] =	ssyncset.done $0x0  }
0x99: {  	[sflag:s12] =	ssyncadd.s32 $0xFFFFFF80  }
0x9a: {  	_ =	swait.ge [sflag:s13], $0x80  }
0x9b: {  	[sflag:s13] =	ssyncset.done $0x0  }
0x9c: {  	s16 =	sadd.s32 $0x1, s16;
	[sflag:s13] =	ssyncadd.s32 $0xFFFFFF80  }
0x9d: {  	p0 =	sne.s32 s16, s5;
	_ =	swait.ge [sflag:s14], $0x80  }
.Ltmp1:
0x9e: {  	[sflag:s14] =	ssyncset.done $0x0;
	(pc) =	sbr.rel @p0 .LBB2_1-.Ltmp1, $4  }
0x9f: {  	[sflag:s14] =	ssyncadd.s32 $0xFFFFFF80  }
0xa0: {  	_ =	swait.ge [sflag:s15], $0x80  }
0xa1: {  	[sflag:s15] =	ssyncset.done $0x0  }
0xa2: {  	[sflag:s15] =	ssyncadd.s32 $0xFFFFFF80  }
0xa3: {  	_ =	sfence.sel $0x180000  }
0xa4: {  	[bflag:$0x0] =	sbarrier.arrive $0xFFFF  }
0xa5: {  	p0 =	sne.s32 s0, $0x0;
	_ =	strace $0x90000047  }
0xa6: {  	s0 =	sadd.s32 @!p0 $0x100000, s1;
	[bflag:$0x2] =	sbarrier.arrive $0xFFFF  }
0xa7: {  	[sflag:s0] =	ssyncadd.tile.s32 @!p0 $0x1;
	_ =	shalt  }
.Lfunc_end2:
_tile_overlayer_lowered:
.L_overlay_start_2:
0xa8: {  	(tag) =	ssettag $0x2  }
0xa9: {  	s0 =	rddreg [dreg:$0x0];
	s2 =	stileid.u32  }
0xaa: {  	s1 =	rddreg [dreg:$0x1];
	p0 =	sne.s32 s2, $0x0  }
0xab: {  	s3 =	rddreg [dreg:$0x2];
	[bflag:$0x3] =	sbarrier.arrive $0xFFFF;
	s2 =	simm.s32 @!p0 $0x1C19  }
0xac: {  	[timem:s3], [sflag:s2] =	dma.local @!p0 [hbm:s0], s1  }
0xad: {  	s0 =	simm.s32 @!p0 $0x19  }
0xae: {  	_ =	swait.ge @!p0 [sflag:s0], s1  }
0xaf: {  	s1 =	ssub.s32 @!p0 $0x0, s1;
	[sflag:s0] =	ssyncset.done @!p0 $0x0  }
0xb0: {  	[sflag:s0] =	ssyncadd.s32 @!p0 s1  }
0xb1: {  	[bflag:$0x3] =	sbarrier.arrive $0xFFFF  }
0xb2: {  	_ =	shalt  }

// kernel: kernel.15.cloned.1.call-start
scs
__scs_entry_jumppad:
0x0: {  	(pc) =	sbr.rel $0x88, $3  }
0x1: {  	(tag) =	ssettag $0x0;
	lr =	simm.s32 $0x1  }
0x2: {  	[smem:$0x3F99] =	sst lr;
	_ =	strace $0xD0000000  }
0x3: {  	_ = 	snop  }
0x4: {  	_ = 	snop  }
0x5: {  	_ = 	snop  }
0x6: {  	_ = 	snop  }
0x7: {  	_ = 	snop  }
__scs_overlays_trampoline_lowered:
0x8: {  	[smem:$0x3FA8] =	sst s0  }
0x9: {  	[smem:$0x3FA9] =	sst s1  }
0xa: {  	[smem:$0x3FAA] =	sst s2  }
0xb: {  	[smem:$0x3FAB] =	sst s3  }
0xc: {  	[smem:$0x3FAC] =	sst s4  }
0xd: {  	[smem:$0x3FAD] =	sst s5  }
0xe: {  	[smem:$0x3FAE] =	sst s6  }
0xf: {  	[smem:$0x3FAF] =	sst s7  }
0x10: {  	[smem:$0x3FB0] =	sst s8  }
0x11: {  	[smem:$0x3FB1] =	sst s9;
	s0 =	simm.s32 @!p0 $0x0  }
0x12: {  	s1 =	sld [smem:$0x3F97];
	s0 =	simm.s32 @p0 $0x1  }
0x13: {  	[smem:$0x3FB2] =	sst s0;
	s0 =	simm.s32 @!p1 $0x0  }
0x14: {  	s2 =	sld [smem:$0x3F96];
	s0 =	simm.s32 @p1 $0x1  }
0x15: {  	[smem:$0x3FB3] =	sst s0;
	s0 =	simm.s32 @!p2 $0x0  }
0x16: {  	s3 =	sld [smem:$0x3FDB];
	s0 =	simm.s32 @p2 $0x1  }
0x17: {  	s4 =	simm.s32 $0x1BF5;
	[smem:$0x3FB5] =	sst s0  }
0x18: {  	s0 =	sld [smem:$0x3F98];
	_ =	swait.ge [sflag:s4], $0x0  }
0x19: {  	s7 =	sld [smem:$0x3F99]  }
0x1a: {  	s8 =	sadd.s32 $0xFFFFE003, lr  }
0x1b: {  	s9 =	sadd.s32 $0xFFFFFEF7, lr;
	s5 =	simm.s32 $0xFFFFFFFF;
	p2 =	slt.u32 s8, $0xFFFFF086  }
0x1c: {  	p1 =	slt.u32 s9, $0xF7A;
	s5 =	simm.s32 @!p2 $0x0  }
0x1d: {  	s5 =	simm.s32 @p1 $0x1;
	p0 =	seq.s32 s7, s2  }
0x1e: {  	s7 =	smul.u32 @!p0 $0xF7A, s2;
	p2 =	seq.s32 @!p0 s5, $0x0  }
0x1f: {  	s9 =	smul.u32 $0xF7A, s1;
	s8 =	simm.s32 @!p0 $0x1BF5;
	p2 =	por !p2, p0  }
0x20: {  	[sflag:s8] =	ssyncset.s32 @!p0 $0xFFFFF086;
	s6 =	sadd.s32 @!p0 s3, s7;
	s7 =	simm.s32 @!p0 $0x108  }
0x21: {  	s3 =	sadd.s32 s3, s9;
	s6 =	sadd.s32 @!p0 $0x88, s6;
	s7 =	simm.s32 @p2 $0x1082  }
0x22: {  	[simem:s7], [sflag:s8] =	dma.local @!p0 [hbm:s6], $0xF7A  }
0x23: {  	s9 =	sor.u32 $0xD0000000, s2;
	s6 =	simm.s32 $0x108;
	_ =	swait.ge @!p0 [sflag:s8], $0x0  }
0x24: {  	s3 =	sadd.s32 $0x88, s3;
	s6 =	simm.s32 @!p1 $0x1082;
	[sflag:s4] =	ssyncset.s32 $0xFFFFF086  }
0x25: {  	[simem:s6], [sflag:s4] =	dma.local [hbm:s3], $0xF7A  }
0x26: {  	[smem:$0x3F99] =	sst s1;
	(tag) =	ssettag s2;
	_ =	strace s9  }
0x27: {  	s1 =	sld [smem:$0x3FA9]  }
0x28: {  	s2 =	sld [smem:$0x3FAA]  }
0x29: {  	s4 =	sld [smem:$0x3FAC]  }
0x2a: {  	p0 =	seq.s32 s5, $0x0;
	s5 =	sld [smem:$0x3FAD]  }
0x2b: {  	s6 =	sld [smem:$0x3FAE]  }
0x2c: {  	s7 =	sld [smem:$0x3FAF]  }
0x2d: {  	s3 =	simm.s32 $0x108;
	s8 =	sld [smem:$0x3FB0]  }
0x2e: {  	s3 =	simm.s32 @!p0 $0x1082;
	s9 =	sld [smem:$0x3FB1]  }
0x2f: {  	lr =	sadd.s32 s0, s3;
	s0 =	sld [smem:$0x3FA8]  }
0x30: {  	s3 =	sld [smem:$0x3FAB]  }
0x31: {  	[smem:$0x3FB4] =	sst s10  }
0x32: {  	s10 =	sld [smem:$0x3FB2];
	_ =	sdelay $0x3  }
0x33: {  	p0 =	seq.s32 s10, $0x1;
	s10 =	sld [smem:$0x3FB4];
	_ =	sdelay $0x3  }
0x34: {  	[smem:$0x3FB4] =	sst s10  }
0x35: {  	s10 =	sld [smem:$0x3FB3];
	_ =	sdelay $0x3  }
0x36: {  	p1 =	seq.s32 s10, $0x1;
	s10 =	sld [smem:$0x3FB4];
	_ =	sdelay $0x3  }
0x37: {  	[smem:$0x3FB4] =	sst s10  }
0x38: {  	s10 =	sld [smem:$0x3FB5]  }
0x39: {  	_ = 	snop;
	(pc) =	sbr.ind lr, $3  }
0x3a: {  	_ = 	snop  }
0x3b: {  	_ = 	snop  }
0x3c: {  	p2 =	seq.s32 s10, $0x1;
	s10 =	sld [smem:$0x3FB4]  }
0x3d: {  	_ =	shalt  }
0x3e: {  	_ =	shalt  }
0x3f: {  	_ =	shalt  }
0x40: {  	_ =	shalt  }
0x41: {  	_ =	shalt  }
0x42: {  	_ =	shalt  }
0x43: {  	_ =	shalt  }
0x44: {  	_ =	shalt  }
0x45: {  	_ =	shalt  }
0x46: {  	_ =	shalt  }
0x47: {  	_ =	shalt  }
0x48: {  	_ =	shalt  }
0x49: {  	_ =	shalt  }
0x4a: {  	_ =	shalt  }
0x4b: {  	_ =	shalt  }
0x4c: {  	_ =	shalt  }
0x4d: {  	_ =	shalt  }
0x4e: {  	_ =	shalt  }
0x4f: {  	_ =	shalt  }
0x50: {  	_ =	shalt  }
0x51: {  	_ =	shalt  }
0x52: {  	_ =	shalt  }
0x53: {  	_ =	shalt  }
0x54: {  	_ =	shalt  }
0x55: {  	_ =	shalt  }
0x56: {  	_ =	shalt  }
0x57: {  	_ =	shalt  }
0x58: {  	_ =	shalt  }
0x59: {  	_ =	shalt  }
0x5a: {  	_ =	shalt  }
0x5b: {  	_ =	shalt  }
0x5c: {  	_ =	shalt  }
0x5d: {  	_ =	shalt  }
0x5e: {  	_ =	shalt  }
0x5f: {  	_ =	shalt  }
0x60: {  	_ =	shalt  }
0x61: {  	_ =	shalt  }
0x62: {  	_ =	shalt  }
0x63: {  	_ =	shalt  }
0x64: {  	_ =	shalt  }
0x65: {  	_ =	shalt  }
0x66: {  	_ =	shalt  }
0x67: {  	_ =	shalt  }
0x68: {  	_ =	shalt  }
0x69: {  	_ =	shalt  }
0x6a: {  	_ =	shalt  }
0x6b: {  	_ =	shalt  }
0x6c: {  	_ =	shalt  }
0x6d: {  	_ =	shalt  }
0x6e: {  	_ =	shalt  }
0x6f: {  	_ =	shalt  }
0x70: {  	_ =	shalt  }
0x71: {  	_ =	shalt  }
0x72: {  	_ =	shalt  }
0x73: {  	_ =	shalt  }
0x74: {  	_ =	shalt  }
0x75: {  	_ =	shalt  }
0x76: {  	_ =	shalt  }
0x77: {  	_ =	shalt  }
0x78: {  	_ =	shalt  }
0x79: {  	_ =	shalt  }
0x7a: {  	_ =	shalt  }
0x7b: {  	_ =	shalt  }
0x7c: {  	_ =	shalt  }
0x7d: {  	_ =	shalt  }
0x7e: {  	_ =	shalt  }
0x7f: {  	_ =	shalt  }
0x80: {  	_ =	shalt  }
0x81: {  	_ =	shalt  }
0x82: {  	_ =	shalt  }
0x83: {  	_ =	shalt  }
0x84: {  	_ =	shalt  }
0x85: {  	_ =	shalt  }
0x86: {  	_ =	shalt  }
0x87: {  	_ =	shalt  }
.Lfunc_end0:
.L_simem_size_0:
called_computation.1_lowered:
.L_overlay_start_0:
0x88: {  	s2 =	sld [smem:$0x3FD9]  }
0x89: {  	s3 =	sld [smem:$0x3FFE];
	_ =	sdelay $0x1  }
0x8a: {  	s1 =	srdreg.scid  }
0x8b: {  	s0 =	sand.u32 $0x1, s1  }
0x8c: {  	s16 =	sshll.u32 s0, $0xA;
	s2 =	sadd.s32 s3, s2  }
0x8d: {  	s2 =	sadd.s32 s2, s16  }
0x8e: {  	[smem:$0x3FC0] =	sst s2  }
0x8f: {  	_ = 	snop  }
0x90: {  	(tm) =	ssettm $0x1  }
0x91: {  	s17 =	sld [smem:$0x3FFB];
	_ =	sdelay $0x3  }
0x92: {  	_ =	strace s17  }
0x93: {  	s2 =	sld [smem:$0x3FFC];
	_ =	sdelay $0x3  }
0x94: {  	_ =	strace s2  }
0x95: {  	s2 =	sld [smem:$0x3FFD];
	_ =	sdelay $0x3  }
0x96: {  	_ =	strace s2  }
0x97: {  	_ =	strace $0x8FFFFFFF  }
0x98: {  	s18 =	sld [smem:$0x3FDB];
	_ =	sdelay $0x1  }
0x99: {  	s19 =	simm.s32 $_scs_section_size  }
0x9a: {  	s4 =	simm.s32 $_size__tile_overlayer_lowered;
	s5 =	simm.s32 $_tile_overlayer_lowered  }
0x9b: {  	s22 =	simm.s32 $0x1BFF;
	s21 =	sshll.u32 s5, $0x1;
	s2 =	sadd.s32 s19, s18  }
0x9c: {  	s6 =	simm.s32 $0x0;
	s20 =	sshll.u32 s4, $0x1;
	s4 =	sadd.s32 s21, s2  }
0x9d: {  	[timem:s6], [sflag:s22] =	dma.local [hbm:s4], s20  }
0x9e: {  	_ =	swait.ge [sflag:s22], s20  }
0x9f: {  	s3 =	ssub.s32 $0x0, s20;
	[sflag:s22] =	ssyncset.done $0x0  }
0xa0: {  	[sflag:s22] =	ssyncadd.s32 s3;
	_ =	sdelay $0x1  }
0xa1: {  	s23 =	simm.s32 $0x1B8B  }
0xa2: {  	_ =	swait.ge [sflag:s23], $0x1  }
0xa3: {  	[sflag:s23] =	ssyncset.done $0x0  }
0xa4: {  	s25 =	simm.s32 $0x1B8E;
	s24 =	sld [smem:$0x3FFE];
	[sflag:s23] =	ssyncadd.s32 $0xFFFFFFFF  }
0xa5: {  	s26 =	simm.s32 $execute0_lowered;
	[smem:$0x3FD2] =	sst s25  }
0xa6: {  	s4 =	sshll.u32 s26, $0x1;
	_ =	strace $0x80000049;
	[dreg:$0x1] =	wrdreg $0xFFFFFFFF  }
0xa7: {  	s28 =	simm.s32 $_size_execute0_lowered;
	s2 =	sadd.s32 s2, s4;
	[dreg:$0x0] =	wrdreg $0x0  }
0xa8: {  	s4 =	sshll.u32 s28, $0x1;
	[dreg:$0x2] =	wrdreg s2  }
0xa9: {  	[dreg:$0x3] =	wrdreg s4  }
0xaa: {  	[dreg:$0x4] =	wrdreg $0xC0  }
0xab: {  	_ =	task [dreg:s6], $0x5FFFF  }
0xac: {  	[dreg:$0x1] =	wrdreg $0xFFFFFFFF  }
0xad: {  	[dreg:$0x0] =	wrdreg $0x60  }
0xae: {  	[dreg:$0x2] =	wrdreg s24  }
0xaf: {  	[dreg:$0x3] =	wrdreg $0x9  }
0xb0: {  	_ =	task.clear_ibuf [dreg:s6], $0x4FFFF;
	_ =	strace $0x90000049  }
0xb1: {  	s29 =	simm.s32 $0x9;
	_ =	strace $0x8000004B  }
0xb2: {  	_ =	swait.ge [sflag:s29], $0x1  }
0xb3: {  	[sflag:s29] =	ssyncadd.s32 $0xFFFFFFFF  }
0xb4: {  	_ =	strace $0x9000004B  }
0xb5: {  	_ =	sfence  }
0xb6: {  	s30 =	sld [smem:$0x0];
	_ =	sdelay $0x2  }
0xb7: {  	s31 =	sshll.u32 s1, $0xD;
	s1 =	sshrl.u32 s1, $0x2  }
0xb8: {  	s3 =	sand.u32 $0x4000, s31;
	s1 =	sadd.s32 s1, s30  }
0xb9: {  	s0 =	sor.u32 s3, s0;
	s1 =	sshll.u32 s1, $0x11  }
0xba: {  	s0 =	sor.u32 s1, s0  }
0xbb: {  	s0 =	sadd.s32 $0x8F2B, s0  }
0xbc: {  	[sflag:s0] =	ssyncadd.remote.s32 $0x1  }
0xbd: {  	_ =	sfence.sel $0xFFFF  }
0xbe: {  	[dreg:$0x0] =	wrdreg $0xFFFFFFFF;
	(pc) =	sbr.abs _section_cstart, $3  }
0xbf: {  	[dreg:$0x1] =	wrdreg $0xFFFFFFFF  }
0xc0: {  	_ =	task.clear_ibuf [dreg:s6], $0x2FFFF;
	_ =	strace $0x9FFFFFFF  }
0xc1: {  	(tm) =	ssettm $0x7FFFFFFF  }
tec
execute0_lowered:
.L_overlay_start_1:
0x0: {  	(tag) =	ssettag $0x1  }
0x1: {  	s1 =	srdreg.scid;
	s0 =	stileid.u32  }
0x2: {  	s4 =	rddreg [dreg:$0x0];
	s29 =	simm.s32 $0x0;
	s10 =	simm.s32 $0x17  }
0x3: {  	s11 =	simm.s32 $0x18;
	s12 =	simm.s32 $0x11;
	s5 =	smul.u32 $0x29400, s0  }
0x4: {  	s13 =	simm.s32 $0x12;
	s3 =	sand.u32 $0x1, s1;
	s30 =	smul.u32 $0x14A000, s0  }
0x5: {  	s14 =	simm.s32 $0x13;
	s15 =	simm.s32 $0x14;
	s6 =	smul.u32 $0x14A00, s3  }
0x6: {  	s16 =	simm.s32 $0x0;
	[smem:$0x7FF] =	sst s29;
	s8 =	smul.u32 $0xA5000, s3  }
0x7: {  	_ =	strace $0x8000004A;
	s7 =	ssub.s32 $0x2, s3;
	s3 =	sadd.s32 $0x2600, s4  }
0x8: {  	s31 =	sshrl.u32 s7, $0x1;
	s5 =	sadd.s32 s6, s5;
	s6 =	sadd.s32 s8, s30  }
0x9: {  	s8 =	simm.s32 $0x15;
	s5 =	sshrl.u32 s5, $0x3;
	s6 =	sadd.s32 $0xFFFFE800, s6  }
0xa: {  	s9 =	sadd.s32 s5, s4;
	s4 =	sadd.s32 $0x135000, s4;
	s5 =	ssub.s32 s7, s31  }
0xb: {  	s5 =	smax.u32 s5, $0x1;
	s7 =	sadd.s32 $0x1AE00, s9;
	s9 =	simm.s32 $0x16  }
.LBB2_1:
0xc: {  	p1 =	por $0x0, $0x0  }
0xd: {  	p0 =	por @!p1 $0x1, $0x1  }
0xe: {  	s0 =	simm.s32 $0x0;
	s18 =	simm.s32 $0x0;
	p2 =	por p0, p1  }
0xf: {  	s19 =	simm.s32 $0xFFFFFFFF;
	p0 =	por !p0, p1;
	s17 =	sand.u32 @!p2 $0x7, s0  }
0x10: {  	s18 =	smov.u32 @p0 s17;
	s17 =	sadd.s32 @!p2 $0x11, s17;
	p0 =	por $0x1, $0x1  }
0x11: {  	s20 =	sshll.u32 @!p1 s18, $0x7;
	s18 =	sadd.s32 @!p1 $0x1, s18;
	_ =	swait.ge @!p2 [sflag:s17], $0x400  }
0x12: {  	s21 =	sand.u32 @!p0 $0x7, s19;
	s20 =	sand.u32 @!p1 $0x3FFFFF80, s20;
	[sflag:s17] =	ssyncset.done @!p2 $0x0  }
0x13: {  	s22 =	sadd.s32 @!p0 $0x1, s21;
	[sflag:s17] =	ssyncadd.s32 @!p2 $0xFFFFFC00;
	s17 =	simm.s32 @!p1 $0x0  }
0x14: {  	[tilespmem:s20], [sflag:s18] =	stream.linear.gather @!p1 [hbm4b:s7+s17], $0x80, $0x38;
	[tilespmem:$0x2400] =	vst v63  }
0x15: {  	_ =	swait.ge @!p0 [sflag:s22], $0x80  }
0x16: {  	[sflag:s22] =	ssyncset.done @!p0 $0x0  }
0x17: {  	s19 =	sshll.u32 @!p0 s21, $0x7;
	[sflag:s22] =	ssyncadd.s32 @!p0 $0xFFFFFF80  }
0x18: {  	v0 =	vld @!p0 [tilespmem:s19+$0x30]  }
0x19: {  	v5 =	vld @!p0 [tilespmem:s19+$0x40]  }
0x1a: {  	v1 =	vld @!p0 [tilespmem:s19+$0x50]  }
0x1b: {  	v4 =	vld @!p0 [tilespmem:s19+$0x60]  }
0x1c: {  	s23 =	simm.s32 $0x0;
	s24 =	smov.u32 s6;
	v3 =	vld @!p0 [tilespmem:s19+$0x70]  }
0x1d: {  	s17 =	simm.s32 $0x1;
	s20 =	sshll.u32 @!p0 s21, $0xA;
	s18 =	sadd.s32 @!p0 $0x9, s21;
	v2 =	vld @!p0 [tilespmem:s19+$0x0];
	v6 =	vadd.s32 @!p0 $0x1, v0  }
0x1e: {  	s21 =	smov.u32 s6;
	s20 =	sadd.s32 @!p0 $0x400, s20;
	s22 =	smov.u32 s7;
	v0 =	vld @!p0 [tilespmem:s19+$0x10];
	v5 =	vadd.s32 @!p0 $0x1, v5;
	[tilespmem:s19+$0x30] =	vst @!p0 v6  }
.LBB2_2:
0x1f: {  	s21 =	sadd.s32 $0x400, s21;
	s22 =	sadd.s32 $0x10, s22  }
0x20: {  	v6 =	vld @!p0 [tilespmem:s19+$0x20];
	s1 =	smov.u32 s17;
	s17 =	sadd.s32 $0x1, s17;
	p3 =	slt.u32 s23, $0x6  }
0x21: {  	s28 =	simm.s32 @!p0 $0x80;
	s26 =	sadd.s32 $0xFFFFFFFF, s1;
	p1 =	sne.s32 s17, $0x29A;
	[tilespmem:s19+$0x40] =	vst @!p0 v5;
	v4 =	vadd.s32 @!p0 $0x1, v4  }
0x22: {  	v1 =	vadd.s32 @!p0 $0x1, v1;
	p2 =	sgt.u32 s1, $0x293;
	s23 =	sadd.s32 @!p3 $0xFFFFFFFA, s23;
	s24 =	sshrl.u32 @!p3 s24, $0x3;
	[tilespmem:s19+$0x60] =	vst @!p0 v4;
	v3 =	vadd.s32 @!p0 $0x1, v3  }
0x23: {  	s25 =	smov.u32 s1;
	p5 =	slt.u32 @!p2 s1, $0x8;
	s23 =	sand.u32 @!p3 $0x7, s23;
	v2 =	vadd.s32 @!p0 $0x1, v2;
	[tilespmem:s19+$0x70] =	vst @!p0 v3  }
0x24: {  	p4 =	por p5, p2;
	p5 =	por !p5, p2;
	s29 =	sadd.s32 @!p3 $0x9, s23;
	[tilespmem:s19+$0x0] =	vst @!p0 v2;
	v0 =	vadd.s32 @!p0 $0x1, v0  }
0x25: {  	s31 =	sadd.s32 @!p3 $0x11, s23;
	s23 =	sshll.u32 @!p3 s23, $0xA;
	s30 =	sand.u32 @!p4 $0x7, s1;
	v2 =	vadd.s32 @!p0 $0x1, v6;
	[tilespmem:s19+$0x50] =	vst @!p0 v1  }
0x26: {  	s2 =	sadd.s32 @!p3 s4, s24;
	s0 =	sadd.s32 @!p3 $0x400, s23;
	s25 =	smov.u32 @p5 s30;
	[tilespmem:s19+$0x10] =	vst @!p0 v0  }
0x27: {  	s23 =	smov.u32 s1;
	s24 =	sshll.u32 @!p2 s25, $0x7;
	s25 =	sadd.s32 @!p2 $0x1, s25;
	[tilespmem:s19+$0x20] =	vst @!p0 v2  }
0x28: {  	[tilespmem:s20], [sflag:s18] =	stream.indirect.gather @!p0 [hbm4b:s3+s28], $0x8, s19, s28, $0xb8;
	[tilespmem:$0x2400] =	vst v63  }
0x29: {  	s1 =	sand.u32 @!p2 $0x3FFFFF80, s24;
	s18 =	simm.s32 @!p3 $0x0;
	_ =	swait.ge @!p3 [sflag:s29], $0x400  }
0x2a: {  	s19 =	sadd.s32 @!p4 $0x11, s30;
	p0 =	sgt.u32 s26, $0x293;
	[sflag:s29] =	ssyncset.done @!p3 $0x0  }
0x2b: {  	s24 =	smov.u32 s21;
	s26 =	sand.u32 @!p0 $0x7, s26;
	[sflag:s29] =	ssyncadd.s32 @!p3 $0xFFFFFC00  }
0x2c: {  	[hbm4b:s2+s18] =	stream.linear.scatter @!p3 [tilespmem:s0], [sflag:s31], $0x400, $0x38;
	[tilespmem:$0x2400] =	vst v63  }
0x2d: {  	s0 =	sshll.u32 @!p0 s26, $0xA;
	s18 =	sadd.s32 @!p0 $0x9, s26;
	_ =	swait.ge @!p4 [sflag:s19], $0x400  }
0x2e: {  	s20 =	sadd.s32 @!p0 $0x400, s0;
	[sflag:s19] =	ssyncset.done @!p4 $0x0  }
0x2f: {  	s2 =	sadd.s32 @!p0 $0x1, s26;
	s0 =	simm.s32 @!p2 $0x0;
	[sflag:s19] =	ssyncadd.s32 @!p4 $0xFFFFFC00  }
0x30: {  	[tilespmem:s1], [sflag:s25] =	stream.linear.gather @!p2 [hbm4b:s22+s0], $0x80, $0x38;
	[tilespmem:$0x2400] =	vst v63  }
0x31: {  	_ =	swait.ge @!p0 [sflag:s2], $0x80  }
0x32: {  	[sflag:s2] =	ssyncset.done @!p0 $0x0  }
0x33: {  	s19 =	sshll.u32 @!p0 s26, $0x7;
	[sflag:s2] =	ssyncadd.s32 @!p0 $0xFFFFFF80  }
0x34: {  	v0 =	vld @!p0 [tilespmem:s19+$0x30]  }
0x35: {  	v5 =	vld @!p0 [tilespmem:s19+$0x40]  }
.Ltmp0:
0x36: {  	v1 =	vld @!p0 [tilespmem:s19+$0x50];
	(pc) =	sbr.rel @p1 .LBB2_2-.Ltmp0, $4  }
0x37: {  	v4 =	vld @!p0 [tilespmem:s19+$0x60]  }
0x38: {  	v3 =	vld @!p0 [tilespmem:s19+$0x70]  }
0x39: {  	v2 =	vld @!p0 [tilespmem:s19+$0x0];
	v6 =	vadd.s32 @!p0 $0x1, v0  }
0x3a: {  	v0 =	vld @!p0 [tilespmem:s19+$0x10];
	[tilespmem:s19+$0x30] =	vst @!p0 v6;
	v5 =	vadd.s32 @!p0 $0x1, v5  }
0x3b: {  	v6 =	vld @!p0 [tilespmem:s19+$0x20];
	[tilespmem:s19+$0x40] =	vst @!p0 v5;
	v1 =	vadd.s32 @!p0 $0x1, v1  }
0x3c: {  	v4 =	vadd.s32 @!p0 $0x1, v4;
	[tilespmem:s19+$0x50] =	vst @!p0 v1  }
0x3d: {  	[tilespmem:s19+$0x60] =	vst @!p0 v4;
	v3 =	vadd.s32 @!p0 $0x1, v3  }
0x3e: {  	p1 =	slt.u32 s23, $0x6;
	v2 =	vadd.s32 @!p0 $0x1, v2;
	[tilespmem:s19+$0x70] =	vst @!p0 v3  }
0x3f: {  	s0 =	sadd.s32 @!p1 $0xFFFFFFFA, s23;
	[tilespmem:s19+$0x0] =	vst @!p0 v2;
	v0 =	vadd.s32 @!p0 $0x1, v0  }
0x40: {  	s0 =	sand.u32 @!p1 $0x7, s0;
	v1 =	vadd.s32 @!p0 $0x1, v6;
	[tilespmem:s19+$0x10] =	vst @!p0 v0  }
0x41: {  	s1 =	simm.s32 @!p0 $0x80;
	s2 =	sadd.s32 @!p1 $0x9, s0;
	[tilespmem:s19+$0x20] =	vst @!p0 v1  }
0x42: {  	[tilespmem:s20], [sflag:s18] =	stream.indirect.gather @!p0 [hbm4b:s3+s1], $0x8, s19, s1, $0xb8;
	[tilespmem:$0x2400] =	vst v63  }
0x43: {  	s17 =	sshll.u32 @!p1 s0, $0xA;
	s0 =	sadd.s32 @!p1 $0x11, s0;
	_ =	swait.ge @!p1 [sflag:s2], $0x400  }
0x44: {  	s17 =	sadd.s32 @!p1 $0x400, s17;
	s1 =	sshrl.u32 @!p1 s24, $0x3;
	[sflag:s2] =	ssyncset.done @!p1 $0x0  }
0x45: {  	s18 =	simm.s32 @!p1 $0x0;
	s1 =	sadd.s32 @!p1 s4, s1;
	[sflag:s2] =	ssyncadd.s32 @!p1 $0xFFFFFC00  }
0x46: {  	[hbm4b:s1+s18] =	stream.linear.scatter @!p1 [tilespmem:s17], [sflag:s0], $0x400, $0x38;
	[tilespmem:$0x2400] =	vst v63  }
0x47: {  	_ =	swait.ge [sflag:s8], $0x400  }
0x48: {  	[sflag:s8] =	ssyncset.done $0x0  }
0x49: {  	[sflag:s8] =	ssyncadd.s32 $0xFFFFFC00  }
0x4a: {  	_ =	swait.ge [sflag:s9], $0x400  }
0x4b: {  	[sflag:s9] =	ssyncset.done $0x0  }
0x4c: {  	[sflag:s9] =	ssyncadd.s32 $0xFFFFFC00  }
0x4d: {  	_ =	swait.ge [sflag:s10], $0x400  }
0x4e: {  	[sflag:s10] =	ssyncset.done $0x0  }
0x4f: {  	[sflag:s10] =	ssyncadd.s32 $0xFFFFFC00  }
0x50: {  	_ =	swait.ge [sflag:s11], $0x400  }
0x51: {  	[sflag:s11] =	ssyncset.done $0x0  }
0x52: {  	[sflag:s11] =	ssyncadd.s32 $0xFFFFFC00  }
0x53: {  	_ =	swait.ge [sflag:s12], $0x400  }
0x54: {  	[sflag:s12] =	ssyncset.done $0x0  }
0x55: {  	[sflag:s12] =	ssyncadd.s32 $0xFFFFFC00  }
0x56: {  	_ =	swait.ge [sflag:s13], $0x400  }
0x57: {  	[sflag:s13] =	ssyncset.done $0x0  }
0x58: {  	s16 =	sadd.s32 $0x1, s16;
	[sflag:s13] =	ssyncadd.s32 $0xFFFFFC00  }
0x59: {  	p0 =	sne.s32 s16, s5;
	_ =	swait.ge [sflag:s14], $0x400  }
.Ltmp1:
0x5a: {  	[sflag:s14] =	ssyncset.done $0x0;
	(pc) =	sbr.rel @p0 .LBB2_1-.Ltmp1, $4  }
0x5b: {  	[sflag:s14] =	ssyncadd.s32 $0xFFFFFC00  }
0x5c: {  	_ =	swait.ge [sflag:s15], $0x400  }
0x5d: {  	[sflag:s15] =	ssyncset.done $0x0  }
0x5e: {  	[sflag:s15] =	ssyncadd.s32 $0xFFFFFC00  }
0x5f: {  	_ =	sfence.sel $0x180000  }
0x60: {  	[bflag:$0x0] =	sbarrier.arrive $0xFFFF  }
0x61: {  	_ =	strace $0x9000004A  }
0x62: {  	s0 =	stileid.u32;
	[bflag:$0x2] =	sbarrier.arrive $0xFFFF  }
0x63: {  	p0 =	sne.s32 s0, $0x0;
	s0 =	rddreg [dreg:$0x1]  }
0x64: {  	s0 =	sadd.s32 @!p0 $0x100000, s0  }
0x65: {  	[sflag:s0] =	ssyncadd.tile.s32 @!p0 $0x1;
	_ =	shalt  }
.Lfunc_end2:
_tile_overlayer_lowered:
.L_overlay_start_2:
0x66: {  	(tag) =	ssettag $0x2  }
0x67: {  	s0 =	rddreg [dreg:$0x0];
	s2 =	stileid.u32  }
0x68: {  	s1 =	rddreg [dreg:$0x1];
	p0 =	sne.s32 s2, $0x0  }
0x69: {  	s3 =	rddreg [dreg:$0x2];
	[bflag:$0x3] =	sbarrier.arrive $0xFFFF;
	s2 =	simm.s32 @!p0 $0x1C19  }
0x6a: {  	[timem:s3], [sflag:s2] =	dma.local @!p0 [hbm:s0], s1  }
0x6b: {  	s0 =	simm.s32 @!p0 $0x19  }
0x6c: {  	_ =	swait.ge @!p0 [sflag:s0], s1  }
0x6d: {  	s1 =	ssub.s32 @!p0 $0x0, s1;
	[sflag:s0] =	ssyncset.done @!p0 $0x0  }
0x6e: {  	[sflag:s0] =	ssyncadd.s32 @!p0 s1  }
0x6f: {  	[bflag:$0x3] =	sbarrier.arrive $0xFFFF  }
0x70: {  	_ =	shalt  }

// kernel: kernel.18.cloned.1.call-start
scs
__scs_entry_jumppad:
0x0: {  	(pc) =	sbr.rel $0x88, $3  }
0x1: {  	(tag) =	ssettag $0x0;
	lr =	simm.s32 $0x1  }
0x2: {  	[smem:$0x3F99] =	sst lr;
	_ =	strace $0xD0000000  }
0x3: {  	_ = 	snop  }
0x4: {  	_ = 	snop  }
0x5: {  	_ = 	snop  }
0x6: {  	_ = 	snop  }
0x7: {  	_ = 	snop  }
__scs_overlays_trampoline_lowered:
0x8: {  	[smem:$0x3FA8] =	sst s0  }
0x9: {  	[smem:$0x3FA9] =	sst s1  }
0xa: {  	[smem:$0x3FAA] =	sst s2  }
0xb: {  	[smem:$0x3FAB] =	sst s3  }
0xc: {  	[smem:$0x3FAC] =	sst s4  }
0xd: {  	[smem:$0x3FAD] =	sst s5  }
0xe: {  	[smem:$0x3FAE] =	sst s6  }
0xf: {  	[smem:$0x3FAF] =	sst s7  }
0x10: {  	[smem:$0x3FB0] =	sst s8  }
0x11: {  	[smem:$0x3FB1] =	sst s9;
	s0 =	simm.s32 @!p0 $0x0  }
0x12: {  	s1 =	sld [smem:$0x3F97];
	s0 =	simm.s32 @p0 $0x1  }
0x13: {  	[smem:$0x3FB2] =	sst s0;
	s0 =	simm.s32 @!p1 $0x0  }
0x14: {  	s2 =	sld [smem:$0x3F96];
	s0 =	simm.s32 @p1 $0x1  }
0x15: {  	[smem:$0x3FB3] =	sst s0;
	s0 =	simm.s32 @!p2 $0x0  }
0x16: {  	s3 =	sld [smem:$0x3FDB];
	s0 =	simm.s32 @p2 $0x1  }
0x17: {  	s4 =	simm.s32 $0x1BF5;
	[smem:$0x3FB5] =	sst s0  }
0x18: {  	s0 =	sld [smem:$0x3F98];
	_ =	swait.ge [sflag:s4], $0x0  }
0x19: {  	s7 =	sld [smem:$0x3F99]  }
0x1a: {  	s8 =	sadd.s32 $0xFFFFE003, lr  }
0x1b: {  	s9 =	sadd.s32 $0xFFFFFEF7, lr;
	s5 =	simm.s32 $0xFFFFFFFF;
	p2 =	slt.u32 s8, $0xFFFFF086  }
0x1c: {  	p1 =	slt.u32 s9, $0xF7A;
	s5 =	simm.s32 @!p2 $0x0  }
0x1d: {  	s5 =	simm.s32 @p1 $0x1;
	p0 =	seq.s32 s7, s2  }
0x1e: {  	s7 =	smul.u32 @!p0 $0xF7A, s2;
	p2 =	seq.s32 @!p0 s5, $0x0  }
0x1f: {  	s9 =	smul.u32 $0xF7A, s1;
	s8 =	simm.s32 @!p0 $0x1BF5;
	p2 =	por !p2, p0  }
0x20: {  	[sflag:s8] =	ssyncset.s32 @!p0 $0xFFFFF086;
	s6 =	sadd.s32 @!p0 s3, s7;
	s7 =	simm.s32 @!p0 $0x108  }
0x21: {  	s3 =	sadd.s32 s3, s9;
	s6 =	sadd.s32 @!p0 $0x88, s6;
	s7 =	simm.s32 @p2 $0x1082  }
0x22: {  	[simem:s7], [sflag:s8] =	dma.local @!p0 [hbm:s6], $0xF7A  }
0x23: {  	s9 =	sor.u32 $0xD0000000, s2;
	s6 =	simm.s32 $0x108;
	_ =	swait.ge @!p0 [sflag:s8], $0x0  }
0x24: {  	s3 =	sadd.s32 $0x88, s3;
	s6 =	simm.s32 @!p1 $0x1082;
	[sflag:s4] =	ssyncset.s32 $0xFFFFF086  }
0x25: {  	[simem:s6], [sflag:s4] =	dma.local [hbm:s3], $0xF7A  }
0x26: {  	[smem:$0x3F99] =	sst s1;
	(tag) =	ssettag s2;
	_ =	strace s9  }
0x27: {  	s1 =	sld [smem:$0x3FA9]  }
0x28: {  	s2 =	sld [smem:$0x3FAA]  }
0x29: {  	s4 =	sld [smem:$0x3FAC]  }
0x2a: {  	p0 =	seq.s32 s5, $0x0;
	s5 =	sld [smem:$0x3FAD]  }
0x2b: {  	s6 =	sld [smem:$0x3FAE]  }
0x2c: {  	s7 =	sld [smem:$0x3FAF]  }
0x2d: {  	s3 =	simm.s32 $0x108;
	s8 =	sld [smem:$0x3FB0]  }
0x2e: {  	s3 =	simm.s32 @!p0 $0x1082;
	s9 =	sld [smem:$0x3FB1]  }
0x2f: {  	lr =	sadd.s32 s0, s3;
	s0 =	sld [smem:$0x3FA8]  }
0x30: {  	s3 =	sld [smem:$0x3FAB]  }
0x31: {  	[smem:$0x3FB4] =	sst s10  }
0x32: {  	s10 =	sld [smem:$0x3FB2];
	_ =	sdelay $0x3  }
0x33: {  	p0 =	seq.s32 s10, $0x1;
	s10 =	sld [smem:$0x3FB4];
	_ =	sdelay $0x3  }
0x34: {  	[smem:$0x3FB4] =	sst s10  }
0x35: {  	s10 =	sld [smem:$0x3FB3];
	_ =	sdelay $0x3  }
0x36: {  	p1 =	seq.s32 s10, $0x1;
	s10 =	sld [smem:$0x3FB4];
	_ =	sdelay $0x3  }
0x37: {  	[smem:$0x3FB4] =	sst s10  }
0x38: {  	s10 =	sld [smem:$0x3FB5]  }
0x39: {  	_ = 	snop;
	(pc) =	sbr.ind lr, $3  }
0x3a: {  	_ = 	snop  }
0x3b: {  	_ = 	snop  }
0x3c: {  	p2 =	seq.s32 s10, $0x1;
	s10 =	sld [smem:$0x3FB4]  }
0x3d: {  	_ =	shalt  }
0x3e: {  	_ =	shalt  }
0x3f: {  	_ =	shalt  }
0x40: {  	_ =	shalt  }
0x41: {  	_ =	shalt  }
0x42: {  	_ =	shalt  }
0x43: {  	_ =	shalt  }
0x44: {  	_ =	shalt  }
0x45: {  	_ =	shalt  }
0x46: {  	_ =	shalt  }
0x47: {  	_ =	shalt  }
0x48: {  	_ =	shalt  }
0x49: {  	_ =	shalt  }
0x4a: {  	_ =	shalt  }
0x4b: {  	_ =	shalt  }
0x4c: {  	_ =	shalt  }
0x4d: {  	_ =	shalt  }
0x4e: {  	_ =	shalt  }
0x4f: {  	_ =	shalt  }
0x50: {  	_ =	shalt  }
0x51: {  	_ =	shalt  }
0x52: {  	_ =	shalt  }
0x53: {  	_ =	shalt  }
0x54: {  	_ =	shalt  }
0x55: {  	_ =	shalt  }
0x56: {  	_ =	shalt  }
0x57: {  	_ =	shalt  }
0x58: {  	_ =	shalt  }
0x59: {  	_ =	shalt  }
0x5a: {  	_ =	shalt  }
0x5b: {  	_ =	shalt  }
0x5c: {  	_ =	shalt  }
0x5d: {  	_ =	shalt  }
0x5e: {  	_ =	shalt  }
0x5f: {  	_ =	shalt  }
0x60: {  	_ =	shalt  }
0x61: {  	_ =	shalt  }
0x62: {  	_ =	shalt  }
0x63: {  	_ =	shalt  }
0x64: {  	_ =	shalt  }
0x65: {  	_ =	shalt  }
0x66: {  	_ =	shalt  }
0x67: {  	_ =	shalt  }
0x68: {  	_ =	shalt  }
0x69: {  	_ =	shalt  }
0x6a: {  	_ =	shalt  }
0x6b: {  	_ =	shalt  }
0x6c: {  	_ =	shalt  }
0x6d: {  	_ =	shalt  }
0x6e: {  	_ =	shalt  }
0x6f: {  	_ =	shalt  }
0x70: {  	_ =	shalt  }
0x71: {  	_ =	shalt  }
0x72: {  	_ =	shalt  }
0x73: {  	_ =	shalt  }
0x74: {  	_ =	shalt  }
0x75: {  	_ =	shalt  }
0x76: {  	_ =	shalt  }
0x77: {  	_ =	shalt  }
0x78: {  	_ =	shalt  }
0x79: {  	_ =	shalt  }
0x7a: {  	_ =	shalt  }
0x7b: {  	_ =	shalt  }
0x7c: {  	_ =	shalt  }
0x7d: {  	_ =	shalt  }
0x7e: {  	_ =	shalt  }
0x7f: {  	_ =	shalt  }
0x80: {  	_ =	shalt  }
0x81: {  	_ =	shalt  }
0x82: {  	_ =	shalt  }
0x83: {  	_ =	shalt  }
0x84: {  	_ =	shalt  }
0x85: {  	_ =	shalt  }
0x86: {  	_ =	shalt  }
0x87: {  	_ =	shalt  }
.Lfunc_end0:
.L_simem_size_0:
called_computation.2_lowered:
.L_overlay_start_0:
0x88: {  	s2 =	sld [smem:$0x3FD9]  }
0x89: {  	s3 =	sld [smem:$0x3FFE];
	_ =	sdelay $0x1  }
0x8a: {  	s1 =	srdreg.scid  }
0x8b: {  	s0 =	sand.u32 $0x1, s1  }
0x8c: {  	s16 =	sshll.u32 s0, $0xA;
	s2 =	sadd.s32 s3, s2  }
0x8d: {  	s2 =	sadd.s32 s2, s16  }
0x8e: {  	[smem:$0x3FC0] =	sst s2  }
0x8f: {  	_ = 	snop  }
0x90: {  	(tm) =	ssettm $0x1  }
0x91: {  	s17 =	sld [smem:$0x3FFB];
	_ =	sdelay $0x3  }
0x92: {  	_ =	strace s17  }
0x93: {  	s2 =	sld [smem:$0x3FFC];
	_ =	sdelay $0x3  }
0x94: {  	_ =	strace s2  }
0x95: {  	s2 =	sld [smem:$0x3FFD];
	_ =	sdelay $0x3  }
0x96: {  	_ =	strace s2  }
0x97: {  	_ =	strace $0x8FFFFFFF  }
0x98: {  	s18 =	sld [smem:$0x3FDB];
	_ =	sdelay $0x1  }
0x99: {  	s19 =	simm.s32 $_scs_section_size  }
0x9a: {  	s4 =	simm.s32 $_size__tile_overlayer_lowered;
	s5 =	simm.s32 $_tile_overlayer_lowered  }
0x9b: {  	s22 =	simm.s32 $0x1BFF;
	s21 =	sshll.u32 s5, $0x1;
	s2 =	sadd.s32 s19, s18  }
0x9c: {  	s6 =	simm.s32 $0x0;
	s20 =	sshll.u32 s4, $0x1;
	s4 =	sadd.s32 s21, s2  }
0x9d: {  	[timem:s6], [sflag:s22] =	dma.local [hbm:s4], s20  }
0x9e: {  	_ =	swait.ge [sflag:s22], s20  }
0x9f: {  	s3 =	ssub.s32 $0x0, s20;
	[sflag:s22] =	ssyncset.done $0x0  }
0xa0: {  	[sflag:s22] =	ssyncadd.s32 s3;
	_ =	sdelay $0x1  }
0xa1: {  	s23 =	simm.s32 $0x1B8B  }
0xa2: {  	_ =	swait.ge [sflag:s23], $0x1  }
0xa3: {  	[sflag:s23] =	ssyncset.done $0x0  }
0xa4: {  	s25 =	simm.s32 $0x1B8E;
	s24 =	sld [smem:$0x3FFE];
	[sflag:s23] =	ssyncadd.s32 $0xFFFFFFFF  }
0xa5: {  	s26 =	simm.s32 $execute0_lowered;
	[smem:$0x3FD2] =	sst s25  }
0xa6: {  	s4 =	sshll.u32 s26, $0x1;
	_ =	strace $0x8000004C;
	[dreg:$0x1] =	wrdreg $0xFFFFFFFF  }
0xa7: {  	s28 =	simm.s32 $_size_execute0_lowered;
	s2 =	sadd.s32 s2, s4;
	[dreg:$0x0] =	wrdreg $0x0  }
0xa8: {  	s4 =	sshll.u32 s28, $0x1;
	[dreg:$0x2] =	wrdreg s2  }
0xa9: {  	[dreg:$0x3] =	wrdreg s4  }
0xaa: {  	[dreg:$0x4] =	wrdreg $0xC0  }
0xab: {  	_ =	task [dreg:s6], $0x5FFFF  }
0xac: {  	[dreg:$0x1] =	wrdreg $0xFFFFFFFF  }
0xad: {  	[dreg:$0x0] =	wrdreg $0x60  }
0xae: {  	[dreg:$0x2] =	wrdreg s24  }
0xaf: {  	[dreg:$0x3] =	wrdreg $0x9  }
0xb0: {  	_ =	task.clear_ibuf [dreg:s6], $0x4FFFF;
	_ =	strace $0x9000004C  }
0xb1: {  	s29 =	simm.s32 $0x9;
	_ =	strace $0x8000004E  }
0xb2: {  	_ =	swait.ge [sflag:s29], $0x1  }
0xb3: {  	[sflag:s29] =	ssyncadd.s32 $0xFFFFFFFF  }
0xb4: {  	_ =	strace $0x9000004E  }
0xb5: {  	_ =	sfence  }
0xb6: {  	s30 =	sld [smem:$0x0];
	_ =	sdelay $0x2  }
0xb7: {  	s31 =	sshll.u32 s1, $0xD;
	s1 =	sshrl.u32 s1, $0x2  }
0xb8: {  	s3 =	sand.u32 $0x4000, s31;
	s1 =	sadd.s32 s1, s30  }
0xb9: {  	s0 =	sor.u32 s3, s0;
	s1 =	sshll.u32 s1, $0x11  }
0xba: {  	s0 =	sor.u32 s1, s0  }
0xbb: {  	s0 =	sadd.s32 $0x8F2B, s0  }
0xbc: {  	[sflag:s0] =	ssyncadd.remote.s32 $0x1  }
0xbd: {  	_ =	sfence.sel $0xFFFF  }
0xbe: {  	[dreg:$0x0] =	wrdreg $0xFFFFFFFF;
	(pc) =	sbr.abs _section_cstart, $3  }
0xbf: {  	[dreg:$0x1] =	wrdreg $0xFFFFFFFF  }
0xc0: {  	_ =	task.clear_ibuf [dreg:s6], $0x2FFFF;
	_ =	strace $0x9FFFFFFF  }
0xc1: {  	(tm) =	ssettm $0x7FFFFFFF  }
tec
execute0_lowered:
.L_overlay_start_1:
0x0: {  	(tag) =	ssettag $0x1  }
0x1: {  	s1 =	srdreg.scid;
	s0 =	stileid.u32  }
0x2: {  	s4 =	rddreg [dreg:$0x0];
	s29 =	simm.s32 $0x0;
	s10 =	simm.s32 $0x17  }
0x3: {  	s11 =	simm.s32 $0x18;
	s12 =	simm.s32 $0x11;
	s5 =	smul.u32 $0xD400, s0  }
0x4: {  	s13 =	simm.s32 $0x12;
	s3 =	sand.u32 $0x1, s1;
	s30 =	smul.u32 $0x1A8000, s0  }
0x5: {  	s14 =	simm.s32 $0x13;
	s15 =	simm.s32 $0x14;
	s6 =	smul.u32 $0x6A00, s3  }
0x6: {  	s16 =	simm.s32 $0x0;
	[smem:$0x7FF] =	sst s29;
	s8 =	smul.u32 $0xD4000, s3  }
0x7: {  	_ =	strace $0x8000004D;
	s7 =	ssub.s32 $0x2, s3;
	s3 =	sadd.s32 $0x2600, s4  }
0x8: {  	s31 =	sshrl.u32 s7, $0x1;
	s5 =	sadd.s32 s6, s5;
	s6 =	sadd.s32 s8, s30  }
0x9: {  	s8 =	simm.s32 $0x15;
	s5 =	sshrl.u32 s5, $0x3;
	s6 =	sadd.s32 $0xFFFFA000, s6  }
0xa: {  	s9 =	sadd.s32 s5, s4;
	s4 =	sadd.s32 $0xA2600, s4;
	s5 =	ssub.s32 s7, s31  }
0xb: {  	s5 =	smax.u32 s5, $0x1;
	s7 =	sadd.s32 $0x6D600, s9;
	s9 =	simm.s32 $0x16  }
.LBB2_1:
0xc: {  	p1 =	por $0x0, $0x0  }
0xd: {  	p0 =	por @!p1 $0x1, $0x1  }
0xe: {  	s0 =	simm.s32 $0x0;
	s18 =	simm.s32 $0x0;
	p2 =	por p0, p1  }
0xf: {  	s19 =	simm.s32 $0xFFFFFFFF;
	p0 =	por !p0, p1;
	s17 =	sand.u32 @!p2 $0x7, s0  }
0x10: {  	s18 =	smov.u32 @p0 s17;
	s17 =	sadd.s32 @!p2 $0x11, s17;
	p0 =	por $0x1, $0x1  }
0x11: {  	s20 =	sshll.u32 @!p1 s18, $0x7;
	s18 =	sadd.s32 @!p1 $0x1, s18;
	_ =	swait.ge @!p2 [sflag:s17], $0x1000  }
0x12: {  	s21 =	sand.u32 @!p0 $0x7, s19;
	s20 =	sand.u32 @!p1 $0x3FFFFF80, s20;
	[sflag:s17] =	ssyncset.done @!p2 $0x0  }
0x13: {  	s22 =	sadd.s32 @!p0 $0x1, s21;
	[sflag:s17] =	ssyncadd.s32 @!p2 $0xFFFFF000;
	s17 =	simm.s32 @!p1 $0x0  }
0x14: {  	[tilespmem:s20], [sflag:s18] =	stream.linear.gather @!p1 [hbm4b:s7+s17], $0x80, $0x38;
	[tilespmem:$0x8400] =	vst v63  }
0x15: {  	_ =	swait.ge @!p0 [sflag:s22], $0x80  }
0x16: {  	[sflag:s22] =	ssyncset.done @!p0 $0x0  }
0x17: {  	s19 =	sshll.u32 @!p0 s21, $0x7;
	[sflag:s22] =	ssyncadd.s32 @!p0 $0xFFFFFF80  }
0x18: {  	v0 =	vld @!p0 [tilespmem:s19+$0x30]  }
0x19: {  	v5 =	vld @!p0 [tilespmem:s19+$0x40]  }
0x1a: {  	v1 =	vld @!p0 [tilespmem:s19+$0x50]  }
0x1b: {  	v4 =	vld @!p0 [tilespmem:s19+$0x60]  }
0x1c: {  	s23 =	simm.s32 $0x0;
	s24 =	smov.u32 s6;
	v3 =	vld @!p0 [tilespmem:s19+$0x70]  }
0x1d: {  	s17 =	simm.s32 $0x1;
	s20 =	sshll.u32 @!p0 s21, $0xC;
	s18 =	sadd.s32 @!p0 $0x9, s21;
	v2 =	vld @!p0 [tilespmem:s19+$0x0];
	v6 =	vadd.s32 @!p0 $0x1, v0  }
0x1e: {  	s21 =	smov.u32 s6;
	s20 =	sor.u32 @!p0 $0x400, s20;
	s22 =	smov.u32 s7;
	v0 =	vld @!p0 [tilespmem:s19+$0x10];
	v5 =	vadd.s32 @!p0 $0x1, v5;
	[tilespmem:s19+$0x30] =	vst @!p0 v6  }
.LBB2_2:
0x1f: {  	s21 =	sadd.s32 $0x1000, s21;
	s22 =	sadd.s32 $0x10, s22  }
0x20: {  	v6 =	vld @!p0 [tilespmem:s19+$0x20];
	s1 =	smov.u32 s17;
	s17 =	sadd.s32 $0x1, s17;
	p3 =	slt.u32 s23, $0x6  }
0x21: {  	s28 =	simm.s32 @!p0 $0x80;
	s26 =	sadd.s32 $0xFFFFFFFF, s1;
	p1 =	sne.s32 s17, $0xDA;
	[tilespmem:s19+$0x40] =	vst @!p0 v5;
	v4 =	vadd.s32 @!p0 $0x1, v4  }
0x22: {  	v1 =	vadd.s32 @!p0 $0x1, v1;
	p2 =	sgt.u32 s1, $0xD3;
	s23 =	sadd.s32 @!p3 $0xFFFFFFFA, s23;
	s24 =	sshrl.u32 @!p3 s24, $0x3;
	[tilespmem:s19+$0x60] =	vst @!p0 v4;
	v3 =	vadd.s32 @!p0 $0x1, v3  }
0x23: {  	s25 =	smov.u32 s1;
	p5 =	slt.u32 @!p2 s1, $0x8;
	s23 =	sand.u32 @!p3 $0x7, s23;
	v2 =	vadd.s32 @!p0 $0x1, v2;
	[tilespmem:s19+$0x70] =	vst @!p0 v3  }
0x24: {  	p4 =	por p5, p2;
	p5 =	por !p5, p2;
	s29 =	sadd.s32 @!p3 $0x9, s23;
	[tilespmem:s19+$0x0] =	vst @!p0 v2;
	v0 =	vadd.s32 @!p0 $0x1, v0  }
0x25: {  	s31 =	sadd.s32 @!p3 $0x11, s23;
	s23 =	sshll.u32 @!p3 s23, $0xC;
	s30 =	sand.u32 @!p4 $0x7, s1;
	v2 =	vadd.s32 @!p0 $0x1, v6;
	[tilespmem:s19+$0x50] =	vst @!p0 v1  }
0x26: {  	s2 =	sadd.s32 @!p3 s4, s24;
	s0 =	sor.u32 @!p3 $0x400, s23;
	s25 =	smov.u32 @p5 s30;
	[tilespmem:s19+$0x10] =	vst @!p0 v0  }
0x27: {  	s23 =	smov.u32 s1;
	s24 =	sshll.u32 @!p2 s25, $0x7;
	s25 =	sadd.s32 @!p2 $0x1, s25;
	[tilespmem:s19+$0x20] =	vst @!p0 v2  }
0x28: {  	[tilespmem:s20], [sflag:s18] =	stream.indirect.gather @!p0 [hbm4b:s3+s28], $0x20, s19, s28, $0xb8;
	[tilespmem:$0x8400] =	vst v63  }
0x29: {  	s1 =	sand.u32 @!p2 $0x3FFFFF80, s24;
	s18 =	simm.s32 @!p3 $0x0;
	_ =	swait.ge @!p3 [sflag:s29], $0x1000  }
0x2a: {  	s19 =	sadd.s32 @!p4 $0x11, s30;
	p0 =	sgt.u32 s26, $0xD3;
	[sflag:s29] =	ssyncset.done @!p3 $0x0  }
0x2b: {  	s24 =	smov.u32 s21;
	s26 =	sand.u32 @!p0 $0x7, s26;
	[sflag:s29] =	ssyncadd.s32 @!p3 $0xFFFFF000  }
0x2c: {  	[hbm4b:s2+s18] =	stream.linear.scatter @!p3 [tilespmem:s0], [sflag:s31], $0x1000, $0x38;
	[tilespmem:$0x8400] =	vst v63  }
0x2d: {  	s0 =	sshll.u32 @!p0 s26, $0xC;
	s18 =	sadd.s32 @!p0 $0x9, s26;
	_ =	swait.ge @!p4 [sflag:s19], $0x1000  }
0x2e: {  	s20 =	sor.u32 @!p0 $0x400, s0;
	[sflag:s19] =	ssyncset.done @!p4 $0x0  }
0x2f: {  	s2 =	sadd.s32 @!p0 $0x1, s26;
	s0 =	simm.s32 @!p2 $0x0;
	[sflag:s19] =	ssyncadd.s32 @!p4 $0xFFFFF000  }
0x30: {  	[tilespmem:s1], [sflag:s25] =	stream.linear.gather @!p2 [hbm4b:s22+s0], $0x80, $0x38;
	[tilespmem:$0x8400] =	vst v63  }
0x31: {  	_ =	swait.ge @!p0 [sflag:s2], $0x80  }
0x32: {  	[sflag:s2] =	ssyncset.done @!p0 $0x0  }
0x33: {  	s19 =	sshll.u32 @!p0 s26, $0x7;
	[sflag:s2] =	ssyncadd.s32 @!p0 $0xFFFFFF80  }
0x34: {  	v0 =	vld @!p0 [tilespmem:s19+$0x30]  }
0x35: {  	v5 =	vld @!p0 [tilespmem:s19+$0x40]  }
.Ltmp0:
0x36: {  	v1 =	vld @!p0 [tilespmem:s19+$0x50];
	(pc) =	sbr.rel @p1 .LBB2_2-.Ltmp0, $4  }
0x37: {  	v4 =	vld @!p0 [tilespmem:s19+$0x60]  }
0x38: {  	v3 =	vld @!p0 [tilespmem:s19+$0x70]  }
0x39: {  	v2 =	vld @!p0 [tilespmem:s19+$0x0];
	v6 =	vadd.s32 @!p0 $0x1, v0  }
0x3a: {  	v0 =	vld @!p0 [tilespmem:s19+$0x10];
	[tilespmem:s19+$0x30] =	vst @!p0 v6;
	v5 =	vadd.s32 @!p0 $0x1, v5  }
0x3b: {  	v6 =	vld @!p0 [tilespmem:s19+$0x20];
	[tilespmem:s19+$0x40] =	vst @!p0 v5;
	v1 =	vadd.s32 @!p0 $0x1, v1  }
0x3c: {  	v4 =	vadd.s32 @!p0 $0x1, v4;
	[tilespmem:s19+$0x50] =	vst @!p0 v1  }
0x3d: {  	[tilespmem:s19+$0x60] =	vst @!p0 v4;
	v3 =	vadd.s32 @!p0 $0x1, v3  }
0x3e: {  	p1 =	slt.u32 s23, $0x6;
	v2 =	vadd.s32 @!p0 $0x1, v2;
	[tilespmem:s19+$0x70] =	vst @!p0 v3  }
0x3f: {  	s0 =	sadd.s32 @!p1 $0xFFFFFFFA, s23;
	[tilespmem:s19+$0x0] =	vst @!p0 v2;
	v0 =	vadd.s32 @!p0 $0x1, v0  }
0x40: {  	s0 =	sand.u32 @!p1 $0x7, s0;
	v1 =	vadd.s32 @!p0 $0x1, v6;
	[tilespmem:s19+$0x10] =	vst @!p0 v0  }
0x41: {  	s1 =	simm.s32 @!p0 $0x80;
	s2 =	sadd.s32 @!p1 $0x9, s0;
	[tilespmem:s19+$0x20] =	vst @!p0 v1  }
0x42: {  	[tilespmem:s20], [sflag:s18] =	stream.indirect.gather @!p0 [hbm4b:s3+s1], $0x20, s19, s1, $0xb8;
	[tilespmem:$0x8400] =	vst v63  }
0x43: {  	s17 =	sshll.u32 @!p1 s0, $0xC;
	s0 =	sadd.s32 @!p1 $0x11, s0;
	_ =	swait.ge @!p1 [sflag:s2], $0x1000  }
0x44: {  	s17 =	sor.u32 @!p1 $0x400, s17;
	s1 =	sshrl.u32 @!p1 s24, $0x3;
	[sflag:s2] =	ssyncset.done @!p1 $0x0  }
0x45: {  	s18 =	simm.s32 @!p1 $0x0;
	s1 =	sadd.s32 @!p1 s4, s1;
	[sflag:s2] =	ssyncadd.s32 @!p1 $0xFFFFF000  }
0x46: {  	[hbm4b:s1+s18] =	stream.linear.scatter @!p1 [tilespmem:s17], [sflag:s0], $0x1000, $0x38;
	[tilespmem:$0x8400] =	vst v63  }
0x47: {  	_ =	swait.ge [sflag:s8], $0x1000  }
0x48: {  	[sflag:s8] =	ssyncset.done $0x0  }
0x49: {  	[sflag:s8] =	ssyncadd.s32 $0xFFFFF000  }
0x4a: {  	_ =	swait.ge [sflag:s9], $0x1000  }
0x4b: {  	[sflag:s9] =	ssyncset.done $0x0  }
0x4c: {  	[sflag:s9] =	ssyncadd.s32 $0xFFFFF000  }
0x4d: {  	_ =	swait.ge [sflag:s10], $0x1000  }
0x4e: {  	[sflag:s10] =	ssyncset.done $0x0  }
0x4f: {  	[sflag:s10] =	ssyncadd.s32 $0xFFFFF000  }
0x50: {  	_ =	swait.ge [sflag:s11], $0x1000  }
0x51: {  	[sflag:s11] =	ssyncset.done $0x0  }
0x52: {  	[sflag:s11] =	ssyncadd.s32 $0xFFFFF000  }
0x53: {  	_ =	swait.ge [sflag:s12], $0x1000  }
0x54: {  	[sflag:s12] =	ssyncset.done $0x0  }
0x55: {  	[sflag:s12] =	ssyncadd.s32 $0xFFFFF000  }
0x56: {  	_ =	swait.ge [sflag:s13], $0x1000  }
0x57: {  	[sflag:s13] =	ssyncset.done $0x0  }
0x58: {  	s16 =	sadd.s32 $0x1, s16;
	[sflag:s13] =	ssyncadd.s32 $0xFFFFF000  }
0x59: {  	p0 =	sne.s32 s16, s5;
	_ =	swait.ge [sflag:s14], $0x1000  }
.Ltmp1:
0x5a: {  	[sflag:s14] =	ssyncset.done $0x0;
	(pc) =	sbr.rel @p0 .LBB2_1-.Ltmp1, $4  }
0x5b: {  	[sflag:s14] =	ssyncadd.s32 $0xFFFFF000  }
0x5c: {  	_ =	swait.ge [sflag:s15], $0x1000  }
0x5d: {  	[sflag:s15] =	ssyncset.done $0x0  }
0x5e: {  	[sflag:s15] =	ssyncadd.s32 $0xFFFFF000  }
0x5f: {  	_ =	sfence.sel $0x180000  }
0x60: {  	[bflag:$0x0] =	sbarrier.arrive $0xFFFF  }
0x61: {  	_ =	strace $0x9000004D  }
0x62: {  	s0 =	stileid.u32;
	[bflag:$0x2] =	sbarrier.arrive $0xFFFF  }
0x63: {  	p0 =	sne.s32 s0, $0x0;
	s0 =	rddreg [dreg:$0x1]  }
0x64: {  	s0 =	sadd.s32 @!p0 $0x100000, s0  }
0x65: {  	[sflag:s0] =	ssyncadd.tile.s32 @!p0 $0x1;
	_ =	shalt  }
.Lfunc_end2:
_tile_overlayer_lowered:
.L_overlay_start_2:
0x66: {  	(tag) =	ssettag $0x2  }
0x67: {  	s0 =	rddreg [dreg:$0x0];
	s2 =	stileid.u32  }
0x68: {  	s1 =	rddreg [dreg:$0x1];
	p0 =	sne.s32 s2, $0x0  }
0x69: {  	s3 =	rddreg [dreg:$0x2];
	[bflag:$0x3] =	sbarrier.arrive $0xFFFF;
	s2 =	simm.s32 @!p0 $0x1C19  }
0x6a: {  	[timem:s3], [sflag:s2] =	dma.local @!p0 [hbm:s0], s1  }
0x6b: {  	s0 =	simm.s32 @!p0 $0x19  }
0x6c: {  	_ =	swait.ge @!p0 [sflag:s0], s1  }
0x6d: {  	s1 =	ssub.s32 @!p0 $0x0, s1;
	[sflag:s0] =	ssyncset.done @!p0 $0x0  }
0x6e: {  	[sflag:s0] =	ssyncadd.s32 @!p0 s1  }
0x6f: {  	[bflag:$0x3] =	sbarrier.arrive $0xFFFF  }
0x70: {  	_ =	shalt  }

// kernel: kernel.21.cloned.1.call-start
scs
__scs_entry_jumppad:
0x0: {  	(pc) =	sbr.rel $0x88, $3  }
0x1: {  	(tag) =	ssettag $0x0;
	lr =	simm.s32 $0x1  }
0x2: {  	[smem:$0x3F99] =	sst lr;
	_ =	strace $0xD0000000  }
0x3: {  	_ = 	snop  }
0x4: {  	_ = 	snop  }
0x5: {  	_ = 	snop  }
0x6: {  	_ = 	snop  }
0x7: {  	_ = 	snop  }
__scs_overlays_trampoline_lowered:
0x8: {  	[smem:$0x3FA8] =	sst s0  }
0x9: {  	[smem:$0x3FA9] =	sst s1  }
0xa: {  	[smem:$0x3FAA] =	sst s2  }
0xb: {  	[smem:$0x3FAB] =	sst s3  }
0xc: {  	[smem:$0x3FAC] =	sst s4  }
0xd: {  	[smem:$0x3FAD] =	sst s5  }
0xe: {  	[smem:$0x3FAE] =	sst s6  }
0xf: {  	[smem:$0x3FAF] =	sst s7  }
0x10: {  	[smem:$0x3FB0] =	sst s8  }
0x11: {  	[smem:$0x3FB1] =	sst s9;
	s0 =	simm.s32 @!p0 $0x0  }
0x12: {  	s1 =	sld [smem:$0x3F97];
	s0 =	simm.s32 @p0 $0x1  }
0x13: {  	[smem:$0x3FB2] =	sst s0;
	s0 =	simm.s32 @!p1 $0x0  }
0x14: {  	s2 =	sld [smem:$0x3F96];
	s0 =	simm.s32 @p1 $0x1  }
0x15: {  	[smem:$0x3FB3] =	sst s0;
	s0 =	simm.s32 @!p2 $0x0  }
0x16: {  	s3 =	sld [smem:$0x3FDB];
	s0 =	simm.s32 @p2 $0x1  }
0x17: {  	s4 =	simm.s32 $0x1BF5;
	[smem:$0x3FB5] =	sst s0  }
0x18: {  	s0 =	sld [smem:$0x3F98];
	_ =	swait.ge [sflag:s4], $0x0  }
0x19: {  	s7 =	sld [smem:$0x3F99]  }
0x1a: {  	s8 =	sadd.s32 $0xFFFFE003, lr  }
0x1b: {  	s9 =	sadd.s32 $0xFFFFFEF7, lr;
	s5 =	simm.s32 $0xFFFFFFFF;
	p2 =	slt.u32 s8, $0xFFFFF086  }
0x1c: {  	p1 =	slt.u32 s9, $0xF7A;
	s5 =	simm.s32 @!p2 $0x0  }
0x1d: {  	s5 =	simm.s32 @p1 $0x1;
	p0 =	seq.s32 s7, s2  }
0x1e: {  	s7 =	smul.u32 @!p0 $0xF7A, s2;
	p2 =	seq.s32 @!p0 s5, $0x0  }
0x1f: {  	s9 =	smul.u32 $0xF7A, s1;
	s8 =	simm.s32 @!p0 $0x1BF5;
	p2 =	por !p2, p0  }
0x20: {  	[sflag:s8] =	ssyncset.s32 @!p0 $0xFFFFF086;
	s6 =	sadd.s32 @!p0 s3, s7;
	s7 =	simm.s32 @!p0 $0x108  }
0x21: {  	s3 =	sadd.s32 s3, s9;
	s6 =	sadd.s32 @!p0 $0x88, s6;
	s7 =	simm.s32 @p2 $0x1082  }
0x22: {  	[simem:s7], [sflag:s8] =	dma.local @!p0 [hbm:s6], $0xF7A  }
0x23: {  	s9 =	sor.u32 $0xD0000000, s2;
	s6 =	simm.s32 $0x108;
	_ =	swait.ge @!p0 [sflag:s8], $0x0  }
0x24: {  	s3 =	sadd.s32 $0x88, s3;
	s6 =	simm.s32 @!p1 $0x1082;
	[sflag:s4] =	ssyncset.s32 $0xFFFFF086  }
0x25: {  	[simem:s6], [sflag:s4] =	dma.local [hbm:s3], $0xF7A  }
0x26: {  	[smem:$0x3F99] =	sst s1;
	(tag) =	ssettag s2;
	_ =	strace s9  }
0x27: {  	s1 =	sld [smem:$0x3FA9]  }
0x28: {  	s2 =	sld [smem:$0x3FAA]  }
0x29: {  	s4 =	sld [smem:$0x3FAC]  }
0x2a: {  	p0 =	seq.s32 s5, $0x0;
	s5 =	sld [smem:$0x3FAD]  }
0x2b: {  	s6 =	sld [smem:$0x3FAE]  }
0x2c: {  	s7 =	sld [smem:$0x3FAF]  }
0x2d: {  	s3 =	simm.s32 $0x108;
	s8 =	sld [smem:$0x3FB0]  }
0x2e: {  	s3 =	simm.s32 @!p0 $0x1082;
	s9 =	sld [smem:$0x3FB1]  }
0x2f: {  	lr =	sadd.s32 s0, s3;
	s0 =	sld [smem:$0x3FA8]  }
0x30: {  	s3 =	sld [smem:$0x3FAB]  }
0x31: {  	[smem:$0x3FB4] =	sst s10  }
0x32: {  	s10 =	sld [smem:$0x3FB2];
	_ =	sdelay $0x3  }
0x33: {  	p0 =	seq.s32 s10, $0x1;
	s10 =	sld [smem:$0x3FB4];
	_ =	sdelay $0x3  }
0x34: {  	[smem:$0x3FB4] =	sst s10  }
0x35: {  	s10 =	sld [smem:$0x3FB3];
	_ =	sdelay $0x3  }
0x36: {  	p1 =	seq.s32 s10, $0x1;
	s10 =	sld [smem:$0x3FB4];
	_ =	sdelay $0x3  }
0x37: {  	[smem:$0x3FB4] =	sst s10  }
0x38: {  	s10 =	sld [smem:$0x3FB5]  }
0x39: {  	_ = 	snop;
	(pc) =	sbr.ind lr, $3  }
0x3a: {  	_ = 	snop  }
0x3b: {  	_ = 	snop  }
0x3c: {  	p2 =	seq.s32 s10, $0x1;
	s10 =	sld [smem:$0x3FB4]  }
0x3d: {  	_ =	shalt  }
0x3e: {  	_ =	shalt  }
0x3f: {  	_ =	shalt  }
0x40: {  	_ =	shalt  }
0x41: {  	_ =	shalt  }
0x42: {  	_ =	shalt  }
0x43: {  	_ =	shalt  }
0x44: {  	_ =	shalt  }
0x45: {  	_ =	shalt  }
0x46: {  	_ =	shalt  }
0x47: {  	_ =	shalt  }
0x48: {  	_ =	shalt  }
0x49: {  	_ =	shalt  }
0x4a: {  	_ =	shalt  }
0x4b: {  	_ =	shalt  }
0x4c: {  	_ =	shalt  }
0x4d: {  	_ =	shalt  }
0x4e: {  	_ =	shalt  }
0x4f: {  	_ =	shalt  }
0x50: {  	_ =	shalt  }
0x51: {  	_ =	shalt  }
0x52: {  	_ =	shalt  }
0x53: {  	_ =	shalt  }
0x54: {  	_ =	shalt  }
0x55: {  	_ =	shalt  }
0x56: {  	_ =	shalt  }
0x57: {  	_ =	shalt  }
0x58: {  	_ =	shalt  }
0x59: {  	_ =	shalt  }
0x5a: {  	_ =	shalt  }
0x5b: {  	_ =	shalt  }
0x5c: {  	_ =	shalt  }
0x5d: {  	_ =	shalt  }
0x5e: {  	_ =	shalt  }
0x5f: {  	_ =	shalt  }
0x60: {  	_ =	shalt  }
0x61: {  	_ =	shalt  }
0x62: {  	_ =	shalt  }
0x63: {  	_ =	shalt  }
0x64: {  	_ =	shalt  }
0x65: {  	_ =	shalt  }
0x66: {  	_ =	shalt  }
0x67: {  	_ =	shalt  }
0x68: {  	_ =	shalt  }
0x69: {  	_ =	shalt  }
0x6a: {  	_ =	shalt  }
0x6b: {  	_ =	shalt  }
0x6c: {  	_ =	shalt  }
0x6d: {  	_ =	shalt  }
0x6e: {  	_ =	shalt  }
0x6f: {  	_ =	shalt  }
0x70: {  	_ =	shalt  }
0x71: {  	_ =	shalt  }
0x72: {  	_ =	shalt  }
0x73: {  	_ =	shalt  }
0x74: {  	_ =	shalt  }
0x75: {  	_ =	shalt  }
0x76: {  	_ =	shalt  }
0x77: {  	_ =	shalt  }
0x78: {  	_ =	shalt  }
0x79: {  	_ =	shalt  }
0x7a: {  	_ =	shalt  }
0x7b: {  	_ =	shalt  }
0x7c: {  	_ =	shalt  }
0x7d: {  	_ =	shalt  }
0x7e: {  	_ =	shalt  }
0x7f: {  	_ =	shalt  }
0x80: {  	_ =	shalt  }
0x81: {  	_ =	shalt  }
0x82: {  	_ =	shalt  }
0x83: {  	_ =	shalt  }
0x84: {  	_ =	shalt  }
0x85: {  	_ =	shalt  }
0x86: {  	_ =	shalt  }
0x87: {  	_ =	shalt  }
.Lfunc_end0:
.L_simem_size_0:
called_computation.3_lowered:
.L_overlay_start_0:
0x88: {  	s2 =	sld [smem:$0x3FD9]  }
0x89: {  	s3 =	sld [smem:$0x3FFE];
	_ =	sdelay $0x1  }
0x8a: {  	s1 =	srdreg.scid  }
0x8b: {  	s0 =	sand.u32 $0x1, s1  }
0x8c: {  	s16 =	sshll.u32 s0, $0xA;
	s2 =	sadd.s32 s3, s2  }
0x8d: {  	s2 =	sadd.s32 s2, s16  }
0x8e: {  	[smem:$0x3FC0] =	sst s2  }
0x8f: {  	_ = 	snop  }
0x90: {  	(tm) =	ssettm $0x1  }
0x91: {  	s17 =	sld [smem:$0x3FFB];
	_ =	sdelay $0x3  }
0x92: {  	_ =	strace s17  }
0x93: {  	s2 =	sld [smem:$0x3FFC];
	_ =	sdelay $0x3  }
0x94: {  	_ =	strace s2  }
0x95: {  	s2 =	sld [smem:$0x3FFD];
	_ =	sdelay $0x3  }
0x96: {  	_ =	strace s2  }
0x97: {  	_ =	strace $0x8FFFFFFF  }
0x98: {  	s18 =	sld [smem:$0x3FDB];
	_ =	sdelay $0x1  }
0x99: {  	s19 =	simm.s32 $_scs_section_size  }
0x9a: {  	s4 =	simm.s32 $_size__tile_overlayer_lowered;
	s5 =	simm.s32 $_tile_overlayer_lowered  }
0x9b: {  	s22 =	simm.s32 $0x1BFF;
	s21 =	sshll.u32 s5, $0x1;
	s2 =	sadd.s32 s19, s18  }
0x9c: {  	s6 =	simm.s32 $0x0;
	s20 =	sshll.u32 s4, $0x1;
	s4 =	sadd.s32 s21, s2  }
0x9d: {  	[timem:s6], [sflag:s22] =	dma.local [hbm:s4], s20  }
0x9e: {  	_ =	swait.ge [sflag:s22], s20  }
0x9f: {  	s3 =	ssub.s32 $0x0, s20;
	[sflag:s22] =	ssyncset.done $0x0  }
0xa0: {  	[sflag:s22] =	ssyncadd.s32 s3;
	_ =	sdelay $0x1  }
0xa1: {  	s23 =	simm.s32 $0x1B8B  }
0xa2: {  	_ =	swait.ge [sflag:s23], $0x1  }
0xa3: {  	[sflag:s23] =	ssyncset.done $0x0  }
0xa4: {  	s25 =	simm.s32 $0x1B8E;
	s24 =	sld [smem:$0x3FFE];
	[sflag:s23] =	ssyncadd.s32 $0xFFFFFFFF  }
0xa5: {  	s26 =	simm.s32 $execute0_lowered;
	[smem:$0x3FD2] =	sst s25  }
0xa6: {  	s4 =	sshll.u32 s26, $0x1;
	_ =	strace $0x8000004F;
	[dreg:$0x1] =	wrdreg $0xFFFFFFFF  }
0xa7: {  	s28 =	simm.s32 $_size_execute0_lowered;
	s2 =	sadd.s32 s2, s4;
	[dreg:$0x0] =	wrdreg $0x0  }
0xa8: {  	s4 =	sshll.u32 s28, $0x1;
	[dreg:$0x2] =	wrdreg s2  }
0xa9: {  	[dreg:$0x3] =	wrdreg s4  }
0xaa: {  	[dreg:$0x4] =	wrdreg $0xC0  }
0xab: {  	_ =	task [dreg:s6], $0x5FFFF  }
0xac: {  	[dreg:$0x1] =	wrdreg $0xFFFFFFFF  }
0xad: {  	[dreg:$0x0] =	wrdreg $0x60  }
0xae: {  	[dreg:$0x2] =	wrdreg s24  }
0xaf: {  	[dreg:$0x3] =	wrdreg $0x9  }
0xb0: {  	_ =	task.clear_ibuf [dreg:s6], $0x4FFFF;
	_ =	strace $0x9000004F  }
0xb1: {  	s29 =	simm.s32 $0x9;
	_ =	strace $0x80000051  }
0xb2: {  	_ =	swait.ge [sflag:s29], $0x1  }
0xb3: {  	[sflag:s29] =	ssyncadd.s32 $0xFFFFFFFF  }
0xb4: {  	_ =	strace $0x90000051  }
0xb5: {  	_ =	sfence  }
0xb6: {  	s30 =	sld [smem:$0x0];
	_ =	sdelay $0x2  }
0xb7: {  	s31 =	sshll.u32 s1, $0xD;
	s1 =	sshrl.u32 s1, $0x2  }
0xb8: {  	s3 =	sand.u32 $0x4000, s31;
	s1 =	sadd.s32 s1, s30  }
0xb9: {  	s0 =	sor.u32 s3, s0;
	s1 =	sshll.u32 s1, $0x11  }
0xba: {  	s0 =	sor.u32 s1, s0  }
0xbb: {  	s0 =	sadd.s32 $0x8F2B, s0  }
0xbc: {  	[sflag:s0] =	ssyncadd.remote.s32 $0x1  }
0xbd: {  	_ =	sfence.sel $0xFFFF  }
0xbe: {  	[dreg:$0x0] =	wrdreg $0xFFFFFFFF;
	(pc) =	sbr.abs _section_cstart, $3  }
0xbf: {  	[dreg:$0x1] =	wrdreg $0xFFFFFFFF  }
0xc0: {  	_ =	task.clear_ibuf [dreg:s6], $0x2FFFF;
	_ =	strace $0x9FFFFFFF  }
0xc1: {  	(tm) =	ssettm $0x7FFFFFFF  }
tec
execute0_lowered:
.L_overlay_start_1:
0x0: {  	(tag) =	ssettag $0x1  }
0x1: {  	s1 =	srdreg.scid;
	s0 =	stileid.u32  }
0x2: {  	s4 =	rddreg [dreg:$0x0];
	s29 =	simm.s32 $0x0;
	s10 =	simm.s32 $0x17  }
0x3: {  	s11 =	simm.s32 $0x18;
	s12 =	simm.s32 $0x11;
	s5 =	smul.u32 $0xD400, s0  }
0x4: {  	s13 =	simm.s32 $0x12;
	s3 =	sand.u32 $0x1, s1;
	s30 =	smul.u32 $0x1A8000, s0  }
0x5: {  	s14 =	simm.s32 $0x13;
	s15 =	simm.s32 $0x14;
	s6 =	smul.u32 $0x6A00, s3  }
0x6: {  	s16 =	simm.s32 $0x0;
	[smem:$0x7FF] =	sst s29;
	s8 =	smul.u32 $0xD4000, s3  }
0x7: {  	_ =	strace $0x80000050;
	s7 =	ssub.s32 $0x2, s3;
	s3 =	sadd.s32 $0x2600, s4  }
0x8: {  	s31 =	sshrl.u32 s7, $0x1;
	s5 =	sadd.s32 s6, s5;
	s6 =	sadd.s32 s8, s30  }
0x9: {  	s8 =	simm.s32 $0x15;
	s5 =	sshrl.u32 s5, $0x3;
	s6 =	sadd.s32 $0xFFFFA000, s6  }
0xa: {  	s9 =	sadd.s32 s5, s4;
	s4 =	sadd.s32 $0xA2600, s4;
	s5 =	ssub.s32 s7, s31  }
0xb: {  	s5 =	smax.u32 s5, $0x1;
	s7 =	sadd.s32 $0x87E00, s9;
	s9 =	simm.s32 $0x16  }
.LBB2_1:
0xc: {  	p1 =	por $0x0, $0x0  }
0xd: {  	p0 =	por @!p1 $0x1, $0x1  }
0xe: {  	s0 =	simm.s32 $0x0;
	s18 =	simm.s32 $0x0;
	p2 =	por p0, p1  }
0xf: {  	s19 =	simm.s32 $0xFFFFFFFF;
	p0 =	por !p0, p1;
	s17 =	sand.u32 @!p2 $0x7, s0  }
0x10: {  	s18 =	smov.u32 @p0 s17;
	s17 =	sadd.s32 @!p2 $0x11, s17;
	p0 =	por $0x1, $0x1  }
0x11: {  	s20 =	sshll.u32 @!p1 s18, $0x7;
	s18 =	sadd.s32 @!p1 $0x1, s18;
	_ =	swait.ge @!p2 [sflag:s17], $0x1000  }
0x12: {  	s21 =	sand.u32 @!p0 $0x7, s19;
	s20 =	sand.u32 @!p1 $0x3FFFFF80, s20;
	[sflag:s17] =	ssyncset.done @!p2 $0x0  }
0x13: {  	s22 =	sadd.s32 @!p0 $0x1, s21;
	[sflag:s17] =	ssyncadd.s32 @!p2 $0xFFFFF000;
	s17 =	simm.s32 @!p1 $0x0  }
0x14: {  	[tilespmem:s20], [sflag:s18] =	stream.linear.gather @!p1 [hbm4b:s7+s17], $0x80, $0x38;
	[tilespmem:$0x8400] =	vst v63  }
0x15: {  	_ =	swait.ge @!p0 [sflag:s22], $0x80  }
0x16: {  	[sflag:s22] =	ssyncset.done @!p0 $0x0  }
0x17: {  	s19 =	sshll.u32 @!p0 s21, $0x7;
	[sflag:s22] =	ssyncadd.s32 @!p0 $0xFFFFFF80  }
0x18: {  	v0 =	vld @!p0 [tilespmem:s19+$0x30]  }
0x19: {  	v5 =	vld @!p0 [tilespmem:s19+$0x40]  }
0x1a: {  	v1 =	vld @!p0 [tilespmem:s19+$0x50]  }
0x1b: {  	v4 =	vld @!p0 [tilespmem:s19+$0x60]  }
0x1c: {  	s23 =	simm.s32 $0x0;
	s24 =	smov.u32 s6;
	v3 =	vld @!p0 [tilespmem:s19+$0x70]  }
0x1d: {  	s17 =	simm.s32 $0x1;
	s20 =	sshll.u32 @!p0 s21, $0xC;
	s18 =	sadd.s32 @!p0 $0x9, s21;
	v2 =	vld @!p0 [tilespmem:s19+$0x0];
	v6 =	vadd.s32 @!p0 $0x1, v0  }
0x1e: {  	s21 =	smov.u32 s6;
	s20 =	sor.u32 @!p0 $0x400, s20;
	s22 =	smov.u32 s7;
	v0 =	vld @!p0 [tilespmem:s19+$0x10];
	v5 =	vadd.s32 @!p0 $0x1, v5;
	[tilespmem:s19+$0x30] =	vst @!p0 v6  }
.LBB2_2:
0x1f: {  	s21 =	sadd.s32 $0x1000, s21;
	s22 =	sadd.s32 $0x10, s22  }
0x20: {  	v6 =	vld @!p0 [tilespmem:s19+$0x20];
	s1 =	smov.u32 s17;
	s17 =	sadd.s32 $0x1, s17;
	p3 =	slt.u32 s23, $0x6  }
0x21: {  	s28 =	simm.s32 @!p0 $0x80;
	s26 =	sadd.s32 $0xFFFFFFFF, s1;
	p1 =	sne.s32 s17, $0xDA;
	[tilespmem:s19+$0x40] =	vst @!p0 v5;
	v4 =	vadd.s32 @!p0 $0x1, v4  }
0x22: {  	v1 =	vadd.s32 @!p0 $0x1, v1;
	p2 =	sgt.u32 s1, $0xD3;
	s23 =	sadd.s32 @!p3 $0xFFFFFFFA, s23;
	s24 =	sshrl.u32 @!p3 s24, $0x3;
	[tilespmem:s19+$0x60] =	vst @!p0 v4;
	v3 =	vadd.s32 @!p0 $0x1, v3  }
0x23: {  	s25 =	smov.u32 s1;
	p5 =	slt.u32 @!p2 s1, $0x8;
	s23 =	sand.u32 @!p3 $0x7, s23;
	v2 =	vadd.s32 @!p0 $0x1, v2;
	[tilespmem:s19+$0x70] =	vst @!p0 v3  }
0x24: {  	p4 =	por p5, p2;
	p5 =	por !p5, p2;
	s29 =	sadd.s32 @!p3 $0x9, s23;
	[tilespmem:s19+$0x0] =	vst @!p0 v2;
	v0 =	vadd.s32 @!p0 $0x1, v0  }
0x25: {  	s31 =	sadd.s32 @!p3 $0x11, s23;
	s23 =	sshll.u32 @!p3 s23, $0xC;
	s30 =	sand.u32 @!p4 $0x7, s1;
	v2 =	vadd.s32 @!p0 $0x1, v6;
	[tilespmem:s19+$0x50] =	vst @!p0 v1  }
0x26: {  	s2 =	sadd.s32 @!p3 s4, s24;
	s0 =	sor.u32 @!p3 $0x400, s23;
	s25 =	smov.u32 @p5 s30;
	[tilespmem:s19+$0x10] =	vst @!p0 v0  }
0x27: {  	s23 =	smov.u32 s1;
	s24 =	sshll.u32 @!p2 s25, $0x7;
	s25 =	sadd.s32 @!p2 $0x1, s25;
	[tilespmem:s19+$0x20] =	vst @!p0 v2  }
0x28: {  	[tilespmem:s20], [sflag:s18] =	stream.indirect.gather @!p0 [hbm4b:s3+s28], $0x20, s19, s28, $0xb8;
	[tilespmem:$0x8400] =	vst v63  }
0x29: {  	s1 =	sand.u32 @!p2 $0x3FFFFF80, s24;
	s18 =	simm.s32 @!p3 $0x0;
	_ =	swait.ge @!p3 [sflag:s29], $0x1000  }
0x2a: {  	s19 =	sadd.s32 @!p4 $0x11, s30;
	p0 =	sgt.u32 s26, $0xD3;
	[sflag:s29] =	ssyncset.done @!p3 $0x0  }
0x2b: {  	s24 =	smov.u32 s21;
	s26 =	sand.u32 @!p0 $0x7, s26;
	[sflag:s29] =	ssyncadd.s32 @!p3 $0xFFFFF000  }
0x2c: {  	[hbm4b:s2+s18] =	stream.linear.scatter @!p3 [tilespmem:s0], [sflag:s31], $0x1000, $0x38;
	[tilespmem:$0x8400] =	vst v63  }
0x2d: {  	s0 =	sshll.u32 @!p0 s26, $0xC;
	s18 =	sadd.s32 @!p0 $0x9, s26;
	_ =	swait.ge @!p4 [sflag:s19], $0x1000  }
0x2e: {  	s20 =	sor.u32 @!p0 $0x400, s0;
	[sflag:s19] =	ssyncset.done @!p4 $0x0  }
0x2f: {  	s2 =	sadd.s32 @!p0 $0x1, s26;
	s0 =	simm.s32 @!p2 $0x0;
	[sflag:s19] =	ssyncadd.s32 @!p4 $0xFFFFF000  }
0x30: {  	[tilespmem:s1], [sflag:s25] =	stream.linear.gather @!p2 [hbm4b:s22+s0], $0x80, $0x38;
	[tilespmem:$0x8400] =	vst v63  }
0x31: {  	_ =	swait.ge @!p0 [sflag:s2], $0x80  }
0x32: {  	[sflag:s2] =	ssyncset.done @!p0 $0x0  }
0x33: {  	s19 =	sshll.u32 @!p0 s26, $0x7;
	[sflag:s2] =	ssyncadd.s32 @!p0 $0xFFFFFF80  }
0x34: {  	v0 =	vld @!p0 [tilespmem:s19+$0x30]  }
0x35: {  	v5 =	vld @!p0 [tilespmem:s19+$0x40]  }
.Ltmp0:
0x36: {  	v1 =	vld @!p0 [tilespmem:s19+$0x50];
	(pc) =	sbr.rel @p1 .LBB2_2-.Ltmp0, $4  }
0x37: {  	v4 =	vld @!p0 [tilespmem:s19+$0x60]  }
0x38: {  	v3 =	vld @!p0 [tilespmem:s19+$0x70]  }
0x39: {  	v2 =	vld @!p0 [tilespmem:s19+$0x0];
	v6 =	vadd.s32 @!p0 $0x1, v0  }
0x3a: {  	v0 =	vld @!p0 [tilespmem:s19+$0x10];
	[tilespmem:s19+$0x30] =	vst @!p0 v6;
	v5 =	vadd.s32 @!p0 $0x1, v5  }
0x3b: {  	v6 =	vld @!p0 [tilespmem:s19+$0x20];
	[tilespmem:s19+$0x40] =	vst @!p0 v5;
	v1 =	vadd.s32 @!p0 $0x1, v1  }
0x3c: {  	v4 =	vadd.s32 @!p0 $0x1, v4;
	[tilespmem:s19+$0x50] =	vst @!p0 v1  }
0x3d: {  	[tilespmem:s19+$0x60] =	vst @!p0 v4;
	v3 =	vadd.s32 @!p0 $0x1, v3  }
0x3e: {  	p1 =	slt.u32 s23, $0x6;
	v2 =	vadd.s32 @!p0 $0x1, v2;
	[tilespmem:s19+$0x70] =	vst @!p0 v3  }
0x3f: {  	s0 =	sadd.s32 @!p1 $0xFFFFFFFA, s23;
	[tilespmem:s19+$0x0] =	vst @!p0 v2;
	v0 =	vadd.s32 @!p0 $0x1, v0  }
0x40: {  	s0 =	sand.u32 @!p1 $0x7, s0;
	v1 =	vadd.s32 @!p0 $0x1, v6;
	[tilespmem:s19+$0x10] =	vst @!p0 v0  }
0x41: {  	s1 =	simm.s32 @!p0 $0x80;
	s2 =	sadd.s32 @!p1 $0x9, s0;
	[tilespmem:s19+$0x20] =	vst @!p0 v1  }
0x42: {  	[tilespmem:s20], [sflag:s18] =	stream.indirect.gather @!p0 [hbm4b:s3+s1], $0x20, s19, s1, $0xb8;
	[tilespmem:$0x8400] =	vst v63  }
0x43: {  	s17 =	sshll.u32 @!p1 s0, $0xC;
	s0 =	sadd.s32 @!p1 $0x11, s0;
	_ =	swait.ge @!p1 [sflag:s2], $0x1000  }
0x44: {  	s17 =	sor.u32 @!p1 $0x400, s17;
	s1 =	sshrl.u32 @!p1 s24, $0x3;
	[sflag:s2] =	ssyncset.done @!p1 $0x0  }
0x45: {  	s18 =	simm.s32 @!p1 $0x0;
	s1 =	sadd.s32 @!p1 s4, s1;
	[sflag:s2] =	ssyncadd.s32 @!p1 $0xFFFFF000  }
0x46: {  	[hbm4b:s1+s18] =	stream.linear.scatter @!p1 [tilespmem:s17], [sflag:s0], $0x1000, $0x38;
	[tilespmem:$0x8400] =	vst v63  }
0x47: {  	_ =	swait.ge [sflag:s8], $0x1000  }
0x48: {  	[sflag:s8] =	ssyncset.done $0x0  }
0x49: {  	[sflag:s8] =	ssyncadd.s32 $0xFFFFF000  }
0x4a: {  	_ =	swait.ge [sflag:s9], $0x1000  }
0x4b: {  	[sflag:s9] =	ssyncset.done $0x0  }
0x4c: {  	[sflag:s9] =	ssyncadd.s32 $0xFFFFF000  }
0x4d: {  	_ =	swait.ge [sflag:s10], $0x1000  }
0x4e: {  	[sflag:s10] =	ssyncset.done $0x0  }
0x4f: {  	[sflag:s10] =	ssyncadd.s32 $0xFFFFF000  }
0x50: {  	_ =	swait.ge [sflag:s11], $0x1000  }
0x51: {  	[sflag:s11] =	ssyncset.done $0x0  }
0x52: {  	[sflag:s11] =	ssyncadd.s32 $0xFFFFF000  }
0x53: {  	_ =	swait.ge [sflag:s12], $0x1000  }
0x54: {  	[sflag:s12] =	ssyncset.done $0x0  }
0x55: {  	[sflag:s12] =	ssyncadd.s32 $0xFFFFF000  }
0x56: {  	_ =	swait.ge [sflag:s13], $0x1000  }
0x57: {  	[sflag:s13] =	ssyncset.done $0x0  }
0x58: {  	s16 =	sadd.s32 $0x1, s16;
	[sflag:s13] =	ssyncadd.s32 $0xFFFFF000  }
0x59: {  	p0 =	sne.s32 s16, s5;
	_ =	swait.ge [sflag:s14], $0x1000  }
.Ltmp1:
0x5a: {  	[sflag:s14] =	ssyncset.done $0x0;
	(pc) =	sbr.rel @p0 .LBB2_1-.Ltmp1, $4  }
0x5b: {  	[sflag:s14] =	ssyncadd.s32 $0xFFFFF000  }
0x5c: {  	_ =	swait.ge [sflag:s15], $0x1000  }
0x5d: {  	[sflag:s15] =	ssyncset.done $0x0  }
0x5e: {  	[sflag:s15] =	ssyncadd.s32 $0xFFFFF000  }
0x5f: {  	_ =	sfence.sel $0x180000  }
0x60: {  	[bflag:$0x0] =	sbarrier.arrive $0xFFFF  }
0x61: {  	_ =	strace $0x90000050  }
0x62: {  	s0 =	stileid.u32;
	[bflag:$0x2] =	sbarrier.arrive $0xFFFF  }
0x63: {  	p0 =	sne.s32 s0, $0x0;
	s0 =	rddreg [dreg:$0x1]  }
0x64: {  	s0 =	sadd.s32 @!p0 $0x100000, s0  }
0x65: {  	[sflag:s0] =	ssyncadd.tile.s32 @!p0 $0x1;
	_ =	shalt  }
.Lfunc_end2:
_tile_overlayer_lowered:
.L_overlay_start_2:
0x66: {  	(tag) =	ssettag $0x2  }
0x67: {  	s0 =	rddreg [dreg:$0x0];
	s2 =	stileid.u32  }
0x68: {  	s1 =	rddreg [dreg:$0x1];
	p0 =	sne.s32 s2, $0x0  }
0x69: {  	s3 =	rddreg [dreg:$0x2];
	[bflag:$0x3] =	sbarrier.arrive $0xFFFF;
	s2 =	simm.s32 @!p0 $0x1C19  }
0x6a: {  	[timem:s3], [sflag:s2] =	dma.local @!p0 [hbm:s0], s1  }
0x6b: {  	s0 =	simm.s32 @!p0 $0x19  }
0x6c: {  	_ =	swait.ge @!p0 [sflag:s0], s1  }
0x6d: {  	s1 =	ssub.s32 @!p0 $0x0, s1;
	[sflag:s0] =	ssyncset.done @!p0 $0x0  }
0x6e: {  	[sflag:s0] =	ssyncadd.s32 @!p0 s1  }
0x6f: {  	[bflag:$0x3] =	sbarrier.arrive $0xFFFF  }
0x70: {  	_ =	shalt  }

</sc_bundles>
